<compile_context>
chip_gen: v7x
topology: tpu7x:2x2x1
jax: 0.10.2.dev20260603
libtpu: 0.0.44.dev20260713+nightly
codegen_flags: <defaults>
</compile_context>

<pallas_src>
import functools
import math

import jax
import jax.numpy as jnp
from jax import lax
from jax.experimental import pallas as pl
from jax.experimental.pallas import tpu as pltpu
from jax.experimental.pallas import tpu_sc as plsc

R_MAX = 5.0
_INV_SQRT_AVG = 1.0 / math.sqrt(32.0)

_BE = 2048
_BN = 2048

_NW = 32
_NT = 16

_PREC = jax.lax.Precision.DEFAULT


def _dot(a, b):
    return jax.lax.dot_general(a, b, (((1,), (0,)), ((), ())),
                               preferred_element_type=jnp.float32,
                               precision=_PREC)


def _silu(x):
    return x * jax.nn.sigmoid(x)



def _geom_body(ps_ref, pr_ref, u_ref, rb_ref):
    ps = ps_ref[...]
    pr = pr_ref[...]
    rel = (pr - ps) * (1.0 / R_MAX)
    r2 = jnp.sum(rel * rel, axis=1, keepdims=True)
    r = jnp.sqrt(r2)
    r_safe = jnp.maximum(r, 1e-6)
    u_ref[...] = rel[:, 0:4] / r_safe
    n = (jax.lax.broadcasted_iota(jnp.int32, (1, 8), 1) + 1).astype(jnp.float32)
    rb = math.sqrt(2.0) * jnp.sin(jnp.pi * r_safe * n) / r_safe
    rc = jnp.clip(r, 0.0, 1.0)
    rc2 = rc * rc
    rc4 = rc2 * rc2
    rc6 = rc4 * rc2
    rc7 = rc6 * rc
    rc8 = rc4 * rc4
    env = 1.0 - 28.0 * rc6 + 48.0 * rc7 - 21.0 * rc8
    rb_ref[...] = rb * env


def _geometry(pos_s, pos_r):
    Ep = pos_s.shape[0]
    grid = (Ep // _BE,)
    bs = lambda w: pl.BlockSpec((_BE, w), lambda i: (i, 0))
    return pl.pallas_call(
        _geom_body,
        grid=grid,
        in_specs=[bs(8), bs(8)],
        out_specs=[bs(4), bs(8)],
        out_shape=[jax.ShapeDtypeStruct((Ep, 4), jnp.float32),
                   jax.ShapeDtypeStruct((Ep, 8), jnp.float32)],
    )(pos_s, pos_r)



def _embed_body(spec_ref, emb_ref, out_ref):
    spec = spec_ref[...]
    ns = emb_ref.shape[0]
    oh = (spec == jax.lax.broadcasted_iota(jnp.int32, (spec.shape[0], ns), 1))
    out_ref[...] = _dot(oh.astype(jnp.float32), emb_ref[...])


def _embed(spec_p, emb):
    Np = spec_p.shape[0]
    C = emb.shape[1]
    return pl.pallas_call(
        _embed_body,
        grid=(Np // _BN,),
        in_specs=[pl.BlockSpec((_BN, 1), lambda i: (i, 0)),
                  pl.BlockSpec(emb.shape, lambda i: (0, 0))],
        out_specs=pl.BlockSpec((_BN, C), lambda i: (i, 0)),
        out_shape=jax.ShapeDtypeStruct((Np, C), jnp.float32),
    )(spec_p, emb)



def _edge_body(has_v, rb_ref, u_ref, feat_ref, w1_ref, b1_ref, w2_ref, b2_ref,
               wo_ref, ub_ref, sel_ref, msg_ref):
    rb = rb_ref[...]
    h = _silu(_dot(rb, w1_ref[...]) + b1_ref[...])
    h = _silu(_dot(h, w2_ref[...]) + b2_ref[...])
    w0 = _dot(h, wo_ref[0])
    w1 = _dot(h, wo_ref[1])
    u = u_ref[...]
    ux = _dot(u, ub_ref[0])
    uy = _dot(u, ub_ref[1])
    uz = _dot(u, ub_ref[2])
    if has_v:
        F = feat_ref[...]
        s_e = _dot(F, sel_ref[0])
        vx = _dot(F, sel_ref[1])
        vy = _dot(F, sel_ref[2])
        vz = _dot(F, sel_ref[3])
        w2c = _dot(h, wo_ref[2])
        w3 = _dot(h, wo_ref[3])
        w4 = _dot(h, wo_ref[4])
        w5 = _dot(h, wo_ref[5])
        dot_vY = vx * ux + vy * uy + vz * uz
        cx = vy * uz - vz * uy
        cy = vz * ux - vx * uz
        cz = vx * uy - vy * ux
        su = w1 * s_e
        w2m = w2c - w5 * (1.0 / 3.0)
        msg_ref[0] = w0 * s_e + w3 * dot_vY
        msg_ref[1] = su * ux + w2m * vx + w4 * cx + w5 * (ux * dot_vY)
        msg_ref[2] = su * uy + w2m * vy + w4 * cy + w5 * (uy * dot_vY)
        msg_ref[3] = su * uz + w2m * vz + w4 * cz + w5 * (uz * dot_vY)
    else:
        s_e = feat_ref[...]
        su = w1 * s_e
        msg_ref[0] = w0 * s_e
        msg_ref[1] = su * ux
        msg_ref[2] = su * uy
        msg_ref[3] = su * uz


def _edge_compute(rb, u4, feat_e, layer, has_v):
    Ep = rb.shape[0]
    (w1, b1), (w2, b2) = layer['mlp']
    wo = layer['w_out']
    C = wo.shape[1] // 6
    F = feat_e.shape[1]
    grid = (Ep // _BE,)
    bs = lambda w: pl.BlockSpec((_BE, w), lambda i: (i, 0))
    full = lambda a: pl.BlockSpec(a.shape, lambda i: (0,) * a.ndim)
    b1r = b1.reshape(1, -1)
    b2r = b2.reshape(1, -1)
    wo6 = wo.T.reshape(6, C, -1).transpose(0, 2, 1)
    ub = jnp.zeros((3, 4, C), jnp.float32)
    ub = ub.at[0, 0].set(1.0).at[1, 1].set(1.0).at[2, 2].set(1.0)
    eye = jnp.eye(C, dtype=jnp.float32)
    sel = jnp.stack([jnp.zeros((4 * C, C), jnp.float32).at[k * C:(k + 1) * C].set(eye)
                     for k in range(4)])
    return pl.pallas_call(
        functools.partial(_edge_body, has_v),
        grid=grid,
        in_specs=[bs(8), bs(4), bs(F), full(w1), full(b1r), full(w2),
                  full(b2r), full(wo6), full(ub), full(sel)],
        out_specs=pl.BlockSpec((4, _BE, C), lambda i: (0, i, 0)),
        out_shape=jax.ShapeDtypeStruct((4, Ep, C), jnp.float32),
    )(rb, u4, feat_e, w1, b1r, w2, b2r, wo6, ub, sel)



def _node_body(first, vscale, agg_ref, feat_ref, ws_ref, wss_ref, wv_ref,
               wsv_ref, wg_ref, fo_ref):
    inv = _INV_SQRT_AVG
    C = ws_ref.shape[0]
    s = feat_ref[:, 0:C]
    new_s = _dot(agg_ref[0] * inv, ws_ref[...]) + _dot(s, wss_ref[...])
    wv = wv_ref[...]
    nx = _dot(agg_ref[1] * inv, wv)
    ny = _dot(agg_ref[2] * inv, wv)
    nz = _dot(agg_ref[3] * inv, wv)
    if not first:
        wsv = wsv_ref[...]
        nx = nx + _dot(feat_ref[:, C:2 * C], wsv)
        ny = ny + _dot(feat_ref[:, 2 * C:3 * C], wsv)
        nz = nz + _dot(feat_ref[:, 3 * C:4 * C], wsv)
    gate = jax.nn.sigmoid(_dot(new_s, wg_ref[...])) * vscale
    fo_ref[:, 0:C] = _silu(new_s)
    fo_ref[:, C:2 * C] = nx * gate
    fo_ref[:, 2 * C:3 * C] = ny * gate
    fo_ref[:, 3 * C:4 * C] = nz * gate


def _node_update(agg, feat, layer, first, last):
    Np = feat.shape[0]
    C = layer['W_s'].shape[0]
    grid = (Np // _BN,)
    full = lambda a: pl.BlockSpec(a.shape, lambda i: (0, 0))
    vscale = 0.5 if last else 1.0
    return pl.pallas_call(
        functools.partial(_node_body, first, vscale),
        grid=grid,
        in_specs=[pl.BlockSpec((4, _BN, C), lambda i: (0, i, 0)),
                  pl.BlockSpec((_BN, feat.shape[1]), lambda i: (i, 0))]
                 + [full(layer['W_s'])] * 5,
        out_specs=pl.BlockSpec((_BN, 4 * C), lambda i: (i, 0)),
        out_shape=jax.ShapeDtypeStruct((Np, 4 * C), jnp.float32),
    )(agg, feat, layer['W_s'], layer['W_skip_s'], layer['W_v'],
      layer['W_skip_v'], layer['W_gate'])



def _sc_gather(table, idx):
    Np, F = table.shape
    Ep = idx.shape[0]
    Ew = Ep // _NW
    G = 512
    nchunk = Ew // G
    mesh = plsc.VectorSubcoreMesh(core_axis_name="c", subcore_axis_name="s")

    @functools.partial(
        pl.kernel, mesh=mesh,
        out_type=jax.ShapeDtypeStruct((Ep, F), jnp.float32),
        compiler_params=pltpu.CompilerParams(use_tc_tiling_on_sc=False),
        scratch_types=[pltpu.VMEM((Ew,), jnp.int32),
                       pltpu.VMEM((G, F), jnp.float32),
                       pltpu.SemaphoreType.DMA],
    )
    def k(table_hbm, idx_hbm, out_hbm, idx_v, rows_v, sem):
        wid = lax.axis_index("s") * 2 + lax.axis_index("c")
        base = wid * Ew
        pltpu.sync_copy(idx_hbm.at[pl.ds(base, Ew)], idx_v)

        def body(j, carry):
            off = j * G
            descs = []
            for g in range(G // 128):
                descs.append(pltpu.async_copy(
                    table_hbm.at[idx_v.at[pl.ds(off + g * 128, 128)]],
                    rows_v.at[pl.ds(g * 128, 128)], sem))
            for d in descs:
                d.wait()
            pltpu.sync_copy(rows_v, out_hbm.at[pl.ds(base + off, G)])
            return carry

        lax.fori_loop(0, nchunk, body, 0)

    return k(table, idx)



def _sc_scatter(msg, recv2d, zeros_t, Np):
    _, Ep, C = msg.shape
    Et = Ep // _NT
    G = 512
    nchunk = Et // G
    Rt = Np // _NT
    mesh = plsc.VectorSubcoreMesh(core_axis_name="c", subcore_axis_name="s")

    @functools.partial(
        pl.kernel, mesh=mesh,
        out_type=jax.ShapeDtypeStruct((4, Np, C), jnp.float32),
        compiler_params=pltpu.CompilerParams(use_tc_tiling_on_sc=False),
        scratch_types=[pltpu.VMEM((G // 128, 128), jnp.int32),
                       pltpu.VMEM((G, C), jnp.float32),
                       pltpu.VMEM_SHARED((Np, C), jnp.float32),
                       pltpu.SemaphoreType.DMA],
    )
    def k(msg_hbm, recv_hbm, zeros_hbm, out_hbm, idx_v, rows_v, acc_sh, sem):
        cid = lax.axis_index("c")
        sid = lax.axis_index("s")
        for t in range(2):
            chunk = cid * 2 + t
            pltpu.sync_copy(zeros_hbm, acc_sh.at[pl.ds(sid * Rt, Rt)])
            plsc.subcore_barrier()

            def body(j, carry):
                off = sid * Et + j * G
                row_off = sid * (Et // 128) + j * (G // 128)
                pltpu.sync_copy(recv_hbm.at[pl.ds(row_off, G // 128)], idx_v)
                pltpu.sync_copy(msg_hbm.at[chunk, pl.ds(off, G)], rows_v)
                for g in range(G // 128):
                    pltpu.sync_copy(rows_v.at[pl.ds(g * 128, 128)],
                                    acc_sh.at[idx_v.at[g]], add=True)
                return carry

            lax.fori_loop(0, nchunk, body, 0)
            plsc.subcore_barrier()
            pltpu.sync_copy(acc_sh.at[pl.ds(sid * Rt, Rt)],
                            out_hbm.at[chunk, pl.ds(sid * Rt, Rt)])
            plsc.subcore_barrier()

    return k(msg, recv2d, zeros_t)



def kernel(positions, species, senders, receivers, params):
    N = positions.shape[0]
    E = senders.shape[0]
    C = params['embed'].shape[1]

    Np = pl.cdiv(N, 51200) * 51200
    Ep = pl.cdiv(E, 32768) * 32768

    posp = jnp.zeros((Np, 8), jnp.float32).at[:N, :3].set(positions)
    senders_p = jnp.concatenate(
        [senders, jnp.zeros((Ep - E,), senders.dtype)])
    receivers_p = jnp.concatenate(
        [receivers, jnp.full((Ep - E,), Np - 1, receivers.dtype)])
    recv2d = receivers_p.reshape(Ep // 128, 128)
    zeros_t = jnp.zeros((Np // _NT, C), jnp.float32)

    pos_s = _sc_gather(posp, senders_p)
    pos_r = _sc_gather(posp, receivers_p)
    u4, rb = _geometry(pos_s, pos_r)

    spec_p = jnp.zeros((Np, 1), jnp.int32).at[:N, 0].set(species)
    feat = _embed(spec_p, params['embed'])

    layers = params['layers']
    for li, layer in enumerate(layers):
        first = li == 0
        last = li == len(layers) - 1
        feat_e = _sc_gather(feat, senders_p)
        msg = _edge_compute(rb, u4, feat_e, layer, has_v=not first)
        agg = _sc_scatter(msg, recv2d, zeros_t, Np)
        feat = _node_update(agg, feat, layer, first, last)

    s = feat[:, 0:C]
    v_il = jnp.stack([feat[:, C:2 * C], feat[:, 2 * C:3 * C],
                      feat[:, 3 * C:4 * C]], axis=-1).reshape(Np, 3 * C)
    out = jnp.concatenate([s, v_il], axis=1)
    return out[:N]

# --- scband reference (transcript-rebuilt; emitter-appended) ---
"""Pipeline reference for scband-nequ-ip-16561393893486 (READ-ONLY COPY).

The authoritative reference and input builder live on the scoring server;
editing this copy changes nothing except your own understanding.
"""

import jax, jax.numpy as jnp
import numpy as np

N_NODES = 50000
N_EDGES = 1600000
C = 32
H = 64
NB = 8
NUM_SPECIES = 5
R_MAX = 5.0
AVG_NEIGH = 32.0
NUM_LAYERS = 2

def _init_params(key):
    keys = jax.random.split(key, 20)
    def lin(k, fi, fo):
        return jax.random.normal(k, (fi, fo), dtype=jnp.float32) / np.sqrt(fi)
    params = {'embed': jax.random.normal(keys[0], (NUM_SPECIES, C), dtype=jnp.float32)}
    layers = []
    ki = 1
    for _ in range(NUM_LAYERS):
        mlp = []
        fi = NB
        for _ in range(2):
            mlp.append([lin(keys[ki], fi, H), jnp.zeros((H,), dtype=jnp.float32)])
            ki += 1
            fi = H
        layer = {'mlp': mlp, 'w_out': lin(keys[ki], H, 6 * C)}
        ki += 1
        for name in ['W_s', 'W_skip_s', 'W_v', 'W_skip_v', 'W_gate']:
            layer[name] = lin(keys[ki], C, C)
        ki += 1
        layers.append(layer)
    params['layers'] = layers
    return params

def setup_inputs(seed: int = 0):
    key = jax.random.key(seed)
    k1, k2, k3, k4, k5 = jax.random.split(key, 5)
    positions = jax.random.normal(k1, (N_NODES, 3), dtype=jnp.float32) * 5.0
    species = jax.random.randint(k2, (N_NODES,), 0, NUM_SPECIES, dtype=jnp.int32)
    senders = jax.random.randint(k3, (N_EDGES,), 0, N_NODES, dtype=jnp.int32)
    receivers = jax.random.randint(k4, (N_EDGES,), 0, N_NODES, dtype=jnp.int32)
    params = _init_params(k5)
    return {'positions': positions, 'species': species, 'senders': senders, 'receivers': receivers, 'params': params}

def _forward(positions, params, species, senders, receivers):
    N = positions.shape[0]
    rel = (positions[receivers] - positions[senders]) / R_MAX
    r = jnp.linalg.norm(rel, axis=1)
    r_safe = jnp.maximum(r, 1e-6)
    u = rel / r_safe[:, None]
    n = jnp.arange(1, NB + 1, dtype=jnp.float32)
    rb = jnp.sqrt(2.0) * jnp.sin(jnp.pi * r_safe[:, None] * n) / r_safe[:, None]
    p = 6.0
    rc = jnp.clip(r, 0.0, 1.0)
    env = 1.0 - (p + 1.0) * (p + 2.0) / 2.0 * rc ** p + p * (p + 2.0) * rc ** (p + 1.0) - p * (p + 1.0) / 2.0 * rc ** (p + 2.0)
    rb = rb * env[:, None]
    s = params['embed'][species]
    v = jnp.zeros((N, C, 3), dtype=s.dtype)
    M = u[:, :, None] * u[:, None, :] - jnp.eye(3, dtype=u.dtype) / 3.0
    for layer in params['layers']:
        h = rb
        for W, b in layer['mlp']:
            h = jax.nn.silu(h @ W + b)
        w = (h @ layer['w_out']).reshape(-1, 6, C)
        s_e = s[senders]
        v_e = v[senders]
        dot_vY = jnp.sum(v_e * u[:, None, :], axis=2)
        cross_vY = jnp.cross(v_e, u[:, None, :])
        Mv = jnp.einsum('eij,ecj->eci', M, v_e)
        msg_s = w[:, 0] * s_e + w[:, 3] * dot_vY
        msg_v = (w[:, 1][:, :, None] * (s_e[:, :, None] * u[:, None, :])
                 + w[:, 2][:, :, None] * v_e
                 + w[:, 4][:, :, None] * cross_vY
                 + w[:, 5][:, :, None] * Mv)
        agg_s = jax.ops.segment_sum(msg_s, receivers, num_segments=N) / jnp.sqrt(AVG_NEIGH)
        agg_v = jax.ops.segment_sum(msg_v, receivers, num_segments=N) / jnp.sqrt(AVG_NEIGH)
        new_s = agg_s @ layer['W_s'] + s @ layer['W_skip_s']
        new_v = jnp.einsum('ncd,ce->ned', agg_v, layer['W_v']) + jnp.einsum('ncd,ce->ned', v, layer['W_skip_v'])
        gate = jax.nn.sigmoid(new_s @ layer['W_gate'])
        s = jax.nn.silu(new_s)
        v = new_v * gate[:, :, None]
    out = jnp.concatenate([s, 0.5 * v.reshape(N, 3 * C)], axis=1)
    return out

def reference(positions, species, senders, receivers, params):
    return _forward(positions, params, species, senders, receivers)

if __name__ == "__main__":
    import jax
    _d = setup_inputs()
    print(jax.jit(kernel)(*tuple(_d.values())))

</pallas_src>

<mosaic_0001>
#map = affine_map<(d0, d1) -> (0, 0)>
#map1 = affine_map<(d0, d1) -> (0)>
module attributes {stable_mosaic.version = 14 : i64} {
  func.func @k(%arg0: i32, %arg1: i32, %arg2: memref<51200x8xf32, #tpu.memory_space<hbm>>, %arg3: memref<1605632xi32, #tpu.memory_space<hbm>>, %arg4: memref<1605632x8xf32, #tpu.memory_space<hbm>>, %arg5: memref<50176xi32, #tpu.memory_space<vmem>>, %arg6: memref<512x8xf32, #tpu.memory_space<vmem>>, %arg7: memref<!tpu.dma_semaphore, #tpu.memory_space<semaphore_mem>>) attributes {dimension_semantics = [#tpu.dimension_semantics<core_parallel>, #tpu.dimension_semantics<subcore_parallel>], iteration_bounds = array<i64: 2, 16>, scalar_prefetch = 0 : i64, scratch_operands = 3 : i64, tpu.core_type = #tpu.core_type<sc_vector_subcore>, window_params = [{transform_indices = #map}, {transform_indices = #map1}, {transform_indices = #map}]} {
    %mul3A = arith.constant 2 : i32
    %mul3A_0 = arith.muli %arg1, %mul3A : i32
    %add3A = arith.addi %mul3A_0, %arg0 : i32
    %mul3A_1 = arith.constant 50176 : i32
    %mul3A_2 = arith.muli %add3A, %mul3A_1 : i32
    "tpu.region"() ({
      %run_scoped3A = tpu.sem_alloc : memref<!tpu.dma_semaphore, #tpu.memory_space<semaphore_mem>>
      %dma_start3A = tpu.memref_slice %arg3[%mul3A_2] : memref<1605632xi32, #tpu.memory_space<hbm>> -> memref<50176xi32, #tpu.memory_space<hbm>>
      %dma_start3A_8 = tpu.memref_slice %arg3[%mul3A_2] : memref<1605632xi32, #tpu.memory_space<hbm>> -> memref<50176xi32, #tpu.memory_space<hbm>>
      tpu.enqueue_dma source(%dma_start3A_8 : memref<50176xi32, #tpu.memory_space<hbm>>) target(%arg5 : memref<50176xi32, #tpu.memory_space<vmem>>) target_semaphore(%run_scoped3A : memref<!tpu.dma_semaphore, #tpu.memory_space<semaphore_mem>>)
      %dma_wait3A = tpu.memref_slice %arg3[%mul3A_2] : memref<1605632xi32, #tpu.memory_space<hbm>> -> memref<50176xi32, #tpu.memory_space<hbm>>
      %dma_wait3A_9 = tpu.memref_slice %arg3[%mul3A_2] : memref<1605632xi32, #tpu.memory_space<hbm>> -> memref<50176xi32, #tpu.memory_space<hbm>>
      tpu.wait_dma2 semaphore(%run_scoped3A : memref<!tpu.dma_semaphore, #tpu.memory_space<semaphore_mem>>) src(%dma_wait3A_9 : memref<50176xi32, #tpu.memory_space<hbm>>) dst(%arg5 : memref<50176xi32, #tpu.memory_space<vmem>>)
      tpu.yield
    }) : () -> ()
    %scan3A = arith.constant 0 : i32
    %scan3A_3 = arith.constant 0 : i32
    %scan3A_4 = arith.constant 98 : i32
    %scan3A_5 = arith.addi %scan3A_3, %scan3A_4 : i32
    %scan3A_6 = arith.constant 1 : i32
    scf.for %scan3A_8 = %scan3A_3 to %scan3A_5 step %scan3A_6  : i32 {
      %mul3A_9 = arith.constant 512 : i32
      %mul3A_10 = arith.muli %scan3A_8, %mul3A_9 : i32
      %add3A_11 = arith.constant 0 : i32
      %add3A_12 = arith.addi %mul3A_10, %add3A_11 : i32
      %dma_start3A = arith.constant 0 : i32
      %dma_start3A_13 = arith.constant 0 : i32
      %dma_start3A_14 = tpu.memref_slice %arg6[%dma_start3A, %dma_start3A_13] : memref<512x8xf32, #tpu.memory_space<vmem>> -> memref<128x8xf32, #tpu.memory_space<vmem>>
      %dma_start3A_15 = tpu.memref_slice %arg5[%add3A_12] : memref<50176xi32, #tpu.memory_space<vmem>> -> memref<128xi32, #tpu.memory_space<vmem>>
      %dma_start3A_16 = arith.constant 0 : i32
      %dma_start3A_17 = arith.constant 0 : i32
      %dma_start3A_18 = tpu.memref_slice %arg2[%dma_start3A_16, %dma_start3A_17] : memref<51200x8xf32, #tpu.memory_space<hbm>> -> memref<51200x8xf32, #tpu.memory_space<hbm>>
      tpu.enqueue_indirect_dma source(%dma_start3A_18 : memref<51200x8xf32, #tpu.memory_space<hbm>>) target(%dma_start3A_14 : memref<128x8xf32, #tpu.memory_space<vmem>>) offsets(%dma_start3A_15 : memref<128xi32, #tpu.memory_space<vmem>>) semaphore(%arg7 : memref<!tpu.dma_semaphore, #tpu.memory_space<semaphore_mem>>)
      %add3A_19 = arith.constant 128 : i32
      %add3A_20 = arith.addi %mul3A_10, %add3A_19 : i32
      %dma_start3A_21 = arith.constant 128 : i32
      %dma_start3A_22 = arith.constant 0 : i32
      %dma_start3A_23 = tpu.memref_slice %arg6[%dma_start3A_21, %dma_start3A_22] : memref<512x8xf32, #tpu.memory_space<vmem>> -> memref<128x8xf32, #tpu.memory_space<vmem>>
      %dma_start3A_24 = tpu.memref_slice %arg5[%add3A_20] : memref<50176xi32, #tpu.memory_space<vmem>> -> memref<128xi32, #tpu.memory_space<vmem>>
      %dma_start3A_25 = arith.constant 0 : i32
      %dma_start3A_26 = arith.constant 0 : i32
      %dma_start3A_27 = tpu.memref_slice %arg2[%dma_start3A_25, %dma_start3A_26] : memref<51200x8xf32, #tpu.memory_space<hbm>> -> memref<51200x8xf32, #tpu.memory_space<hbm>>
      tpu.enqueue_indirect_dma source(%dma_start3A_27 : memref<51200x8xf32, #tpu.memory_space<hbm>>) target(%dma_start3A_23 : memref<128x8xf32, #tpu.memory_space<vmem>>) offsets(%dma_start3A_24 : memref<128xi32, #tpu.memory_space<vmem>>) semaphore(%arg7 : memref<!tpu.dma_semaphore, #tpu.memory_space<semaphore_mem>>)
      %add3A_28 = arith.constant 256 : i32
      %add3A_29 = arith.addi %mul3A_10, %add3A_28 : i32
      %dma_start3A_30 = arith.constant 256 : i32
      %dma_start3A_31 = arith.constant 0 : i32
      %dma_start3A_32 = tpu.memref_slice %arg6[%dma_start3A_30, %dma_start3A_31] : memref<512x8xf32, #tpu.memory_space<vmem>> -> memref<128x8xf32, #tpu.memory_space<vmem>>
      %dma_start3A_33 = tpu.memref_slice %arg5[%add3A_29] : memref<50176xi32, #tpu.memory_space<vmem>> -> memref<128xi32, #tpu.memory_space<vmem>>
      %dma_start3A_34 = arith.constant 0 : i32
      %dma_start3A_35 = arith.constant 0 : i32
      %dma_start3A_36 = tpu.memref_slice %arg2[%dma_start3A_34, %dma_start3A_35] : memref<51200x8xf32, #tpu.memory_space<hbm>> -> memref<51200x8xf32, #tpu.memory_space<hbm>>
      tpu.enqueue_indirect_dma source(%dma_start3A_36 : memref<51200x8xf32, #tpu.memory_space<hbm>>) target(%dma_start3A_32 : memref<128x8xf32, #tpu.memory_space<vmem>>) offsets(%dma_start3A_33 : memref<128xi32, #tpu.memory_space<vmem>>) semaphore(%arg7 : memref<!tpu.dma_semaphore, #tpu.memory_space<semaphore_mem>>)
      %add3A_37 = arith.constant 384 : i32
      %add3A_38 = arith.addi %mul3A_10, %add3A_37 : i32
      %dma_start3A_39 = arith.constant 384 : i32
      %dma_start3A_40 = arith.constant 0 : i32
      %dma_start3A_41 = tpu.memref_slice %arg6[%dma_start3A_39, %dma_start3A_40] : memref<512x8xf32, #tpu.memory_space<vmem>> -> memref<128x8xf32, #tpu.memory_space<vmem>>
      %dma_start3A_42 = tpu.memref_slice %arg5[%add3A_38] : memref<50176xi32, #tpu.memory_space<vmem>> -> memref<128xi32, #tpu.memory_space<vmem>>
      %dma_start3A_43 = arith.constant 0 : i32
      %dma_start3A_44 = arith.constant 0 : i32
      %dma_start3A_45 = tpu.memref_slice %arg2[%dma_start3A_43, %dma_start3A_44] : memref<51200x8xf32, #tpu.memory_space<hbm>> -> memref<51200x8xf32, #tpu.memory_space<hbm>>
      tpu.enqueue_indirect_dma source(%dma_start3A_45 : memref<51200x8xf32, #tpu.memory_space<hbm>>) target(%dma_start3A_41 : memref<128x8xf32, #tpu.memory_space<vmem>>) offsets(%dma_start3A_42 : memref<128xi32, #tpu.memory_space<vmem>>) semaphore(%arg7 : memref<!tpu.dma_semaphore, #tpu.memory_space<semaphore_mem>>)
      %dma_wait3A = arith.constant 0 : i32
      %dma_wait3A_46 = arith.constant 0 : i32
      %dma_wait3A_47 = tpu.memref_slice %arg6[%dma_wait3A, %dma_wait3A_46] : memref<512x8xf32, #tpu.memory_space<vmem>> -> memref<128x8xf32, #tpu.memory_space<vmem>>
      %dma_wait3A_48 = tpu.memref_slice %arg5[%add3A_12] : memref<50176xi32, #tpu.memory_space<vmem>> -> memref<128xi32, #tpu.memory_space<vmem>>
      %dma_wait3A_49 = arith.constant 0 : i32
      %dma_wait3A_50 = arith.constant 0 : i32
      %dma_wait3A_51 = tpu.memref_slice %arg2[%dma_wait3A_49, %dma_wait3A_50] : memref<51200x8xf32, #tpu.memory_space<hbm>> -> memref<51200x8xf32, #tpu.memory_space<hbm>>
      tpu.wait_indirect_dma semaphore(%arg7 : memref<!tpu.dma_semaphore, #tpu.memory_space<semaphore_mem>>) src(%dma_wait3A_51 : memref<51200x8xf32, #tpu.memory_space<hbm>>) dst(%dma_wait3A_47 : memref<128x8xf32, #tpu.memory_space<vmem>>)
      %dma_wait3A_52 = arith.constant 128 : i32
      %dma_wait3A_53 = arith.constant 0 : i32
      %dma_wait3A_54 = tpu.memref_slice %arg6[%dma_wait3A_52, %dma_wait3A_53] : memref<512x8xf32, #tpu.memory_space<vmem>> -> memref<128x8xf32, #tpu.memory_space<vmem>>
      %dma_wait3A_55 = tpu.memref_slice %arg5[%add3A_20] : memref<50176xi32, #tpu.memory_space<vmem>> -> memref<128xi32, #tpu.memory_space<vmem>>
      %dma_wait3A_56 = arith.constant 0 : i32
      %dma_wait3A_57 = arith.constant 0 : i32
      %dma_wait3A_58 = tpu.memref_slice %arg2[%dma_wait3A_56, %dma_wait3A_57] : memref<51200x8xf32, #tpu.memory_space<hbm>> -> memref<51200x8xf32, #tpu.memory_space<hbm>>
      tpu.wait_indirect_dma semaphore(%arg7 : memref<!tpu.dma_semaphore, #tpu.memory_space<semaphore_mem>>) src(%dma_wait3A_58 : memref<51200x8xf32, #tpu.memory_space<hbm>>) dst(%dma_wait3A_54 : memref<128x8xf32, #tpu.memory_space<vmem>>)
      %dma_wait3A_59 = arith.constant 256 : i32
      %dma_wait3A_60 = arith.constant 0 : i32
      %dma_wait3A_61 = tpu.memref_slice %arg6[%dma_wait3A_59, %dma_wait3A_60] : memref<512x8xf32, #tpu.memory_space<vmem>> -> memref<128x8xf32, #tpu.memory_space<vmem>>
      %dma_wait3A_62 = tpu.memref_slice %arg5[%add3A_29] : memref<50176xi32, #tpu.memory_space<vmem>> -> memref<128xi32, #tpu.memory_space<vmem>>
      %dma_wait3A_63 = arith.constant 0 : i32
      %dma_wait3A_64 = arith.constant 0 : i32
      %dma_wait3A_65 = tpu.memref_slice %arg2[%dma_wait3A_63, %dma_wait3A_64] : memref<51200x8xf32, #tpu.memory_space<hbm>> -> memref<51200x8xf32, #tpu.memory_space<hbm>>
      tpu.wait_indirect_dma semaphore(%arg7 : memref<!tpu.dma_semaphore, #tpu.memory_space<semaphore_mem>>) src(%dma_wait3A_65 : memref<51200x8xf32, #tpu.memory_space<hbm>>) dst(%dma_wait3A_61 : memref<128x8xf32, #tpu.memory_space<vmem>>)
      %dma_wait3A_66 = arith.constant 384 : i32
      %dma_wait3A_67 = arith.constant 0 : i32
      %dma_wait3A_68 = tpu.memref_slice %arg6[%dma_wait3A_66, %dma_wait3A_67] : memref<512x8xf32, #tpu.memory_space<vmem>> -> memref<128x8xf32, #tpu.memory_space<vmem>>
      %dma_wait3A_69 = tpu.memref_slice %arg5[%add3A_38] : memref<50176xi32, #tpu.memory_space<vmem>> -> memref<128xi32, #tpu.memory_space<vmem>>
      %dma_wait3A_70 = arith.constant 0 : i32
      %dma_wait3A_71 = arith.constant 0 : i32
      %dma_wait3A_72 = tpu.memref_slice %arg2[%dma_wait3A_70, %dma_wait3A_71] : memref<51200x8xf32, #tpu.memory_space<hbm>> -> memref<51200x8xf32, #tpu.memory_space<hbm>>
      tpu.wait_indirect_dma semaphore(%arg7 : memref<!tpu.dma_semaphore, #tpu.memory_space<semaphore_mem>>) src(%dma_wait3A_72 : memref<51200x8xf32, #tpu.memory_space<hbm>>) dst(%dma_wait3A_68 : memref<128x8xf32, #tpu.memory_space<vmem>>)
      %add3A_73 = arith.addi %mul3A_2, %mul3A_10 : i32
      "tpu.region"() ({
        %run_scoped3A = tpu.sem_alloc : memref<!tpu.dma_semaphore, #tpu.memory_space<semaphore_mem>>
        %dma_start3A_74 = arith.constant 0 : i32
        %dma_start3A_75 = tpu.memref_slice %arg4[%add3A_73, %dma_start3A_74] : memref<1605632x8xf32, #tpu.memory_space<hbm>> -> memref<512x8xf32, #tpu.memory_space<hbm>>
        %dma_start3A_76 = arith.constant 0 : i32
        %dma_start3A_77 = tpu.memref_slice %arg4[%add3A_73, %dma_start3A_76] : memref<1605632x8xf32, #tpu.memory_space<hbm>> -> memref<512x8xf32, #tpu.memory_space<hbm>>
        tpu.enqueue_dma source(%arg6 : memref<512x8xf32, #tpu.memory_space<vmem>>) target(%dma_start3A_77 : memref<512x8xf32, #tpu.memory_space<hbm>>) target_semaphore(%run_scoped3A : memref<!tpu.dma_semaphore, #tpu.memory_space<semaphore_mem>>)
        %dma_wait3A_78 = arith.constant 0 : i32
        %dma_wait3A_79 = tpu.memref_slice %arg4[%add3A_73, %dma_wait3A_78] : memref<1605632x8xf32, #tpu.memory_space<hbm>> -> memref<512x8xf32, #tpu.memory_space<hbm>>
        %dma_wait3A_80 = arith.constant 0 : i32
        %dma_wait3A_81 = tpu.memref_slice %arg4[%add3A_73, %dma_wait3A_80] : memref<1605632x8xf32, #tpu.memory_space<hbm>> -> memref<512x8xf32, #tpu.memory_space<hbm>>
        tpu.wait_dma2 semaphore(%run_scoped3A : memref<!tpu.dma_semaphore, #tpu.memory_space<semaphore_mem>>) src(%arg6 : memref<512x8xf32, #tpu.memory_space<vmem>>) dst(%dma_wait3A_81 : memref<512x8xf32, #tpu.memory_space<hbm>>)
        tpu.yield
      }) : () -> ()
    }
    %scan3A_7 = arith.constant 98 : i32
    return
  }
}

#map = affine_map<(d0, d1) -> (0, 0)>
#map1 = affine_map<(d0, d1) -> (0)>
module attributes {stable_mosaic.version = 14 : i64} {
  func.func @k(%arg0: i32, %arg1: i32, %arg2: memref<51200x32xf32, #tpu.memory_space<hbm>>, %arg3: memref<1605632xi32, #tpu.memory_space<hbm>>, %arg4: memref<1605632x32xf32, #tpu.memory_space<hbm>>, %arg5: memref<50176xi32, #tpu.memory_space<vmem>>, %arg6: memref<512x32xf32, #tpu.memory_space<vmem>>, %arg7: memref<!tpu.dma_semaphore, #tpu.memory_space<semaphore_mem>>) attributes {dimension_semantics = [#tpu.dimension_semantics<core_parallel>, #tpu.dimension_semantics<subcore_parallel>], iteration_bounds = array<i64: 2, 16>, scalar_prefetch = 0 : i64, scratch_operands = 3 : i64, tpu.core_type = #tpu.core_type<sc_vector_subcore>, window_params = [{transform_indices = #map}, {transform_indices = #map1}, {transform_indices = #map}]} {
    %mul3A = arith.constant 2 : i32
    %mul3A_0 = arith.muli %arg1, %mul3A : i32
    %add3A = arith.addi %mul3A_0, %arg0 : i32
    %mul3A_1 = arith.constant 50176 : i32
    %mul3A_2 = arith.muli %add3A, %mul3A_1 : i32
    "tpu.region"() ({
      %run_scoped3A = tpu.sem_alloc : memref<!tpu.dma_semaphore, #tpu.memory_space<semaphore_mem>>
      %dma_start3A = tpu.memref_slice %arg3[%mul3A_2] : memref<1605632xi32, #tpu.memory_space<hbm>> -> memref<50176xi32, #tpu.memory_space<hbm>>
      %dma_start3A_8 = tpu.memref_slice %arg3[%mul3A_2] : memref<1605632xi32, #tpu.memory_space<hbm>> -> memref<50176xi32, #tpu.memory_space<hbm>>
      tpu.enqueue_dma source(%dma_start3A_8 : memref<50176xi32, #tpu.memory_space<hbm>>) target(%arg5 : memref<50176xi32, #tpu.memory_space<vmem>>) target_semaphore(%run_scoped3A : memref<!tpu.dma_semaphore, #tpu.memory_space<semaphore_mem>>)
      %dma_wait3A = tpu.memref_slice %arg3[%mul3A_2] : memref<1605632xi32, #tpu.memory_space<hbm>> -> memref<50176xi32, #tpu.memory_space<hbm>>
      %dma_wait3A_9 = tpu.memref_slice %arg3[%mul3A_2] : memref<1605632xi32, #tpu.memory_space<hbm>> -> memref<50176xi32, #tpu.memory_space<hbm>>
      tpu.wait_dma2 semaphore(%run_scoped3A : memref<!tpu.dma_semaphore, #tpu.memory_space<semaphore_mem>>) src(%dma_wait3A_9 : memref<50176xi32, #tpu.memory_space<hbm>>) dst(%arg5 : memref<50176xi32, #tpu.memory_space<vmem>>)
      tpu.yield
    }) : () -> ()
    %scan3A = arith.constant 0 : i32
    %scan3A_3 = arith.constant 0 : i32
    %scan3A_4 = arith.constant 98 : i32
    %scan3A_5 = arith.addi %scan3A_3, %scan3A_4 : i32
    %scan3A_6 = arith.constant 1 : i32
    scf.for %scan3A_8 = %scan3A_3 to %scan3A_5 step %scan3A_6  : i32 {
      %mul3A_9 = arith.constant 512 : i32
      %mul3A_10 = arith.muli %scan3A_8, %mul3A_9 : i32
      %add3A_11 = arith.constant 0 : i32
      %add3A_12 = arith.addi %mul3A_10, %add3A_11 : i32
      %dma_start3A = arith.constant 0 : i32
      %dma_start3A_13 = arith.constant 0 : i32
      %dma_start3A_14 = tpu.memref_slice %arg6[%dma_start3A, %dma_start3A_13] : memref<512x32xf32, #tpu.memory_space<vmem>> -> memref<128x32xf32, #tpu.memory_space<vmem>>
      %dma_start3A_15 = tpu.memref_slice %arg5[%add3A_12] : memref<50176xi32, #tpu.memory_space<vmem>> -> memref<128xi32, #tpu.memory_space<vmem>>
      %dma_start3A_16 = arith.constant 0 : i32
      %dma_start3A_17 = arith.constant 0 : i32
      %dma_start3A_18 = tpu.memref_slice %arg2[%dma_start3A_16, %dma_start3A_17] : memref<51200x32xf32, #tpu.memory_space<hbm>> -> memref<51200x32xf32, #tpu.memory_space<hbm>>
      tpu.enqueue_indirect_dma source(%dma_start3A_18 : memref<51200x32xf32, #tpu.memory_space<hbm>>) target(%dma_start3A_14 : memref<128x32xf32, #tpu.memory_space<vmem>>) offsets(%dma_start3A_15 : memref<128xi32, #tpu.memory_space<vmem>>) semaphore(%arg7 : memref<!tpu.dma_semaphore, #tpu.memory_space<semaphore_mem>>)
      %add3A_19 = arith.constant 128 : i32
      %add3A_20 = arith.addi %mul3A_10, %add3A_19 : i32
      %dma_start3A_21 = arith.constant 128 : i32
      %dma_start3A_22 = arith.constant 0 : i32
      %dma_start3A_23 = tpu.memref_slice %arg6[%dma_start3A_21, %dma_start3A_22] : memref<512x32xf32, #tpu.memory_space<vmem>> -> memref<128x32xf32, #tpu.memory_space<vmem>>
      %dma_start3A_24 = tpu.memref_slice %arg5[%add3A_20] : memref<50176xi32, #tpu.memory_space<vmem>> -> memref<128xi32, #tpu.memory_space<vmem>>
      %dma_start3A_25 = arith.constant 0 : i32
      %dma_start3A_26 = arith.constant 0 : i32
      %dma_start3A_27 = tpu.memref_slice %arg2[%dma_start3A_25, %dma_start3A_26] : memref<51200x32xf32, #tpu.memory_space<hbm>> -> memref<51200x32xf32, #tpu.memory_space<hbm>>
      tpu.enqueue_indirect_dma source(%dma_start3A_27 : memref<51200x32xf32, #tpu.memory_space<hbm>>) target(%dma_start3A_23 : memref<128x32xf32, #tpu.memory_space<vmem>>) offsets(%dma_start3A_24 : memref<128xi32, #tpu.memory_space<vmem>>) semaphore(%arg7 : memref<!tpu.dma_semaphore, #tpu.memory_space<semaphore_mem>>)
      %add3A_28 = arith.constant 256 : i32
      %add3A_29 = arith.addi %mul3A_10, %add3A_28 : i32
      %dma_start3A_30 = arith.constant 256 : i32
      %dma_start3A_31 = arith.constant 0 : i32
      %dma_start3A_32 = tpu.memref_slice %arg6[%dma_start3A_30, %dma_start3A_31] : memref<512x32xf32, #tpu.memory_space<vmem>> -> memref<128x32xf32, #tpu.memory_space<vmem>>
      %dma_start3A_33 = tpu.memref_slice %arg5[%add3A_29] : memref<50176xi32, #tpu.memory_space<vmem>> -> memref<128xi32, #tpu.memory_space<vmem>>
      %dma_start3A_34 = arith.constant 0 : i32
      %dma_start3A_35 = arith.constant 0 : i32
      %dma_start3A_36 = tpu.memref_slice %arg2[%dma_start3A_34, %dma_start3A_35] : memref<51200x32xf32, #tpu.memory_space<hbm>> -> memref<51200x32xf32, #tpu.memory_space<hbm>>
      tpu.enqueue_indirect_dma source(%dma_start3A_36 : memref<51200x32xf32, #tpu.memory_space<hbm>>) target(%dma_start3A_32 : memref<128x32xf32, #tpu.memory_space<vmem>>) offsets(%dma_start3A_33 : memref<128xi32, #tpu.memory_space<vmem>>) semaphore(%arg7 : memref<!tpu.dma_semaphore, #tpu.memory_space<semaphore_mem>>)
      %add3A_37 = arith.constant 384 : i32
      %add3A_38 = arith.addi %mul3A_10, %add3A_37 : i32
      %dma_start3A_39 = arith.constant 384 : i32
      %dma_start3A_40 = arith.constant 0 : i32
      %dma_start3A_41 = tpu.memref_slice %arg6[%dma_start3A_39, %dma_start3A_40] : memref<512x32xf32, #tpu.memory_space<vmem>> -> memref<128x32xf32, #tpu.memory_space<vmem>>
      %dma_start3A_42 = tpu.memref_slice %arg5[%add3A_38] : memref<50176xi32, #tpu.memory_space<vmem>> -> memref<128xi32, #tpu.memory_space<vmem>>
      %dma_start3A_43 = arith.constant 0 : i32
      %dma_start3A_44 = arith.constant 0 : i32
      %dma_start3A_45 = tpu.memref_slice %arg2[%dma_start3A_43, %dma_start3A_44] : memref<51200x32xf32, #tpu.memory_space<hbm>> -> memref<51200x32xf32, #tpu.memory_space<hbm>>
      tpu.enqueue_indirect_dma source(%dma_start3A_45 : memref<51200x32xf32, #tpu.memory_space<hbm>>) target(%dma_start3A_41 : memref<128x32xf32, #tpu.memory_space<vmem>>) offsets(%dma_start3A_42 : memref<128xi32, #tpu.memory_space<vmem>>) semaphore(%arg7 : memref<!tpu.dma_semaphore, #tpu.memory_space<semaphore_mem>>)
      %dma_wait3A = arith.constant 0 : i32
      %dma_wait3A_46 = arith.constant 0 : i32
      %dma_wait3A_47 = tpu.memref_slice %arg6[%dma_wait3A, %dma_wait3A_46] : memref<512x32xf32, #tpu.memory_space<vmem>> -> memref<128x32xf32, #tpu.memory_space<vmem>>
      %dma_wait3A_48 = tpu.memref_slice %arg5[%add3A_12] : memref<50176xi32, #tpu.memory_space<vmem>> -> memref<128xi32, #tpu.memory_space<vmem>>
      %dma_wait3A_49 = arith.constant 0 : i32
      %dma_wait3A_50 = arith.constant 0 : i32
      %dma_wait3A_51 = tpu.memref_slice %arg2[%dma_wait3A_49, %dma_wait3A_50] : memref<51200x32xf32, #tpu.memory_space<hbm>> -> memref<51200x32xf32, #tpu.memory_space<hbm>>
      tpu.wait_indirect_dma semaphore(%arg7 : memref<!tpu.dma_semaphore, #tpu.memory_space<semaphore_mem>>) src(%dma_wait3A_51 : memref<51200x32xf32, #tpu.memory_space<hbm>>) dst(%dma_wait3A_47 : memref<128x32xf32, #tpu.memory_space<vmem>>)
      %dma_wait3A_52 = arith.constant 128 : i32
      %dma_wait3A_53 = arith.constant 0 : i32
      %dma_wait3A_54 = tpu.memref_slice %arg6[%dma_wait3A_52, %dma_wait3A_53] : memref<512x32xf32, #tpu.memory_space<vmem>> -> memref<128x32xf32, #tpu.memory_space<vmem>>
      %dma_wait3A_55 = tpu.memref_slice %arg5[%add3A_20] : memref<50176xi32, #tpu.memory_space<vmem>> -> memref<128xi32, #tpu.memory_space<vmem>>
      %dma_wait3A_56 = arith.constant 0 : i32
      %dma_wait3A_57 = arith.constant 0 : i32
      %dma_wait3A_58 = tpu.memref_slice %arg2[%dma_wait3A_56, %dma_wait3A_57] : memref<51200x32xf32, #tpu.memory_space<hbm>> -> memref<51200x32xf32, #tpu.memory_space<hbm>>
      tpu.wait_indirect_dma semaphore(%arg7 : memref<!tpu.dma_semaphore, #tpu.memory_space<semaphore_mem>>) src(%dma_wait3A_58 : memref<51200x32xf32, #tpu.memory_space<hbm>>) dst(%dma_wait3A_54 : memref<128x32xf32, #tpu.memory_space<vmem>>)
      %dma_wait3A_59 = arith.constant 256 : i32
      %dma_wait3A_60 = arith.constant 0 : i32
      %dma_wait3A_61 = tpu.memref_slice %arg6[%dma_wait3A_59, %dma_wait3A_60] : memref<512x32xf32, #tpu.memory_space<vmem>> -> memref<128x32xf32, #tpu.memory_space<vmem>>
      %dma_wait3A_62 = tpu.memref_slice %arg5[%add3A_29] : memref<50176xi32, #tpu.memory_space<vmem>> -> memref<128xi32, #tpu.memory_space<vmem>>
      %dma_wait3A_63 = arith.constant 0 : i32
      %dma_wait3A_64 = arith.constant 0 : i32
      %dma_wait3A_65 = tpu.memref_slice %arg2[%dma_wait3A_63, %dma_wait3A_64] : memref<51200x32xf32, #tpu.memory_space<hbm>> -> memref<51200x32xf32, #tpu.memory_space<hbm>>
      tpu.wait_indirect_dma semaphore(%arg7 : memref<!tpu.dma_semaphore, #tpu.memory_space<semaphore_mem>>) src(%dma_wait3A_65 : memref<51200x32xf32, #tpu.memory_space<hbm>>) dst(%dma_wait3A_61 : memref<128x32xf32, #tpu.memory_space<vmem>>)
      %dma_wait3A_66 = arith.constant 384 : i32
      %dma_wait3A_67 = arith.constant 0 : i32
      %dma_wait3A_68 = tpu.memref_slice %arg6[%dma_wait3A_66, %dma_wait3A_67] : memref<512x32xf32, #tpu.memory_space<vmem>> -> memref<128x32xf32, #tpu.memory_space<vmem>>
      %dma_wait3A_69 = tpu.memref_slice %arg5[%add3A_38] : memref<50176xi32, #tpu.memory_space<vmem>> -> memref<128xi32, #tpu.memory_space<vmem>>
      %dma_wait3A_70 = arith.constant 0 : i32
      %dma_wait3A_71 = arith.constant 0 : i32
      %dma_wait3A_72 = tpu.memref_slice %arg2[%dma_wait3A_70, %dma_wait3A_71] : memref<51200x32xf32, #tpu.memory_space<hbm>> -> memref<51200x32xf32, #tpu.memory_space<hbm>>
      tpu.wait_indirect_dma semaphore(%arg7 : memref<!tpu.dma_semaphore, #tpu.memory_space<semaphore_mem>>) src(%dma_wait3A_72 : memref<51200x32xf32, #tpu.memory_space<hbm>>) dst(%dma_wait3A_68 : memref<128x32xf32, #tpu.memory_space<vmem>>)
      %add3A_73 = arith.addi %mul3A_2, %mul3A_10 : i32
      "tpu.region"() ({
        %run_scoped3A = tpu.sem_alloc : memref<!tpu.dma_semaphore, #tpu.memory_space<semaphore_mem>>
        %dma_start3A_74 = arith.constant 0 : i32
        %dma_start3A_75 = tpu.memref_slice %arg4[%add3A_73, %dma_start3A_74] : memref<1605632x32xf32, #tpu.memory_space<hbm>> -> memref<512x32xf32, #tpu.memory_space<hbm>>
        %dma_start3A_76 = arith.constant 0 : i32
        %dma_start3A_77 = tpu.memref_slice %arg4[%add3A_73, %dma_start3A_76] : memref<1605632x32xf32, #tpu.memory_space<hbm>> -> memref<512x32xf32, #tpu.memory_space<hbm>>
        tpu.enqueue_dma source(%arg6 : memref<512x32xf32, #tpu.memory_space<vmem>>) target(%dma_start3A_77 : memref<512x32xf32, #tpu.memory_space<hbm>>) target_semaphore(%run_scoped3A : memref<!tpu.dma_semaphore, #tpu.memory_space<semaphore_mem>>)
        %dma_wait3A_78 = arith.constant 0 : i32
        %dma_wait3A_79 = tpu.memref_slice %arg4[%add3A_73, %dma_wait3A_78] : memref<1605632x32xf32, #tpu.memory_space<hbm>> -> memref<512x32xf32, #tpu.memory_space<hbm>>
        %dma_wait3A_80 = arith.constant 0 : i32
        %dma_wait3A_81 = tpu.memref_slice %arg4[%add3A_73, %dma_wait3A_80] : memref<1605632x32xf32, #tpu.memory_space<hbm>> -> memref<512x32xf32, #tpu.memory_space<hbm>>
        tpu.wait_dma2 semaphore(%run_scoped3A : memref<!tpu.dma_semaphore, #tpu.memory_space<semaphore_mem>>) src(%arg6 : memref<512x32xf32, #tpu.memory_space<vmem>>) dst(%dma_wait3A_81 : memref<512x32xf32, #tpu.memory_space<hbm>>)
        tpu.yield
      }) : () -> ()
    }
    %scan3A_7 = arith.constant 98 : i32
    return
  }
}

#map = affine_map<(d0, d1) -> (0, 0, 0)>
#map1 = affine_map<(d0, d1) -> (0, 0)>
module attributes {stable_mosaic.version = 14 : i64} {
  func.func @k(%arg0: i32, %arg1: i32, %arg2: memref<4x1605632x32xf32, #tpu.memory_space<hbm>>, %arg3: memref<12544x128xi32, #tpu.memory_space<hbm>>, %arg4: memref<3200x32xf32, #tpu.memory_space<hbm>>, %arg5: memref<4x51200x32xf32, #tpu.memory_space<hbm>>, %arg6: memref<4x128xi32, #tpu.memory_space<vmem>>, %arg7: memref<512x32xf32, #tpu.memory_space<vmem>>, %arg8: memref<51200x32xf32, #tpu.memory_space<vmem_shared>>, %arg9: memref<!tpu.dma_semaphore, #tpu.memory_space<semaphore_mem>>) attributes {dimension_semantics = [#tpu.dimension_semantics<core_parallel>, #tpu.dimension_semantics<subcore_parallel>], iteration_bounds = array<i64: 2, 16>, scalar_prefetch = 0 : i64, scratch_operands = 4 : i64, tpu.core_type = #tpu.core_type<sc_vector_subcore>, window_params = [{transform_indices = #map}, {transform_indices = #map1}, {transform_indices = #map1}, {transform_indices = #map}]} {
    %mul3A = arith.constant 2 : i32
    %mul3A_0 = arith.muli %arg0, %mul3A : i32
    %add3A = arith.constant 0 : i32
    %add3A_1 = arith.addi %mul3A_0, %add3A : i32
    %mul3A_2 = arith.constant 3200 : i32
    %mul3A_3 = arith.muli %arg1, %mul3A_2 : i32
    "tpu.region"() ({
      %run_scoped3A = tpu.sem_alloc : memref<!tpu.dma_semaphore, #tpu.memory_space<semaphore_mem>>
      %dma_start3A = arith.constant 0 : i32
      %dma_start3A_34 = tpu.memref_slice %arg8[%mul3A_3, %dma_start3A] : memref<51200x32xf32, #tpu.memory_space<vmem_shared>> -> memref<3200x32xf32, #tpu.memory_space<vmem_shared>>
      tpu.enqueue_dma source(%arg4 : memref<3200x32xf32, #tpu.memory_space<hbm>>) target(%dma_start3A_34 : memref<3200x32xf32, #tpu.memory_space<vmem_shared>>) target_semaphore(%run_scoped3A : memref<!tpu.dma_semaphore, #tpu.memory_space<semaphore_mem>>)
      %dma_wait3A = arith.constant 0 : i32
      %dma_wait3A_35 = tpu.memref_slice %arg8[%mul3A_3, %dma_wait3A] : memref<51200x32xf32, #tpu.memory_space<vmem_shared>> -> memref<3200x32xf32, #tpu.memory_space<vmem_shared>>
      tpu.wait_dma2 semaphore(%run_scoped3A : memref<!tpu.dma_semaphore, #tpu.memory_space<semaphore_mem>>) src(%arg4 : memref<3200x32xf32, #tpu.memory_space<hbm>>) dst(%dma_wait3A_35 : memref<3200x32xf32, #tpu.memory_space<vmem_shared>>)
      tpu.yield
    }) : () -> ()
    %barrier3A = arith.constant 0 : index
    tpu.barrier barrier_id(%barrier3A)
    %scan3A = arith.constant 0 : i32
    %scan3A_4 = arith.constant 0 : i32
    %scan3A_5 = arith.constant 196 : i32
    %scan3A_6 = arith.addi %scan3A_4, %scan3A_5 : i32
    %scan3A_7 = arith.constant 1 : i32
    scf.for %scan3A_34 = %scan3A_4 to %scan3A_6 step %scan3A_7  : i32 {
      %mul3A_35 = arith.constant 100352 : i32
      %mul3A_36 = arith.muli %arg1, %mul3A_35 : i32
      %mul3A_37 = arith.constant 512 : i32
      %mul3A_38 = arith.muli %scan3A_34, %mul3A_37 : i32
      %add3A_39 = arith.addi %mul3A_36, %mul3A_38 : i32
      %mul3A_40 = arith.constant 784 : i32
      %mul3A_41 = arith.muli %arg1, %mul3A_40 : i32
      %mul3A_42 = arith.constant 4 : i32
      %mul3A_43 = arith.muli %scan3A_34, %mul3A_42 : i32
      %add3A_44 = arith.addi %mul3A_41, %mul3A_43 : i32
      "tpu.region"() ({
        %run_scoped3A_48 = tpu.sem_alloc : memref<!tpu.dma_semaphore, #tpu.memory_space<semaphore_mem>>
        %dma_start3A = arith.constant 0 : i32
        %dma_start3A_49 = tpu.memref_slice %arg3[%add3A_44, %dma_start3A] : memref<12544x128xi32, #tpu.memory_space<hbm>> -> memref<4x128xi32, #tpu.memory_space<hbm>>
        %dma_start3A_50 = arith.constant 0 : i32
        %dma_start3A_51 = tpu.memref_slice %arg3[%add3A_44, %dma_start3A_50] : memref<12544x128xi32, #tpu.memory_space<hbm>> -> memref<4x128xi32, #tpu.memory_space<hbm>>
        tpu.enqueue_dma source(%dma_start3A_51 : memref<4x128xi32, #tpu.memory_space<hbm>>) target(%arg6 : memref<4x128xi32, #tpu.memory_space<vmem>>) target_semaphore(%run_scoped3A_48 : memref<!tpu.dma_semaphore, #tpu.memory_space<semaphore_mem>>)
        %dma_wait3A = arith.constant 0 : i32
        %dma_wait3A_52 = tpu.memref_slice %arg3[%add3A_44, %dma_wait3A] : memref<12544x128xi32, #tpu.memory_space<hbm>> -> memref<4x128xi32, #tpu.memory_space<hbm>>
        %dma_wait3A_53 = arith.constant 0 : i32
        %dma_wait3A_54 = tpu.memref_slice %arg3[%add3A_44, %dma_wait3A_53] : memref<12544x128xi32, #tpu.memory_space<hbm>> -> memref<4x128xi32, #tpu.memory_space<hbm>>
        tpu.wait_dma2 semaphore(%run_scoped3A_48 : memref<!tpu.dma_semaphore, #tpu.memory_space<semaphore_mem>>) src(%dma_wait3A_54 : memref<4x128xi32, #tpu.memory_space<hbm>>) dst(%arg6 : memref<4x128xi32, #tpu.memory_space<vmem>>)
        tpu.yield
      }) : () -> ()
      "tpu.region"() ({
        %run_scoped3A_48 = tpu.sem_alloc : memref<!tpu.dma_semaphore, #tpu.memory_space<semaphore_mem>>
        %dma_start3A = arith.constant 0 : i32
        %dma_start3A_49 = tpu.memref_slice %arg2[%add3A_1, %add3A_39, %dma_start3A] : memref<4x1605632x32xf32, #tpu.memory_space<hbm>> -> memref<1x512x32xf32, #tpu.memory_space<hbm>>
        %dma_start3A_50 = tpu.memref_squeeze %dma_start3A_49 : memref<1x512x32xf32, #tpu.memory_space<hbm>> -> memref<512x32xf32, #tpu.memory_space<hbm>>
        %dma_start3A_51 = arith.constant 0 : i32
        %dma_start3A_52 = tpu.memref_slice %arg2[%add3A_1, %add3A_39, %dma_start3A_51] : memref<4x1605632x32xf32, #tpu.memory_space<hbm>> -> memref<1x512x32xf32, #tpu.memory_space<hbm>>
        %dma_start3A_53 = tpu.memref_squeeze %dma_start3A_52 : memref<1x512x32xf32, #tpu.memory_space<hbm>> -> memref<512x32xf32, #tpu.memory_space<hbm>>
        tpu.enqueue_dma source(%dma_start3A_53 : memref<512x32xf32, #tpu.memory_space<hbm>>) target(%arg7 : memref<512x32xf32, #tpu.memory_space<vmem>>) target_semaphore(%run_scoped3A_48 : memref<!tpu.dma_semaphore, #tpu.memory_space<semaphore_mem>>)
        %dma_wait3A = arith.constant 0 : i32
        %dma_wait3A_54 = tpu.memref_slice %arg2[%add3A_1, %add3A_39, %dma_wait3A] : memref<4x1605632x32xf32, #tpu.memory_space<hbm>> -> memref<1x512x32xf32, #tpu.memory_space<hbm>>
        %dma_wait3A_55 = tpu.memref_squeeze %dma_wait3A_54 : memref<1x512x32xf32, #tpu.memory_space<hbm>> -> memref<512x32xf32, #tpu.memory_space<hbm>>
        %dma_wait3A_56 = arith.constant 0 : i32
        %dma_wait3A_57 = tpu.memref_slice %arg2[%add3A_1, %add3A_39, %dma_wait3A_56] : memref<4x1605632x32xf32, #tpu.memory_space<hbm>> -> memref<1x512x32xf32, #tpu.memory_space<hbm>>
        %dma_wait3A_58 = tpu.memref_squeeze %dma_wait3A_57 : memref<1x512x32xf32, #tpu.memory_space<hbm>> -> memref<512x32xf32, #tpu.memory_space<hbm>>
        tpu.wait_dma2 semaphore(%run_scoped3A_48 : memref<!tpu.dma_semaphore, #tpu.memory_space<semaphore_mem>>) src(%dma_wait3A_58 : memref<512x32xf32, #tpu.memory_space<hbm>>) dst(%arg7 : memref<512x32xf32, #tpu.memory_space<vmem>>)
        tpu.yield
      }) : () -> ()
      %run_scoped3A = arith.constant 0 : i32
      "tpu.region"() ({
        %run_scoped3A_48 = tpu.sem_alloc : memref<!tpu.dma_semaphore, #tpu.memory_space<semaphore_mem>>
        %dma_start3A = arith.constant 0 : i32
        %dma_start3A_49 = arith.constant 0 : i32
        %dma_start3A_50 = tpu.memref_slice %arg7[%dma_start3A, %dma_start3A_49] : memref<512x32xf32, #tpu.memory_space<vmem>> -> memref<128x32xf32, #tpu.memory_space<vmem>>
        %dma_start3A_51 = arith.constant 0 : i32
        %dma_start3A_52 = tpu.memref_slice %arg6[%run_scoped3A, %dma_start3A_51] : memref<4x128xi32, #tpu.memory_space<vmem>> -> memref<1x128xi32, #tpu.memory_space<vmem>>
        %dma_start3A_53 = tpu.memref_squeeze %dma_start3A_52 : memref<1x128xi32, #tpu.memory_space<vmem>> -> memref<128xi32, #tpu.memory_space<vmem>>
        %dma_start3A_54 = arith.constant 0 : i32
        %dma_start3A_55 = arith.constant 0 : i32
        %dma_start3A_56 = tpu.memref_slice %arg8[%dma_start3A_54, %dma_start3A_55] : memref<51200x32xf32, #tpu.memory_space<vmem_shared>> -> memref<51200x32xf32, #tpu.memory_space<vmem_shared>>
        tpu.enqueue_indirect_dma source(%dma_start3A_50 : memref<128x32xf32, #tpu.memory_space<vmem>>) target(%dma_start3A_56 : memref<51200x32xf32, #tpu.memory_space<vmem_shared>>) offsets(%dma_start3A_53 : memref<128xi32, #tpu.memory_space<vmem>>) semaphore(%run_scoped3A_48 : memref<!tpu.dma_semaphore, #tpu.memory_space<semaphore_mem>>) {add = true}
        %dma_wait3A = arith.constant 0 : i32
        %dma_wait3A_57 = arith.constant 0 : i32
        %dma_wait3A_58 = tpu.memref_slice %arg7[%dma_wait3A, %dma_wait3A_57] : memref<512x32xf32, #tpu.memory_space<vmem>> -> memref<128x32xf32, #tpu.memory_space<vmem>>
        %dma_wait3A_59 = arith.constant 0 : i32
        %dma_wait3A_60 = tpu.memref_slice %arg6[%run_scoped3A, %dma_wait3A_59] : memref<4x128xi32, #tpu.memory_space<vmem>> -> memref<1x128xi32, #tpu.memory_space<vmem>>
        %dma_wait3A_61 = tpu.memref_squeeze %dma_wait3A_60 : memref<1x128xi32, #tpu.memory_space<vmem>> -> memref<128xi32, #tpu.memory_space<vmem>>
        %dma_wait3A_62 = arith.constant 0 : i32
        %dma_wait3A_63 = arith.constant 0 : i32
        %dma_wait3A_64 = tpu.memref_slice %arg8[%dma_wait3A_62, %dma_wait3A_63] : memref<51200x32xf32, #tpu.memory_space<vmem_shared>> -> memref<51200x32xf32, #tpu.memory_space<vmem_shared>>
        tpu.wait_indirect_dma semaphore(%run_scoped3A_48 : memref<!tpu.dma_semaphore, #tpu.memory_space<semaphore_mem>>) src(%dma_wait3A_58 : memref<128x32xf32, #tpu.memory_space<vmem>>) dst(%dma_wait3A_64 : memref<51200x32xf32, #tpu.memory_space<vmem_shared>>)
        tpu.yield
      }) : () -> ()
      %run_scoped3A_45 = arith.constant 1 : i32
      "tpu.region"() ({
        %run_scoped3A_48 = tpu.sem_alloc : memref<!tpu.dma_semaphore, #tpu.memory_space<semaphore_mem>>
        %dma_start3A = arith.constant 128 : i32
        %dma_start3A_49 = arith.constant 0 : i32
        %dma_start3A_50 = tpu.memref_slice %arg7[%dma_start3A, %dma_start3A_49] : memref<512x32xf32, #tpu.memory_space<vmem>> -> memref<128x32xf32, #tpu.memory_space<vmem>>
        %dma_start3A_51 = arith.constant 0 : i32
        %dma_start3A_52 = tpu.memref_slice %arg6[%run_scoped3A_45, %dma_start3A_51] : memref<4x128xi32, #tpu.memory_space<vmem>> -> memref<1x128xi32, #tpu.memory_space<vmem>>
        %dma_start3A_53 = tpu.memref_squeeze %dma_start3A_52 : memref<1x128xi32, #tpu.memory_space<vmem>> -> memref<128xi32, #tpu.memory_space<vmem>>
        %dma_start3A_54 = arith.constant 0 : i32
        %dma_start3A_55 = arith.constant 0 : i32
        %dma_start3A_56 = tpu.memref_slice %arg8[%dma_start3A_54, %dma_start3A_55] : memref<51200x32xf32, #tpu.memory_space<vmem_shared>> -> memref<51200x32xf32, #tpu.memory_space<vmem_shared>>
        tpu.enqueue_indirect_dma source(%dma_start3A_50 : memref<128x32xf32, #tpu.memory_space<vmem>>) target(%dma_start3A_56 : memref<51200x32xf32, #tpu.memory_space<vmem_shared>>) offsets(%dma_start3A_53 : memref<128xi32, #tpu.memory_space<vmem>>) semaphore(%run_scoped3A_48 : memref<!tpu.dma_semaphore, #tpu.memory_space<semaphore_mem>>) {add = true}
        %dma_wait3A = arith.constant 128 : i32
        %dma_wait3A_57 = arith.constant 0 : i32
        %dma_wait3A_58 = tpu.memref_slice %arg7[%dma_wait3A, %dma_wait3A_57] : memref<512x32xf32, #tpu.memory_space<vmem>> -> memref<128x32xf32, #tpu.memory_space<vmem>>
        %dma_wait3A_59 = arith.constant 0 : i32
        %dma_wait3A_60 = tpu.memref_slice %arg6[%run_scoped3A_45, %dma_wait3A_59] : memref<4x128xi32, #tpu.memory_space<vmem>> -> memref<1x128xi32, #tpu.memory_space<vmem>>
        %dma_wait3A_61 = tpu.memref_squeeze %dma_wait3A_60 : memref<1x128xi32, #tpu.memory_space<vmem>> -> memref<128xi32, #tpu.memory_space<vmem>>
        %dma_wait3A_62 = arith.constant 0 : i32
        %dma_wait3A_63 = arith.constant 0 : i32
        %dma_wait3A_64 = tpu.memref_slice %arg8[%dma_wait3A_62, %dma_wait3A_63] : memref<51200x32xf32, #tpu.memory_space<vmem_shared>> -> memref<51200x32xf32, #tpu.memory_space<vmem_shared>>
        tpu.wait_indirect_dma semaphore(%run_scoped3A_48 : memref<!tpu.dma_semaphore, #tpu.memory_space<semaphore_mem>>) src(%dma_wait3A_58 : memref<128x32xf32, #tpu.memory_space<vmem>>) dst(%dma_wait3A_64 : memref<51200x32xf32, #tpu.memory_space<vmem_shared>>)
        tpu.yield
      }) : () -> ()
      %run_scoped3A_46 = arith.constant 2 : i32
      "tpu.region"() ({
        %run_scoped3A_48 = tpu.sem_alloc : memref<!tpu.dma_semaphore, #tpu.memory_space<semaphore_mem>>
        %dma_start3A = arith.constant 256 : i32
        %dma_start3A_49 = arith.constant 0 : i32
        %dma_start3A_50 = tpu.memref_slice %arg7[%dma_start3A, %dma_start3A_49] : memref<512x32xf32, #tpu.memory_space<vmem>> -> memref<128x32xf32, #tpu.memory_space<vmem>>
        %dma_start3A_51 = arith.constant 0 : i32
        %dma_start3A_52 = tpu.memref_slice %arg6[%run_scoped3A_46, %dma_start3A_51] : memref<4x128xi32, #tpu.memory_space<vmem>> -> memref<1x128xi32, #tpu.memory_space<vmem>>
        %dma_start3A_53 = tpu.memref_squeeze %dma_start3A_52 : memref<1x128xi32, #tpu.memory_space<vmem>> -> memref<128xi32, #tpu.memory_space<vmem>>
        %dma_start3A_54 = arith.constant 0 : i32
        %dma_start3A_55 = arith.constant 0 : i32
        %dma_start3A_56 = tpu.memref_slice %arg8[%dma_start3A_54, %dma_start3A_55] : memref<51200x32xf32, #tpu.memory_space<vmem_shared>> -> memref<51200x32xf32, #tpu.memory_space<vmem_shared>>
        tpu.enqueue_indirect_dma source(%dma_start3A_50 : memref<128x32xf32, #tpu.memory_space<vmem>>) target(%dma_start3A_56 : memref<51200x32xf32, #tpu.memory_space<vmem_shared>>) offsets(%dma_start3A_53 : memref<128xi32, #tpu.memory_space<vmem>>) semaphore(%run_scoped3A_48 : memref<!tpu.dma_semaphore, #tpu.memory_space<semaphore_mem>>) {add = true}
        %dma_wait3A = arith.constant 256 : i32
        %dma_wait3A_57 = arith.constant 0 : i32
        %dma_wait3A_58 = tpu.memref_slice %arg7[%dma_wait3A, %dma_wait3A_57] : memref<512x32xf32, #tpu.memory_space<vmem>> -> memref<128x32xf32, #tpu.memory_space<vmem>>
        %dma_wait3A_59 = arith.constant 0 : i32
        %dma_wait3A_60 = tpu.memref_slice %arg6[%run_scoped3A_46, %dma_wait3A_59] : memref<4x128xi32, #tpu.memory_space<vmem>> -> memref<1x128xi32, #tpu.memory_space<vmem>>
        %dma_wait3A_61 = tpu.memref_squeeze %dma_wait3A_60 : memref<1x128xi32, #tpu.memory_space<vmem>> -> memref<128xi32, #tpu.memory_space<vmem>>
        %dma_wait3A_62 = arith.constant 0 : i32
        %dma_wait3A_63 = arith.constant 0 : i32
        %dma_wait3A_64 = tpu.memref_slice %arg8[%dma_wait3A_62, %dma_wait3A_63] : memref<51200x32xf32, #tpu.memory_space<vmem_shared>> -> memref<51200x32xf32, #tpu.memory_space<vmem_shared>>
        tpu.wait_indirect_dma semaphore(%run_scoped3A_48 : memref<!tpu.dma_semaphore, #tpu.memory_space<semaphore_mem>>) src(%dma_wait3A_58 : memref<128x32xf32, #tpu.memory_space<vmem>>) dst(%dma_wait3A_64 : memref<51200x32xf32, #tpu.memory_space<vmem_shared>>)
        tpu.yield
      }) : () -> ()
      %run_scoped3A_47 = arith.constant 3 : i32
      "tpu.region"() ({
        %run_scoped3A_48 = tpu.sem_alloc : memref<!tpu.dma_semaphore, #tpu.memory_space<semaphore_mem>>
        %dma_start3A = arith.constant 384 : i32
        %dma_start3A_49 = arith.constant 0 : i32
        %dma_start3A_50 = tpu.memref_slice %arg7[%dma_start3A, %dma_start3A_49] : memref<512x32xf32, #tpu.memory_space<vmem>> -> memref<128x32xf32, #tpu.memory_space<vmem>>
        %dma_start3A_51 = arith.constant 0 : i32
        %dma_start3A_52 = tpu.memref_slice %arg6[%run_scoped3A_47, %dma_start3A_51] : memref<4x128xi32, #tpu.memory_space<vmem>> -> memref<1x128xi32, #tpu.memory_space<vmem>>
        %dma_start3A_53 = tpu.memref_squeeze %dma_start3A_52 : memref<1x128xi32, #tpu.memory_space<vmem>> -> memref<128xi32, #tpu.memory_space<vmem>>
        %dma_start3A_54 = arith.constant 0 : i32
        %dma_start3A_55 = arith.constant 0 : i32
        %dma_start3A_56 = tpu.memref_slice %arg8[%dma_start3A_54, %dma_start3A_55] : memref<51200x32xf32, #tpu.memory_space<vmem_shared>> -> memref<51200x32xf32, #tpu.memory_space<vmem_shared>>
        tpu.enqueue_indirect_dma source(%dma_start3A_50 : memref<128x32xf32, #tpu.memory_space<vmem>>) target(%dma_start3A_56 : memref<51200x32xf32, #tpu.memory_space<vmem_shared>>) offsets(%dma_start3A_53 : memref<128xi32, #tpu.memory_space<vmem>>) semaphore(%run_scoped3A_48 : memref<!tpu.dma_semaphore, #tpu.memory_space<semaphore_mem>>) {add = true}
        %dma_wait3A = arith.constant 384 : i32
        %dma_wait3A_57 = arith.constant 0 : i32
        %dma_wait3A_58 = tpu.memref_slice %arg7[%dma_wait3A, %dma_wait3A_57] : memref<512x32xf32, #tpu.memory_space<vmem>> -> memref<128x32xf32, #tpu.memory_space<vmem>>
        %dma_wait3A_59 = arith.constant 0 : i32
        %dma_wait3A_60 = tpu.memref_slice %arg6[%run_scoped3A_47, %dma_wait3A_59] : memref<4x128xi32, #tpu.memory_space<vmem>> -> memref<1x128xi32, #tpu.memory_space<vmem>>
        %dma_wait3A_61 = tpu.memref_squeeze %dma_wait3A_60 : memref<1x128xi32, #tpu.memory_space<vmem>> -> memref<128xi32, #tpu.memory_space<vmem>>
        %dma_wait3A_62 = arith.constant 0 : i32
        %dma_wait3A_63 = arith.constant 0 : i32
        %dma_wait3A_64 = tpu.memref_slice %arg8[%dma_wait3A_62, %dma_wait3A_63] : memref<51200x32xf32, #tpu.memory_space<vmem_shared>> -> memref<51200x32xf32, #tpu.memory_space<vmem_shared>>
        tpu.wait_indirect_dma semaphore(%run_scoped3A_48 : memref<!tpu.dma_semaphore, #tpu.memory_space<semaphore_mem>>) src(%dma_wait3A_58 : memref<128x32xf32, #tpu.memory_space<vmem>>) dst(%dma_wait3A_64 : memref<51200x32xf32, #tpu.memory_space<vmem_shared>>)
        tpu.yield
      }) : () -> ()
    }
    %scan3A_8 = arith.constant 196 : i32
    %barrier3A_9 = arith.constant 0 : index
    tpu.barrier barrier_id(%barrier3A_9)
    %mul3A_10 = arith.constant 3200 : i32
    %mul3A_11 = arith.muli %arg1, %mul3A_10 : i32
    %mul3A_12 = arith.constant 3200 : i32
    %mul3A_13 = arith.muli %arg1, %mul3A_12 : i32
    "tpu.region"() ({
      %run_scoped3A = tpu.sem_alloc : memref<!tpu.dma_semaphore, #tpu.memory_space<semaphore_mem>>
      %dma_start3A = arith.constant 0 : i32
      %dma_start3A_34 = tpu.memref_slice %arg5[%add3A_1, %mul3A_13, %dma_start3A] : memref<4x51200x32xf32, #tpu.memory_space<hbm>> -> memref<1x3200x32xf32, #tpu.memory_space<hbm>>
      %dma_start3A_35 = tpu.memref_squeeze %dma_start3A_34 : memref<1x3200x32xf32, #tpu.memory_space<hbm>> -> memref<3200x32xf32, #tpu.memory_space<hbm>>
      %dma_start3A_36 = arith.constant 0 : i32
      %dma_start3A_37 = tpu.memref_slice %arg8[%mul3A_11, %dma_start3A_36] : memref<51200x32xf32, #tpu.memory_space<vmem_shared>> -> memref<3200x32xf32, #tpu.memory_space<vmem_shared>>
      tpu.enqueue_dma source(%dma_start3A_37 : memref<3200x32xf32, #tpu.memory_space<vmem_shared>>) target(%dma_start3A_35 : memref<3200x32xf32, #tpu.memory_space<hbm>>) target_semaphore(%run_scoped3A : memref<!tpu.dma_semaphore, #tpu.memory_space<semaphore_mem>>)
      %dma_wait3A = arith.constant 0 : i32
      %dma_wait3A_38 = tpu.memref_slice %arg5[%add3A_1, %mul3A_13, %dma_wait3A] : memref<4x51200x32xf32, #tpu.memory_space<hbm>> -> memref<1x3200x32xf32, #tpu.memory_space<hbm>>
      %dma_wait3A_39 = tpu.memref_squeeze %dma_wait3A_38 : memref<1x3200x32xf32, #tpu.memory_space<hbm>> -> memref<3200x32xf32, #tpu.memory_space<hbm>>
      %dma_wait3A_40 = arith.constant 0 : i32
      %dma_wait3A_41 = tpu.memref_slice %arg8[%mul3A_11, %dma_wait3A_40] : memref<51200x32xf32, #tpu.memory_space<vmem_shared>> -> memref<3200x32xf32, #tpu.memory_space<vmem_shared>>
      tpu.wait_dma2 semaphore(%run_scoped3A : memref<!tpu.dma_semaphore, #tpu.memory_space<semaphore_mem>>) src(%dma_wait3A_41 : memref<3200x32xf32, #tpu.memory_space<vmem_shared>>) dst(%dma_wait3A_39 : memref<3200x32xf32, #tpu.memory_space<hbm>>)
      tpu.yield
    }) : () -> ()
    %barrier3A_14 = arith.constant 0 : index
    tpu.barrier barrier_id(%barrier3A_14)
    %mul3A_15 = arith.constant 2 : i32
    %mul3A_16 = arith.muli %arg0, %mul3A_15 : i32
    %add3A_17 = arith.constant 1 : i32
    %add3A_18 = arith.addi %mul3A_16, %add3A_17 : i32
    %mul3A_19 = arith.constant 3200 : i32
    %mul3A_20 = arith.muli %arg1, %mul3A_19 : i32
    "tpu.region"() ({
      %run_scoped3A = tpu.sem_alloc : memref<!tpu.dma_semaphore, #tpu.memory_space<semaphore_mem>>
      %dma_start3A = arith.constant 0 : i32
      %dma_start3A_34 = tpu.memref_slice %arg8[%mul3A_20, %dma_start3A] : memref<51200x32xf32, #tpu.memory_space<vmem_shared>> -> memref<3200x32xf32, #tpu.memory_space<vmem_shared>>
      tpu.enqueue_dma source(%arg4 : memref<3200x32xf32, #tpu.memory_space<hbm>>) target(%dma_start3A_34 : memref<3200x32xf32, #tpu.memory_space<vmem_shared>>) target_semaphore(%run_scoped3A : memref<!tpu.dma_semaphore, #tpu.memory_space<semaphore_mem>>)
      %dma_wait3A = arith.constant 0 : i32
      %dma_wait3A_35 = tpu.memref_slice %arg8[%mul3A_20, %dma_wait3A] : memref<51200x32xf32, #tpu.memory_space<vmem_shared>> -> memref<3200x32xf32, #tpu.memory_space<vmem_shared>>
      tpu.wait_dma2 semaphore(%run_scoped3A : memref<!tpu.dma_semaphore, #tpu.memory_space<semaphore_mem>>) src(%arg4 : memref<3200x32xf32, #tpu.memory_space<hbm>>) dst(%dma_wait3A_35 : memref<3200x32xf32, #tpu.memory_space<vmem_shared>>)
      tpu.yield
    }) : () -> ()
    %barrier3A_21 = arith.constant 0 : index
    tpu.barrier barrier_id(%barrier3A_21)
    %scan3A_22 = arith.constant 0 : i32
    %scan3A_23 = arith.constant 0 : i32
    %scan3A_24 = arith.constant 196 : i32
    %scan3A_25 = arith.addi %scan3A_23, %scan3A_24 : i32
    %scan3A_26 = arith.constant 1 : i32
    scf.for %scan3A_34 = %scan3A_23 to %scan3A_25 step %scan3A_26  : i32 {
      %mul3A_35 = arith.constant 100352 : i32
      %mul3A_36 = arith.muli %arg1, %mul3A_35 : i32
      %mul3A_37 = arith.constant 512 : i32
      %mul3A_38 = arith.muli %scan3A_34, %mul3A_37 : i32
      %add3A_39 = arith.addi %mul3A_36, %mul3A_38 : i32
      %mul3A_40 = arith.constant 784 : i32
      %mul3A_41 = arith.muli %arg1, %mul3A_40 : i32
      %mul3A_42 = arith.constant 4 : i32
      %mul3A_43 = arith.muli %scan3A_34, %mul3A_42 : i32
      %add3A_44 = arith.addi %mul3A_41, %mul3A_43 : i32
      "tpu.region"() ({
        %run_scoped3A_48 = tpu.sem_alloc : memref<!tpu.dma_semaphore, #tpu.memory_space<semaphore_mem>>
        %dma_start3A = arith.constant 0 : i32
        %dma_start3A_49 = tpu.memref_slice %arg3[%add3A_44, %dma_start3A] : memref<12544x128xi32, #tpu.memory_space<hbm>> -> memref<4x128xi32, #tpu.memory_space<hbm>>
        %dma_start3A_50 = arith.constant 0 : i32
        %dma_start3A_51 = tpu.memref_slice %arg3[%add3A_44, %dma_start3A_50] : memref<12544x128xi32, #tpu.memory_space<hbm>> -> memref<4x128xi32, #tpu.memory_space<hbm>>
        tpu.enqueue_dma source(%dma_start3A_51 : memref<4x128xi32, #tpu.memory_space<hbm>>) target(%arg6 : memref<4x128xi32, #tpu.memory_space<vmem>>) target_semaphore(%run_scoped3A_48 : memref<!tpu.dma_semaphore, #tpu.memory_space<semaphore_mem>>)
        %dma_wait3A = arith.constant 0 : i32
        %dma_wait3A_52 = tpu.memref_slice %arg3[%add3A_44, %dma_wait3A] : memref<12544x128xi32, #tpu.memory_space<hbm>> -> memref<4x128xi32, #tpu.memory_space<hbm>>
        %dma_wait3A_53 = arith.constant 0 : i32
        %dma_wait3A_54 = tpu.memref_slice %arg3[%add3A_44, %dma_wait3A_53] : memref<12544x128xi32, #tpu.memory_space<hbm>> -> memref<4x128xi32, #tpu.memory_space<hbm>>
        tpu.wait_dma2 semaphore(%run_scoped3A_48 : memref<!tpu.dma_semaphore, #tpu.memory_space<semaphore_mem>>) src(%dma_wait3A_54 : memref<4x128xi32, #tpu.memory_space<hbm>>) dst(%arg6 : memref<4x128xi32, #tpu.memory_space<vmem>>)
        tpu.yield
      }) : () -> ()
      "tpu.region"() ({
        %run_scoped3A_48 = tpu.sem_alloc : memref<!tpu.dma_semaphore, #tpu.memory_space<semaphore_mem>>
        %dma_start3A = arith.constant 0 : i32
        %dma_start3A_49 = tpu.memref_slice %arg2[%add3A_18, %add3A_39, %dma_start3A] : memref<4x1605632x32xf32, #tpu.memory_space<hbm>> -> memref<1x512x32xf32, #tpu.memory_space<hbm>>
        %dma_start3A_50 = tpu.memref_squeeze %dma_start3A_49 : memref<1x512x32xf32, #tpu.memory_space<hbm>> -> memref<512x32xf32, #tpu.memory_space<hbm>>
        %dma_start3A_51 = arith.constant 0 : i32
        %dma_start3A_52 = tpu.memref_slice %arg2[%add3A_18, %add3A_39, %dma_start3A_51] : memref<4x1605632x32xf32, #tpu.memory_space<hbm>> -> memref<1x512x32xf32, #tpu.memory_space<hbm>>
        %dma_start3A_53 = tpu.memref_squeeze %dma_start3A_52 : memref<1x512x32xf32, #tpu.memory_space<hbm>> -> memref<512x32xf32, #tpu.memory_space<hbm>>
        tpu.enqueue_dma source(%dma_start3A_53 : memref<512x32xf32, #tpu.memory_space<hbm>>) target(%arg7 : memref<512x32xf32, #tpu.memory_space<vmem>>) target_semaphore(%run_scoped3A_48 : memref<!tpu.dma_semaphore, #tpu.memory_space<semaphore_mem>>)
        %dma_wait3A = arith.constant 0 : i32
        %dma_wait3A_54 = tpu.memref_slice %arg2[%add3A_18, %add3A_39, %dma_wait3A] : memref<4x1605632x32xf32, #tpu.memory_space<hbm>> -> memref<1x512x32xf32, #tpu.memory_space<hbm>>
        %dma_wait3A_55 = tpu.memref_squeeze %dma_wait3A_54 : memref<1x512x32xf32, #tpu.memory_space<hbm>> -> memref<512x32xf32, #tpu.memory_space<hbm>>
        %dma_wait3A_56 = arith.constant 0 : i32
        %dma_wait3A_57 = tpu.memref_slice %arg2[%add3A_18, %add3A_39, %dma_wait3A_56] : memref<4x1605632x32xf32, #tpu.memory_space<hbm>> -> memref<1x512x32xf32, #tpu.memory_space<hbm>>
        %dma_wait3A_58 = tpu.memref_squeeze %dma_wait3A_57 : memref<1x512x32xf32, #tpu.memory_space<hbm>> -> memref<512x32xf32, #tpu.memory_space<hbm>>
        tpu.wait_dma2 semaphore(%run_scoped3A_48 : memref<!tpu.dma_semaphore, #tpu.memory_space<semaphore_mem>>) src(%dma_wait3A_58 : memref<512x32xf32, #tpu.memory_space<hbm>>) dst(%arg7 : memref<512x32xf32, #tpu.memory_space<vmem>>)
        tpu.yield
      }) : () -> ()
      %run_scoped3A = arith.constant 0 : i32
      "tpu.region"() ({
        %run_scoped3A_48 = tpu.sem_alloc : memref<!tpu.dma_semaphore, #tpu.memory_space<semaphore_mem>>
        %dma_start3A = arith.constant 0 : i32
        %dma_start3A_49 = arith.constant 0 : i32
        %dma_start3A_50 = tpu.memref_slice %arg7[%dma_start3A, %dma_start3A_49] : memref<512x32xf32, #tpu.memory_space<vmem>> -> memref<128x32xf32, #tpu.memory_space<vmem>>
        %dma_start3A_51 = arith.constant 0 : i32
        %dma_start3A_52 = tpu.memref_slice %arg6[%run_scoped3A, %dma_start3A_51] : memref<4x128xi32, #tpu.memory_space<vmem>> -> memref<1x128xi32, #tpu.memory_space<vmem>>
        %dma_start3A_53 = tpu.memref_squeeze %dma_start3A_52 : memref<1x128xi32, #tpu.memory_space<vmem>> -> memref<128xi32, #tpu.memory_space<vmem>>
        %dma_start3A_54 = arith.constant 0 : i32
        %dma_start3A_55 = arith.constant 0 : i32
        %dma_start3A_56 = tpu.memref_slice %arg8[%dma_start3A_54, %dma_start3A_55] : memref<51200x32xf32, #tpu.memory_space<vmem_shared>> -> memref<51200x32xf32, #tpu.memory_space<vmem_shared>>
        tpu.enqueue_indirect_dma source(%dma_start3A_50 : memref<128x32xf32, #tpu.memory_space<vmem>>) target(%dma_start3A_56 : memref<51200x32xf32, #tpu.memory_space<vmem_shared>>) offsets(%dma_start3A_53 : memref<128xi32, #tpu.memory_space<vmem>>) semaphore(%run_scoped3A_48 : memref<!tpu.dma_semaphore, #tpu.memory_space<semaphore_mem>>) {add = true}
        %dma_wait3A = arith.constant 0 : i32
        %dma_wait3A_57 = arith.constant 0 : i32
        %dma_wait3A_58 = tpu.memref_slice %arg7[%dma_wait3A, %dma_wait3A_57] : memref<512x32xf32, #tpu.memory_space<vmem>> -> memref<128x32xf32, #tpu.memory_space<vmem>>
        %dma_wait3A_59 = arith.constant 0 : i32
        %dma_wait3A_60 = tpu.memref_slice %arg6[%run_scoped3A, %dma_wait3A_59] : memref<4x128xi32, #tpu.memory_space<vmem>> -> memref<1x128xi32, #tpu.memory_space<vmem>>
        %dma_wait3A_61 = tpu.memref_squeeze %dma_wait3A_60 : memref<1x128xi32, #tpu.memory_space<vmem>> -> memref<128xi32, #tpu.memory_space<vmem>>
        %dma_wait3A_62 = arith.constant 0 : i32
        %dma_wait3A_63 = arith.constant 0 : i32
        %dma_wait3A_64 = tpu.memref_slice %arg8[%dma_wait3A_62, %dma_wait3A_63] : memref<51200x32xf32, #tpu.memory_space<vmem_shared>> -> memref<51200x32xf32, #tpu.memory_space<vmem_shared>>
        tpu.wait_indirect_dma semaphore(%run_scoped3A_48 : memref<!tpu.dma_semaphore, #tpu.memory_space<semaphore_mem>>) src(%dma_wait3A_58 : memref<128x32xf32, #tpu.memory_space<vmem>>) dst(%dma_wait3A_64 : memref<51200x32xf32, #tpu.memory_space<vmem_shared>>)
        tpu.yield
      }) : () -> ()
      %run_scoped3A_45 = arith.constant 1 : i32
      "tpu.region"() ({
        %run_scoped3A_48 = tpu.sem_alloc : memref<!tpu.dma_semaphore, #tpu.memory_space<semaphore_mem>>
        %dma_start3A = arith.constant 128 : i32
        %dma_start3A_49 = arith.constant 0 : i32
        %dma_start3A_50 = tpu.memref_slice %arg7[%dma_start3A, %dma_start3A_49] : memref<512x32xf32, #tpu.memory_space<vmem>> -> memref<128x32xf32, #tpu.memory_space<vmem>>
        %dma_start3A_51 = arith.constant 0 : i32
        %dma_start3A_52 = tpu.memref_slice %arg6[%run_scoped3A_45, %dma_start3A_51] : memref<4x128xi32, #tpu.memory_space<vmem>> -> memref<1x128xi32, #tpu.memory_space<vmem>>
        %dma_start3A_53 = tpu.memref_squeeze %dma_start3A_52 : memref<1x128xi32, #tpu.memory_space<vmem>> -> memref<128xi32, #tpu.memory_space<vmem>>
        %dma_start3A_54 = arith.constant 0 : i32
        %dma_start3A_55 = arith.constant 0 : i32
        %dma_start3A_56 = tpu.memref_slice %arg8[%dma_start3A_54, %dma_start3A_55] : memref<51200x32xf32, #tpu.memory_space<vmem_shared>> -> memref<51200x32xf32, #tpu.memory_space<vmem_shared>>
        tpu.enqueue_indirect_dma source(%dma_start3A_50 : memref<128x32xf32, #tpu.memory_space<vmem>>) target(%dma_start3A_56 : memref<51200x32xf32, #tpu.memory_space<vmem_shared>>) offsets(%dma_start3A_53 : memref<128xi32, #tpu.memory_space<vmem>>) semaphore(%run_scoped3A_48 : memref<!tpu.dma_semaphore, #tpu.memory_space<semaphore_mem>>) {add = true}
        %dma_wait3A = arith.constant 128 : i32
        %dma_wait3A_57 = arith.constant 0 : i32
        %dma_wait3A_58 = tpu.memref_slice %arg7[%dma_wait3A, %dma_wait3A_57] : memref<512x32xf32, #tpu.memory_space<vmem>> -> memref<128x32xf32, #tpu.memory_space<vmem>>
        %dma_wait3A_59 = arith.constant 0 : i32
        %dma_wait3A_60 = tpu.memref_slice %arg6[%run_scoped3A_45, %dma_wait3A_59] : memref<4x128xi32, #tpu.memory_space<vmem>> -> memref<1x128xi32, #tpu.memory_space<vmem>>
        %dma_wait3A_61 = tpu.memref_squeeze %dma_wait3A_60 : memref<1x128xi32, #tpu.memory_space<vmem>> -> memref<128xi32, #tpu.memory_space<vmem>>
        %dma_wait3A_62 = arith.constant 0 : i32
        %dma_wait3A_63 = arith.constant 0 : i32
        %dma_wait3A_64 = tpu.memref_slice %arg8[%dma_wait3A_62, %dma_wait3A_63] : memref<51200x32xf32, #tpu.memory_space<vmem_shared>> -> memref<51200x32xf32, #tpu.memory_space<vmem_shared>>
        tpu.wait_indirect_dma semaphore(%run_scoped3A_48 : memref<!tpu.dma_semaphore, #tpu.memory_space<semaphore_mem>>) src(%dma_wait3A_58 : memref<128x32xf32, #tpu.memory_space<vmem>>) dst(%dma_wait3A_64 : memref<51200x32xf32, #tpu.memory_space<vmem_shared>>)
        tpu.yield
      }) : () -> ()
      %run_scoped3A_46 = arith.constant 2 : i32
      "tpu.region"() ({
        %run_scoped3A_48 = tpu.sem_alloc : memref<!tpu.dma_semaphore, #tpu.memory_space<semaphore_mem>>
        %dma_start3A = arith.constant 256 : i32
        %dma_start3A_49 = arith.constant 0 : i32
        %dma_start3A_50 = tpu.memref_slice %arg7[%dma_start3A, %dma_start3A_49] : memref<512x32xf32, #tpu.memory_space<vmem>> -> memref<128x32xf32, #tpu.memory_space<vmem>>
        %dma_start3A_51 = arith.constant 0 : i32
        %dma_start3A_52 = tpu.memref_slice %arg6[%run_scoped3A_46, %dma_start3A_51] : memref<4x128xi32, #tpu.memory_space<vmem>> -> memref<1x128xi32, #tpu.memory_space<vmem>>
        %dma_start3A_53 = tpu.memref_squeeze %dma_start3A_52 : memref<1x128xi32, #tpu.memory_space<vmem>> -> memref<128xi32, #tpu.memory_space<vmem>>
        %dma_start3A_54 = arith.constant 0 : i32
        %dma_start3A_55 = arith.constant 0 : i32
        %dma_start3A_56 = tpu.memref_slice %arg8[%dma_start3A_54, %dma_start3A_55] : memref<51200x32xf32, #tpu.memory_space<vmem_shared>> -> memref<51200x32xf32, #tpu.memory_space<vmem_shared>>
        tpu.enqueue_indirect_dma source(%dma_start3A_50 : memref<128x32xf32, #tpu.memory_space<vmem>>) target(%dma_start3A_56 : memref<51200x32xf32, #tpu.memory_space<vmem_shared>>) offsets(%dma_start3A_53 : memref<128xi32, #tpu.memory_space<vmem>>) semaphore(%run_scoped3A_48 : memref<!tpu.dma_semaphore, #tpu.memory_space<semaphore_mem>>) {add = true}
        %dma_wait3A = arith.constant 256 : i32
        %dma_wait3A_57 = arith.constant 0 : i32
        %dma_wait3A_58 = tpu.memref_slice %arg7[%dma_wait3A, %dma_wait3A_57] : memref<512x32xf32, #tpu.memory_space<vmem>> -> memref<128x32xf32, #tpu.memory_space<vmem>>
        %dma_wait3A_59 = arith.constant 0 : i32
        %dma_wait3A_60 = tpu.memref_slice %arg6[%run_scoped3A_46, %dma_wait3A_59] : memref<4x128xi32, #tpu.memory_space<vmem>> -> memref<1x128xi32, #tpu.memory_space<vmem>>
        %dma_wait3A_61 = tpu.memref_squeeze %dma_wait3A_60 : memref<1x128xi32, #tpu.memory_space<vmem>> -> memref<128xi32, #tpu.memory_space<vmem>>
        %dma_wait3A_62 = arith.constant 0 : i32
        %dma_wait3A_63 = arith.constant 0 : i32
        %dma_wait3A_64 = tpu.memref_slice %arg8[%dma_wait3A_62, %dma_wait3A_63] : memref<51200x32xf32, #tpu.memory_space<vmem_shared>> -> memref<51200x32xf32, #tpu.memory_space<vmem_shared>>
        tpu.wait_indirect_dma semaphore(%run_scoped3A_48 : memref<!tpu.dma_semaphore, #tpu.memory_space<semaphore_mem>>) src(%dma_wait3A_58 : memref<128x32xf32, #tpu.memory_space<vmem>>) dst(%dma_wait3A_64 : memref<51200x32xf32, #tpu.memory_space<vmem_shared>>)
        tpu.yield
      }) : () -> ()
      %run_scoped3A_47 = arith.constant 3 : i32
      "tpu.region"() ({
        %run_scoped3A_48 = tpu.sem_alloc : memref<!tpu.dma_semaphore, #tpu.memory_space<semaphore_mem>>
        %dma_start3A = arith.constant 384 : i32
        %dma_start3A_49 = arith.constant 0 : i32
        %dma_start3A_50 = tpu.memref_slice %arg7[%dma_start3A, %dma_start3A_49] : memref<512x32xf32, #tpu.memory_space<vmem>> -> memref<128x32xf32, #tpu.memory_space<vmem>>
        %dma_start3A_51 = arith.constant 0 : i32
        %dma_start3A_52 = tpu.memref_slice %arg6[%run_scoped3A_47, %dma_start3A_51] : memref<4x128xi32, #tpu.memory_space<vmem>> -> memref<1x128xi32, #tpu.memory_space<vmem>>
        %dma_start3A_53 = tpu.memref_squeeze %dma_start3A_52 : memref<1x128xi32, #tpu.memory_space<vmem>> -> memref<128xi32, #tpu.memory_space<vmem>>
        %dma_start3A_54 = arith.constant 0 : i32
        %dma_start3A_55 = arith.constant 0 : i32
        %dma_start3A_56 = tpu.memref_slice %arg8[%dma_start3A_54, %dma_start3A_55] : memref<51200x32xf32, #tpu.memory_space<vmem_shared>> -> memref<51200x32xf32, #tpu.memory_space<vmem_shared>>
        tpu.enqueue_indirect_dma source(%dma_start3A_50 : memref<128x32xf32, #tpu.memory_space<vmem>>) target(%dma_start3A_56 : memref<51200x32xf32, #tpu.memory_space<vmem_shared>>) offsets(%dma_start3A_53 : memref<128xi32, #tpu.memory_space<vmem>>) semaphore(%run_scoped3A_48 : memref<!tpu.dma_semaphore, #tpu.memory_space<semaphore_mem>>) {add = true}
        %dma_wait3A = arith.constant 384 : i32
        %dma_wait3A_57 = arith.constant 0 : i32
        %dma_wait3A_58 = tpu.memref_slice %arg7[%dma_wait3A, %dma_wait3A_57] : memref<512x32xf32, #tpu.memory_space<vmem>> -> memref<128x32xf32, #tpu.memory_space<vmem>>
        %dma_wait3A_59 = arith.constant 0 : i32
        %dma_wait3A_60 = tpu.memref_slice %arg6[%run_scoped3A_47, %dma_wait3A_59] : memref<4x128xi32, #tpu.memory_space<vmem>> -> memref<1x128xi32, #tpu.memory_space<vmem>>
        %dma_wait3A_61 = tpu.memref_squeeze %dma_wait3A_60 : memref<1x128xi32, #tpu.memory_space<vmem>> -> memref<128xi32, #tpu.memory_space<vmem>>
        %dma_wait3A_62 = arith.constant 0 : i32
        %dma_wait3A_63 = arith.constant 0 : i32
        %dma_wait3A_64 = tpu.memref_slice %arg8[%dma_wait3A_62, %dma_wait3A_63] : memref<51200x32xf32, #tpu.memory_space<vmem_shared>> -> memref<51200x32xf32, #tpu.memory_space<vmem_shared>>
        tpu.wait_indirect_dma semaphore(%run_scoped3A_48 : memref<!tpu.dma_semaphore, #tpu.memory_space<semaphore_mem>>) src(%dma_wait3A_58 : memref<128x32xf32, #tpu.memory_space<vmem>>) dst(%dma_wait3A_64 : memref<51200x32xf32, #tpu.memory_space<vmem_shared>>)
        tpu.yield
      }) : () -> ()
    }
    %scan3A_27 = arith.constant 196 : i32
    %barrier3A_28 = arith.constant 0 : index
    tpu.barrier barrier_id(%barrier3A_28)
    %mul3A_29 = arith.constant 3200 : i32
    %mul3A_30 = arith.muli %arg1, %mul3A_29 : i32
    %mul3A_31 = arith.constant 3200 : i32
    %mul3A_32 = arith.muli %arg1, %mul3A_31 : i32
    "tpu.region"() ({
      %run_scoped3A = tpu.sem_alloc : memref<!tpu.dma_semaphore, #tpu.memory_space<semaphore_mem>>
      %dma_start3A = arith.constant 0 : i32
      %dma_start3A_34 = tpu.memref_slice %arg5[%add3A_18, %mul3A_32, %dma_start3A] : memref<4x51200x32xf32, #tpu.memory_space<hbm>> -> memref<1x3200x32xf32, #tpu.memory_space<hbm>>
      %dma_start3A_35 = tpu.memref_squeeze %dma_start3A_34 : memref<1x3200x32xf32, #tpu.memory_space<hbm>> -> memref<3200x32xf32, #tpu.memory_space<hbm>>
      %dma_start3A_36 = arith.constant 0 : i32
      %dma_start3A_37 = tpu.memref_slice %arg8[%mul3A_30, %dma_start3A_36] : memref<51200x32xf32, #tpu.memory_space<vmem_shared>> -> memref<3200x32xf32, #tpu.memory_space<vmem_shared>>
      tpu.enqueue_dma source(%dma_start3A_37 : memref<3200x32xf32, #tpu.memory_space<vmem_shared>>) target(%dma_start3A_35 : memref<3200x32xf32, #tpu.memory_space<hbm>>) target_semaphore(%run_scoped3A : memref<!tpu.dma_semaphore, #tpu.memory_space<semaphore_mem>>)
      %dma_wait3A = arith.constant 0 : i32
      %dma_wait3A_38 = tpu.memref_slice %arg5[%add3A_18, %mul3A_32, %dma_wait3A] : memref<4x51200x32xf32, #tpu.memory_space<hbm>> -> memref<1x3200x32xf32, #tpu.memory_space<hbm>>
      %dma_wait3A_39 = tpu.memref_squeeze %dma_wait3A_38 : memref<1x3200x32xf32, #tpu.memory_space<hbm>> -> memref<3200x32xf32, #tpu.memory_space<hbm>>
      %dma_wait3A_40 = arith.constant 0 : i32
      %dma_wait3A_41 = tpu.memref_slice %arg8[%mul3A_30, %dma_wait3A_40] : memref<51200x32xf32, #tpu.memory_space<vmem_shared>> -> memref<3200x32xf32, #tpu.memory_space<vmem_shared>>
      tpu.wait_dma2 semaphore(%run_scoped3A : memref<!tpu.dma_semaphore, #tpu.memory_space<semaphore_mem>>) src(%dma_wait3A_41 : memref<3200x32xf32, #tpu.memory_space<vmem_shared>>) dst(%dma_wait3A_39 : memref<3200x32xf32, #tpu.memory_space<hbm>>)
      tpu.yield
    }) : () -> ()
    %barrier3A_33 = arith.constant 0 : index
    tpu.barrier barrier_id(%barrier3A_33)
    return
  }
}

#map = affine_map<(d0, d1) -> (0, 0)>
#map1 = affine_map<(d0, d1) -> (0)>
module attributes {stable_mosaic.version = 14 : i64} {
  func.func @k(%arg0: i32, %arg1: i32, %arg2: memref<51200x8xf32, #tpu.memory_space<hbm>>, %arg3: memref<1605632xi32, #tpu.memory_space<hbm>>, %arg4: memref<1605632x8xf32, #tpu.memory_space<hbm>>, %arg5: memref<50176xi32, #tpu.memory_space<vmem>>, %arg6: memref<512x8xf32, #tpu.memory_space<vmem>>, %arg7: memref<!tpu.dma_semaphore, #tpu.memory_space<semaphore_mem>>) attributes {dimension_semantics = [#tpu.dimension_semantics<core_parallel>, #tpu.dimension_semantics<subcore_parallel>], iteration_bounds = array<i64: 2, 16>, scalar_prefetch = 0 : i64, scratch_operands = 3 : i64, tpu.core_type = #tpu.core_type<sc_vector_subcore>, window_params = [{transform_indices = #map}, {transform_indices = #map1}, {transform_indices = #map}]} {
    %mul3A = arith.constant 2 : i32
    %mul3A_0 = arith.muli %arg1, %mul3A : i32
    %add3A = arith.addi %mul3A_0, %arg0 : i32
    %mul3A_1 = arith.constant 50176 : i32
    %mul3A_2 = arith.muli %add3A, %mul3A_1 : i32
    "tpu.region"() ({
      %run_scoped3A = tpu.sem_alloc : memref<!tpu.dma_semaphore, #tpu.memory_space<semaphore_mem>>
      %dma_start3A = tpu.memref_slice %arg3[%mul3A_2] : memref<1605632xi32, #tpu.memory_space<hbm>> -> memref<50176xi32, #tpu.memory_space<hbm>>
      %dma_start3A_8 = tpu.memref_slice %arg3[%mul3A_2] : memref<1605632xi32, #tpu.memory_space<hbm>> -> memref<50176xi32, #tpu.memory_space<hbm>>
      tpu.enqueue_dma source(%dma_start3A_8 : memref<50176xi32, #tpu.memory_space<hbm>>) target(%arg5 : memref<50176xi32, #tpu.memory_space<vmem>>) target_semaphore(%run_scoped3A : memref<!tpu.dma_semaphore, #tpu.memory_space<semaphore_mem>>)
      %dma_wait3A = tpu.memref_slice %arg3[%mul3A_2] : memref<1605632xi32, #tpu.memory_space<hbm>> -> memref<50176xi32, #tpu.memory_space<hbm>>
      %dma_wait3A_9 = tpu.memref_slice %arg3[%mul3A_2] : memref<1605632xi32, #tpu.memory_space<hbm>> -> memref<50176xi32, #tpu.memory_space<hbm>>
      tpu.wait_dma2 semaphore(%run_scoped3A : memref<!tpu.dma_semaphore, #tpu.memory_space<semaphore_mem>>) src(%dma_wait3A_9 : memref<50176xi32, #tpu.memory_space<hbm>>) dst(%arg5 : memref<50176xi32, #tpu.memory_space<vmem>>)
      tpu.yield
    }) : () -> ()
    %scan3A = arith.constant 0 : i32
    %scan3A_3 = arith.constant 0 : i32
    %scan3A_4 = arith.constant 98 : i32
    %scan3A_5 = arith.addi %scan3A_3, %scan3A_4 : i32
    %scan3A_6 = arith.constant 1 : i32
    scf.for %scan3A_8 = %scan3A_3 to %scan3A_5 step %scan3A_6  : i32 {
      %mul3A_9 = arith.constant 512 : i32
      %mul3A_10 = arith.muli %scan3A_8, %mul3A_9 : i32
      %add3A_11 = arith.constant 0 : i32
      %add3A_12 = arith.addi %mul3A_10, %add3A_11 : i32
      %dma_start3A = arith.constant 0 : i32
      %dma_start3A_13 = arith.constant 0 : i32
      %dma_start3A_14 = tpu.memref_slice %arg6[%dma_start3A, %dma_start3A_13] : memref<512x8xf32, #tpu.memory_space<vmem>> -> memref<128x8xf32, #tpu.memory_space<vmem>>
      %dma_start3A_15 = tpu.memref_slice %arg5[%add3A_12] : memref<50176xi32, #tpu.memory_space<vmem>> -> memref<128xi32, #tpu.memory_space<vmem>>
      %dma_start3A_16 = arith.constant 0 : i32
      %dma_start3A_17 = arith.constant 0 : i32
      %dma_start3A_18 = tpu.memref_slice %arg2[%dma_start3A_16, %dma_start3A_17] : memref<51200x8xf32, #tpu.memory_space<hbm>> -> memref<51200x8xf32, #tpu.memory_space<hbm>>
      tpu.enqueue_indirect_dma source(%dma_start3A_18 : memref<51200x8xf32, #tpu.memory_space<hbm>>) target(%dma_start3A_14 : memref<128x8xf32, #tpu.memory_space<vmem>>) offsets(%dma_start3A_15 : memref<128xi32, #tpu.memory_space<vmem>>) semaphore(%arg7 : memref<!tpu.dma_semaphore, #tpu.memory_space<semaphore_mem>>)
      %add3A_19 = arith.constant 128 : i32
      %add3A_20 = arith.addi %mul3A_10, %add3A_19 : i32
      %dma_start3A_21 = arith.constant 128 : i32
      %dma_start3A_22 = arith.constant 0 : i32
      %dma_start3A_23 = tpu.memref_slice %arg6[%dma_start3A_21, %dma_start3A_22] : memref<512x8xf32, #tpu.memory_space<vmem>> -> memref<128x8xf32, #tpu.memory_space<vmem>>
      %dma_start3A_24 = tpu.memref_slice %arg5[%add3A_20] : memref<50176xi32, #tpu.memory_space<vmem>> -> memref<128xi32, #tpu.memory_space<vmem>>
      %dma_start3A_25 = arith.constant 0 : i32
      %dma_start3A_26 = arith.constant 0 : i32
      %dma_start3A_27 = tpu.memref_slice %arg2[%dma_start3A_25, %dma_start3A_26] : memref<51200x8xf32, #tpu.memory_space<hbm>> -> memref<51200x8xf32, #tpu.memory_space<hbm>>
      tpu.enqueue_indirect_dma source(%dma_start3A_27 : memref<51200x8xf32, #tpu.memory_space<hbm>>) target(%dma_start3A_23 : memref<128x8xf32, #tpu.memory_space<vmem>>) offsets(%dma_start3A_24 : memref<128xi32, #tpu.memory_space<vmem>>) semaphore(%arg7 : memref<!tpu.dma_semaphore, #tpu.memory_space<semaphore_mem>>)
      %add3A_28 = arith.constant 256 : i32
      %add3A_29 = arith.addi %mul3A_10, %add3A_28 : i32
      %dma_start3A_30 = arith.constant 256 : i32
      %dma_start3A_31 = arith.constant 0 : i32
      %dma_start3A_32 = tpu.memref_slice %arg6[%dma_start3A_30, %dma_start3A_31] : memref<512x8xf32, #tpu.memory_space<vmem>> -> memref<128x8xf32, #tpu.memory_space<vmem>>
      %dma_start3A_33 = tpu.memref_slice %arg5[%add3A_29] : memref<50176xi32, #tpu.memory_space<vmem>> -> memref<128xi32, #tpu.memory_space<vmem>>
      %dma_start3A_34 = arith.constant 0 : i32
      %dma_start3A_35 = arith.constant 0 : i32
      %dma_start3A_36 = tpu.memref_slice %arg2[%dma_start3A_34, %dma_start3A_35] : memref<51200x8xf32, #tpu.memory_space<hbm>> -> memref<51200x8xf32, #tpu.memory_space<hbm>>
      tpu.enqueue_indirect_dma source(%dma_start3A_36 : memref<51200x8xf32, #tpu.memory_space<hbm>>) target(%dma_start3A_32 : memref<128x8xf32, #tpu.memory_space<vmem>>) offsets(%dma_start3A_33 : memref<128xi32, #tpu.memory_space<vmem>>) semaphore(%arg7 : memref<!tpu.dma_semaphore, #tpu.memory_space<semaphore_mem>>)
      %add3A_37 = arith.constant 384 : i32
      %add3A_38 = arith.addi %mul3A_10, %add3A_37 : i32
      %dma_start3A_39 = arith.constant 384 : i32
      %dma_start3A_40 = arith.constant 0 : i32
      %dma_start3A_41 = tpu.memref_slice %arg6[%dma_start3A_39, %dma_start3A_40] : memref<512x8xf32, #tpu.memory_space<vmem>> -> memref<128x8xf32, #tpu.memory_space<vmem>>
      %dma_start3A_42 = tpu.memref_slice %arg5[%add3A_38] : memref<50176xi32, #tpu.memory_space<vmem>> -> memref<128xi32, #tpu.memory_space<vmem>>
      %dma_start3A_43 = arith.constant 0 : i32
      %dma_start3A_44 = arith.constant 0 : i32
      %dma_start3A_45 = tpu.memref_slice %arg2[%dma_start3A_43, %dma_start3A_44] : memref<51200x8xf32, #tpu.memory_space<hbm>> -> memref<51200x8xf32, #tpu.memory_space<hbm>>
      tpu.enqueue_indirect_dma source(%dma_start3A_45 : memref<51200x8xf32, #tpu.memory_space<hbm>>) target(%dma_start3A_41 : memref<128x8xf32, #tpu.memory_space<vmem>>) offsets(%dma_start3A_42 : memref<128xi32, #tpu.memory_space<vmem>>) semaphore(%arg7 : memref<!tpu.dma_semaphore, #tpu.memory_space<semaphore_mem>>)
      %dma_wait3A = arith.constant 0 : i32
      %dma_wait3A_46 = arith.constant 0 : i32
      %dma_wait3A_47 = tpu.memref_slice %arg6[%dma_wait3A, %dma_wait3A_46] : memref<512x8xf32, #tpu.memory_space<vmem>> -> memref<128x8xf32, #tpu.memory_space<vmem>>
      %dma_wait3A_48 = tpu.memref_slice %arg5[%add3A_12] : memref<50176xi32, #tpu.memory_space<vmem>> -> memref<128xi32, #tpu.memory_space<vmem>>
      %dma_wait3A_49 = arith.constant 0 : i32
      %dma_wait3A_50 = arith.constant 0 : i32
      %dma_wait3A_51 = tpu.memref_slice %arg2[%dma_wait3A_49, %dma_wait3A_50] : memref<51200x8xf32, #tpu.memory_space<hbm>> -> memref<51200x8xf32, #tpu.memory_space<hbm>>
      tpu.wait_indirect_dma semaphore(%arg7 : memref<!tpu.dma_semaphore, #tpu.memory_space<semaphore_mem>>) src(%dma_wait3A_51 : memref<51200x8xf32, #tpu.memory_space<hbm>>) dst(%dma_wait3A_47 : memref<128x8xf32, #tpu.memory_space<vmem>>)
      %dma_wait3A_52 = arith.constant 128 : i32
      %dma_wait3A_53 = arith.constant 0 : i32
      %dma_wait3A_54 = tpu.memref_slice %arg6[%dma_wait3A_52, %dma_wait3A_53] : memref<512x8xf32, #tpu.memory_space<vmem>> -> memref<128x8xf32, #tpu.memory_space<vmem>>
      %dma_wait3A_55 = tpu.memref_slice %arg5[%add3A_20] : memref<50176xi32, #tpu.memory_space<vmem>> -> memref<128xi32, #tpu.memory_space<vmem>>
      %dma_wait3A_56 = arith.constant 0 : i32
      %dma_wait3A_57 = arith.constant 0 : i32
      %dma_wait3A_58 = tpu.memref_slice %arg2[%dma_wait3A_56, %dma_wait3A_57] : memref<51200x8xf32, #tpu.memory_space<hbm>> -> memref<51200x8xf32, #tpu.memory_space<hbm>>
      tpu.wait_indirect_dma semaphore(%arg7 : memref<!tpu.dma_semaphore, #tpu.memory_space<semaphore_mem>>) src(%dma_wait3A_58 : memref<51200x8xf32, #tpu.memory_space<hbm>>) dst(%dma_wait3A_54 : memref<128x8xf32, #tpu.memory_space<vmem>>)
      %dma_wait3A_59 = arith.constant 256 : i32
      %dma_wait3A_60 = arith.constant 0 : i32
      %dma_wait3A_61 = tpu.memref_slice %arg6[%dma_wait3A_59, %dma_wait3A_60] : memref<512x8xf32, #tpu.memory_space<vmem>> -> memref<128x8xf32, #tpu.memory_space<vmem>>
      %dma_wait3A_62 = tpu.memref_slice %arg5[%add3A_29] : memref<50176xi32, #tpu.memory_space<vmem>> -> memref<128xi32, #tpu.memory_space<vmem>>
      %dma_wait3A_63 = arith.constant 0 : i32
      %dma_wait3A_64 = arith.constant 0 : i32
      %dma_wait3A_65 = tpu.memref_slice %arg2[%dma_wait3A_63, %dma_wait3A_64] : memref<51200x8xf32, #tpu.memory_space<hbm>> -> memref<51200x8xf32, #tpu.memory_space<hbm>>
      tpu.wait_indirect_dma semaphore(%arg7 : memref<!tpu.dma_semaphore, #tpu.memory_space<semaphore_mem>>) src(%dma_wait3A_65 : memref<51200x8xf32, #tpu.memory_space<hbm>>) dst(%dma_wait3A_61 : memref<128x8xf32, #tpu.memory_space<vmem>>)
      %dma_wait3A_66 = arith.constant 384 : i32
      %dma_wait3A_67 = arith.constant 0 : i32
      %dma_wait3A_68 = tpu.memref_slice %arg6[%dma_wait3A_66, %dma_wait3A_67] : memref<512x8xf32, #tpu.memory_space<vmem>> -> memref<128x8xf32, #tpu.memory_space<vmem>>
      %dma_wait3A_69 = tpu.memref_slice %arg5[%add3A_38] : memref<50176xi32, #tpu.memory_space<vmem>> -> memref<128xi32, #tpu.memory_space<vmem>>
      %dma_wait3A_70 = arith.constant 0 : i32
      %dma_wait3A_71 = arith.constant 0 : i32
      %dma_wait3A_72 = tpu.memref_slice %arg2[%dma_wait3A_70, %dma_wait3A_71] : memref<51200x8xf32, #tpu.memory_space<hbm>> -> memref<51200x8xf32, #tpu.memory_space<hbm>>
      tpu.wait_indirect_dma semaphore(%arg7 : memref<!tpu.dma_semaphore, #tpu.memory_space<semaphore_mem>>) src(%dma_wait3A_72 : memref<51200x8xf32, #tpu.memory_space<hbm>>) dst(%dma_wait3A_68 : memref<128x8xf32, #tpu.memory_space<vmem>>)
      %add3A_73 = arith.addi %mul3A_2, %mul3A_10 : i32
      "tpu.region"() ({
        %run_scoped3A = tpu.sem_alloc : memref<!tpu.dma_semaphore, #tpu.memory_space<semaphore_mem>>
        %dma_start3A_74 = arith.constant 0 : i32
        %dma_start3A_75 = tpu.memref_slice %arg4[%add3A_73, %dma_start3A_74] : memref<1605632x8xf32, #tpu.memory_space<hbm>> -> memref<512x8xf32, #tpu.memory_space<hbm>>
        %dma_start3A_76 = arith.constant 0 : i32
        %dma_start3A_77 = tpu.memref_slice %arg4[%add3A_73, %dma_start3A_76] : memref<1605632x8xf32, #tpu.memory_space<hbm>> -> memref<512x8xf32, #tpu.memory_space<hbm>>
        tpu.enqueue_dma source(%arg6 : memref<512x8xf32, #tpu.memory_space<vmem>>) target(%dma_start3A_77 : memref<512x8xf32, #tpu.memory_space<hbm>>) target_semaphore(%run_scoped3A : memref<!tpu.dma_semaphore, #tpu.memory_space<semaphore_mem>>)
        %dma_wait3A_78 = arith.constant 0 : i32
        %dma_wait3A_79 = tpu.memref_slice %arg4[%add3A_73, %dma_wait3A_78] : memref<1605632x8xf32, #tpu.memory_space<hbm>> -> memref<512x8xf32, #tpu.memory_space<hbm>>
        %dma_wait3A_80 = arith.constant 0 : i32
        %dma_wait3A_81 = tpu.memref_slice %arg4[%add3A_73, %dma_wait3A_80] : memref<1605632x8xf32, #tpu.memory_space<hbm>> -> memref<512x8xf32, #tpu.memory_space<hbm>>
        tpu.wait_dma2 semaphore(%run_scoped3A : memref<!tpu.dma_semaphore, #tpu.memory_space<semaphore_mem>>) src(%arg6 : memref<512x8xf32, #tpu.memory_space<vmem>>) dst(%dma_wait3A_81 : memref<512x8xf32, #tpu.memory_space<hbm>>)
        tpu.yield
      }) : () -> ()
    }
    %scan3A_7 = arith.constant 98 : i32
    return
  }
}

#map = affine_map<(d0, d1) -> (0, 0)>
#map1 = affine_map<(d0, d1) -> (0)>
module attributes {stable_mosaic.version = 14 : i64} {
  func.func @k(%arg0: i32, %arg1: i32, %arg2: memref<51200x128xf32, #tpu.memory_space<hbm>>, %arg3: memref<1605632xi32, #tpu.memory_space<hbm>>, %arg4: memref<1605632x128xf32, #tpu.memory_space<hbm>>, %arg5: memref<50176xi32, #tpu.memory_space<vmem>>, %arg6: memref<512x128xf32, #tpu.memory_space<vmem>>, %arg7: memref<!tpu.dma_semaphore, #tpu.memory_space<semaphore_mem>>) attributes {dimension_semantics = [#tpu.dimension_semantics<core_parallel>, #tpu.dimension_semantics<subcore_parallel>], iteration_bounds = array<i64: 2, 16>, scalar_prefetch = 0 : i64, scratch_operands = 3 : i64, tpu.core_type = #tpu.core_type<sc_vector_subcore>, window_params = [{transform_indices = #map}, {transform_indices = #map1}, {transform_indices = #map}]} {
    %mul3A = arith.constant 2 : i32
    %mul3A_0 = arith.muli %arg1, %mul3A : i32
    %add3A = arith.addi %mul3A_0, %arg0 : i32
    %mul3A_1 = arith.constant 50176 : i32
    %mul3A_2 = arith.muli %add3A, %mul3A_1 : i32
    "tpu.region"() ({
      %run_scoped3A = tpu.sem_alloc : memref<!tpu.dma_semaphore, #tpu.memory_space<semaphore_mem>>
      %dma_start3A = tpu.memref_slice %arg3[%mul3A_2] : memref<1605632xi32, #tpu.memory_space<hbm>> -> memref<50176xi32, #tpu.memory_space<hbm>>
      %dma_start3A_8 = tpu.memref_slice %arg3[%mul3A_2] : memref<1605632xi32, #tpu.memory_space<hbm>> -> memref<50176xi32, #tpu.memory_space<hbm>>
      tpu.enqueue_dma source(%dma_start3A_8 : memref<50176xi32, #tpu.memory_space<hbm>>) target(%arg5 : memref<50176xi32, #tpu.memory_space<vmem>>) target_semaphore(%run_scoped3A : memref<!tpu.dma_semaphore, #tpu.memory_space<semaphore_mem>>)
      %dma_wait3A = tpu.memref_slice %arg3[%mul3A_2] : memref<1605632xi32, #tpu.memory_space<hbm>> -> memref<50176xi32, #tpu.memory_space<hbm>>
      %dma_wait3A_9 = tpu.memref_slice %arg3[%mul3A_2] : memref<1605632xi32, #tpu.memory_space<hbm>> -> memref<50176xi32, #tpu.memory_space<hbm>>
      tpu.wait_dma2 semaphore(%run_scoped3A : memref<!tpu.dma_semaphore, #tpu.memory_space<semaphore_mem>>) src(%dma_wait3A_9 : memref<50176xi32, #tpu.memory_space<hbm>>) dst(%arg5 : memref<50176xi32, #tpu.memory_space<vmem>>)
      tpu.yield
    }) : () -> ()
    %scan3A = arith.constant 0 : i32
    %scan3A_3 = arith.constant 0 : i32
    %scan3A_4 = arith.constant 98 : i32
    %scan3A_5 = arith.addi %scan3A_3, %scan3A_4 : i32
    %scan3A_6 = arith.constant 1 : i32
    scf.for %scan3A_8 = %scan3A_3 to %scan3A_5 step %scan3A_6  : i32 {
      %mul3A_9 = arith.constant 512 : i32
      %mul3A_10 = arith.muli %scan3A_8, %mul3A_9 : i32
      %add3A_11 = arith.constant 0 : i32
      %add3A_12 = arith.addi %mul3A_10, %add3A_11 : i32
      %dma_start3A = arith.constant 0 : i32
      %dma_start3A_13 = arith.constant 0 : i32
      %dma_start3A_14 = tpu.memref_slice %arg6[%dma_start3A, %dma_start3A_13] : memref<512x128xf32, #tpu.memory_space<vmem>> -> memref<128x128xf32, #tpu.memory_space<vmem>>
      %dma_start3A_15 = tpu.memref_slice %arg5[%add3A_12] : memref<50176xi32, #tpu.memory_space<vmem>> -> memref<128xi32, #tpu.memory_space<vmem>>
      %dma_start3A_16 = arith.constant 0 : i32
      %dma_start3A_17 = arith.constant 0 : i32
      %dma_start3A_18 = tpu.memref_slice %arg2[%dma_start3A_16, %dma_start3A_17] : memref<51200x128xf32, #tpu.memory_space<hbm>> -> memref<51200x128xf32, #tpu.memory_space<hbm>>
      tpu.enqueue_indirect_dma source(%dma_start3A_18 : memref<51200x128xf32, #tpu.memory_space<hbm>>) target(%dma_start3A_14 : memref<128x128xf32, #tpu.memory_space<vmem>>) offsets(%dma_start3A_15 : memref<128xi32, #tpu.memory_space<vmem>>) semaphore(%arg7 : memref<!tpu.dma_semaphore, #tpu.memory_space<semaphore_mem>>)
      %add3A_19 = arith.constant 128 : i32
      %add3A_20 = arith.addi %mul3A_10, %add3A_19 : i32
      %dma_start3A_21 = arith.constant 128 : i32
      %dma_start3A_22 = arith.constant 0 : i32
      %dma_start3A_23 = tpu.memref_slice %arg6[%dma_start3A_21, %dma_start3A_22] : memref<512x128xf32, #tpu.memory_space<vmem>> -> memref<128x128xf32, #tpu.memory_space<vmem>>
      %dma_start3A_24 = tpu.memref_slice %arg5[%add3A_20] : memref<50176xi32, #tpu.memory_space<vmem>> -> memref<128xi32, #tpu.memory_space<vmem>>
      %dma_start3A_25 = arith.constant 0 : i32
      %dma_start3A_26 = arith.constant 0 : i32
      %dma_start3A_27 = tpu.memref_slice %arg2[%dma_start3A_25, %dma_start3A_26] : memref<51200x128xf32, #tpu.memory_space<hbm>> -> memref<51200x128xf32, #tpu.memory_space<hbm>>
      tpu.enqueue_indirect_dma source(%dma_start3A_27 : memref<51200x128xf32, #tpu.memory_space<hbm>>) target(%dma_start3A_23 : memref<128x128xf32, #tpu.memory_space<vmem>>) offsets(%dma_start3A_24 : memref<128xi32, #tpu.memory_space<vmem>>) semaphore(%arg7 : memref<!tpu.dma_semaphore, #tpu.memory_space<semaphore_mem>>)
      %add3A_28 = arith.constant 256 : i32
      %add3A_29 = arith.addi %mul3A_10, %add3A_28 : i32
      %dma_start3A_30 = arith.constant 256 : i32
      %dma_start3A_31 = arith.constant 0 : i32
      %dma_start3A_32 = tpu.memref_slice %arg6[%dma_start3A_30, %dma_start3A_31] : memref<512x128xf32, #tpu.memory_space<vmem>> -> memref<128x128xf32, #tpu.memory_space<vmem>>
      %dma_start3A_33 = tpu.memref_slice %arg5[%add3A_29] : memref<50176xi32, #tpu.memory_space<vmem>> -> memref<128xi32, #tpu.memory_space<vmem>>
      %dma_start3A_34 = arith.constant 0 : i32
      %dma_start3A_35 = arith.constant 0 : i32
      %dma_start3A_36 = tpu.memref_slice %arg2[%dma_start3A_34, %dma_start3A_35] : memref<51200x128xf32, #tpu.memory_space<hbm>> -> memref<51200x128xf32, #tpu.memory_space<hbm>>
      tpu.enqueue_indirect_dma source(%dma_start3A_36 : memref<51200x128xf32, #tpu.memory_space<hbm>>) target(%dma_start3A_32 : memref<128x128xf32, #tpu.memory_space<vmem>>) offsets(%dma_start3A_33 : memref<128xi32, #tpu.memory_space<vmem>>) semaphore(%arg7 : memref<!tpu.dma_semaphore, #tpu.memory_space<semaphore_mem>>)
      %add3A_37 = arith.constant 384 : i32
      %add3A_38 = arith.addi %mul3A_10, %add3A_37 : i32
      %dma_start3A_39 = arith.constant 384 : i32
      %dma_start3A_40 = arith.constant 0 : i32
      %dma_start3A_41 = tpu.memref_slice %arg6[%dma_start3A_39, %dma_start3A_40] : memref<512x128xf32, #tpu.memory_space<vmem>> -> memref<128x128xf32, #tpu.memory_space<vmem>>
      %dma_start3A_42 = tpu.memref_slice %arg5[%add3A_38] : memref<50176xi32, #tpu.memory_space<vmem>> -> memref<128xi32, #tpu.memory_space<vmem>>
      %dma_start3A_43 = arith.constant 0 : i32
      %dma_start3A_44 = arith.constant 0 : i32
      %dma_start3A_45 = tpu.memref_slice %arg2[%dma_start3A_43, %dma_start3A_44] : memref<51200x128xf32, #tpu.memory_space<hbm>> -> memref<51200x128xf32, #tpu.memory_space<hbm>>
      tpu.enqueue_indirect_dma source(%dma_start3A_45 : memref<51200x128xf32, #tpu.memory_space<hbm>>) target(%dma_start3A_41 : memref<128x128xf32, #tpu.memory_space<vmem>>) offsets(%dma_start3A_42 : memref<128xi32, #tpu.memory_space<vmem>>) semaphore(%arg7 : memref<!tpu.dma_semaphore, #tpu.memory_space<semaphore_mem>>)
      %dma_wait3A = arith.constant 0 : i32
      %dma_wait3A_46 = arith.constant 0 : i32
      %dma_wait3A_47 = tpu.memref_slice %arg6[%dma_wait3A, %dma_wait3A_46] : memref<512x128xf32, #tpu.memory_space<vmem>> -> memref<128x128xf32, #tpu.memory_space<vmem>>
      %dma_wait3A_48 = tpu.memref_slice %arg5[%add3A_12] : memref<50176xi32, #tpu.memory_space<vmem>> -> memref<128xi32, #tpu.memory_space<vmem>>
      %dma_wait3A_49 = arith.constant 0 : i32
      %dma_wait3A_50 = arith.constant 0 : i32
      %dma_wait3A_51 = tpu.memref_slice %arg2[%dma_wait3A_49, %dma_wait3A_50] : memref<51200x128xf32, #tpu.memory_space<hbm>> -> memref<51200x128xf32, #tpu.memory_space<hbm>>
      tpu.wait_indirect_dma semaphore(%arg7 : memref<!tpu.dma_semaphore, #tpu.memory_space<semaphore_mem>>) src(%dma_wait3A_51 : memref<51200x128xf32, #tpu.memory_space<hbm>>) dst(%dma_wait3A_47 : memref<128x128xf32, #tpu.memory_space<vmem>>)
      %dma_wait3A_52 = arith.constant 128 : i32
      %dma_wait3A_53 = arith.constant 0 : i32
      %dma_wait3A_54 = tpu.memref_slice %arg6[%dma_wait3A_52, %dma_wait3A_53] : memref<512x128xf32, #tpu.memory_space<vmem>> -> memref<128x128xf32, #tpu.memory_space<vmem>>
      %dma_wait3A_55 = tpu.memref_slice %arg5[%add3A_20] : memref<50176xi32, #tpu.memory_space<vmem>> -> memref<128xi32, #tpu.memory_space<vmem>>
      %dma_wait3A_56 = arith.constant 0 : i32
      %dma_wait3A_57 = arith.constant 0 : i32
      %dma_wait3A_58 = tpu.memref_slice %arg2[%dma_wait3A_56, %dma_wait3A_57] : memref<51200x128xf32, #tpu.memory_space<hbm>> -> memref<51200x128xf32, #tpu.memory_space<hbm>>
      tpu.wait_indirect_dma semaphore(%arg7 : memref<!tpu.dma_semaphore, #tpu.memory_space<semaphore_mem>>) src(%dma_wait3A_58 : memref<51200x128xf32, #tpu.memory_space<hbm>>) dst(%dma_wait3A_54 : memref<128x128xf32, #tpu.memory_space<vmem>>)
      %dma_wait3A_59 = arith.constant 256 : i32
      %dma_wait3A_60 = arith.constant 0 : i32
      %dma_wait3A_61 = tpu.memref_slice %arg6[%dma_wait3A_59, %dma_wait3A_60] : memref<512x128xf32, #tpu.memory_space<vmem>> -> memref<128x128xf32, #tpu.memory_space<vmem>>
      %dma_wait3A_62 = tpu.memref_slice %arg5[%add3A_29] : memref<50176xi32, #tpu.memory_space<vmem>> -> memref<128xi32, #tpu.memory_space<vmem>>
      %dma_wait3A_63 = arith.constant 0 : i32
      %dma_wait3A_64 = arith.constant 0 : i32
      %dma_wait3A_65 = tpu.memref_slice %arg2[%dma_wait3A_63, %dma_wait3A_64] : memref<51200x128xf32, #tpu.memory_space<hbm>> -> memref<51200x128xf32, #tpu.memory_space<hbm>>
      tpu.wait_indirect_dma semaphore(%arg7 : memref<!tpu.dma_semaphore, #tpu.memory_space<semaphore_mem>>) src(%dma_wait3A_65 : memref<51200x128xf32, #tpu.memory_space<hbm>>) dst(%dma_wait3A_61 : memref<128x128xf32, #tpu.memory_space<vmem>>)
      %dma_wait3A_66 = arith.constant 384 : i32
      %dma_wait3A_67 = arith.constant 0 : i32
      %dma_wait3A_68 = tpu.memref_slice %arg6[%dma_wait3A_66, %dma_wait3A_67] : memref<512x128xf32, #tpu.memory_space<vmem>> -> memref<128x128xf32, #tpu.memory_space<vmem>>
      %dma_wait3A_69 = tpu.memref_slice %arg5[%add3A_38] : memref<50176xi32, #tpu.memory_space<vmem>> -> memref<128xi32, #tpu.memory_space<vmem>>
      %dma_wait3A_70 = arith.constant 0 : i32
      %dma_wait3A_71 = arith.constant 0 : i32
      %dma_wait3A_72 = tpu.memref_slice %arg2[%dma_wait3A_70, %dma_wait3A_71] : memref<51200x128xf32, #tpu.memory_space<hbm>> -> memref<51200x128xf32, #tpu.memory_space<hbm>>
      tpu.wait_indirect_dma semaphore(%arg7 : memref<!tpu.dma_semaphore, #tpu.memory_space<semaphore_mem>>) src(%dma_wait3A_72 : memref<51200x128xf32, #tpu.memory_space<hbm>>) dst(%dma_wait3A_68 : memref<128x128xf32, #tpu.memory_space<vmem>>)
      %add3A_73 = arith.addi %mul3A_2, %mul3A_10 : i32
      "tpu.region"() ({
        %run_scoped3A = tpu.sem_alloc : memref<!tpu.dma_semaphore, #tpu.memory_space<semaphore_mem>>
        %dma_start3A_74 = arith.constant 0 : i32
        %dma_start3A_75 = tpu.memref_slice %arg4[%add3A_73, %dma_start3A_74] : memref<1605632x128xf32, #tpu.memory_space<hbm>> -> memref<512x128xf32, #tpu.memory_space<hbm>>
        %dma_start3A_76 = arith.constant 0 : i32
        %dma_start3A_77 = tpu.memref_slice %arg4[%add3A_73, %dma_start3A_76] : memref<1605632x128xf32, #tpu.memory_space<hbm>> -> memref<512x128xf32, #tpu.memory_space<hbm>>
        tpu.enqueue_dma source(%arg6 : memref<512x128xf32, #tpu.memory_space<vmem>>) target(%dma_start3A_77 : memref<512x128xf32, #tpu.memory_space<hbm>>) target_semaphore(%run_scoped3A : memref<!tpu.dma_semaphore, #tpu.memory_space<semaphore_mem>>)
        %dma_wait3A_78 = arith.constant 0 : i32
        %dma_wait3A_79 = tpu.memref_slice %arg4[%add3A_73, %dma_wait3A_78] : memref<1605632x128xf32, #tpu.memory_space<hbm>> -> memref<512x128xf32, #tpu.memory_space<hbm>>
        %dma_wait3A_80 = arith.constant 0 : i32
        %dma_wait3A_81 = tpu.memref_slice %arg4[%add3A_73, %dma_wait3A_80] : memref<1605632x128xf32, #tpu.memory_space<hbm>> -> memref<512x128xf32, #tpu.memory_space<hbm>>
        tpu.wait_dma2 semaphore(%run_scoped3A : memref<!tpu.dma_semaphore, #tpu.memory_space<semaphore_mem>>) src(%arg6 : memref<512x128xf32, #tpu.memory_space<vmem>>) dst(%dma_wait3A_81 : memref<512x128xf32, #tpu.memory_space<hbm>>)
        tpu.yield
      }) : () -> ()
    }
    %scan3A_7 = arith.constant 98 : i32
    return
  }
}

#map = affine_map<(d0, d1) -> (0, 0, 0)>
#map1 = affine_map<(d0, d1) -> (0, 0)>
module attributes {stable_mosaic.version = 14 : i64} {
  func.func @k(%arg0: i32, %arg1: i32, %arg2: memref<4x1605632x32xf32, #tpu.memory_space<hbm>>, %arg3: memref<12544x128xi32, #tpu.memory_space<hbm>>, %arg4: memref<3200x32xf32, #tpu.memory_space<hbm>>, %arg5: memref<4x51200x32xf32, #tpu.memory_space<hbm>>, %arg6: memref<4x128xi32, #tpu.memory_space<vmem>>, %arg7: memref<512x32xf32, #tpu.memory_space<vmem>>, %arg8: memref<51200x32xf32, #tpu.memory_space<vmem_shared>>, %arg9: memref<!tpu.dma_semaphore, #tpu.memory_space<semaphore_mem>>) attributes {dimension_semantics = [#tpu.dimension_semantics<core_parallel>, #tpu.dimension_semantics<subcore_parallel>], iteration_bounds = array<i64: 2, 16>, scalar_prefetch = 0 : i64, scratch_operands = 4 : i64, tpu.core_type = #tpu.core_type<sc_vector_subcore>, window_params = [{transform_indices = #map}, {transform_indices = #map1}, {transform_indices = #map1}, {transform_indices = #map}]} {
    %mul3A = arith.constant 2 : i32
    %mul3A_0 = arith.muli %arg0, %mul3A : i32
    %add3A = arith.constant 0 : i32
    %add3A_1 = arith.addi %mul3A_0, %add3A : i32
    %mul3A_2 = arith.constant 3200 : i32
    %mul3A_3 = arith.muli %arg1, %mul3A_2 : i32
    "tpu.region"() ({
      %run_scoped3A = tpu.sem_alloc : memref<!tpu.dma_semaphore, #tpu.memory_space<semaphore_mem>>
      %dma_start3A = arith.constant 0 : i32
      %dma_start3A_34 = tpu.memref_slice %arg8[%mul3A_3, %dma_start3A] : memref<51200x32xf32, #tpu.memory_space<vmem_shared>> -> memref<3200x32xf32, #tpu.memory_space<vmem_shared>>
      tpu.enqueue_dma source(%arg4 : memref<3200x32xf32, #tpu.memory_space<hbm>>) target(%dma_start3A_34 : memref<3200x32xf32, #tpu.memory_space<vmem_shared>>) target_semaphore(%run_scoped3A : memref<!tpu.dma_semaphore, #tpu.memory_space<semaphore_mem>>)
      %dma_wait3A = arith.constant 0 : i32
      %dma_wait3A_35 = tpu.memref_slice %arg8[%mul3A_3, %dma_wait3A] : memref<51200x32xf32, #tpu.memory_space<vmem_shared>> -> memref<3200x32xf32, #tpu.memory_space<vmem_shared>>
      tpu.wait_dma2 semaphore(%run_scoped3A : memref<!tpu.dma_semaphore, #tpu.memory_space<semaphore_mem>>) src(%arg4 : memref<3200x32xf32, #tpu.memory_space<hbm>>) dst(%dma_wait3A_35 : memref<3200x32xf32, #tpu.memory_space<vmem_shared>>)
      tpu.yield
    }) : () -> ()
    %barrier3A = arith.constant 0 : index
    tpu.barrier barrier_id(%barrier3A)
    %scan3A = arith.constant 0 : i32
    %scan3A_4 = arith.constant 0 : i32
    %scan3A_5 = arith.constant 196 : i32
    %scan3A_6 = arith.addi %scan3A_4, %scan3A_5 : i32
    %scan3A_7 = arith.constant 1 : i32
    scf.for %scan3A_34 = %scan3A_4 to %scan3A_6 step %scan3A_7  : i32 {
      %mul3A_35 = arith.constant 100352 : i32
      %mul3A_36 = arith.muli %arg1, %mul3A_35 : i32
      %mul3A_37 = arith.constant 512 : i32
      %mul3A_38 = arith.muli %scan3A_34, %mul3A_37 : i32
      %add3A_39 = arith.addi %mul3A_36, %mul3A_38 : i32
      %mul3A_40 = arith.constant 784 : i32
      %mul3A_41 = arith.muli %arg1, %mul3A_40 : i32
      %mul3A_42 = arith.constant 4 : i32
      %mul3A_43 = arith.muli %scan3A_34, %mul3A_42 : i32
      %add3A_44 = arith.addi %mul3A_41, %mul3A_43 : i32
      "tpu.region"() ({
        %run_scoped3A_48 = tpu.sem_alloc : memref<!tpu.dma_semaphore, #tpu.memory_space<semaphore_mem>>
        %dma_start3A = arith.constant 0 : i32
        %dma_start3A_49 = tpu.memref_slice %arg3[%add3A_44, %dma_start3A] : memref<12544x128xi32, #tpu.memory_space<hbm>> -> memref<4x128xi32, #tpu.memory_space<hbm>>
        %dma_start3A_50 = arith.constant 0 : i32
        %dma_start3A_51 = tpu.memref_slice %arg3[%add3A_44, %dma_start3A_50] : memref<12544x128xi32, #tpu.memory_space<hbm>> -> memref<4x128xi32, #tpu.memory_space<hbm>>
        tpu.enqueue_dma source(%dma_start3A_51 : memref<4x128xi32, #tpu.memory_space<hbm>>) target(%arg6 : memref<4x128xi32, #tpu.memory_space<vmem>>) target_semaphore(%run_scoped3A_48 : memref<!tpu.dma_semaphore, #tpu.memory_space<semaphore_mem>>)
        %dma_wait3A = arith.constant 0 : i32
        %dma_wait3A_52 = tpu.memref_slice %arg3[%add3A_44, %dma_wait3A] : memref<12544x128xi32, #tpu.memory_space<hbm>> -> memref<4x128xi32, #tpu.memory_space<hbm>>
        %dma_wait3A_53 = arith.constant 0 : i32
        %dma_wait3A_54 = tpu.memref_slice %arg3[%add3A_44, %dma_wait3A_53] : memref<12544x128xi32, #tpu.memory_space<hbm>> -> memref<4x128xi32, #tpu.memory_space<hbm>>
        tpu.wait_dma2 semaphore(%run_scoped3A_48 : memref<!tpu.dma_semaphore, #tpu.memory_space<semaphore_mem>>) src(%dma_wait3A_54 : memref<4x128xi32, #tpu.memory_space<hbm>>) dst(%arg6 : memref<4x128xi32, #tpu.memory_space<vmem>>)
        tpu.yield
      }) : () -> ()
      "tpu.region"() ({
        %run_scoped3A_48 = tpu.sem_alloc : memref<!tpu.dma_semaphore, #tpu.memory_space<semaphore_mem>>
        %dma_start3A = arith.constant 0 : i32
        %dma_start3A_49 = tpu.memref_slice %arg2[%add3A_1, %add3A_39, %dma_start3A] : memref<4x1605632x32xf32, #tpu.memory_space<hbm>> -> memref<1x512x32xf32, #tpu.memory_space<hbm>>
        %dma_start3A_50 = tpu.memref_squeeze %dma_start3A_49 : memref<1x512x32xf32, #tpu.memory_space<hbm>> -> memref<512x32xf32, #tpu.memory_space<hbm>>
        %dma_start3A_51 = arith.constant 0 : i32
        %dma_start3A_52 = tpu.memref_slice %arg2[%add3A_1, %add3A_39, %dma_start3A_51] : memref<4x1605632x32xf32, #tpu.memory_space<hbm>> -> memref<1x512x32xf32, #tpu.memory_space<hbm>>
        %dma_start3A_53 = tpu.memref_squeeze %dma_start3A_52 : memref<1x512x32xf32, #tpu.memory_space<hbm>> -> memref<512x32xf32, #tpu.memory_space<hbm>>
        tpu.enqueue_dma source(%dma_start3A_53 : memref<512x32xf32, #tpu.memory_space<hbm>>) target(%arg7 : memref<512x32xf32, #tpu.memory_space<vmem>>) target_semaphore(%run_scoped3A_48 : memref<!tpu.dma_semaphore, #tpu.memory_space<semaphore_mem>>)
        %dma_wait3A = arith.constant 0 : i32
        %dma_wait3A_54 = tpu.memref_slice %arg2[%add3A_1, %add3A_39, %dma_wait3A] : memref<4x1605632x32xf32, #tpu.memory_space<hbm>> -> memref<1x512x32xf32, #tpu.memory_space<hbm>>
        %dma_wait3A_55 = tpu.memref_squeeze %dma_wait3A_54 : memref<1x512x32xf32, #tpu.memory_space<hbm>> -> memref<512x32xf32, #tpu.memory_space<hbm>>
        %dma_wait3A_56 = arith.constant 0 : i32
        %dma_wait3A_57 = tpu.memref_slice %arg2[%add3A_1, %add3A_39, %dma_wait3A_56] : memref<4x1605632x32xf32, #tpu.memory_space<hbm>> -> memref<1x512x32xf32, #tpu.memory_space<hbm>>
        %dma_wait3A_58 = tpu.memref_squeeze %dma_wait3A_57 : memref<1x512x32xf32, #tpu.memory_space<hbm>> -> memref<512x32xf32, #tpu.memory_space<hbm>>
        tpu.wait_dma2 semaphore(%run_scoped3A_48 : memref<!tpu.dma_semaphore, #tpu.memory_space<semaphore_mem>>) src(%dma_wait3A_58 : memref<512x32xf32, #tpu.memory_space<hbm>>) dst(%arg7 : memref<512x32xf32, #tpu.memory_space<vmem>>)
        tpu.yield
      }) : () -> ()
      %run_scoped3A = arith.constant 0 : i32
      "tpu.region"() ({
        %run_scoped3A_48 = tpu.sem_alloc : memref<!tpu.dma_semaphore, #tpu.memory_space<semaphore_mem>>
        %dma_start3A = arith.constant 0 : i32
        %dma_start3A_49 = arith.constant 0 : i32
        %dma_start3A_50 = tpu.memref_slice %arg7[%dma_start3A, %dma_start3A_49] : memref<512x32xf32, #tpu.memory_space<vmem>> -> memref<128x32xf32, #tpu.memory_space<vmem>>
        %dma_start3A_51 = arith.constant 0 : i32
        %dma_start3A_52 = tpu.memref_slice %arg6[%run_scoped3A, %dma_start3A_51] : memref<4x128xi32, #tpu.memory_space<vmem>> -> memref<1x128xi32, #tpu.memory_space<vmem>>
        %dma_start3A_53 = tpu.memref_squeeze %dma_start3A_52 : memref<1x128xi32, #tpu.memory_space<vmem>> -> memref<128xi32, #tpu.memory_space<vmem>>
        %dma_start3A_54 = arith.constant 0 : i32
        %dma_start3A_55 = arith.constant 0 : i32
        %dma_start3A_56 = tpu.memref_slice %arg8[%dma_start3A_54, %dma_start3A_55] : memref<51200x32xf32, #tpu.memory_space<vmem_shared>> -> memref<51200x32xf32, #tpu.memory_space<vmem_shared>>
        tpu.enqueue_indirect_dma source(%dma_start3A_50 : memref<128x32xf32, #tpu.memory_space<vmem>>) target(%dma_start3A_56 : memref<51200x32xf32, #tpu.memory_space<vmem_shared>>) offsets(%dma_start3A_53 : memref<128xi32, #tpu.memory_space<vmem>>) semaphore(%run_scoped3A_48 : memref<!tpu.dma_semaphore, #tpu.memory_space<semaphore_mem>>) {add = true}
        %dma_wait3A = arith.constant 0 : i32
        %dma_wait3A_57 = arith.constant 0 : i32
        %dma_wait3A_58 = tpu.memref_slice %arg7[%dma_wait3A, %dma_wait3A_57] : memref<512x32xf32, #tpu.memory_space<vmem>> -> memref<128x32xf32, #tpu.memory_space<vmem>>
        %dma_wait3A_59 = arith.constant 0 : i32
        %dma_wait3A_60 = tpu.memref_slice %arg6[%run_scoped3A, %dma_wait3A_59] : memref<4x128xi32, #tpu.memory_space<vmem>> -> memref<1x128xi32, #tpu.memory_space<vmem>>
        %dma_wait3A_61 = tpu.memref_squeeze %dma_wait3A_60 : memref<1x128xi32, #tpu.memory_space<vmem>> -> memref<128xi32, #tpu.memory_space<vmem>>
        %dma_wait3A_62 = arith.constant 0 : i32
        %dma_wait3A_63 = arith.constant 0 : i32
        %dma_wait3A_64 = tpu.memref_slice %arg8[%dma_wait3A_62, %dma_wait3A_63] : memref<51200x32xf32, #tpu.memory_space<vmem_shared>> -> memref<51200x32xf32, #tpu.memory_space<vmem_shared>>
        tpu.wait_indirect_dma semaphore(%run_scoped3A_48 : memref<!tpu.dma_semaphore, #tpu.memory_space<semaphore_mem>>) src(%dma_wait3A_58 : memref<128x32xf32, #tpu.memory_space<vmem>>) dst(%dma_wait3A_64 : memref<51200x32xf32, #tpu.memory_space<vmem_shared>>)
        tpu.yield
      }) : () -> ()
      %run_scoped3A_45 = arith.constant 1 : i32
      "tpu.region"() ({
        %run_scoped3A_48 = tpu.sem_alloc : memref<!tpu.dma_semaphore, #tpu.memory_space<semaphore_mem>>
        %dma_start3A = arith.constant 128 : i32
        %dma_start3A_49 = arith.constant 0 : i32
        %dma_start3A_50 = tpu.memref_slice %arg7[%dma_start3A, %dma_start3A_49] : memref<512x32xf32, #tpu.memory_space<vmem>> -> memref<128x32xf32, #tpu.memory_space<vmem>>
        %dma_start3A_51 = arith.constant 0 : i32
        %dma_start3A_52 = tpu.memref_slice %arg6[%run_scoped3A_45, %dma_start3A_51] : memref<4x128xi32, #tpu.memory_space<vmem>> -> memref<1x128xi32, #tpu.memory_space<vmem>>
        %dma_start3A_53 = tpu.memref_squeeze %dma_start3A_52 : memref<1x128xi32, #tpu.memory_space<vmem>> -> memref<128xi32, #tpu.memory_space<vmem>>
        %dma_start3A_54 = arith.constant 0 : i32
        %dma_start3A_55 = arith.constant 0 : i32
        %dma_start3A_56 = tpu.memref_slice %arg8[%dma_start3A_54, %dma_start3A_55] : memref<51200x32xf32, #tpu.memory_space<vmem_shared>> -> memref<51200x32xf32, #tpu.memory_space<vmem_shared>>
        tpu.enqueue_indirect_dma source(%dma_start3A_50 : memref<128x32xf32, #tpu.memory_space<vmem>>) target(%dma_start3A_56 : memref<51200x32xf32, #tpu.memory_space<vmem_shared>>) offsets(%dma_start3A_53 : memref<128xi32, #tpu.memory_space<vmem>>) semaphore(%run_scoped3A_48 : memref<!tpu.dma_semaphore, #tpu.memory_space<semaphore_mem>>) {add = true}
        %dma_wait3A = arith.constant 128 : i32
        %dma_wait3A_57 = arith.constant 0 : i32
        %dma_wait3A_58 = tpu.memref_slice %arg7[%dma_wait3A, %dma_wait3A_57] : memref<512x32xf32, #tpu.memory_space<vmem>> -> memref<128x32xf32, #tpu.memory_space<vmem>>
        %dma_wait3A_59 = arith.constant 0 : i32
        %dma_wait3A_60 = tpu.memref_slice %arg6[%run_scoped3A_45, %dma_wait3A_59] : memref<4x128xi32, #tpu.memory_space<vmem>> -> memref<1x128xi32, #tpu.memory_space<vmem>>
        %dma_wait3A_61 = tpu.memref_squeeze %dma_wait3A_60 : memref<1x128xi32, #tpu.memory_space<vmem>> -> memref<128xi32, #tpu.memory_space<vmem>>
        %dma_wait3A_62 = arith.constant 0 : i32
        %dma_wait3A_63 = arith.constant 0 : i32
        %dma_wait3A_64 = tpu.memref_slice %arg8[%dma_wait3A_62, %dma_wait3A_63] : memref<51200x32xf32, #tpu.memory_space<vmem_shared>> -> memref<51200x32xf32, #tpu.memory_space<vmem_shared>>
        tpu.wait_indirect_dma semaphore(%run_scoped3A_48 : memref<!tpu.dma_semaphore, #tpu.memory_space<semaphore_mem>>) src(%dma_wait3A_58 : memref<128x32xf32, #tpu.memory_space<vmem>>) dst(%dma_wait3A_64 : memref<51200x32xf32, #tpu.memory_space<vmem_shared>>)
        tpu.yield
      }) : () -> ()
      %run_scoped3A_46 = arith.constant 2 : i32
      "tpu.region"() ({
        %run_scoped3A_48 = tpu.sem_alloc : memref<!tpu.dma_semaphore, #tpu.memory_space<semaphore_mem>>
        %dma_start3A = arith.constant 256 : i32
        %dma_start3A_49 = arith.constant 0 : i32
        %dma_start3A_50 = tpu.memref_slice %arg7[%dma_start3A, %dma_start3A_49] : memref<512x32xf32, #tpu.memory_space<vmem>> -> memref<128x32xf32, #tpu.memory_space<vmem>>
        %dma_start3A_51 = arith.constant 0 : i32
        %dma_start3A_52 = tpu.memref_slice %arg6[%run_scoped3A_46, %dma_start3A_51] : memref<4x128xi32, #tpu.memory_space<vmem>> -> memref<1x128xi32, #tpu.memory_space<vmem>>
        %dma_start3A_53 = tpu.memref_squeeze %dma_start3A_52 : memref<1x128xi32, #tpu.memory_space<vmem>> -> memref<128xi32, #tpu.memory_space<vmem>>
        %dma_start3A_54 = arith.constant 0 : i32
        %dma_start3A_55 = arith.constant 0 : i32
        %dma_start3A_56 = tpu.memref_slice %arg8[%dma_start3A_54, %dma_start3A_55] : memref<51200x32xf32, #tpu.memory_space<vmem_shared>> -> memref<51200x32xf32, #tpu.memory_space<vmem_shared>>
        tpu.enqueue_indirect_dma source(%dma_start3A_50 : memref<128x32xf32, #tpu.memory_space<vmem>>) target(%dma_start3A_56 : memref<51200x32xf32, #tpu.memory_space<vmem_shared>>) offsets(%dma_start3A_53 : memref<128xi32, #tpu.memory_space<vmem>>) semaphore(%run_scoped3A_48 : memref<!tpu.dma_semaphore, #tpu.memory_space<semaphore_mem>>) {add = true}
        %dma_wait3A = arith.constant 256 : i32
        %dma_wait3A_57 = arith.constant 0 : i32
        %dma_wait3A_58 = tpu.memref_slice %arg7[%dma_wait3A, %dma_wait3A_57] : memref<512x32xf32, #tpu.memory_space<vmem>> -> memref<128x32xf32, #tpu.memory_space<vmem>>
        %dma_wait3A_59 = arith.constant 0 : i32
        %dma_wait3A_60 = tpu.memref_slice %arg6[%run_scoped3A_46, %dma_wait3A_59] : memref<4x128xi32, #tpu.memory_space<vmem>> -> memref<1x128xi32, #tpu.memory_space<vmem>>
        %dma_wait3A_61 = tpu.memref_squeeze %dma_wait3A_60 : memref<1x128xi32, #tpu.memory_space<vmem>> -> memref<128xi32, #tpu.memory_space<vmem>>
        %dma_wait3A_62 = arith.constant 0 : i32
        %dma_wait3A_63 = arith.constant 0 : i32
        %dma_wait3A_64 = tpu.memref_slice %arg8[%dma_wait3A_62, %dma_wait3A_63] : memref<51200x32xf32, #tpu.memory_space<vmem_shared>> -> memref<51200x32xf32, #tpu.memory_space<vmem_shared>>
        tpu.wait_indirect_dma semaphore(%run_scoped3A_48 : memref<!tpu.dma_semaphore, #tpu.memory_space<semaphore_mem>>) src(%dma_wait3A_58 : memref<128x32xf32, #tpu.memory_space<vmem>>) dst(%dma_wait3A_64 : memref<51200x32xf32, #tpu.memory_space<vmem_shared>>)
        tpu.yield
      }) : () -> ()
      %run_scoped3A_47 = arith.constant 3 : i32
      "tpu.region"() ({
        %run_scoped3A_48 = tpu.sem_alloc : memref<!tpu.dma_semaphore, #tpu.memory_space<semaphore_mem>>
        %dma_start3A = arith.constant 384 : i32
        %dma_start3A_49 = arith.constant 0 : i32
        %dma_start3A_50 = tpu.memref_slice %arg7[%dma_start3A, %dma_start3A_49] : memref<512x32xf32, #tpu.memory_space<vmem>> -> memref<128x32xf32, #tpu.memory_space<vmem>>
        %dma_start3A_51 = arith.constant 0 : i32
        %dma_start3A_52 = tpu.memref_slice %arg6[%run_scoped3A_47, %dma_start3A_51] : memref<4x128xi32, #tpu.memory_space<vmem>> -> memref<1x128xi32, #tpu.memory_space<vmem>>
        %dma_start3A_53 = tpu.memref_squeeze %dma_start3A_52 : memref<1x128xi32, #tpu.memory_space<vmem>> -> memref<128xi32, #tpu.memory_space<vmem>>
        %dma_start3A_54 = arith.constant 0 : i32
        %dma_start3A_55 = arith.constant 0 : i32
        %dma_start3A_56 = tpu.memref_slice %arg8[%dma_start3A_54, %dma_start3A_55] : memref<51200x32xf32, #tpu.memory_space<vmem_shared>> -> memref<51200x32xf32, #tpu.memory_space<vmem_shared>>
        tpu.enqueue_indirect_dma source(%dma_start3A_50 : memref<128x32xf32, #tpu.memory_space<vmem>>) target(%dma_start3A_56 : memref<51200x32xf32, #tpu.memory_space<vmem_shared>>) offsets(%dma_start3A_53 : memref<128xi32, #tpu.memory_space<vmem>>) semaphore(%run_scoped3A_48 : memref<!tpu.dma_semaphore, #tpu.memory_space<semaphore_mem>>) {add = true}
        %dma_wait3A = arith.constant 384 : i32
        %dma_wait3A_57 = arith.constant 0 : i32
        %dma_wait3A_58 = tpu.memref_slice %arg7[%dma_wait3A, %dma_wait3A_57] : memref<512x32xf32, #tpu.memory_space<vmem>> -> memref<128x32xf32, #tpu.memory_space<vmem>>
        %dma_wait3A_59 = arith.constant 0 : i32
        %dma_wait3A_60 = tpu.memref_slice %arg6[%run_scoped3A_47, %dma_wait3A_59] : memref<4x128xi32, #tpu.memory_space<vmem>> -> memref<1x128xi32, #tpu.memory_space<vmem>>
        %dma_wait3A_61 = tpu.memref_squeeze %dma_wait3A_60 : memref<1x128xi32, #tpu.memory_space<vmem>> -> memref<128xi32, #tpu.memory_space<vmem>>
        %dma_wait3A_62 = arith.constant 0 : i32
        %dma_wait3A_63 = arith.constant 0 : i32
        %dma_wait3A_64 = tpu.memref_slice %arg8[%dma_wait3A_62, %dma_wait3A_63] : memref<51200x32xf32, #tpu.memory_space<vmem_shared>> -> memref<51200x32xf32, #tpu.memory_space<vmem_shared>>
        tpu.wait_indirect_dma semaphore(%run_scoped3A_48 : memref<!tpu.dma_semaphore, #tpu.memory_space<semaphore_mem>>) src(%dma_wait3A_58 : memref<128x32xf32, #tpu.memory_space<vmem>>) dst(%dma_wait3A_64 : memref<51200x32xf32, #tpu.memory_space<vmem_shared>>)
        tpu.yield
      }) : () -> ()
    }
    %scan3A_8 = arith.constant 196 : i32
    %barrier3A_9 = arith.constant 0 : index
    tpu.barrier barrier_id(%barrier3A_9)
    %mul3A_10 = arith.constant 3200 : i32
    %mul3A_11 = arith.muli %arg1, %mul3A_10 : i32
    %mul3A_12 = arith.constant 3200 : i32
    %mul3A_13 = arith.muli %arg1, %mul3A_12 : i32
    "tpu.region"() ({
      %run_scoped3A = tpu.sem_alloc : memref<!tpu.dma_semaphore, #tpu.memory_space<semaphore_mem>>
      %dma_start3A = arith.constant 0 : i32
      %dma_start3A_34 = tpu.memref_slice %arg5[%add3A_1, %mul3A_13, %dma_start3A] : memref<4x51200x32xf32, #tpu.memory_space<hbm>> -> memref<1x3200x32xf32, #tpu.memory_space<hbm>>
      %dma_start3A_35 = tpu.memref_squeeze %dma_start3A_34 : memref<1x3200x32xf32, #tpu.memory_space<hbm>> -> memref<3200x32xf32, #tpu.memory_space<hbm>>
      %dma_start3A_36 = arith.constant 0 : i32
      %dma_start3A_37 = tpu.memref_slice %arg8[%mul3A_11, %dma_start3A_36] : memref<51200x32xf32, #tpu.memory_space<vmem_shared>> -> memref<3200x32xf32, #tpu.memory_space<vmem_shared>>
      tpu.enqueue_dma source(%dma_start3A_37 : memref<3200x32xf32, #tpu.memory_space<vmem_shared>>) target(%dma_start3A_35 : memref<3200x32xf32, #tpu.memory_space<hbm>>) target_semaphore(%run_scoped3A : memref<!tpu.dma_semaphore, #tpu.memory_space<semaphore_mem>>)
      %dma_wait3A = arith.constant 0 : i32
      %dma_wait3A_38 = tpu.memref_slice %arg5[%add3A_1, %mul3A_13, %dma_wait3A] : memref<4x51200x32xf32, #tpu.memory_space<hbm>> -> memref<1x3200x32xf32, #tpu.memory_space<hbm>>
      %dma_wait3A_39 = tpu.memref_squeeze %dma_wait3A_38 : memref<1x3200x32xf32, #tpu.memory_space<hbm>> -> memref<3200x32xf32, #tpu.memory_space<hbm>>
      %dma_wait3A_40 = arith.constant 0 : i32
      %dma_wait3A_41 = tpu.memref_slice %arg8[%mul3A_11, %dma_wait3A_40] : memref<51200x32xf32, #tpu.memory_space<vmem_shared>> -> memref<3200x32xf32, #tpu.memory_space<vmem_shared>>
      tpu.wait_dma2 semaphore(%run_scoped3A : memref<!tpu.dma_semaphore, #tpu.memory_space<semaphore_mem>>) src(%dma_wait3A_41 : memref<3200x32xf32, #tpu.memory_space<vmem_shared>>) dst(%dma_wait3A_39 : memref<3200x32xf32, #tpu.memory_space<hbm>>)
      tpu.yield
    }) : () -> ()
    %barrier3A_14 = arith.constant 0 : index
    tpu.barrier barrier_id(%barrier3A_14)
    %mul3A_15 = arith.constant 2 : i32
    %mul3A_16 = arith.muli %arg0, %mul3A_15 : i32
    %add3A_17 = arith.constant 1 : i32
    %add3A_18 = arith.addi %mul3A_16, %add3A_17 : i32
    %mul3A_19 = arith.constant 3200 : i32
    %mul3A_20 = arith.muli %arg1, %mul3A_19 : i32
    "tpu.region"() ({
      %run_scoped3A = tpu.sem_alloc : memref<!tpu.dma_semaphore, #tpu.memory_space<semaphore_mem>>
      %dma_start3A = arith.constant 0 : i32
      %dma_start3A_34 = tpu.memref_slice %arg8[%mul3A_20, %dma_start3A] : memref<51200x32xf32, #tpu.memory_space<vmem_shared>> -> memref<3200x32xf32, #tpu.memory_space<vmem_shared>>
      tpu.enqueue_dma source(%arg4 : memref<3200x32xf32, #tpu.memory_space<hbm>>) target(%dma_start3A_34 : memref<3200x32xf32, #tpu.memory_space<vmem_shared>>) target_semaphore(%run_scoped3A : memref<!tpu.dma_semaphore, #tpu.memory_space<semaphore_mem>>)
      %dma_wait3A = arith.constant 0 : i32
      %dma_wait3A_35 = tpu.memref_slice %arg8[%mul3A_20, %dma_wait3A] : memref<51200x32xf32, #tpu.memory_space<vmem_shared>> -> memref<3200x32xf32, #tpu.memory_space<vmem_shared>>
      tpu.wait_dma2 semaphore(%run_scoped3A : memref<!tpu.dma_semaphore, #tpu.memory_space<semaphore_mem>>) src(%arg4 : memref<3200x32xf32, #tpu.memory_space<hbm>>) dst(%dma_wait3A_35 : memref<3200x32xf32, #tpu.memory_space<vmem_shared>>)
      tpu.yield
    }) : () -> ()
    %barrier3A_21 = arith.constant 0 : index
    tpu.barrier barrier_id(%barrier3A_21)
    %scan3A_22 = arith.constant 0 : i32
    %scan3A_23 = arith.constant 0 : i32
    %scan3A_24 = arith.constant 196 : i32
    %scan3A_25 = arith.addi %scan3A_23, %scan3A_24 : i32
    %scan3A_26 = arith.constant 1 : i32
    scf.for %scan3A_34 = %scan3A_23 to %scan3A_25 step %scan3A_26  : i32 {
      %mul3A_35 = arith.constant 100352 : i32
      %mul3A_36 = arith.muli %arg1, %mul3A_35 : i32
      %mul3A_37 = arith.constant 512 : i32
      %mul3A_38 = arith.muli %scan3A_34, %mul3A_37 : i32
      %add3A_39 = arith.addi %mul3A_36, %mul3A_38 : i32
      %mul3A_40 = arith.constant 784 : i32
      %mul3A_41 = arith.muli %arg1, %mul3A_40 : i32
      %mul3A_42 = arith.constant 4 : i32
      %mul3A_43 = arith.muli %scan3A_34, %mul3A_42 : i32
      %add3A_44 = arith.addi %mul3A_41, %mul3A_43 : i32
      "tpu.region"() ({
        %run_scoped3A_48 = tpu.sem_alloc : memref<!tpu.dma_semaphore, #tpu.memory_space<semaphore_mem>>
        %dma_start3A = arith.constant 0 : i32
        %dma_start3A_49 = tpu.memref_slice %arg3[%add3A_44, %dma_start3A] : memref<12544x128xi32, #tpu.memory_space<hbm>> -> memref<4x128xi32, #tpu.memory_space<hbm>>
        %dma_start3A_50 = arith.constant 0 : i32
        %dma_start3A_51 = tpu.memref_slice %arg3[%add3A_44, %dma_start3A_50] : memref<12544x128xi32, #tpu.memory_space<hbm>> -> memref<4x128xi32, #tpu.memory_space<hbm>>
        tpu.enqueue_dma source(%dma_start3A_51 : memref<4x128xi32, #tpu.memory_space<hbm>>) target(%arg6 : memref<4x128xi32, #tpu.memory_space<vmem>>) target_semaphore(%run_scoped3A_48 : memref<!tpu.dma_semaphore, #tpu.memory_space<semaphore_mem>>)
        %dma_wait3A = arith.constant 0 : i32
        %dma_wait3A_52 = tpu.memref_slice %arg3[%add3A_44, %dma_wait3A] : memref<12544x128xi32, #tpu.memory_space<hbm>> -> memref<4x128xi32, #tpu.memory_space<hbm>>
        %dma_wait3A_53 = arith.constant 0 : i32
        %dma_wait3A_54 = tpu.memref_slice %arg3[%add3A_44, %dma_wait3A_53] : memref<12544x128xi32, #tpu.memory_space<hbm>> -> memref<4x128xi32, #tpu.memory_space<hbm>>
        tpu.wait_dma2 semaphore(%run_scoped3A_48 : memref<!tpu.dma_semaphore, #tpu.memory_space<semaphore_mem>>) src(%dma_wait3A_54 : memref<4x128xi32, #tpu.memory_space<hbm>>) dst(%arg6 : memref<4x128xi32, #tpu.memory_space<vmem>>)
        tpu.yield
      }) : () -> ()
      "tpu.region"() ({
        %run_scoped3A_48 = tpu.sem_alloc : memref<!tpu.dma_semaphore, #tpu.memory_space<semaphore_mem>>
        %dma_start3A = arith.constant 0 : i32
        %dma_start3A_49 = tpu.memref_slice %arg2[%add3A_18, %add3A_39, %dma_start3A] : memref<4x1605632x32xf32, #tpu.memory_space<hbm>> -> memref<1x512x32xf32, #tpu.memory_space<hbm>>
        %dma_start3A_50 = tpu.memref_squeeze %dma_start3A_49 : memref<1x512x32xf32, #tpu.memory_space<hbm>> -> memref<512x32xf32, #tpu.memory_space<hbm>>
        %dma_start3A_51 = arith.constant 0 : i32
        %dma_start3A_52 = tpu.memref_slice %arg2[%add3A_18, %add3A_39, %dma_start3A_51] : memref<4x1605632x32xf32, #tpu.memory_space<hbm>> -> memref<1x512x32xf32, #tpu.memory_space<hbm>>
        %dma_start3A_53 = tpu.memref_squeeze %dma_start3A_52 : memref<1x512x32xf32, #tpu.memory_space<hbm>> -> memref<512x32xf32, #tpu.memory_space<hbm>>
        tpu.enqueue_dma source(%dma_start3A_53 : memref<512x32xf32, #tpu.memory_space<hbm>>) target(%arg7 : memref<512x32xf32, #tpu.memory_space<vmem>>) target_semaphore(%run_scoped3A_48 : memref<!tpu.dma_semaphore, #tpu.memory_space<semaphore_mem>>)
        %dma_wait3A = arith.constant 0 : i32
        %dma_wait3A_54 = tpu.memref_slice %arg2[%add3A_18, %add3A_39, %dma_wait3A] : memref<4x1605632x32xf32, #tpu.memory_space<hbm>> -> memref<1x512x32xf32, #tpu.memory_space<hbm>>
        %dma_wait3A_55 = tpu.memref_squeeze %dma_wait3A_54 : memref<1x512x32xf32, #tpu.memory_space<hbm>> -> memref<512x32xf32, #tpu.memory_space<hbm>>
        %dma_wait3A_56 = arith.constant 0 : i32
        %dma_wait3A_57 = tpu.memref_slice %arg2[%add3A_18, %add3A_39, %dma_wait3A_56] : memref<4x1605632x32xf32, #tpu.memory_space<hbm>> -> memref<1x512x32xf32, #tpu.memory_space<hbm>>
        %dma_wait3A_58 = tpu.memref_squeeze %dma_wait3A_57 : memref<1x512x32xf32, #tpu.memory_space<hbm>> -> memref<512x32xf32, #tpu.memory_space<hbm>>
        tpu.wait_dma2 semaphore(%run_scoped3A_48 : memref<!tpu.dma_semaphore, #tpu.memory_space<semaphore_mem>>) src(%dma_wait3A_58 : memref<512x32xf32, #tpu.memory_space<hbm>>) dst(%arg7 : memref<512x32xf32, #tpu.memory_space<vmem>>)
        tpu.yield
      }) : () -> ()
      %run_scoped3A = arith.constant 0 : i32
      "tpu.region"() ({
        %run_scoped3A_48 = tpu.sem_alloc : memref<!tpu.dma_semaphore, #tpu.memory_space<semaphore_mem>>
        %dma_start3A = arith.constant 0 : i32
        %dma_start3A_49 = arith.constant 0 : i32
        %dma_start3A_50 = tpu.memref_slice %arg7[%dma_start3A, %dma_start3A_49] : memref<512x32xf32, #tpu.memory_space<vmem>> -> memref<128x32xf32, #tpu.memory_space<vmem>>
        %dma_start3A_51 = arith.constant 0 : i32
        %dma_start3A_52 = tpu.memref_slice %arg6[%run_scoped3A, %dma_start3A_51] : memref<4x128xi32, #tpu.memory_space<vmem>> -> memref<1x128xi32, #tpu.memory_space<vmem>>
        %dma_start3A_53 = tpu.memref_squeeze %dma_start3A_52 : memref<1x128xi32, #tpu.memory_space<vmem>> -> memref<128xi32, #tpu.memory_space<vmem>>
        %dma_start3A_54 = arith.constant 0 : i32
        %dma_start3A_55 = arith.constant 0 : i32
        %dma_start3A_56 = tpu.memref_slice %arg8[%dma_start3A_54, %dma_start3A_55] : memref<51200x32xf32, #tpu.memory_space<vmem_shared>> -> memref<51200x32xf32, #tpu.memory_space<vmem_shared>>
        tpu.enqueue_indirect_dma source(%dma_start3A_50 : memref<128x32xf32, #tpu.memory_space<vmem>>) target(%dma_start3A_56 : memref<51200x32xf32, #tpu.memory_space<vmem_shared>>) offsets(%dma_start3A_53 : memref<128xi32, #tpu.memory_space<vmem>>) semaphore(%run_scoped3A_48 : memref<!tpu.dma_semaphore, #tpu.memory_space<semaphore_mem>>) {add = true}
        %dma_wait3A = arith.constant 0 : i32
        %dma_wait3A_57 = arith.constant 0 : i32
        %dma_wait3A_58 = tpu.memref_slice %arg7[%dma_wait3A, %dma_wait3A_57] : memref<512x32xf32, #tpu.memory_space<vmem>> -> memref<128x32xf32, #tpu.memory_space<vmem>>
        %dma_wait3A_59 = arith.constant 0 : i32
        %dma_wait3A_60 = tpu.memref_slice %arg6[%run_scoped3A, %dma_wait3A_59] : memref<4x128xi32, #tpu.memory_space<vmem>> -> memref<1x128xi32, #tpu.memory_space<vmem>>
        %dma_wait3A_61 = tpu.memref_squeeze %dma_wait3A_60 : memref<1x128xi32, #tpu.memory_space<vmem>> -> memref<128xi32, #tpu.memory_space<vmem>>
        %dma_wait3A_62 = arith.constant 0 : i32
        %dma_wait3A_63 = arith.constant 0 : i32
        %dma_wait3A_64 = tpu.memref_slice %arg8[%dma_wait3A_62, %dma_wait3A_63] : memref<51200x32xf32, #tpu.memory_space<vmem_shared>> -> memref<51200x32xf32, #tpu.memory_space<vmem_shared>>
        tpu.wait_indirect_dma semaphore(%run_scoped3A_48 : memref<!tpu.dma_semaphore, #tpu.memory_space<semaphore_mem>>) src(%dma_wait3A_58 : memref<128x32xf32, #tpu.memory_space<vmem>>) dst(%dma_wait3A_64 : memref<51200x32xf32, #tpu.memory_space<vmem_shared>>)
        tpu.yield
      }) : () -> ()
      %run_scoped3A_45 = arith.constant 1 : i32
      "tpu.region"() ({
        %run_scoped3A_48 = tpu.sem_alloc : memref<!tpu.dma_semaphore, #tpu.memory_space<semaphore_mem>>
        %dma_start3A = arith.constant 128 : i32
        %dma_start3A_49 = arith.constant 0 : i32
        %dma_start3A_50 = tpu.memref_slice %arg7[%dma_start3A, %dma_start3A_49] : memref<512x32xf32, #tpu.memory_space<vmem>> -> memref<128x32xf32, #tpu.memory_space<vmem>>
        %dma_start3A_51 = arith.constant 0 : i32
        %dma_start3A_52 = tpu.memref_slice %arg6[%run_scoped3A_45, %dma_start3A_51] : memref<4x128xi32, #tpu.memory_space<vmem>> -> memref<1x128xi32, #tpu.memory_space<vmem>>
        %dma_start3A_53 = tpu.memref_squeeze %dma_start3A_52 : memref<1x128xi32, #tpu.memory_space<vmem>> -> memref<128xi32, #tpu.memory_space<vmem>>
        %dma_start3A_54 = arith.constant 0 : i32
        %dma_start3A_55 = arith.constant 0 : i32
        %dma_start3A_56 = tpu.memref_slice %arg8[%dma_start3A_54, %dma_start3A_55] : memref<51200x32xf32, #tpu.memory_space<vmem_shared>> -> memref<51200x32xf32, #tpu.memory_space<vmem_shared>>
        tpu.enqueue_indirect_dma source(%dma_start3A_50 : memref<128x32xf32, #tpu.memory_space<vmem>>) target(%dma_start3A_56 : memref<51200x32xf32, #tpu.memory_space<vmem_shared>>) offsets(%dma_start3A_53 : memref<128xi32, #tpu.memory_space<vmem>>) semaphore(%run_scoped3A_48 : memref<!tpu.dma_semaphore, #tpu.memory_space<semaphore_mem>>) {add = true}
        %dma_wait3A = arith.constant 128 : i32
        %dma_wait3A_57 = arith.constant 0 : i32
        %dma_wait3A_58 = tpu.memref_slice %arg7[%dma_wait3A, %dma_wait3A_57] : memref<512x32xf32, #tpu.memory_space<vmem>> -> memref<128x32xf32, #tpu.memory_space<vmem>>
        %dma_wait3A_59 = arith.constant 0 : i32
        %dma_wait3A_60 = tpu.memref_slice %arg6[%run_scoped3A_45, %dma_wait3A_59] : memref<4x128xi32, #tpu.memory_space<vmem>> -> memref<1x128xi32, #tpu.memory_space<vmem>>
        %dma_wait3A_61 = tpu.memref_squeeze %dma_wait3A_60 : memref<1x128xi32, #tpu.memory_space<vmem>> -> memref<128xi32, #tpu.memory_space<vmem>>
        %dma_wait3A_62 = arith.constant 0 : i32
        %dma_wait3A_63 = arith.constant 0 : i32
        %dma_wait3A_64 = tpu.memref_slice %arg8[%dma_wait3A_62, %dma_wait3A_63] : memref<51200x32xf32, #tpu.memory_space<vmem_shared>> -> memref<51200x32xf32, #tpu.memory_space<vmem_shared>>
        tpu.wait_indirect_dma semaphore(%run_scoped3A_48 : memref<!tpu.dma_semaphore, #tpu.memory_space<semaphore_mem>>) src(%dma_wait3A_58 : memref<128x32xf32, #tpu.memory_space<vmem>>) dst(%dma_wait3A_64 : memref<51200x32xf32, #tpu.memory_space<vmem_shared>>)
        tpu.yield
      }) : () -> ()
      %run_scoped3A_46 = arith.constant 2 : i32
      "tpu.region"() ({
        %run_scoped3A_48 = tpu.sem_alloc : memref<!tpu.dma_semaphore, #tpu.memory_space<semaphore_mem>>
        %dma_start3A = arith.constant 256 : i32
        %dma_start3A_49 = arith.constant 0 : i32
        %dma_start3A_50 = tpu.memref_slice %arg7[%dma_start3A, %dma_start3A_49] : memref<512x32xf32, #tpu.memory_space<vmem>> -> memref<128x32xf32, #tpu.memory_space<vmem>>
        %dma_start3A_51 = arith.constant 0 : i32
        %dma_start3A_52 = tpu.memref_slice %arg6[%run_scoped3A_46, %dma_start3A_51] : memref<4x128xi32, #tpu.memory_space<vmem>> -> memref<1x128xi32, #tpu.memory_space<vmem>>
        %dma_start3A_53 = tpu.memref_squeeze %dma_start3A_52 : memref<1x128xi32, #tpu.memory_space<vmem>> -> memref<128xi32, #tpu.memory_space<vmem>>
        %dma_start3A_54 = arith.constant 0 : i32
        %dma_start3A_55 = arith.constant 0 : i32
        %dma_start3A_56 = tpu.memref_slice %arg8[%dma_start3A_54, %dma_start3A_55] : memref<51200x32xf32, #tpu.memory_space<vmem_shared>> -> memref<51200x32xf32, #tpu.memory_space<vmem_shared>>
        tpu.enqueue_indirect_dma source(%dma_start3A_50 : memref<128x32xf32, #tpu.memory_space<vmem>>) target(%dma_start3A_56 : memref<51200x32xf32, #tpu.memory_space<vmem_shared>>) offsets(%dma_start3A_53 : memref<128xi32, #tpu.memory_space<vmem>>) semaphore(%run_scoped3A_48 : memref<!tpu.dma_semaphore, #tpu.memory_space<semaphore_mem>>) {add = true}
        %dma_wait3A = arith.constant 256 : i32
        %dma_wait3A_57 = arith.constant 0 : i32
        %dma_wait3A_58 = tpu.memref_slice %arg7[%dma_wait3A, %dma_wait3A_57] : memref<512x32xf32, #tpu.memory_space<vmem>> -> memref<128x32xf32, #tpu.memory_space<vmem>>
        %dma_wait3A_59 = arith.constant 0 : i32
        %dma_wait3A_60 = tpu.memref_slice %arg6[%run_scoped3A_46, %dma_wait3A_59] : memref<4x128xi32, #tpu.memory_space<vmem>> -> memref<1x128xi32, #tpu.memory_space<vmem>>
        %dma_wait3A_61 = tpu.memref_squeeze %dma_wait3A_60 : memref<1x128xi32, #tpu.memory_space<vmem>> -> memref<128xi32, #tpu.memory_space<vmem>>
        %dma_wait3A_62 = arith.constant 0 : i32
        %dma_wait3A_63 = arith.constant 0 : i32
        %dma_wait3A_64 = tpu.memref_slice %arg8[%dma_wait3A_62, %dma_wait3A_63] : memref<51200x32xf32, #tpu.memory_space<vmem_shared>> -> memref<51200x32xf32, #tpu.memory_space<vmem_shared>>
        tpu.wait_indirect_dma semaphore(%run_scoped3A_48 : memref<!tpu.dma_semaphore, #tpu.memory_space<semaphore_mem>>) src(%dma_wait3A_58 : memref<128x32xf32, #tpu.memory_space<vmem>>) dst(%dma_wait3A_64 : memref<51200x32xf32, #tpu.memory_space<vmem_shared>>)
        tpu.yield
      }) : () -> ()
      %run_scoped3A_47 = arith.constant 3 : i32
      "tpu.region"() ({
        %run_scoped3A_48 = tpu.sem_alloc : memref<!tpu.dma_semaphore, #tpu.memory_space<semaphore_mem>>
        %dma_start3A = arith.constant 384 : i32
        %dma_start3A_49 = arith.constant 0 : i32
        %dma_start3A_50 = tpu.memref_slice %arg7[%dma_start3A, %dma_start3A_49] : memref<512x32xf32, #tpu.memory_space<vmem>> -> memref<128x32xf32, #tpu.memory_space<vmem>>
        %dma_start3A_51 = arith.constant 0 : i32
        %dma_start3A_52 = tpu.memref_slice %arg6[%run_scoped3A_47, %dma_start3A_51] : memref<4x128xi32, #tpu.memory_space<vmem>> -> memref<1x128xi32, #tpu.memory_space<vmem>>
        %dma_start3A_53 = tpu.memref_squeeze %dma_start3A_52 : memref<1x128xi32, #tpu.memory_space<vmem>> -> memref<128xi32, #tpu.memory_space<vmem>>
        %dma_start3A_54 = arith.constant 0 : i32
        %dma_start3A_55 = arith.constant 0 : i32
        %dma_start3A_56 = tpu.memref_slice %arg8[%dma_start3A_54, %dma_start3A_55] : memref<51200x32xf32, #tpu.memory_space<vmem_shared>> -> memref<51200x32xf32, #tpu.memory_space<vmem_shared>>
        tpu.enqueue_indirect_dma source(%dma_start3A_50 : memref<128x32xf32, #tpu.memory_space<vmem>>) target(%dma_start3A_56 : memref<51200x32xf32, #tpu.memory_space<vmem_shared>>) offsets(%dma_start3A_53 : memref<128xi32, #tpu.memory_space<vmem>>) semaphore(%run_scoped3A_48 : memref<!tpu.dma_semaphore, #tpu.memory_space<semaphore_mem>>) {add = true}
        %dma_wait3A = arith.constant 384 : i32
        %dma_wait3A_57 = arith.constant 0 : i32
        %dma_wait3A_58 = tpu.memref_slice %arg7[%dma_wait3A, %dma_wait3A_57] : memref<512x32xf32, #tpu.memory_space<vmem>> -> memref<128x32xf32, #tpu.memory_space<vmem>>
        %dma_wait3A_59 = arith.constant 0 : i32
        %dma_wait3A_60 = tpu.memref_slice %arg6[%run_scoped3A_47, %dma_wait3A_59] : memref<4x128xi32, #tpu.memory_space<vmem>> -> memref<1x128xi32, #tpu.memory_space<vmem>>
        %dma_wait3A_61 = tpu.memref_squeeze %dma_wait3A_60 : memref<1x128xi32, #tpu.memory_space<vmem>> -> memref<128xi32, #tpu.memory_space<vmem>>
        %dma_wait3A_62 = arith.constant 0 : i32
        %dma_wait3A_63 = arith.constant 0 : i32
        %dma_wait3A_64 = tpu.memref_slice %arg8[%dma_wait3A_62, %dma_wait3A_63] : memref<51200x32xf32, #tpu.memory_space<vmem_shared>> -> memref<51200x32xf32, #tpu.memory_space<vmem_shared>>
        tpu.wait_indirect_dma semaphore(%run_scoped3A_48 : memref<!tpu.dma_semaphore, #tpu.memory_space<semaphore_mem>>) src(%dma_wait3A_58 : memref<128x32xf32, #tpu.memory_space<vmem>>) dst(%dma_wait3A_64 : memref<51200x32xf32, #tpu.memory_space<vmem_shared>>)
        tpu.yield
      }) : () -> ()
    }
    %scan3A_27 = arith.constant 196 : i32
    %barrier3A_28 = arith.constant 0 : index
    tpu.barrier barrier_id(%barrier3A_28)
    %mul3A_29 = arith.constant 3200 : i32
    %mul3A_30 = arith.muli %arg1, %mul3A_29 : i32
    %mul3A_31 = arith.constant 3200 : i32
    %mul3A_32 = arith.muli %arg1, %mul3A_31 : i32
    "tpu.region"() ({
      %run_scoped3A = tpu.sem_alloc : memref<!tpu.dma_semaphore, #tpu.memory_space<semaphore_mem>>
      %dma_start3A = arith.constant 0 : i32
      %dma_start3A_34 = tpu.memref_slice %arg5[%add3A_18, %mul3A_32, %dma_start3A] : memref<4x51200x32xf32, #tpu.memory_space<hbm>> -> memref<1x3200x32xf32, #tpu.memory_space<hbm>>
      %dma_start3A_35 = tpu.memref_squeeze %dma_start3A_34 : memref<1x3200x32xf32, #tpu.memory_space<hbm>> -> memref<3200x32xf32, #tpu.memory_space<hbm>>
      %dma_start3A_36 = arith.constant 0 : i32
      %dma_start3A_37 = tpu.memref_slice %arg8[%mul3A_30, %dma_start3A_36] : memref<51200x32xf32, #tpu.memory_space<vmem_shared>> -> memref<3200x32xf32, #tpu.memory_space<vmem_shared>>
      tpu.enqueue_dma source(%dma_start3A_37 : memref<3200x32xf32, #tpu.memory_space<vmem_shared>>) target(%dma_start3A_35 : memref<3200x32xf32, #tpu.memory_space<hbm>>) target_semaphore(%run_scoped3A : memref<!tpu.dma_semaphore, #tpu.memory_space<semaphore_mem>>)
      %dma_wait3A = arith.constant 0 : i32
      %dma_wait3A_38 = tpu.memref_slice %arg5[%add3A_18, %mul3A_32, %dma_wait3A] : memref<4x51200x32xf32, #tpu.memory_space<hbm>> -> memref<1x3200x32xf32, #tpu.memory_space<hbm>>
      %dma_wait3A_39 = tpu.memref_squeeze %dma_wait3A_38 : memref<1x3200x32xf32, #tpu.memory_space<hbm>> -> memref<3200x32xf32, #tpu.memory_space<hbm>>
      %dma_wait3A_40 = arith.constant 0 : i32
      %dma_wait3A_41 = tpu.memref_slice %arg8[%mul3A_30, %dma_wait3A_40] : memref<51200x32xf32, #tpu.memory_space<vmem_shared>> -> memref<3200x32xf32, #tpu.memory_space<vmem_shared>>
      tpu.wait_dma2 semaphore(%run_scoped3A : memref<!tpu.dma_semaphore, #tpu.memory_space<semaphore_mem>>) src(%dma_wait3A_41 : memref<3200x32xf32, #tpu.memory_space<vmem_shared>>) dst(%dma_wait3A_39 : memref<3200x32xf32, #tpu.memory_space<hbm>>)
      tpu.yield
    }) : () -> ()
    %barrier3A_33 = arith.constant 0 : index
    tpu.barrier barrier_id(%barrier3A_33)
    return
  }
}

module attributes {stable_mosaic.version = 14 : i64} {
  func.func @_embed_body(%arg0: i32, %arg1: memref<2048x1xi32, #tpu.memory_space<vmem>>, %arg2: memref<5x32xf32, #tpu.memory_space<vmem>>, %arg3: memref<2048x32xf32, #tpu.memory_space<vmem>>) attributes {dimension_semantics = [#tpu.dimension_semantics<arbitrary>], iteration_bounds = array<i64: 25>, scalar_prefetch = 0 : i64, scratch_operands = 0 : i64, tpu.core_type = #tpu.core_type<tc>, window_params = [{transform_indices = @transform_0, window_bounds = array<i64: 2048, 1>}, {pipeline_mode = #tpu.pipeline_mode<synchronous>, transform_indices = @transform_1, window_bounds = array<i64: 5, 32>}, {transform_indices = @transform_2, window_bounds = array<i64: 2048, 32>}]} {
    %get3A = arith.constant 0 : index
    %get3A_0 = arith.constant 0 : index
    %get3A_1 = vector.load %arg1[%get3A, %get3A_0] : memref<2048x1xi32, #tpu.memory_space<vmem>>, vector<2048x1xi32>
    %iota3A = tpu.iota {dimensions = array<i32: 1>} : vector<2048x5xi32>
    %eq3A = vector.broadcast %get3A_1 : vector<2048x1xi32> to vector<2048x5xi32>
    %eq3A_2 = arith.cmpi eq, %eq3A, %iota3A : vector<2048x5xi32>
    %convert_element_type3A = arith.extui %eq3A_2 : vector<2048x5xi1> to vector<2048x5xi32>
    %convert_element_type3A_3 = arith.sitofp %convert_element_type3A : vector<2048x5xi32> to vector<2048x5xf32>
    %get3A_4 = arith.constant 0 : index
    %get3A_5 = arith.constant 0 : index
    %get3A_6 = vector.load %arg2[%get3A_4, %get3A_5] : memref<5x32xf32, #tpu.memory_space<vmem>>, vector<5x32xf32>
    %dot_general3A = arith.constant dense<0.000000e+00> : vector<2048x32xf32>
    %dot_general3A_7 = tpu.matmul %convert_element_type3A_3, %get3A_6, %dot_general3A {dimension_numbers = #tpu.dot_dimension_numbers<[1], [0], [0], [1], [0, 0, 1, 1], [], []>, transpose_lhs_hint = false} : vector<2048x5xf32>, vector<5x32xf32>, vector<2048x32xf32> -> vector<2048x32xf32>
    %swap3A = arith.constant 0 : index
    %swap3A_8 = arith.constant 0 : index
    %swap3A_9 = vector.load %arg3[%swap3A, %swap3A_8] : memref<2048x32xf32, #tpu.memory_space<vmem>>, vector<2048x32xf32>
    tpu.vector_store %arg3[%swap3A, %swap3A_8], %dot_general3A_7 {strides = array<i32>} : memref<2048x32xf32, #tpu.memory_space<vmem>>, vector<2048x32xf32>,
    return
  }
  func.func @transform_0(%arg0: i32) -> (i32, i32) {
    %c0_i32 = arith.constant 0 : i32
    %c0_i32_0 = arith.constant 0 : i32
    return %arg0, %c0_i32 : i32, i32
  }
  func.func @transform_1(%arg0: i32) -> (i32, i32) {
    %c0_i32 = arith.constant 0 : i32
    %c0_i32_0 = arith.constant 0 : i32
    %c0_i32_1 = arith.constant 0 : i32
    return %c0_i32, %c0_i32_0 : i32, i32
  }
  func.func @transform_2(%arg0: i32) -> (i32, i32) {
    %c0_i32 = arith.constant 0 : i32
    %c0_i32_0 = arith.constant 0 : i32
    return %arg0, %c0_i32 : i32, i32
  }
}

module attributes {stable_mosaic.version = 14 : i64} {
  func.func @_geom_body(%arg0: i32, %arg1: memref<2048x8xf32, #tpu.memory_space<vmem>>, %arg2: memref<2048x8xf32, #tpu.memory_space<vmem>>, %arg3: memref<2048x4xf32, #tpu.memory_space<vmem>>, %arg4: memref<2048x8xf32, #tpu.memory_space<vmem>>) attributes {dimension_semantics = [#tpu.dimension_semantics<arbitrary>], iteration_bounds = array<i64: 784>, scalar_prefetch = 0 : i64, scratch_operands = 0 : i64, tpu.core_type = #tpu.core_type<tc>, window_params = [{transform_indices = @transform_0, window_bounds = array<i64: 2048, 8>}, {transform_indices = @transform_1, window_bounds = array<i64: 2048, 8>}, {transform_indices = @transform_2, window_bounds = array<i64: 2048, 4>}, {transform_indices = @transform_3, window_bounds = array<i64: 2048, 8>}]} {
    %get3A = arith.constant 0 : index
    %get3A_0 = arith.constant 0 : index
    %get3A_1 = vector.load %arg1[%get3A, %get3A_0] : memref<2048x8xf32, #tpu.memory_space<vmem>>, vector<2048x8xf32>
    %get3A_2 = arith.constant 0 : index
    %get3A_3 = arith.constant 0 : index
    %get3A_4 = vector.load %arg2[%get3A_2, %get3A_3] : memref<2048x8xf32, #tpu.memory_space<vmem>>, vector<2048x8xf32>
    %sub3A = arith.subf %get3A_4, %get3A_1 : vector<2048x8xf32>
    %mul3A = arith.constant 2.000000e-01 : f32
    %mul3A_5 = vector.broadcast %mul3A : f32 to vector<2048x8xf32>
    %mul3A_6 = arith.mulf %sub3A, %mul3A_5 : vector<2048x8xf32>
    %mul3A_7 = arith.mulf %mul3A_6, %mul3A_6 : vector<2048x8xf32>
    %reduce_sum3A = arith.constant dense<0.000000e+00> : vector<2048xf32>
    %reduce_sum3A_8 = vector.multi_reduction <add>, %mul3A_7, %reduce_sum3A [1] : vector<2048x8xf32> to vector<2048xf32>
    %broadcast_in_dim3A = vector.shape_cast %reduce_sum3A_8 : vector<2048xf32> to vector<2048x1xf32>
    %sqrt3A = math.sqrt %broadcast_in_dim3A : vector<2048x1xf32>
    %max3A = arith.constant 9.99999997E-7 : f32
    %max3A_9 = vector.broadcast %max3A : f32 to vector<2048x1xf32>
    %max3A_10 = arith.maximumf %sqrt3A, %max3A_9 : vector<2048x1xf32>
    %slice3A = vector.extract_strided_slice %mul3A_6 {offsets = [0, 0], sizes = [2048, 4], strides = [1, 1]} : vector<2048x8xf32> to vector<2048x4xf32>
    %div3A = vector.broadcast %max3A_10 : vector<2048x1xf32> to vector<2048x4xf32>
    %div3A_11 = arith.divf %slice3A, %div3A : vector<2048x4xf32>
    %swap3A = arith.constant 0 : index
    %swap3A_12 = arith.constant 0 : index
    %swap3A_13 = vector.load %arg3[%swap3A, %swap3A_12] : memref<2048x4xf32, #tpu.memory_space<vmem>>, vector<2048x4xf32>
    tpu.vector_store %arg3[%swap3A, %swap3A_12], %div3A_11 {strides = array<i32>} : memref<2048x4xf32, #tpu.memory_space<vmem>>, vector<2048x4xf32>,
    %iota3A = tpu.iota {dimensions = array<i32: 1>} : vector<1x8xi32>
    %add3A = arith.constant 1 : i32
    %add3A_14 = vector.broadcast %add3A : i32 to vector<1x8xi32>
    %add3A_15 = arith.addi %iota3A, %add3A_14 : vector<1x8xi32>
    %convert_element_type3A = arith.sitofp %add3A_15 : vector<1x8xi32> to vector<1x8xf32>
    %mul3A_16 = arith.constant 3.14159274 : f32
    %mul3A_17 = vector.broadcast %mul3A_16 : f32 to vector<2048x1xf32>
    %mul3A_18 = arith.mulf %mul3A_17, %max3A_10 : vector<2048x1xf32>
    %mul3A_19 = vector.broadcast %mul3A_18 : vector<2048x1xf32> to vector<2048x8xf32>
    %mul3A_20 = vector.broadcast %convert_element_type3A : vector<1x8xf32> to vector<2048x8xf32>
    %mul3A_21 = arith.mulf %mul3A_19, %mul3A_20 : vector<2048x8xf32>
    %sin3A = math.sin %mul3A_21 : vector<2048x8xf32>
    %mul3A_22 = arith.constant 1.41421354 : f32
    %mul3A_23 = vector.broadcast %mul3A_22 : f32 to vector<2048x8xf32>
    %mul3A_24 = arith.mulf %mul3A_23, %sin3A : vector<2048x8xf32>
    %div3A_25 = vector.broadcast %max3A_10 : vector<2048x1xf32> to vector<2048x8xf32>
    %div3A_26 = arith.divf %mul3A_24, %div3A_25 : vector<2048x8xf32>
    %jit3A = arith.constant 0.000000e+00 : f32
    %jit3A_27 = arith.constant 1.000000e+00 : f32
    %max3A_28 = vector.broadcast %jit3A : f32 to vector<2048x1xf32>
    %max3A_29 = arith.maximumf %max3A_28, %sqrt3A : vector<2048x1xf32>
    %min3A = vector.broadcast %jit3A_27 : f32 to vector<2048x1xf32>
    %min3A_30 = arith.minimumf %min3A, %max3A_29 : vector<2048x1xf32>
    %mul3A_31 = arith.mulf %min3A_30, %min3A_30 : vector<2048x1xf32>
    %mul3A_32 = arith.mulf %mul3A_31, %mul3A_31 : vector<2048x1xf32>
    %mul3A_33 = arith.mulf %mul3A_32, %mul3A_31 : vector<2048x1xf32>
    %mul3A_34 = arith.mulf %mul3A_33, %min3A_30 : vector<2048x1xf32>
    %mul3A_35 = arith.mulf %mul3A_32, %mul3A_32 : vector<2048x1xf32>
    %mul3A_36 = arith.constant 2.800000e+01 : f32
    %mul3A_37 = vector.broadcast %mul3A_36 : f32 to vector<2048x1xf32>
    %mul3A_38 = arith.mulf %mul3A_37, %mul3A_33 : vector<2048x1xf32>
    %sub3A_39 = arith.constant 1.000000e+00 : f32
    %sub3A_40 = vector.broadcast %sub3A_39 : f32 to vector<2048x1xf32>
    %sub3A_41 = arith.subf %sub3A_40, %mul3A_38 : vector<2048x1xf32>
    %mul3A_42 = arith.constant 4.800000e+01 : f32
    %mul3A_43 = vector.broadcast %mul3A_42 : f32 to vector<2048x1xf32>
    %mul3A_44 = arith.mulf %mul3A_43, %mul3A_34 : vector<2048x1xf32>
    %add3A_45 = arith.addf %sub3A_41, %mul3A_44 : vector<2048x1xf32>
    %mul3A_46 = arith.constant 2.100000e+01 : f32
    %mul3A_47 = vector.broadcast %mul3A_46 : f32 to vector<2048x1xf32>
    %mul3A_48 = arith.mulf %mul3A_47, %mul3A_35 : vector<2048x1xf32>
    %sub3A_49 = arith.subf %add3A_45, %mul3A_48 : vector<2048x1xf32>
    %mul3A_50 = vector.broadcast %sub3A_49 : vector<2048x1xf32> to vector<2048x8xf32>
    %mul3A_51 = arith.mulf %div3A_26, %mul3A_50 : vector<2048x8xf32>
    %swap3A_52 = arith.constant 0 : index
    %swap3A_53 = arith.constant 0 : index
    %swap3A_54 = vector.load %arg4[%swap3A_52, %swap3A_53] : memref<2048x8xf32, #tpu.memory_space<vmem>>, vector<2048x8xf32>
    tpu.vector_store %arg4[%swap3A_52, %swap3A_53], %mul3A_51 {strides = array<i32>} : memref<2048x8xf32, #tpu.memory_space<vmem>>, vector<2048x8xf32>,
    return
  }
  func.func @transform_0(%arg0: i32) -> (i32, i32) {
    %c0_i32 = arith.constant 0 : i32
    %c0_i32_0 = arith.constant 0 : i32
    return %arg0, %c0_i32 : i32, i32
  }
  func.func @transform_1(%arg0: i32) -> (i32, i32) {
    %c0_i32 = arith.constant 0 : i32
    %c0_i32_0 = arith.constant 0 : i32
    return %arg0, %c0_i32 : i32, i32
  }
  func.func @transform_2(%arg0: i32) -> (i32, i32) {
    %c0_i32 = arith.constant 0 : i32
    %c0_i32_0 = arith.constant 0 : i32
    return %arg0, %c0_i32 : i32, i32
  }
  func.func @transform_3(%arg0: i32) -> (i32, i32) {
    %c0_i32 = arith.constant 0 : i32
    %c0_i32_0 = arith.constant 0 : i32
    return %arg0, %c0_i32 : i32, i32
  }
}

module attributes {stable_mosaic.version = 14 : i64} {
  func.func @_edge_body(%arg0: i32, %arg1: memref<2048x8xf32, #tpu.memory_space<vmem>>, %arg2: memref<2048x4xf32, #tpu.memory_space<vmem>>, %arg3: memref<2048x32xf32, #tpu.memory_space<vmem>>, %arg4: memref<8x64xf32, #tpu.memory_space<vmem>>, %arg5: memref<1x64xf32, #tpu.memory_space<vmem>>, %arg6: memref<64x64xf32, #tpu.memory_space<vmem>>, %arg7: memref<1x64xf32, #tpu.memory_space<vmem>>, %arg8: memref<6x64x32xf32, #tpu.memory_space<vmem>>, %arg9: memref<3x4x32xf32, #tpu.memory_space<vmem>>, %arg10: memref<4x128x32xf32, #tpu.memory_space<vmem>>, %arg11: memref<4x2048x32xf32, #tpu.memory_space<vmem>>) attributes {dimension_semantics = [#tpu.dimension_semantics<arbitrary>], iteration_bounds = array<i64: 784>, scalar_prefetch = 0 : i64, scratch_operands = 0 : i64, tpu.core_type = #tpu.core_type<tc>, window_params = [{transform_indices = @transform_0, window_bounds = array<i64: 2048, 8>}, {transform_indices = @transform_1, window_bounds = array<i64: 2048, 4>}, {transform_indices = @transform_2, window_bounds = array<i64: 2048, 32>}, {pipeline_mode = #tpu.pipeline_mode<synchronous>, transform_indices = @transform_3, window_bounds = array<i64: 8, 64>}, {pipeline_mode = #tpu.pipeline_mode<synchronous>, transform_indices = @transform_4, window_bounds = array<i64: 1, 64>}, {pipeline_mode = #tpu.pipeline_mode<synchronous>, transform_indices = @transform_5, window_bounds = array<i64: 64, 64>}, {pipeline_mode = #tpu.pipeline_mode<synchronous>, transform_indices = @transform_6, window_bounds = array<i64: 1, 64>}, {pipeline_mode = #tpu.pipeline_mode<synchronous>, transform_indices = @transform_7, window_bounds = array<i64: 6, 64, 32>}, {pipeline_mode = #tpu.pipeline_mode<synchronous>, transform_indices = @transform_8, window_bounds = array<i64: 3, 4, 32>}, {pipeline_mode = #tpu.pipeline_mode<synchronous>, transform_indices = @transform_9, window_bounds = array<i64: 4, 128, 32>}, {transform_indices = @transform_10, window_bounds = array<i64: 4, 2048, 32>}]} {
    %get3A = arith.constant 0 : index
    %get3A_0 = arith.constant 0 : index
    %get3A_1 = vector.load %arg1[%get3A, %get3A_0] : memref<2048x8xf32, #tpu.memory_space<vmem>>, vector<2048x8xf32>
    %get3A_2 = arith.constant 0 : index
    %get3A_3 = arith.constant 0 : index
    %get3A_4 = vector.load %arg4[%get3A_2, %get3A_3] : memref<8x64xf32, #tpu.memory_space<vmem>>, vector<8x64xf32>
    %dot_general3A = arith.constant dense<0.000000e+00> : vector<2048x64xf32>
    %dot_general3A_5 = tpu.matmul %get3A_1, %get3A_4, %dot_general3A {dimension_numbers = #tpu.dot_dimension_numbers<[1], [0], [0], [1], [0, 0, 1, 1], [], []>, transpose_lhs_hint = false} : vector<2048x8xf32>, vector<8x64xf32>, vector<2048x64xf32> -> vector<2048x64xf32>
    %get3A_6 = arith.constant 0 : index
    %get3A_7 = arith.constant 0 : index
    %get3A_8 = vector.load %arg5[%get3A_6, %get3A_7] : memref<1x64xf32, #tpu.memory_space<vmem>>, vector<1x64xf32>
    %add3A = vector.broadcast %get3A_8 : vector<1x64xf32> to vector<2048x64xf32>
    %add3A_9 = arith.addf %dot_general3A_5, %add3A : vector<2048x64xf32>
    %logistic3A = arith.negf %add3A_9 : vector<2048x64xf32>
    %logistic3A_10 = math.exp %logistic3A : vector<2048x64xf32>
    %logistic3A_11 = arith.constant 1.000000e+00 : f32
    %logistic3A_12 = vector.broadcast %logistic3A_11 : f32 to vector<2048x64xf32>
    %logistic3A_13 = arith.addf %logistic3A_12, %logistic3A_10 : vector<2048x64xf32>
    %logistic3A_14 = arith.divf %logistic3A_12, %logistic3A_13 : vector<2048x64xf32>
    %mul3A = arith.mulf %add3A_9, %logistic3A_14 : vector<2048x64xf32>
    %get3A_15 = arith.constant 0 : index
    %get3A_16 = arith.constant 0 : index
    %get3A_17 = vector.load %arg6[%get3A_15, %get3A_16] : memref<64x64xf32, #tpu.memory_space<vmem>>, vector<64x64xf32>
    %dot_general3A_18 = arith.constant dense<0.000000e+00> : vector<2048x64xf32>
    %dot_general3A_19 = tpu.matmul %mul3A, %get3A_17, %dot_general3A_18 {dimension_numbers = #tpu.dot_dimension_numbers<[1], [0], [0], [1], [0, 0, 1, 1], [], []>, transpose_lhs_hint = false} : vector<2048x64xf32>, vector<64x64xf32>, vector<2048x64xf32> -> vector<2048x64xf32>
    %get3A_20 = arith.constant 0 : index
    %get3A_21 = arith.constant 0 : index
    %get3A_22 = vector.load %arg7[%get3A_20, %get3A_21] : memref<1x64xf32, #tpu.memory_space<vmem>>, vector<1x64xf32>
    %add3A_23 = vector.broadcast %get3A_22 : vector<1x64xf32> to vector<2048x64xf32>
    %add3A_24 = arith.addf %dot_general3A_19, %add3A_23 : vector<2048x64xf32>
    %logistic3A_25 = arith.negf %add3A_24 : vector<2048x64xf32>
    %logistic3A_26 = math.exp %logistic3A_25 : vector<2048x64xf32>
    %logistic3A_27 = arith.constant 1.000000e+00 : f32
    %logistic3A_28 = vector.broadcast %logistic3A_27 : f32 to vector<2048x64xf32>
    %logistic3A_29 = arith.addf %logistic3A_28, %logistic3A_26 : vector<2048x64xf32>
    %logistic3A_30 = arith.divf %logistic3A_28, %logistic3A_29 : vector<2048x64xf32>
    %mul3A_31 = arith.mulf %add3A_24, %logistic3A_30 : vector<2048x64xf32>
    %get3A_32 = arith.constant 0 : index
    %get3A_33 = arith.constant 0 : index
    %get3A_34 = arith.constant 0 : index
    %get3A_35 = vector.load %arg8[%get3A_32, %get3A_33, %get3A_34] : memref<6x64x32xf32, #tpu.memory_space<vmem>>, vector<1x64x32xf32>
    %get3A_36 = vector.shape_cast %get3A_35 : vector<1x64x32xf32> to vector<64x32xf32>
    %dot_general3A_37 = arith.constant dense<0.000000e+00> : vector<2048x32xf32>
    %dot_general3A_38 = tpu.matmul %mul3A_31, %get3A_36, %dot_general3A_37 {dimension_numbers = #tpu.dot_dimension_numbers<[1], [0], [0], [1], [0, 0, 1, 1], [], []>, transpose_lhs_hint = false} : vector<2048x64xf32>, vector<64x32xf32>, vector<2048x32xf32> -> vector<2048x32xf32>
    %get3A_39 = arith.constant 1 : index
    %get3A_40 = arith.constant 0 : index
    %get3A_41 = arith.constant 0 : index
    %get3A_42 = vector.load %arg8[%get3A_39, %get3A_40, %get3A_41] : memref<6x64x32xf32, #tpu.memory_space<vmem>>, vector<1x64x32xf32>
    %get3A_43 = vector.shape_cast %get3A_42 : vector<1x64x32xf32> to vector<64x32xf32>
    %dot_general3A_44 = arith.constant dense<0.000000e+00> : vector<2048x32xf32>
    %dot_general3A_45 = tpu.matmul %mul3A_31, %get3A_43, %dot_general3A_44 {dimension_numbers = #tpu.dot_dimension_numbers<[1], [0], [0], [1], [0, 0, 1, 1], [], []>, transpose_lhs_hint = false} : vector<2048x64xf32>, vector<64x32xf32>, vector<2048x32xf32> -> vector<2048x32xf32>
    %get3A_46 = arith.constant 0 : index
    %get3A_47 = arith.constant 0 : index
    %get3A_48 = vector.load %arg2[%get3A_46, %get3A_47] : memref<2048x4xf32, #tpu.memory_space<vmem>>, vector<2048x4xf32>
    %get3A_49 = arith.constant 0 : index
    %get3A_50 = arith.constant 0 : index
    %get3A_51 = arith.constant 0 : index
    %get3A_52 = vector.load %arg9[%get3A_49, %get3A_50, %get3A_51] : memref<3x4x32xf32, #tpu.memory_space<vmem>>, vector<1x4x32xf32>
    %get3A_53 = vector.shape_cast %get3A_52 : vector<1x4x32xf32> to vector<4x32xf32>
    %dot_general3A_54 = arith.constant dense<0.000000e+00> : vector<2048x32xf32>
    %dot_general3A_55 = tpu.matmul %get3A_48, %get3A_53, %dot_general3A_54 {dimension_numbers = #tpu.dot_dimension_numbers<[1], [0], [0], [1], [0, 0, 1, 1], [], []>, transpose_lhs_hint = false} : vector<2048x4xf32>, vector<4x32xf32>, vector<2048x32xf32> -> vector<2048x32xf32>
    %get3A_56 = arith.constant 1 : index
    %get3A_57 = arith.constant 0 : index
    %get3A_58 = arith.constant 0 : index
    %get3A_59 = vector.load %arg9[%get3A_56, %get3A_57, %get3A_58] : memref<3x4x32xf32, #tpu.memory_space<vmem>>, vector<1x4x32xf32>
    %get3A_60 = vector.shape_cast %get3A_59 : vector<1x4x32xf32> to vector<4x32xf32>
    %dot_general3A_61 = arith.constant dense<0.000000e+00> : vector<2048x32xf32>
    %dot_general3A_62 = tpu.matmul %get3A_48, %get3A_60, %dot_general3A_61 {dimension_numbers = #tpu.dot_dimension_numbers<[1], [0], [0], [1], [0, 0, 1, 1], [], []>, transpose_lhs_hint = false} : vector<2048x4xf32>, vector<4x32xf32>, vector<2048x32xf32> -> vector<2048x32xf32>
    %get3A_63 = arith.constant 2 : index
    %get3A_64 = arith.constant 0 : index
    %get3A_65 = arith.constant 0 : index
    %get3A_66 = vector.load %arg9[%get3A_63, %get3A_64, %get3A_65] : memref<3x4x32xf32, #tpu.memory_space<vmem>>, vector<1x4x32xf32>
    %get3A_67 = vector.shape_cast %get3A_66 : vector<1x4x32xf32> to vector<4x32xf32>
    %dot_general3A_68 = arith.constant dense<0.000000e+00> : vector<2048x32xf32>
    %dot_general3A_69 = tpu.matmul %get3A_48, %get3A_67, %dot_general3A_68 {dimension_numbers = #tpu.dot_dimension_numbers<[1], [0], [0], [1], [0, 0, 1, 1], [], []>, transpose_lhs_hint = false} : vector<2048x4xf32>, vector<4x32xf32>, vector<2048x32xf32> -> vector<2048x32xf32>
    %get3A_70 = arith.constant 0 : index
    %get3A_71 = arith.constant 0 : index
    %get3A_72 = vector.load %arg3[%get3A_70, %get3A_71] : memref<2048x32xf32, #tpu.memory_space<vmem>>, vector<2048x32xf32>
    %mul3A_73 = arith.mulf %dot_general3A_45, %get3A_72 : vector<2048x32xf32>
    %mul3A_74 = arith.mulf %dot_general3A_38, %get3A_72 : vector<2048x32xf32>
    %swap3A = arith.constant 0 : index
    %swap3A_75 = arith.constant 0 : index
    %swap3A_76 = arith.constant 0 : index
    %swap3A_77 = vector.load %arg11[%swap3A, %swap3A_75, %swap3A_76] : memref<4x2048x32xf32, #tpu.memory_space<vmem>>, vector<1x2048x32xf32>
    %swap3A_78 = vector.shape_cast %swap3A_77 : vector<1x2048x32xf32> to vector<2048x32xf32>
    %swap3A_79 = vector.shape_cast %mul3A_74 : vector<2048x32xf32> to vector<1x2048x32xf32>
    tpu.vector_store %arg11[%swap3A, %swap3A_75, %swap3A_76], %swap3A_79 {strides = array<i32>} : memref<4x2048x32xf32, #tpu.memory_space<vmem>>, vector<1x2048x32xf32>,
    %mul3A_80 = arith.mulf %mul3A_73, %dot_general3A_55 : vector<2048x32xf32>
    %swap3A_81 = arith.constant 1 : index
    %swap3A_82 = arith.constant 0 : index
    %swap3A_83 = arith.constant 0 : index
    %swap3A_84 = vector.load %arg11[%swap3A_81, %swap3A_82, %swap3A_83] : memref<4x2048x32xf32, #tpu.memory_space<vmem>>, vector<1x2048x32xf32>
    %swap3A_85 = vector.shape_cast %swap3A_84 : vector<1x2048x32xf32> to vector<2048x32xf32>
    %swap3A_86 = vector.shape_cast %mul3A_80 : vector<2048x32xf32> to vector<1x2048x32xf32>
    tpu.vector_store %arg11[%swap3A_81, %swap3A_82, %swap3A_83], %swap3A_86 {strides = array<i32>} : memref<4x2048x32xf32, #tpu.memory_space<vmem>>, vector<1x2048x32xf32>,
    %mul3A_87 = arith.mulf %mul3A_73, %dot_general3A_62 : vector<2048x32xf32>
    %swap3A_88 = arith.constant 2 : index
    %swap3A_89 = arith.constant 0 : index
    %swap3A_90 = arith.constant 0 : index
    %swap3A_91 = vector.load %arg11[%swap3A_88, %swap3A_89, %swap3A_90] : memref<4x2048x32xf32, #tpu.memory_space<vmem>>, vector<1x2048x32xf32>
    %swap3A_92 = vector.shape_cast %swap3A_91 : vector<1x2048x32xf32> to vector<2048x32xf32>
    %swap3A_93 = vector.shape_cast %mul3A_87 : vector<2048x32xf32> to vector<1x2048x32xf32>
    tpu.vector_store %arg11[%swap3A_88, %swap3A_89, %swap3A_90], %swap3A_93 {strides = array<i32>} : memref<4x2048x32xf32, #tpu.memory_space<vmem>>, vector<1x2048x32xf32>,
    %mul3A_94 = arith.mulf %mul3A_73, %dot_general3A_69 : vector<2048x32xf32>
    %swap3A_95 = arith.constant 3 : index
    %swap3A_96 = arith.constant 0 : index
    %swap3A_97 = arith.constant 0 : index
    %swap3A_98 = vector.load %arg11[%swap3A_95, %swap3A_96, %swap3A_97] : memref<4x2048x32xf32, #tpu.memory_space<vmem>>, vector<1x2048x32xf32>
    %swap3A_99 = vector.shape_cast %swap3A_98 : vector<1x2048x32xf32> to vector<2048x32xf32>
    %swap3A_100 = vector.shape_cast %mul3A_94 : vector<2048x32xf32> to vector<1x2048x32xf32>
    tpu.vector_store %arg11[%swap3A_95, %swap3A_96, %swap3A_97], %swap3A_100 {strides = array<i32>} : memref<4x2048x32xf32, #tpu.memory_space<vmem>>, vector<1x2048x32xf32>,
    return
  }
  func.func @transform_0(%arg0: i32) -> (i32, i32) {
    %c0_i32 = arith.constant 0 : i32
    %c0_i32_0 = arith.constant 0 : i32
    return %arg0, %c0_i32 : i32, i32
  }
  func.func @transform_1(%arg0: i32) -> (i32, i32) {
    %c0_i32 = arith.constant 0 : i32
    %c0_i32_0 = arith.constant 0 : i32
    return %arg0, %c0_i32 : i32, i32
  }
  func.func @transform_2(%arg0: i32) -> (i32, i32) {
    %c0_i32 = arith.constant 0 : i32
    %c0_i32_0 = arith.constant 0 : i32
    return %arg0, %c0_i32 : i32, i32
  }
  func.func @transform_3(%arg0: i32) -> (i32, i32) {
    %c0_i32 = arith.constant 0 : i32
    %c0_i32_0 = arith.constant 0 : i32
    %c0_i32_1 = arith.constant 0 : i32
    return %c0_i32, %c0_i32_0 : i32, i32
  }
  func.func @transform_4(%arg0: i32) -> (i32, i32) {
    %c0_i32 = arith.constant 0 : i32
    %c0_i32_0 = arith.constant 0 : i32
    %c0_i32_1 = arith.constant 0 : i32
    return %c0_i32, %c0_i32_0 : i32, i32
  }
  func.func @transform_5(%arg0: i32) -> (i32, i32) {
    %c0_i32 = arith.constant 0 : i32
    %c0_i32_0 = arith.constant 0 : i32
    %c0_i32_1 = arith.constant 0 : i32
    return %c0_i32, %c0_i32_0 : i32, i32
  }
  func.func @transform_6(%arg0: i32) -> (i32, i32) {
    %c0_i32 = arith.constant 0 : i32
    %c0_i32_0 = arith.constant 0 : i32
    %c0_i32_1 = arith.constant 0 : i32
    return %c0_i32, %c0_i32_0 : i32, i32
  }
  func.func @transform_7(%arg0: i32) -> (i32, i32, i32) {
    %c0_i32 = arith.constant 0 : i32
    %c0_i32_0 = arith.constant 0 : i32
    %c0_i32_1 = arith.constant 0 : i32
    %c0_i32_2 = arith.constant 0 : i32
    return %c0_i32, %c0_i32_0, %c0_i32_1 : i32, i32, i32
  }
  func.func @transform_8(%arg0: i32) -> (i32, i32, i32) {
    %c0_i32 = arith.constant 0 : i32
    %c0_i32_0 = arith.constant 0 : i32
    %c0_i32_1 = arith.constant 0 : i32
    %c0_i32_2 = arith.constant 0 : i32
    return %c0_i32, %c0_i32_0, %c0_i32_1 : i32, i32, i32
  }
  func.func @transform_9(%arg0: i32) -> (i32, i32, i32) {
    %c0_i32 = arith.constant 0 : i32
    %c0_i32_0 = arith.constant 0 : i32
    %c0_i32_1 = arith.constant 0 : i32
    %c0_i32_2 = arith.constant 0 : i32
    return %c0_i32, %c0_i32_0, %c0_i32_1 : i32, i32, i32
  }
  func.func @transform_10(%arg0: i32) -> (i32, i32, i32) {
    %c0_i32 = arith.constant 0 : i32
    %c0_i32_0 = arith.constant 0 : i32
    %c0_i32_1 = arith.constant 0 : i32
    return %c0_i32, %arg0, %c0_i32_0 : i32, i32, i32
  }
}

module attributes {stable_mosaic.version = 14 : i64} {
  func.func @_node_body(%arg0: i32, %arg1: memref<4x2048x32xf32, #tpu.memory_space<vmem>>, %arg2: memref<2048x32xf32, #tpu.memory_space<vmem>>, %arg3: memref<32x32xf32, #tpu.memory_space<vmem>>, %arg4: memref<32x32xf32, #tpu.memory_space<vmem>>, %arg5: memref<32x32xf32, #tpu.memory_space<vmem>>, %arg6: memref<32x32xf32, #tpu.memory_space<vmem>>, %arg7: memref<32x32xf32, #tpu.memory_space<vmem>>, %arg8: memref<2048x128xf32, #tpu.memory_space<vmem>>) attributes {dimension_semantics = [#tpu.dimension_semantics<arbitrary>], iteration_bounds = array<i64: 25>, scalar_prefetch = 0 : i64, scratch_operands = 0 : i64, tpu.core_type = #tpu.core_type<tc>, window_params = [{transform_indices = @transform_0, window_bounds = array<i64: 4, 2048, 32>}, {transform_indices = @transform_1, window_bounds = array<i64: 2048, 32>}, {pipeline_mode = #tpu.pipeline_mode<synchronous>, transform_indices = @transform_2, window_bounds = array<i64: 32, 32>}, {pipeline_mode = #tpu.pipeline_mode<synchronous>, transform_indices = @transform_3, window_bounds = array<i64: 32, 32>}, {pipeline_mode = #tpu.pipeline_mode<synchronous>, transform_indices = @transform_4, window_bounds = array<i64: 32, 32>}, {pipeline_mode = #tpu.pipeline_mode<synchronous>, transform_indices = @transform_5, window_bounds = array<i64: 32, 32>}, {pipeline_mode = #tpu.pipeline_mode<synchronous>, transform_indices = @transform_6, window_bounds = array<i64: 32, 32>}, {transform_indices = @transform_7, window_bounds = array<i64: 2048, 128>}]} {
    %get3A = arith.constant 0 : index
    %get3A_0 = arith.constant 0 : index
    %get3A_1 = vector.load %arg2[%get3A, %get3A_0] : memref<2048x32xf32, #tpu.memory_space<vmem>>, vector<2048x32xf32>
    %get3A_2 = arith.constant 0 : index
    %get3A_3 = arith.constant 0 : index
    %get3A_4 = arith.constant 0 : index
    %get3A_5 = vector.load %arg1[%get3A_2, %get3A_3, %get3A_4] : memref<4x2048x32xf32, #tpu.memory_space<vmem>>, vector<1x2048x32xf32>
    %get3A_6 = vector.shape_cast %get3A_5 : vector<1x2048x32xf32> to vector<2048x32xf32>
    %mul3A = arith.constant 0.176776692 : f32
    %mul3A_7 = vector.broadcast %mul3A : f32 to vector<2048x32xf32>
    %mul3A_8 = arith.mulf %get3A_6, %mul3A_7 : vector<2048x32xf32>
    %get3A_9 = arith.constant 0 : index
    %get3A_10 = arith.constant 0 : index
    %get3A_11 = vector.load %arg3[%get3A_9, %get3A_10] : memref<32x32xf32, #tpu.memory_space<vmem>>, vector<32x32xf32>
    %dot_general3A = arith.constant dense<0.000000e+00> : vector<2048x32xf32>
    %dot_general3A_12 = tpu.matmul %mul3A_8, %get3A_11, %dot_general3A {dimension_numbers = #tpu.dot_dimension_numbers<[1], [0], [0], [1], [0, 0, 1, 1], [], []>, transpose_lhs_hint = false} : vector<2048x32xf32>, vector<32x32xf32>, vector<2048x32xf32> -> vector<2048x32xf32>
    %get3A_13 = arith.constant 0 : index
    %get3A_14 = arith.constant 0 : index
    %get3A_15 = vector.load %arg4[%get3A_13, %get3A_14] : memref<32x32xf32, #tpu.memory_space<vmem>>, vector<32x32xf32>
    %dot_general3A_16 = arith.constant dense<0.000000e+00> : vector<2048x32xf32>
    %dot_general3A_17 = tpu.matmul %get3A_1, %get3A_15, %dot_general3A_16 {dimension_numbers = #tpu.dot_dimension_numbers<[1], [0], [0], [1], [0, 0, 1, 1], [], []>, transpose_lhs_hint = false} : vector<2048x32xf32>, vector<32x32xf32>, vector<2048x32xf32> -> vector<2048x32xf32>
    %add3A = arith.addf %dot_general3A_12, %dot_general3A_17 : vector<2048x32xf32>
    %get3A_18 = arith.constant 0 : index
    %get3A_19 = arith.constant 0 : index
    %get3A_20 = vector.load %arg5[%get3A_18, %get3A_19] : memref<32x32xf32, #tpu.memory_space<vmem>>, vector<32x32xf32>
    %get3A_21 = arith.constant 1 : index
    %get3A_22 = arith.constant 0 : index
    %get3A_23 = arith.constant 0 : index
    %get3A_24 = vector.load %arg1[%get3A_21, %get3A_22, %get3A_23] : memref<4x2048x32xf32, #tpu.memory_space<vmem>>, vector<1x2048x32xf32>
    %get3A_25 = vector.shape_cast %get3A_24 : vector<1x2048x32xf32> to vector<2048x32xf32>
    %mul3A_26 = arith.constant 0.176776692 : f32
    %mul3A_27 = vector.broadcast %mul3A_26 : f32 to vector<2048x32xf32>
    %mul3A_28 = arith.mulf %get3A_25, %mul3A_27 : vector<2048x32xf32>
    %dot_general3A_29 = arith.constant dense<0.000000e+00> : vector<2048x32xf32>
    %dot_general3A_30 = tpu.matmul %mul3A_28, %get3A_20, %dot_general3A_29 {dimension_numbers = #tpu.dot_dimension_numbers<[1], [0], [0], [1], [0, 0, 1, 1], [], []>, transpose_lhs_hint = false} : vector<2048x32xf32>, vector<32x32xf32>, vector<2048x32xf32> -> vector<2048x32xf32>
    %get3A_31 = arith.constant 2 : index
    %get3A_32 = arith.constant 0 : index
    %get3A_33 = arith.constant 0 : index
    %get3A_34 = vector.load %arg1[%get3A_31, %get3A_32, %get3A_33] : memref<4x2048x32xf32, #tpu.memory_space<vmem>>, vector<1x2048x32xf32>
    %get3A_35 = vector.shape_cast %get3A_34 : vector<1x2048x32xf32> to vector<2048x32xf32>
    %mul3A_36 = arith.constant 0.176776692 : f32
    %mul3A_37 = vector.broadcast %mul3A_36 : f32 to vector<2048x32xf32>
    %mul3A_38 = arith.mulf %get3A_35, %mul3A_37 : vector<2048x32xf32>
    %dot_general3A_39 = arith.constant dense<0.000000e+00> : vector<2048x32xf32>
    %dot_general3A_40 = tpu.matmul %mul3A_38, %get3A_20, %dot_general3A_39 {dimension_numbers = #tpu.dot_dimension_numbers<[1], [0], [0], [1], [0, 0, 1, 1], [], []>, transpose_lhs_hint = false} : vector<2048x32xf32>, vector<32x32xf32>, vector<2048x32xf32> -> vector<2048x32xf32>
    %get3A_41 = arith.constant 3 : index
    %get3A_42 = arith.constant 0 : index
    %get3A_43 = arith.constant 0 : index
    %get3A_44 = vector.load %arg1[%get3A_41, %get3A_42, %get3A_43] : memref<4x2048x32xf32, #tpu.memory_space<vmem>>, vector<1x2048x32xf32>
    %get3A_45 = vector.shape_cast %get3A_44 : vector<1x2048x32xf32> to vector<2048x32xf32>
    %mul3A_46 = arith.constant 0.176776692 : f32
    %mul3A_47 = vector.broadcast %mul3A_46 : f32 to vector<2048x32xf32>
    %mul3A_48 = arith.mulf %get3A_45, %mul3A_47 : vector<2048x32xf32>
    %dot_general3A_49 = arith.constant dense<0.000000e+00> : vector<2048x32xf32>
    %dot_general3A_50 = tpu.matmul %mul3A_48, %get3A_20, %dot_general3A_49 {dimension_numbers = #tpu.dot_dimension_numbers<[1], [0], [0], [1], [0, 0, 1, 1], [], []>, transpose_lhs_hint = false} : vector<2048x32xf32>, vector<32x32xf32>, vector<2048x32xf32> -> vector<2048x32xf32>
    %get3A_51 = arith.constant 0 : index
    %get3A_52 = arith.constant 0 : index
    %get3A_53 = vector.load %arg7[%get3A_51, %get3A_52] : memref<32x32xf32, #tpu.memory_space<vmem>>, vector<32x32xf32>
    %dot_general3A_54 = arith.constant dense<0.000000e+00> : vector<2048x32xf32>
    %dot_general3A_55 = tpu.matmul %add3A, %get3A_53, %dot_general3A_54 {dimension_numbers = #tpu.dot_dimension_numbers<[1], [0], [0], [1], [0, 0, 1, 1], [], []>, transpose_lhs_hint = false} : vector<2048x32xf32>, vector<32x32xf32>, vector<2048x32xf32> -> vector<2048x32xf32>
    %logistic3A = arith.negf %dot_general3A_55 : vector<2048x32xf32>
    %logistic3A_56 = math.exp %logistic3A : vector<2048x32xf32>
    %logistic3A_57 = arith.constant 1.000000e+00 : f32
    %logistic3A_58 = vector.broadcast %logistic3A_57 : f32 to vector<2048x32xf32>
    %logistic3A_59 = arith.addf %logistic3A_58, %logistic3A_56 : vector<2048x32xf32>
    %logistic3A_60 = arith.divf %logistic3A_58, %logistic3A_59 : vector<2048x32xf32>
    %mul3A_61 = arith.constant 1.000000e+00 : f32
    %mul3A_62 = vector.broadcast %mul3A_61 : f32 to vector<2048x32xf32>
    %mul3A_63 = arith.mulf %logistic3A_60, %mul3A_62 : vector<2048x32xf32>
    %logistic3A_64 = arith.negf %add3A : vector<2048x32xf32>
    %logistic3A_65 = math.exp %logistic3A_64 : vector<2048x32xf32>
    %logistic3A_66 = arith.constant 1.000000e+00 : f32
    %logistic3A_67 = vector.broadcast %logistic3A_66 : f32 to vector<2048x32xf32>
    %logistic3A_68 = arith.addf %logistic3A_67, %logistic3A_65 : vector<2048x32xf32>
    %logistic3A_69 = arith.divf %logistic3A_67, %logistic3A_68 : vector<2048x32xf32>
    %mul3A_70 = arith.mulf %add3A, %logistic3A_69 : vector<2048x32xf32>
    %swap3A = arith.constant 0 : index
    %swap3A_71 = arith.constant 0 : index
    %swap3A_72 = vector.load %arg8[%swap3A, %swap3A_71] : memref<2048x128xf32, #tpu.memory_space<vmem>>, vector<2048x32xf32>
    tpu.vector_store %arg8[%swap3A, %swap3A_71], %mul3A_70 {strides = array<i32>} : memref<2048x128xf32, #tpu.memory_space<vmem>>, vector<2048x32xf32>,
    %mul3A_73 = arith.mulf %dot_general3A_30, %mul3A_63 : vector<2048x32xf32>
    %swap3A_74 = arith.constant 0 : index
    %swap3A_75 = arith.constant 32 : index
    %swap3A_76 = vector.load %arg8[%swap3A_74, %swap3A_75] : memref<2048x128xf32, #tpu.memory_space<vmem>>, vector<2048x32xf32>
    tpu.vector_store %arg8[%swap3A_74, %swap3A_75], %mul3A_73 {strides = array<i32>} : memref<2048x128xf32, #tpu.memory_space<vmem>>, vector<2048x32xf32>,
    %mul3A_77 = arith.mulf %dot_general3A_40, %mul3A_63 : vector<2048x32xf32>
    %swap3A_78 = arith.constant 0 : index
    %swap3A_79 = arith.constant 64 : index
    %swap3A_80 = vector.load %arg8[%swap3A_78, %swap3A_79] : memref<2048x128xf32, #tpu.memory_space<vmem>>, vector<2048x32xf32>
    tpu.vector_store %arg8[%swap3A_78, %swap3A_79], %mul3A_77 {strides = array<i32>} : memref<2048x128xf32, #tpu.memory_space<vmem>>, vector<2048x32xf32>,
    %mul3A_81 = arith.mulf %dot_general3A_50, %mul3A_63 : vector<2048x32xf32>
    %swap3A_82 = arith.constant 0 : index
    %swap3A_83 = arith.constant 96 : index
    %swap3A_84 = vector.load %arg8[%swap3A_82, %swap3A_83] : memref<2048x128xf32, #tpu.memory_space<vmem>>, vector<2048x32xf32>
    tpu.vector_store %arg8[%swap3A_82, %swap3A_83], %mul3A_81 {strides = array<i32>} : memref<2048x128xf32, #tpu.memory_space<vmem>>, vector<2048x32xf32>,
    return
  }
  func.func @transform_0(%arg0: i32) -> (i32, i32, i32) {
    %c0_i32 = arith.constant 0 : i32
    %c0_i32_0 = arith.constant 0 : i32
    %c0_i32_1 = arith.constant 0 : i32
    return %c0_i32, %arg0, %c0_i32_0 : i32, i32, i32
  }
  func.func @transform_1(%arg0: i32) -> (i32, i32) {
    %c0_i32 = arith.constant 0 : i32
    %c0_i32_0 = arith.constant 0 : i32
    return %arg0, %c0_i32 : i32, i32
  }
  func.func @transform_2(%arg0: i32) -> (i32, i32) {
    %c0_i32 = arith.constant 0 : i32
    %c0_i32_0 = arith.constant 0 : i32
    %c0_i32_1 = arith.constant 0 : i32
    return %c0_i32, %c0_i32_0 : i32, i32
  }
  func.func @transform_3(%arg0: i32) -> (i32, i32) {
    %c0_i32 = arith.constant 0 : i32
    %c0_i32_0 = arith.constant 0 : i32
    %c0_i32_1 = arith.constant 0 : i32
    return %c0_i32, %c0_i32_0 : i32, i32
  }
  func.func @transform_4(%arg0: i32) -> (i32, i32) {
    %c0_i32 = arith.constant 0 : i32
    %c0_i32_0 = arith.constant 0 : i32
    %c0_i32_1 = arith.constant 0 : i32
    return %c0_i32, %c0_i32_0 : i32, i32
  }
  func.func @transform_5(%arg0: i32) -> (i32, i32) {
    %c0_i32 = arith.constant 0 : i32
    %c0_i32_0 = arith.constant 0 : i32
    %c0_i32_1 = arith.constant 0 : i32
    return %c0_i32, %c0_i32_0 : i32, i32
  }
  func.func @transform_6(%arg0: i32) -> (i32, i32) {
    %c0_i32 = arith.constant 0 : i32
    %c0_i32_0 = arith.constant 0 : i32
    %c0_i32_1 = arith.constant 0 : i32
    return %c0_i32, %c0_i32_0 : i32, i32
  }
  func.func @transform_7(%arg0: i32) -> (i32, i32) {
    %c0_i32 = arith.constant 0 : i32
    %c0_i32_0 = arith.constant 0 : i32
    return %arg0, %c0_i32 : i32, i32
  }
}

module attributes {stable_mosaic.version = 14 : i64} {
  func.func @_edge_body(%arg0: i32, %arg1: memref<2048x8xf32, #tpu.memory_space<vmem>>, %arg2: memref<2048x4xf32, #tpu.memory_space<vmem>>, %arg3: memref<2048x128xf32, #tpu.memory_space<vmem>>, %arg4: memref<8x64xf32, #tpu.memory_space<vmem>>, %arg5: memref<1x64xf32, #tpu.memory_space<vmem>>, %arg6: memref<64x64xf32, #tpu.memory_space<vmem>>, %arg7: memref<1x64xf32, #tpu.memory_space<vmem>>, %arg8: memref<6x64x32xf32, #tpu.memory_space<vmem>>, %arg9: memref<3x4x32xf32, #tpu.memory_space<vmem>>, %arg10: memref<4x128x32xf32, #tpu.memory_space<vmem>>, %arg11: memref<4x2048x32xf32, #tpu.memory_space<vmem>>) attributes {dimension_semantics = [#tpu.dimension_semantics<arbitrary>], iteration_bounds = array<i64: 784>, scalar_prefetch = 0 : i64, scratch_operands = 0 : i64, tpu.core_type = #tpu.core_type<tc>, window_params = [{transform_indices = @transform_0, window_bounds = array<i64: 2048, 8>}, {transform_indices = @transform_1, window_bounds = array<i64: 2048, 4>}, {transform_indices = @transform_2, window_bounds = array<i64: 2048, 128>}, {pipeline_mode = #tpu.pipeline_mode<synchronous>, transform_indices = @transform_3, window_bounds = array<i64: 8, 64>}, {pipeline_mode = #tpu.pipeline_mode<synchronous>, transform_indices = @transform_4, window_bounds = array<i64: 1, 64>}, {pipeline_mode = #tpu.pipeline_mode<synchronous>, transform_indices = @transform_5, window_bounds = array<i64: 64, 64>}, {pipeline_mode = #tpu.pipeline_mode<synchronous>, transform_indices = @transform_6, window_bounds = array<i64: 1, 64>}, {pipeline_mode = #tpu.pipeline_mode<synchronous>, transform_indices = @transform_7, window_bounds = array<i64: 6, 64, 32>}, {pipeline_mode = #tpu.pipeline_mode<synchronous>, transform_indices = @transform_8, window_bounds = array<i64: 3, 4, 32>}, {pipeline_mode = #tpu.pipeline_mode<synchronous>, transform_indices = @transform_9, window_bounds = array<i64: 4, 128, 32>}, {transform_indices = @transform_10, window_bounds = array<i64: 4, 2048, 32>}]} {
    %get3A = arith.constant 0 : index
    %get3A_0 = arith.constant 0 : index
    %get3A_1 = vector.load %arg1[%get3A, %get3A_0] : memref<2048x8xf32, #tpu.memory_space<vmem>>, vector<2048x8xf32>
    %get3A_2 = arith.constant 0 : index
    %get3A_3 = arith.constant 0 : index
    %get3A_4 = vector.load %arg4[%get3A_2, %get3A_3] : memref<8x64xf32, #tpu.memory_space<vmem>>, vector<8x64xf32>
    %dot_general3A = arith.constant dense<0.000000e+00> : vector<2048x64xf32>
    %dot_general3A_5 = tpu.matmul %get3A_1, %get3A_4, %dot_general3A {dimension_numbers = #tpu.dot_dimension_numbers<[1], [0], [0], [1], [0, 0, 1, 1], [], []>, transpose_lhs_hint = false} : vector<2048x8xf32>, vector<8x64xf32>, vector<2048x64xf32> -> vector<2048x64xf32>
    %get3A_6 = arith.constant 0 : index
    %get3A_7 = arith.constant 0 : index
    %get3A_8 = vector.load %arg5[%get3A_6, %get3A_7] : memref<1x64xf32, #tpu.memory_space<vmem>>, vector<1x64xf32>
    %add3A = vector.broadcast %get3A_8 : vector<1x64xf32> to vector<2048x64xf32>
    %add3A_9 = arith.addf %dot_general3A_5, %add3A : vector<2048x64xf32>
    %logistic3A = arith.negf %add3A_9 : vector<2048x64xf32>
    %logistic3A_10 = math.exp %logistic3A : vector<2048x64xf32>
    %logistic3A_11 = arith.constant 1.000000e+00 : f32
    %logistic3A_12 = vector.broadcast %logistic3A_11 : f32 to vector<2048x64xf32>
    %logistic3A_13 = arith.addf %logistic3A_12, %logistic3A_10 : vector<2048x64xf32>
    %logistic3A_14 = arith.divf %logistic3A_12, %logistic3A_13 : vector<2048x64xf32>
    %mul3A = arith.mulf %add3A_9, %logistic3A_14 : vector<2048x64xf32>
    %get3A_15 = arith.constant 0 : index
    %get3A_16 = arith.constant 0 : index
    %get3A_17 = vector.load %arg6[%get3A_15, %get3A_16] : memref<64x64xf32, #tpu.memory_space<vmem>>, vector<64x64xf32>
    %dot_general3A_18 = arith.constant dense<0.000000e+00> : vector<2048x64xf32>
    %dot_general3A_19 = tpu.matmul %mul3A, %get3A_17, %dot_general3A_18 {dimension_numbers = #tpu.dot_dimension_numbers<[1], [0], [0], [1], [0, 0, 1, 1], [], []>, transpose_lhs_hint = false} : vector<2048x64xf32>, vector<64x64xf32>, vector<2048x64xf32> -> vector<2048x64xf32>
    %get3A_20 = arith.constant 0 : index
    %get3A_21 = arith.constant 0 : index
    %get3A_22 = vector.load %arg7[%get3A_20, %get3A_21] : memref<1x64xf32, #tpu.memory_space<vmem>>, vector<1x64xf32>
    %add3A_23 = vector.broadcast %get3A_22 : vector<1x64xf32> to vector<2048x64xf32>
    %add3A_24 = arith.addf %dot_general3A_19, %add3A_23 : vector<2048x64xf32>
    %logistic3A_25 = arith.negf %add3A_24 : vector<2048x64xf32>
    %logistic3A_26 = math.exp %logistic3A_25 : vector<2048x64xf32>
    %logistic3A_27 = arith.constant 1.000000e+00 : f32
    %logistic3A_28 = vector.broadcast %logistic3A_27 : f32 to vector<2048x64xf32>
    %logistic3A_29 = arith.addf %logistic3A_28, %logistic3A_26 : vector<2048x64xf32>
    %logistic3A_30 = arith.divf %logistic3A_28, %logistic3A_29 : vector<2048x64xf32>
    %mul3A_31 = arith.mulf %add3A_24, %logistic3A_30 : vector<2048x64xf32>
    %get3A_32 = arith.constant 0 : index
    %get3A_33 = arith.constant 0 : index
    %get3A_34 = arith.constant 0 : index
    %get3A_35 = vector.load %arg8[%get3A_32, %get3A_33, %get3A_34] : memref<6x64x32xf32, #tpu.memory_space<vmem>>, vector<1x64x32xf32>
    %get3A_36 = vector.shape_cast %get3A_35 : vector<1x64x32xf32> to vector<64x32xf32>
    %dot_general3A_37 = arith.constant dense<0.000000e+00> : vector<2048x32xf32>
    %dot_general3A_38 = tpu.matmul %mul3A_31, %get3A_36, %dot_general3A_37 {dimension_numbers = #tpu.dot_dimension_numbers<[1], [0], [0], [1], [0, 0, 1, 1], [], []>, transpose_lhs_hint = false} : vector<2048x64xf32>, vector<64x32xf32>, vector<2048x32xf32> -> vector<2048x32xf32>
    %get3A_39 = arith.constant 1 : index
    %get3A_40 = arith.constant 0 : index
    %get3A_41 = arith.constant 0 : index
    %get3A_42 = vector.load %arg8[%get3A_39, %get3A_40, %get3A_41] : memref<6x64x32xf32, #tpu.memory_space<vmem>>, vector<1x64x32xf32>
    %get3A_43 = vector.shape_cast %get3A_42 : vector<1x64x32xf32> to vector<64x32xf32>
    %dot_general3A_44 = arith.constant dense<0.000000e+00> : vector<2048x32xf32>
    %dot_general3A_45 = tpu.matmul %mul3A_31, %get3A_43, %dot_general3A_44 {dimension_numbers = #tpu.dot_dimension_numbers<[1], [0], [0], [1], [0, 0, 1, 1], [], []>, transpose_lhs_hint = false} : vector<2048x64xf32>, vector<64x32xf32>, vector<2048x32xf32> -> vector<2048x32xf32>
    %get3A_46 = arith.constant 0 : index
    %get3A_47 = arith.constant 0 : index
    %get3A_48 = vector.load %arg2[%get3A_46, %get3A_47] : memref<2048x4xf32, #tpu.memory_space<vmem>>, vector<2048x4xf32>
    %get3A_49 = arith.constant 0 : index
    %get3A_50 = arith.constant 0 : index
    %get3A_51 = arith.constant 0 : index
    %get3A_52 = vector.load %arg9[%get3A_49, %get3A_50, %get3A_51] : memref<3x4x32xf32, #tpu.memory_space<vmem>>, vector<1x4x32xf32>
    %get3A_53 = vector.shape_cast %get3A_52 : vector<1x4x32xf32> to vector<4x32xf32>
    %dot_general3A_54 = arith.constant dense<0.000000e+00> : vector<2048x32xf32>
    %dot_general3A_55 = tpu.matmul %get3A_48, %get3A_53, %dot_general3A_54 {dimension_numbers = #tpu.dot_dimension_numbers<[1], [0], [0], [1], [0, 0, 1, 1], [], []>, transpose_lhs_hint = false} : vector<2048x4xf32>, vector<4x32xf32>, vector<2048x32xf32> -> vector<2048x32xf32>
    %get3A_56 = arith.constant 1 : index
    %get3A_57 = arith.constant 0 : index
    %get3A_58 = arith.constant 0 : index
    %get3A_59 = vector.load %arg9[%get3A_56, %get3A_57, %get3A_58] : memref<3x4x32xf32, #tpu.memory_space<vmem>>, vector<1x4x32xf32>
    %get3A_60 = vector.shape_cast %get3A_59 : vector<1x4x32xf32> to vector<4x32xf32>
    %dot_general3A_61 = arith.constant dense<0.000000e+00> : vector<2048x32xf32>
    %dot_general3A_62 = tpu.matmul %get3A_48, %get3A_60, %dot_general3A_61 {dimension_numbers = #tpu.dot_dimension_numbers<[1], [0], [0], [1], [0, 0, 1, 1], [], []>, transpose_lhs_hint = false} : vector<2048x4xf32>, vector<4x32xf32>, vector<2048x32xf32> -> vector<2048x32xf32>
    %get3A_63 = arith.constant 2 : index
    %get3A_64 = arith.constant 0 : index
    %get3A_65 = arith.constant 0 : index
    %get3A_66 = vector.load %arg9[%get3A_63, %get3A_64, %get3A_65] : memref<3x4x32xf32, #tpu.memory_space<vmem>>, vector<1x4x32xf32>
    %get3A_67 = vector.shape_cast %get3A_66 : vector<1x4x32xf32> to vector<4x32xf32>
    %dot_general3A_68 = arith.constant dense<0.000000e+00> : vector<2048x32xf32>
    %dot_general3A_69 = tpu.matmul %get3A_48, %get3A_67, %dot_general3A_68 {dimension_numbers = #tpu.dot_dimension_numbers<[1], [0], [0], [1], [0, 0, 1, 1], [], []>, transpose_lhs_hint = false} : vector<2048x4xf32>, vector<4x32xf32>, vector<2048x32xf32> -> vector<2048x32xf32>
    %get3A_70 = arith.constant 0 : index
    %get3A_71 = arith.constant 0 : index
    %get3A_72 = vector.load %arg3[%get3A_70, %get3A_71] : memref<2048x128xf32, #tpu.memory_space<vmem>>, vector<2048x128xf32>
    %get3A_73 = arith.constant 0 : index
    %get3A_74 = arith.constant 0 : index
    %get3A_75 = arith.constant 0 : index
    %get3A_76 = vector.load %arg10[%get3A_73, %get3A_74, %get3A_75] : memref<4x128x32xf32, #tpu.memory_space<vmem>>, vector<1x128x32xf32>
    %get3A_77 = vector.shape_cast %get3A_76 : vector<1x128x32xf32> to vector<128x32xf32>
    %dot_general3A_78 = arith.constant dense<0.000000e+00> : vector<2048x32xf32>
    %dot_general3A_79 = tpu.matmul %get3A_72, %get3A_77, %dot_general3A_78 {dimension_numbers = #tpu.dot_dimension_numbers<[1], [0], [0], [1], [0, 0, 1, 1], [], []>, transpose_lhs_hint = false} : vector<2048x128xf32>, vector<128x32xf32>, vector<2048x32xf32> -> vector<2048x32xf32>
    %get3A_80 = arith.constant 1 : index
    %get3A_81 = arith.constant 0 : index
    %get3A_82 = arith.constant 0 : index
    %get3A_83 = vector.load %arg10[%get3A_80, %get3A_81, %get3A_82] : memref<4x128x32xf32, #tpu.memory_space<vmem>>, vector<1x128x32xf32>
    %get3A_84 = vector.shape_cast %get3A_83 : vector<1x128x32xf32> to vector<128x32xf32>
    %dot_general3A_85 = arith.constant dense<0.000000e+00> : vector<2048x32xf32>
    %dot_general3A_86 = tpu.matmul %get3A_72, %get3A_84, %dot_general3A_85 {dimension_numbers = #tpu.dot_dimension_numbers<[1], [0], [0], [1], [0, 0, 1, 1], [], []>, transpose_lhs_hint = false} : vector<2048x128xf32>, vector<128x32xf32>, vector<2048x32xf32> -> vector<2048x32xf32>
    %get3A_87 = arith.constant 2 : index
    %get3A_88 = arith.constant 0 : index
    %get3A_89 = arith.constant 0 : index
    %get3A_90 = vector.load %arg10[%get3A_87, %get3A_88, %get3A_89] : memref<4x128x32xf32, #tpu.memory_space<vmem>>, vector<1x128x32xf32>
    %get3A_91 = vector.shape_cast %get3A_90 : vector<1x128x32xf32> to vector<128x32xf32>
    %dot_general3A_92 = arith.constant dense<0.000000e+00> : vector<2048x32xf32>
    %dot_general3A_93 = tpu.matmul %get3A_72, %get3A_91, %dot_general3A_92 {dimension_numbers = #tpu.dot_dimension_numbers<[1], [0], [0], [1], [0, 0, 1, 1], [], []>, transpose_lhs_hint = false} : vector<2048x128xf32>, vector<128x32xf32>, vector<2048x32xf32> -> vector<2048x32xf32>
    %get3A_94 = arith.constant 3 : index
    %get3A_95 = arith.constant 0 : index
    %get3A_96 = arith.constant 0 : index
    %get3A_97 = vector.load %arg10[%get3A_94, %get3A_95, %get3A_96] : memref<4x128x32xf32, #tpu.memory_space<vmem>>, vector<1x128x32xf32>
    %get3A_98 = vector.shape_cast %get3A_97 : vector<1x128x32xf32> to vector<128x32xf32>
    %dot_general3A_99 = arith.constant dense<0.000000e+00> : vector<2048x32xf32>
    %dot_general3A_100 = tpu.matmul %get3A_72, %get3A_98, %dot_general3A_99 {dimension_numbers = #tpu.dot_dimension_numbers<[1], [0], [0], [1], [0, 0, 1, 1], [], []>, transpose_lhs_hint = false} : vector<2048x128xf32>, vector<128x32xf32>, vector<2048x32xf32> -> vector<2048x32xf32>
    %get3A_101 = arith.constant 2 : index
    %get3A_102 = arith.constant 0 : index
    %get3A_103 = arith.constant 0 : index
    %get3A_104 = vector.load %arg8[%get3A_101, %get3A_102, %get3A_103] : memref<6x64x32xf32, #tpu.memory_space<vmem>>, vector<1x64x32xf32>
    %get3A_105 = vector.shape_cast %get3A_104 : vector<1x64x32xf32> to vector<64x32xf32>
    %dot_general3A_106 = arith.constant dense<0.000000e+00> : vector<2048x32xf32>
    %dot_general3A_107 = tpu.matmul %mul3A_31, %get3A_105, %dot_general3A_106 {dimension_numbers = #tpu.dot_dimension_numbers<[1], [0], [0], [1], [0, 0, 1, 1], [], []>, transpose_lhs_hint = false} : vector<2048x64xf32>, vector<64x32xf32>, vector<2048x32xf32> -> vector<2048x32xf32>
    %get3A_108 = arith.constant 3 : index
    %get3A_109 = arith.constant 0 : index
    %get3A_110 = arith.constant 0 : index
    %get3A_111 = vector.load %arg8[%get3A_108, %get3A_109, %get3A_110] : memref<6x64x32xf32, #tpu.memory_space<vmem>>, vector<1x64x32xf32>
    %get3A_112 = vector.shape_cast %get3A_111 : vector<1x64x32xf32> to vector<64x32xf32>
    %dot_general3A_113 = arith.constant dense<0.000000e+00> : vector<2048x32xf32>
    %dot_general3A_114 = tpu.matmul %mul3A_31, %get3A_112, %dot_general3A_113 {dimension_numbers = #tpu.dot_dimension_numbers<[1], [0], [0], [1], [0, 0, 1, 1], [], []>, transpose_lhs_hint = false} : vector<2048x64xf32>, vector<64x32xf32>, vector<2048x32xf32> -> vector<2048x32xf32>
    %get3A_115 = arith.constant 4 : index
    %get3A_116 = arith.constant 0 : index
    %get3A_117 = arith.constant 0 : index
    %get3A_118 = vector.load %arg8[%get3A_115, %get3A_116, %get3A_117] : memref<6x64x32xf32, #tpu.memory_space<vmem>>, vector<1x64x32xf32>
    %get3A_119 = vector.shape_cast %get3A_118 : vector<1x64x32xf32> to vector<64x32xf32>
    %dot_general3A_120 = arith.constant dense<0.000000e+00> : vector<2048x32xf32>
    %dot_general3A_121 = tpu.matmul %mul3A_31, %get3A_119, %dot_general3A_120 {dimension_numbers = #tpu.dot_dimension_numbers<[1], [0], [0], [1], [0, 0, 1, 1], [], []>, transpose_lhs_hint = false} : vector<2048x64xf32>, vector<64x32xf32>, vector<2048x32xf32> -> vector<2048x32xf32>
    %get3A_122 = arith.constant 5 : index
    %get3A_123 = arith.constant 0 : index
    %get3A_124 = arith.constant 0 : index
    %get3A_125 = vector.load %arg8[%get3A_122, %get3A_123, %get3A_124] : memref<6x64x32xf32, #tpu.memory_space<vmem>>, vector<1x64x32xf32>
    %get3A_126 = vector.shape_cast %get3A_125 : vector<1x64x32xf32> to vector<64x32xf32>
    %dot_general3A_127 = arith.constant dense<0.000000e+00> : vector<2048x32xf32>
    %dot_general3A_128 = tpu.matmul %mul3A_31, %get3A_126, %dot_general3A_127 {dimension_numbers = #tpu.dot_dimension_numbers<[1], [0], [0], [1], [0, 0, 1, 1], [], []>, transpose_lhs_hint = false} : vector<2048x64xf32>, vector<64x32xf32>, vector<2048x32xf32> -> vector<2048x32xf32>
    %mul3A_129 = arith.mulf %dot_general3A_86, %dot_general3A_55 : vector<2048x32xf32>
    %mul3A_130 = arith.mulf %dot_general3A_93, %dot_general3A_62 : vector<2048x32xf32>
    %add3A_131 = arith.addf %mul3A_129, %mul3A_130 : vector<2048x32xf32>
    %mul3A_132 = arith.mulf %dot_general3A_100, %dot_general3A_69 : vector<2048x32xf32>
    %add3A_133 = arith.addf %add3A_131, %mul3A_132 : vector<2048x32xf32>
    %mul3A_134 = arith.mulf %dot_general3A_93, %dot_general3A_69 : vector<2048x32xf32>
    %mul3A_135 = arith.mulf %dot_general3A_100, %dot_general3A_62 : vector<2048x32xf32>
    %sub3A = arith.subf %mul3A_134, %mul3A_135 : vector<2048x32xf32>
    %mul3A_136 = arith.mulf %dot_general3A_100, %dot_general3A_55 : vector<2048x32xf32>
    %mul3A_137 = arith.mulf %dot_general3A_86, %dot_general3A_69 : vector<2048x32xf32>
    %sub3A_138 = arith.subf %mul3A_136, %mul3A_137 : vector<2048x32xf32>
    %mul3A_139 = arith.mulf %dot_general3A_86, %dot_general3A_62 : vector<2048x32xf32>
    %mul3A_140 = arith.mulf %dot_general3A_93, %dot_general3A_55 : vector<2048x32xf32>
    %sub3A_141 = arith.subf %mul3A_139, %mul3A_140 : vector<2048x32xf32>
    %mul3A_142 = arith.mulf %dot_general3A_45, %dot_general3A_79 : vector<2048x32xf32>
    %mul3A_143 = arith.constant 0.333333343 : f32
    %mul3A_144 = vector.broadcast %mul3A_143 : f32 to vector<2048x32xf32>
    %mul3A_145 = arith.mulf %dot_general3A_128, %mul3A_144 : vector<2048x32xf32>
    %sub3A_146 = arith.subf %dot_general3A_107, %mul3A_145 : vector<2048x32xf32>
    %mul3A_147 = arith.mulf %dot_general3A_38, %dot_general3A_79 : vector<2048x32xf32>
    %mul3A_148 = arith.mulf %dot_general3A_114, %add3A_133 : vector<2048x32xf32>
    %add3A_149 = arith.addf %mul3A_147, %mul3A_148 : vector<2048x32xf32>
    %swap3A = arith.constant 0 : index
    %swap3A_150 = arith.constant 0 : index
    %swap3A_151 = arith.constant 0 : index
    %swap3A_152 = vector.load %arg11[%swap3A, %swap3A_150, %swap3A_151] : memref<4x2048x32xf32, #tpu.memory_space<vmem>>, vector<1x2048x32xf32>
    %swap3A_153 = vector.shape_cast %swap3A_152 : vector<1x2048x32xf32> to vector<2048x32xf32>
    %swap3A_154 = vector.shape_cast %add3A_149 : vector<2048x32xf32> to vector<1x2048x32xf32>
    tpu.vector_store %arg11[%swap3A, %swap3A_150, %swap3A_151], %swap3A_154 {strides = array<i32>} : memref<4x2048x32xf32, #tpu.memory_space<vmem>>, vector<1x2048x32xf32>,
    %mul3A_155 = arith.mulf %mul3A_142, %dot_general3A_55 : vector<2048x32xf32>
    %mul3A_156 = arith.mulf %sub3A_146, %dot_general3A_86 : vector<2048x32xf32>
    %add3A_157 = arith.addf %mul3A_155, %mul3A_156 : vector<2048x32xf32>
    %mul3A_158 = arith.mulf %dot_general3A_121, %sub3A : vector<2048x32xf32>
    %add3A_159 = arith.addf %add3A_157, %mul3A_158 : vector<2048x32xf32>
    %mul3A_160 = arith.mulf %dot_general3A_55, %add3A_133 : vector<2048x32xf32>
    %mul3A_161 = arith.mulf %dot_general3A_128, %mul3A_160 : vector<2048x32xf32>
    %add3A_162 = arith.addf %add3A_159, %mul3A_161 : vector<2048x32xf32>
    %swap3A_163 = arith.constant 1 : index
    %swap3A_164 = arith.constant 0 : index
    %swap3A_165 = arith.constant 0 : index
    %swap3A_166 = vector.load %arg11[%swap3A_163, %swap3A_164, %swap3A_165] : memref<4x2048x32xf32, #tpu.memory_space<vmem>>, vector<1x2048x32xf32>
    %swap3A_167 = vector.shape_cast %swap3A_166 : vector<1x2048x32xf32> to vector<2048x32xf32>
    %swap3A_168 = vector.shape_cast %add3A_162 : vector<2048x32xf32> to vector<1x2048x32xf32>
    tpu.vector_store %arg11[%swap3A_163, %swap3A_164, %swap3A_165], %swap3A_168 {strides = array<i32>} : memref<4x2048x32xf32, #tpu.memory_space<vmem>>, vector<1x2048x32xf32>,
    %mul3A_169 = arith.mulf %mul3A_142, %dot_general3A_62 : vector<2048x32xf32>
    %mul3A_170 = arith.mulf %sub3A_146, %dot_general3A_93 : vector<2048x32xf32>
    %add3A_171 = arith.addf %mul3A_169, %mul3A_170 : vector<2048x32xf32>
    %mul3A_172 = arith.mulf %dot_general3A_121, %sub3A_138 : vector<2048x32xf32>
    %add3A_173 = arith.addf %add3A_171, %mul3A_172 : vector<2048x32xf32>
    %mul3A_174 = arith.mulf %dot_general3A_62, %add3A_133 : vector<2048x32xf32>
    %mul3A_175 = arith.mulf %dot_general3A_128, %mul3A_174 : vector<2048x32xf32>
    %add3A_176 = arith.addf %add3A_173, %mul3A_175 : vector<2048x32xf32>
    %swap3A_177 = arith.constant 2 : index
    %swap3A_178 = arith.constant 0 : index
    %swap3A_179 = arith.constant 0 : index
    %swap3A_180 = vector.load %arg11[%swap3A_177, %swap3A_178, %swap3A_179] : memref<4x2048x32xf32, #tpu.memory_space<vmem>>, vector<1x2048x32xf32>
    %swap3A_181 = vector.shape_cast %swap3A_180 : vector<1x2048x32xf32> to vector<2048x32xf32>
    %swap3A_182 = vector.shape_cast %add3A_176 : vector<2048x32xf32> to vector<1x2048x32xf32>
    tpu.vector_store %arg11[%swap3A_177, %swap3A_178, %swap3A_179], %swap3A_182 {strides = array<i32>} : memref<4x2048x32xf32, #tpu.memory_space<vmem>>, vector<1x2048x32xf32>,
    %mul3A_183 = arith.mulf %mul3A_142, %dot_general3A_69 : vector<2048x32xf32>
    %mul3A_184 = arith.mulf %sub3A_146, %dot_general3A_100 : vector<2048x32xf32>
    %add3A_185 = arith.addf %mul3A_183, %mul3A_184 : vector<2048x32xf32>
    %mul3A_186 = arith.mulf %dot_general3A_121, %sub3A_141 : vector<2048x32xf32>
    %add3A_187 = arith.addf %add3A_185, %mul3A_186 : vector<2048x32xf32>
    %mul3A_188 = arith.mulf %dot_general3A_69, %add3A_133 : vector<2048x32xf32>
    %mul3A_189 = arith.mulf %dot_general3A_128, %mul3A_188 : vector<2048x32xf32>
    %add3A_190 = arith.addf %add3A_187, %mul3A_189 : vector<2048x32xf32>
    %swap3A_191 = arith.constant 3 : index
    %swap3A_192 = arith.constant 0 : index
    %swap3A_193 = arith.constant 0 : index
    %swap3A_194 = vector.load %arg11[%swap3A_191, %swap3A_192, %swap3A_193] : memref<4x2048x32xf32, #tpu.memory_space<vmem>>, vector<1x2048x32xf32>
    %swap3A_195 = vector.shape_cast %swap3A_194 : vector<1x2048x32xf32> to vector<2048x32xf32>
    %swap3A_196 = vector.shape_cast %add3A_190 : vector<2048x32xf32> to vector<1x2048x32xf32>
    tpu.vector_store %arg11[%swap3A_191, %swap3A_192, %swap3A_193], %swap3A_196 {strides = array<i32>} : memref<4x2048x32xf32, #tpu.memory_space<vmem>>, vector<1x2048x32xf32>,
    return
  }
  func.func @transform_0(%arg0: i32) -> (i32, i32) {
    %c0_i32 = arith.constant 0 : i32
    %c0_i32_0 = arith.constant 0 : i32
    return %arg0, %c0_i32 : i32, i32
  }
  func.func @transform_1(%arg0: i32) -> (i32, i32) {
    %c0_i32 = arith.constant 0 : i32
    %c0_i32_0 = arith.constant 0 : i32
    return %arg0, %c0_i32 : i32, i32
  }
  func.func @transform_2(%arg0: i32) -> (i32, i32) {
    %c0_i32 = arith.constant 0 : i32
    %c0_i32_0 = arith.constant 0 : i32
    return %arg0, %c0_i32 : i32, i32
  }
  func.func @transform_3(%arg0: i32) -> (i32, i32) {
    %c0_i32 = arith.constant 0 : i32
    %c0_i32_0 = arith.constant 0 : i32
    %c0_i32_1 = arith.constant 0 : i32
    return %c0_i32, %c0_i32_0 : i32, i32
  }
  func.func @transform_4(%arg0: i32) -> (i32, i32) {
    %c0_i32 = arith.constant 0 : i32
    %c0_i32_0 = arith.constant 0 : i32
    %c0_i32_1 = arith.constant 0 : i32
    return %c0_i32, %c0_i32_0 : i32, i32
  }
  func.func @transform_5(%arg0: i32) -> (i32, i32) {
    %c0_i32 = arith.constant 0 : i32
    %c0_i32_0 = arith.constant 0 : i32
    %c0_i32_1 = arith.constant 0 : i32
    return %c0_i32, %c0_i32_0 : i32, i32
  }
  func.func @transform_6(%arg0: i32) -> (i32, i32) {
    %c0_i32 = arith.constant 0 : i32
    %c0_i32_0 = arith.constant 0 : i32
    %c0_i32_1 = arith.constant 0 : i32
    return %c0_i32, %c0_i32_0 : i32, i32
  }
  func.func @transform_7(%arg0: i32) -> (i32, i32, i32) {
    %c0_i32 = arith.constant 0 : i32
    %c0_i32_0 = arith.constant 0 : i32
    %c0_i32_1 = arith.constant 0 : i32
    %c0_i32_2 = arith.constant 0 : i32
    return %c0_i32, %c0_i32_0, %c0_i32_1 : i32, i32, i32
  }
  func.func @transform_8(%arg0: i32) -> (i32, i32, i32) {
    %c0_i32 = arith.constant 0 : i32
    %c0_i32_0 = arith.constant 0 : i32
    %c0_i32_1 = arith.constant 0 : i32
    %c0_i32_2 = arith.constant 0 : i32
    return %c0_i32, %c0_i32_0, %c0_i32_1 : i32, i32, i32
  }
  func.func @transform_9(%arg0: i32) -> (i32, i32, i32) {
    %c0_i32 = arith.constant 0 : i32
    %c0_i32_0 = arith.constant 0 : i32
    %c0_i32_1 = arith.constant 0 : i32
    %c0_i32_2 = arith.constant 0 : i32
    return %c0_i32, %c0_i32_0, %c0_i32_1 : i32, i32, i32
  }
  func.func @transform_10(%arg0: i32) -> (i32, i32, i32) {
    %c0_i32 = arith.constant 0 : i32
    %c0_i32_0 = arith.constant 0 : i32
    %c0_i32_1 = arith.constant 0 : i32
    return %c0_i32, %arg0, %c0_i32_0 : i32, i32, i32
  }
}

module attributes {stable_mosaic.version = 14 : i64} {
  func.func @_node_body(%arg0: i32, %arg1: memref<4x2048x32xf32, #tpu.memory_space<vmem>>, %arg2: memref<2048x128xf32, #tpu.memory_space<vmem>>, %arg3: memref<32x32xf32, #tpu.memory_space<vmem>>, %arg4: memref<32x32xf32, #tpu.memory_space<vmem>>, %arg5: memref<32x32xf32, #tpu.memory_space<vmem>>, %arg6: memref<32x32xf32, #tpu.memory_space<vmem>>, %arg7: memref<32x32xf32, #tpu.memory_space<vmem>>, %arg8: memref<2048x128xf32, #tpu.memory_space<vmem>>) attributes {dimension_semantics = [#tpu.dimension_semantics<arbitrary>], iteration_bounds = array<i64: 25>, scalar_prefetch = 0 : i64, scratch_operands = 0 : i64, tpu.core_type = #tpu.core_type<tc>, window_params = [{transform_indices = @transform_0, window_bounds = array<i64: 4, 2048, 32>}, {transform_indices = @transform_1, window_bounds = array<i64: 2048, 128>}, {pipeline_mode = #tpu.pipeline_mode<synchronous>, transform_indices = @transform_2, window_bounds = array<i64: 32, 32>}, {pipeline_mode = #tpu.pipeline_mode<synchronous>, transform_indices = @transform_3, window_bounds = array<i64: 32, 32>}, {pipeline_mode = #tpu.pipeline_mode<synchronous>, transform_indices = @transform_4, window_bounds = array<i64: 32, 32>}, {pipeline_mode = #tpu.pipeline_mode<synchronous>, transform_indices = @transform_5, window_bounds = array<i64: 32, 32>}, {pipeline_mode = #tpu.pipeline_mode<synchronous>, transform_indices = @transform_6, window_bounds = array<i64: 32, 32>}, {transform_indices = @transform_7, window_bounds = array<i64: 2048, 128>}]} {
    %get3A = arith.constant 0 : index
    %get3A_0 = arith.constant 0 : index
    %get3A_1 = vector.load %arg2[%get3A, %get3A_0] : memref<2048x128xf32, #tpu.memory_space<vmem>>, vector<2048x32xf32>
    %get3A_2 = arith.constant 0 : index
    %get3A_3 = arith.constant 0 : index
    %get3A_4 = arith.constant 0 : index
    %get3A_5 = vector.load %arg1[%get3A_2, %get3A_3, %get3A_4] : memref<4x2048x32xf32, #tpu.memory_space<vmem>>, vector<1x2048x32xf32>
    %get3A_6 = vector.shape_cast %get3A_5 : vector<1x2048x32xf32> to vector<2048x32xf32>
    %mul3A = arith.constant 0.176776692 : f32
    %mul3A_7 = vector.broadcast %mul3A : f32 to vector<2048x32xf32>
    %mul3A_8 = arith.mulf %get3A_6, %mul3A_7 : vector<2048x32xf32>
    %get3A_9 = arith.constant 0 : index
    %get3A_10 = arith.constant 0 : index
    %get3A_11 = vector.load %arg3[%get3A_9, %get3A_10] : memref<32x32xf32, #tpu.memory_space<vmem>>, vector<32x32xf32>
    %dot_general3A = arith.constant dense<0.000000e+00> : vector<2048x32xf32>
    %dot_general3A_12 = tpu.matmul %mul3A_8, %get3A_11, %dot_general3A {dimension_numbers = #tpu.dot_dimension_numbers<[1], [0], [0], [1], [0, 0, 1, 1], [], []>, transpose_lhs_hint = false} : vector<2048x32xf32>, vector<32x32xf32>, vector<2048x32xf32> -> vector<2048x32xf32>
    %get3A_13 = arith.constant 0 : index
    %get3A_14 = arith.constant 0 : index
    %get3A_15 = vector.load %arg4[%get3A_13, %get3A_14] : memref<32x32xf32, #tpu.memory_space<vmem>>, vector<32x32xf32>
    %dot_general3A_16 = arith.constant dense<0.000000e+00> : vector<2048x32xf32>
    %dot_general3A_17 = tpu.matmul %get3A_1, %get3A_15, %dot_general3A_16 {dimension_numbers = #tpu.dot_dimension_numbers<[1], [0], [0], [1], [0, 0, 1, 1], [], []>, transpose_lhs_hint = false} : vector<2048x32xf32>, vector<32x32xf32>, vector<2048x32xf32> -> vector<2048x32xf32>
    %add3A = arith.addf %dot_general3A_12, %dot_general3A_17 : vector<2048x32xf32>
    %get3A_18 = arith.constant 0 : index
    %get3A_19 = arith.constant 0 : index
    %get3A_20 = vector.load %arg5[%get3A_18, %get3A_19] : memref<32x32xf32, #tpu.memory_space<vmem>>, vector<32x32xf32>
    %get3A_21 = arith.constant 1 : index
    %get3A_22 = arith.constant 0 : index
    %get3A_23 = arith.constant 0 : index
    %get3A_24 = vector.load %arg1[%get3A_21, %get3A_22, %get3A_23] : memref<4x2048x32xf32, #tpu.memory_space<vmem>>, vector<1x2048x32xf32>
    %get3A_25 = vector.shape_cast %get3A_24 : vector<1x2048x32xf32> to vector<2048x32xf32>
    %mul3A_26 = arith.constant 0.176776692 : f32
    %mul3A_27 = vector.broadcast %mul3A_26 : f32 to vector<2048x32xf32>
    %mul3A_28 = arith.mulf %get3A_25, %mul3A_27 : vector<2048x32xf32>
    %dot_general3A_29 = arith.constant dense<0.000000e+00> : vector<2048x32xf32>
    %dot_general3A_30 = tpu.matmul %mul3A_28, %get3A_20, %dot_general3A_29 {dimension_numbers = #tpu.dot_dimension_numbers<[1], [0], [0], [1], [0, 0, 1, 1], [], []>, transpose_lhs_hint = false} : vector<2048x32xf32>, vector<32x32xf32>, vector<2048x32xf32> -> vector<2048x32xf32>
    %get3A_31 = arith.constant 2 : index
    %get3A_32 = arith.constant 0 : index
    %get3A_33 = arith.constant 0 : index
    %get3A_34 = vector.load %arg1[%get3A_31, %get3A_32, %get3A_33] : memref<4x2048x32xf32, #tpu.memory_space<vmem>>, vector<1x2048x32xf32>
    %get3A_35 = vector.shape_cast %get3A_34 : vector<1x2048x32xf32> to vector<2048x32xf32>
    %mul3A_36 = arith.constant 0.176776692 : f32
    %mul3A_37 = vector.broadcast %mul3A_36 : f32 to vector<2048x32xf32>
    %mul3A_38 = arith.mulf %get3A_35, %mul3A_37 : vector<2048x32xf32>
    %dot_general3A_39 = arith.constant dense<0.000000e+00> : vector<2048x32xf32>
    %dot_general3A_40 = tpu.matmul %mul3A_38, %get3A_20, %dot_general3A_39 {dimension_numbers = #tpu.dot_dimension_numbers<[1], [0], [0], [1], [0, 0, 1, 1], [], []>, transpose_lhs_hint = false} : vector<2048x32xf32>, vector<32x32xf32>, vector<2048x32xf32> -> vector<2048x32xf32>
    %get3A_41 = arith.constant 3 : index
    %get3A_42 = arith.constant 0 : index
    %get3A_43 = arith.constant 0 : index
    %get3A_44 = vector.load %arg1[%get3A_41, %get3A_42, %get3A_43] : memref<4x2048x32xf32, #tpu.memory_space<vmem>>, vector<1x2048x32xf32>
    %get3A_45 = vector.shape_cast %get3A_44 : vector<1x2048x32xf32> to vector<2048x32xf32>
    %mul3A_46 = arith.constant 0.176776692 : f32
    %mul3A_47 = vector.broadcast %mul3A_46 : f32 to vector<2048x32xf32>
    %mul3A_48 = arith.mulf %get3A_45, %mul3A_47 : vector<2048x32xf32>
    %dot_general3A_49 = arith.constant dense<0.000000e+00> : vector<2048x32xf32>
    %dot_general3A_50 = tpu.matmul %mul3A_48, %get3A_20, %dot_general3A_49 {dimension_numbers = #tpu.dot_dimension_numbers<[1], [0], [0], [1], [0, 0, 1, 1], [], []>, transpose_lhs_hint = false} : vector<2048x32xf32>, vector<32x32xf32>, vector<2048x32xf32> -> vector<2048x32xf32>
    %get3A_51 = arith.constant 0 : index
    %get3A_52 = arith.constant 0 : index
    %get3A_53 = vector.load %arg6[%get3A_51, %get3A_52] : memref<32x32xf32, #tpu.memory_space<vmem>>, vector<32x32xf32>
    %get3A_54 = arith.constant 0 : index
    %get3A_55 = arith.constant 32 : index
    %get3A_56 = vector.load %arg2[%get3A_54, %get3A_55] : memref<2048x128xf32, #tpu.memory_space<vmem>>, vector<2048x32xf32>
    %dot_general3A_57 = arith.constant dense<0.000000e+00> : vector<2048x32xf32>
    %dot_general3A_58 = tpu.matmul %get3A_56, %get3A_53, %dot_general3A_57 {dimension_numbers = #tpu.dot_dimension_numbers<[1], [0], [0], [1], [0, 0, 1, 1], [], []>, transpose_lhs_hint = false} : vector<2048x32xf32>, vector<32x32xf32>, vector<2048x32xf32> -> vector<2048x32xf32>
    %add3A_59 = arith.addf %dot_general3A_30, %dot_general3A_58 : vector<2048x32xf32>
    %get3A_60 = arith.constant 0 : index
    %get3A_61 = arith.constant 64 : index
    %get3A_62 = vector.load %arg2[%get3A_60, %get3A_61] : memref<2048x128xf32, #tpu.memory_space<vmem>>, vector<2048x32xf32>
    %dot_general3A_63 = arith.constant dense<0.000000e+00> : vector<2048x32xf32>
    %dot_general3A_64 = tpu.matmul %get3A_62, %get3A_53, %dot_general3A_63 {dimension_numbers = #tpu.dot_dimension_numbers<[1], [0], [0], [1], [0, 0, 1, 1], [], []>, transpose_lhs_hint = false} : vector<2048x32xf32>, vector<32x32xf32>, vector<2048x32xf32> -> vector<2048x32xf32>
    %add3A_65 = arith.addf %dot_general3A_40, %dot_general3A_64 : vector<2048x32xf32>
    %get3A_66 = arith.constant 0 : index
    %get3A_67 = arith.constant 96 : index
    %get3A_68 = vector.load %arg2[%get3A_66, %get3A_67] : memref<2048x128xf32, #tpu.memory_space<vmem>>, vector<2048x32xf32>
    %dot_general3A_69 = arith.constant dense<0.000000e+00> : vector<2048x32xf32>
    %dot_general3A_70 = tpu.matmul %get3A_68, %get3A_53, %dot_general3A_69 {dimension_numbers = #tpu.dot_dimension_numbers<[1], [0], [0], [1], [0, 0, 1, 1], [], []>, transpose_lhs_hint = false} : vector<2048x32xf32>, vector<32x32xf32>, vector<2048x32xf32> -> vector<2048x32xf32>
    %add3A_71 = arith.addf %dot_general3A_50, %dot_general3A_70 : vector<2048x32xf32>
    %get3A_72 = arith.constant 0 : index
    %get3A_73 = arith.constant 0 : index
    %get3A_74 = vector.load %arg7[%get3A_72, %get3A_73] : memref<32x32xf32, #tpu.memory_space<vmem>>, vector<32x32xf32>
    %dot_general3A_75 = arith.constant dense<0.000000e+00> : vector<2048x32xf32>
    %dot_general3A_76 = tpu.matmul %add3A, %get3A_74, %dot_general3A_75 {dimension_numbers = #tpu.dot_dimension_numbers<[1], [0], [0], [1], [0, 0, 1, 1], [], []>, transpose_lhs_hint = false} : vector<2048x32xf32>, vector<32x32xf32>, vector<2048x32xf32> -> vector<2048x32xf32>
    %logistic3A = arith.negf %dot_general3A_76 : vector<2048x32xf32>
    %logistic3A_77 = math.exp %logistic3A : vector<2048x32xf32>
    %logistic3A_78 = arith.constant 1.000000e+00 : f32
    %logistic3A_79 = vector.broadcast %logistic3A_78 : f32 to vector<2048x32xf32>
    %logistic3A_80 = arith.addf %logistic3A_79, %logistic3A_77 : vector<2048x32xf32>
    %logistic3A_81 = arith.divf %logistic3A_79, %logistic3A_80 : vector<2048x32xf32>
    %mul3A_82 = arith.constant 5.000000e-01 : f32
    %mul3A_83 = vector.broadcast %mul3A_82 : f32 to vector<2048x32xf32>
    %mul3A_84 = arith.mulf %logistic3A_81, %mul3A_83 : vector<2048x32xf32>
    %logistic3A_85 = arith.negf %add3A : vector<2048x32xf32>
    %logistic3A_86 = math.exp %logistic3A_85 : vector<2048x32xf32>
    %logistic3A_87 = arith.constant 1.000000e+00 : f32
    %logistic3A_88 = vector.broadcast %logistic3A_87 : f32 to vector<2048x32xf32>
    %logistic3A_89 = arith.addf %logistic3A_88, %logistic3A_86 : vector<2048x32xf32>
    %logistic3A_90 = arith.divf %logistic3A_88, %logistic3A_89 : vector<2048x32xf32>
    %mul3A_91 = arith.mulf %add3A, %logistic3A_90 : vector<2048x32xf32>
    %swap3A = arith.constant 0 : index
    %swap3A_92 = arith.constant 0 : index
    %swap3A_93 = vector.load %arg8[%swap3A, %swap3A_92] : memref<2048x128xf32, #tpu.memory_space<vmem>>, vector<2048x32xf32>
    tpu.vector_store %arg8[%swap3A, %swap3A_92], %mul3A_91 {strides = array<i32>} : memref<2048x128xf32, #tpu.memory_space<vmem>>, vector<2048x32xf32>,
    %mul3A_94 = arith.mulf %add3A_59, %mul3A_84 : vector<2048x32xf32>
    %swap3A_95 = arith.constant 0 : index
    %swap3A_96 = arith.constant 32 : index
    %swap3A_97 = vector.load %arg8[%swap3A_95, %swap3A_96] : memref<2048x128xf32, #tpu.memory_space<vmem>>, vector<2048x32xf32>
    tpu.vector_store %arg8[%swap3A_95, %swap3A_96], %mul3A_94 {strides = array<i32>} : memref<2048x128xf32, #tpu.memory_space<vmem>>, vector<2048x32xf32>,
    %mul3A_98 = arith.mulf %add3A_65, %mul3A_84 : vector<2048x32xf32>
    %swap3A_99 = arith.constant 0 : index
    %swap3A_100 = arith.constant 64 : index
    %swap3A_101 = vector.load %arg8[%swap3A_99, %swap3A_100] : memref<2048x128xf32, #tpu.memory_space<vmem>>, vector<2048x32xf32>
    tpu.vector_store %arg8[%swap3A_99, %swap3A_100], %mul3A_98 {strides = array<i32>} : memref<2048x128xf32, #tpu.memory_space<vmem>>, vector<2048x32xf32>,
    %mul3A_102 = arith.mulf %add3A_71, %mul3A_84 : vector<2048x32xf32>
    %swap3A_103 = arith.constant 0 : index
    %swap3A_104 = arith.constant 96 : index
    %swap3A_105 = vector.load %arg8[%swap3A_103, %swap3A_104] : memref<2048x128xf32, #tpu.memory_space<vmem>>, vector<2048x32xf32>
    tpu.vector_store %arg8[%swap3A_103, %swap3A_104], %mul3A_102 {strides = array<i32>} : memref<2048x128xf32, #tpu.memory_space<vmem>>, vector<2048x32xf32>,
    return
  }
  func.func @transform_0(%arg0: i32) -> (i32, i32, i32) {
    %c0_i32 = arith.constant 0 : i32
    %c0_i32_0 = arith.constant 0 : i32
    %c0_i32_1 = arith.constant 0 : i32
    return %c0_i32, %arg0, %c0_i32_0 : i32, i32, i32
  }
  func.func @transform_1(%arg0: i32) -> (i32, i32) {
    %c0_i32 = arith.constant 0 : i32
    %c0_i32_0 = arith.constant 0 : i32
    return %arg0, %c0_i32 : i32, i32
  }
  func.func @transform_2(%arg0: i32) -> (i32, i32) {
    %c0_i32 = arith.constant 0 : i32
    %c0_i32_0 = arith.constant 0 : i32
    %c0_i32_1 = arith.constant 0 : i32
    return %c0_i32, %c0_i32_0 : i32, i32
  }
  func.func @transform_3(%arg0: i32) -> (i32, i32) {
    %c0_i32 = arith.constant 0 : i32
    %c0_i32_0 = arith.constant 0 : i32
    %c0_i32_1 = arith.constant 0 : i32
    return %c0_i32, %c0_i32_0 : i32, i32
  }
  func.func @transform_4(%arg0: i32) -> (i32, i32) {
    %c0_i32 = arith.constant 0 : i32
    %c0_i32_0 = arith.constant 0 : i32
    %c0_i32_1 = arith.constant 0 : i32
    return %c0_i32, %c0_i32_0 : i32, i32
  }
  func.func @transform_5(%arg0: i32) -> (i32, i32) {
    %c0_i32 = arith.constant 0 : i32
    %c0_i32_0 = arith.constant 0 : i32
    %c0_i32_1 = arith.constant 0 : i32
    return %c0_i32, %c0_i32_0 : i32, i32
  }
  func.func @transform_6(%arg0: i32) -> (i32, i32) {
    %c0_i32 = arith.constant 0 : i32
    %c0_i32_0 = arith.constant 0 : i32
    %c0_i32_1 = arith.constant 0 : i32
    return %c0_i32, %c0_i32_0 : i32, i32
  }
  func.func @transform_7(%arg0: i32) -> (i32, i32) {
    %c0_i32 = arith.constant 0 : i32
    %c0_i32_0 = arith.constant 0 : i32
    return %arg0, %c0_i32 : i32, i32
  }
}

</mosaic_0001>

<sc_bundles>
// kernel: kernel.14.cloned.1.call-start
scs
__scs_entry_jumppad:
0x0: {  	(pc) =	sbr.rel $0x88, $3  }
0x1: {  	(tag) =	ssettag $0x0;
	lr =	simm.s32 $0x1  }
0x2: {  	[smem:$0x3F88] =	sst lr;
	_ =	strace $0xD0000000  }
0x3: {  	_ = 	snop  }
0x4: {  	_ = 	snop  }
0x5: {  	_ = 	snop  }
0x6: {  	_ = 	snop  }
0x7: {  	_ = 	snop  }
__scs_overlays_trampoline_lowered:
0x8: {  	[smem:$0x3F97] =	sst s0  }
0x9: {  	[smem:$0x3F98] =	sst s1  }
0xa: {  	[smem:$0x3F99] =	sst s2  }
0xb: {  	[smem:$0x3F9A] =	sst s3  }
0xc: {  	[smem:$0x3F9B] =	sst s4  }
0xd: {  	[smem:$0x3F9C] =	sst s5  }
0xe: {  	[smem:$0x3F9D] =	sst s6  }
0xf: {  	[smem:$0x3F9E] =	sst s7  }
0x10: {  	[smem:$0x3F9F] =	sst s8  }
0x11: {  	[smem:$0x3FA0] =	sst s9;
	s0 =	simm.s32 @!p0 $0x0  }
0x12: {  	s1 =	sld [smem:$0x3F86];
	s0 =	simm.s32 @p0 $0x1  }
0x13: {  	[smem:$0x3FA1] =	sst s0;
	s0 =	simm.s32 @!p1 $0x0  }
0x14: {  	s2 =	sld [smem:$0x3F85];
	s0 =	simm.s32 @p1 $0x1  }
0x15: {  	[smem:$0x3FA2] =	sst s0;
	s0 =	simm.s32 @!p2 $0x0  }
0x16: {  	s3 =	sld [smem:$0x3FDB];
	s0 =	simm.s32 @p2 $0x1  }
0x17: {  	s4 =	simm.s32 $0x1BF5;
	[smem:$0x3FA4] =	sst s0  }
0x18: {  	s0 =	sld [smem:$0x3F87];
	_ =	swait.ge [sflag:s4], $0x0  }
0x19: {  	s7 =	sld [smem:$0x3F88]  }
0x1a: {  	s8 =	sadd.s32 $0xFFFFE003, lr  }
0x1b: {  	s9 =	sadd.s32 $0xFFFFFEF7, lr;
	s5 =	simm.s32 $0xFFFFFFFF;
	p2 =	slt.u32 s8, $0xFFFFF086  }
0x1c: {  	p1 =	slt.u32 s9, $0xF7A;
	s5 =	simm.s32 @!p2 $0x0  }
0x1d: {  	s5 =	simm.s32 @p1 $0x1;
	p0 =	seq.s32 s7, s2  }
0x1e: {  	s7 =	smul.u32 @!p0 $0xF7A, s2;
	p2 =	seq.s32 @!p0 s5, $0x0  }
0x1f: {  	s9 =	smul.u32 $0xF7A, s1;
	s8 =	simm.s32 @!p0 $0x1BF5;
	p2 =	por !p2, p0  }
0x20: {  	[sflag:s8] =	ssyncset.s32 @!p0 $0xFFFFF086;
	s6 =	sadd.s32 @!p0 s3, s7;
	s7 =	simm.s32 @!p0 $0x108  }
0x21: {  	s3 =	sadd.s32 s3, s9;
	s6 =	sadd.s32 @!p0 $0x88, s6;
	s7 =	simm.s32 @p2 $0x1082  }
0x22: {  	[simem:s7], [sflag:s8] =	dma.local @!p0 [hbm:s6], $0xF7A  }
0x23: {  	s9 =	sor.u32 $0xD0000000, s2;
	s6 =	simm.s32 $0x108;
	_ =	swait.ge @!p0 [sflag:s8], $0x0  }
0x24: {  	s3 =	sadd.s32 $0x88, s3;
	s6 =	simm.s32 @!p1 $0x1082;
	[sflag:s4] =	ssyncset.s32 $0xFFFFF086  }
0x25: {  	[simem:s6], [sflag:s4] =	dma.local [hbm:s3], $0xF7A  }
0x26: {  	[smem:$0x3F88] =	sst s1;
	(tag) =	ssettag s2;
	_ =	strace s9  }
0x27: {  	s1 =	sld [smem:$0x3F98]  }
0x28: {  	s2 =	sld [smem:$0x3F99]  }
0x29: {  	s4 =	sld [smem:$0x3F9B]  }
0x2a: {  	p0 =	seq.s32 s5, $0x0;
	s5 =	sld [smem:$0x3F9C]  }
0x2b: {  	s6 =	sld [smem:$0x3F9D]  }
0x2c: {  	s7 =	sld [smem:$0x3F9E]  }
0x2d: {  	s3 =	simm.s32 $0x108;
	s8 =	sld [smem:$0x3F9F]  }
0x2e: {  	s3 =	simm.s32 @!p0 $0x1082;
	s9 =	sld [smem:$0x3FA0]  }
0x2f: {  	lr =	sadd.s32 s0, s3;
	s0 =	sld [smem:$0x3F97]  }
0x30: {  	s3 =	sld [smem:$0x3F9A]  }
0x31: {  	[smem:$0x3FA3] =	sst s10  }
0x32: {  	s10 =	sld [smem:$0x3FA1];
	_ =	sdelay $0x3  }
0x33: {  	p0 =	seq.s32 s10, $0x1;
	s10 =	sld [smem:$0x3FA3];
	_ =	sdelay $0x3  }
0x34: {  	[smem:$0x3FA3] =	sst s10  }
0x35: {  	s10 =	sld [smem:$0x3FA2];
	_ =	sdelay $0x3  }
0x36: {  	p1 =	seq.s32 s10, $0x1;
	s10 =	sld [smem:$0x3FA3];
	_ =	sdelay $0x3  }
0x37: {  	[smem:$0x3FA3] =	sst s10  }
0x38: {  	s10 =	sld [smem:$0x3FA4]  }
0x39: {  	_ = 	snop;
	(pc) =	sbr.ind lr, $3  }
0x3a: {  	_ = 	snop  }
0x3b: {  	_ = 	snop  }
0x3c: {  	p2 =	seq.s32 s10, $0x1;
	s10 =	sld [smem:$0x3FA3]  }
0x3d: {  	_ =	shalt  }
0x3e: {  	_ =	shalt  }
0x3f: {  	_ =	shalt  }
0x40: {  	_ =	shalt  }
0x41: {  	_ =	shalt  }
0x42: {  	_ =	shalt  }
0x43: {  	_ =	shalt  }
0x44: {  	_ =	shalt  }
0x45: {  	_ =	shalt  }
0x46: {  	_ =	shalt  }
0x47: {  	_ =	shalt  }
0x48: {  	_ =	shalt  }
0x49: {  	_ =	shalt  }
0x4a: {  	_ =	shalt  }
0x4b: {  	_ =	shalt  }
0x4c: {  	_ =	shalt  }
0x4d: {  	_ =	shalt  }
0x4e: {  	_ =	shalt  }
0x4f: {  	_ =	shalt  }
0x50: {  	_ =	shalt  }
0x51: {  	_ =	shalt  }
0x52: {  	_ =	shalt  }
0x53: {  	_ =	shalt  }
0x54: {  	_ =	shalt  }
0x55: {  	_ =	shalt  }
0x56: {  	_ =	shalt  }
0x57: {  	_ =	shalt  }
0x58: {  	_ =	shalt  }
0x59: {  	_ =	shalt  }
0x5a: {  	_ =	shalt  }
0x5b: {  	_ =	shalt  }
0x5c: {  	_ =	shalt  }
0x5d: {  	_ =	shalt  }
0x5e: {  	_ =	shalt  }
0x5f: {  	_ =	shalt  }
0x60: {  	_ =	shalt  }
0x61: {  	_ =	shalt  }
0x62: {  	_ =	shalt  }
0x63: {  	_ =	shalt  }
0x64: {  	_ =	shalt  }
0x65: {  	_ =	shalt  }
0x66: {  	_ =	shalt  }
0x67: {  	_ =	shalt  }
0x68: {  	_ =	shalt  }
0x69: {  	_ =	shalt  }
0x6a: {  	_ =	shalt  }
0x6b: {  	_ =	shalt  }
0x6c: {  	_ =	shalt  }
0x6d: {  	_ =	shalt  }
0x6e: {  	_ =	shalt  }
0x6f: {  	_ =	shalt  }
0x70: {  	_ =	shalt  }
0x71: {  	_ =	shalt  }
0x72: {  	_ =	shalt  }
0x73: {  	_ =	shalt  }
0x74: {  	_ =	shalt  }
0x75: {  	_ =	shalt  }
0x76: {  	_ =	shalt  }
0x77: {  	_ =	shalt  }
0x78: {  	_ =	shalt  }
0x79: {  	_ =	shalt  }
0x7a: {  	_ =	shalt  }
0x7b: {  	_ =	shalt  }
0x7c: {  	_ =	shalt  }
0x7d: {  	_ =	shalt  }
0x7e: {  	_ =	shalt  }
0x7f: {  	_ =	shalt  }
0x80: {  	_ =	shalt  }
0x81: {  	_ =	shalt  }
0x82: {  	_ =	shalt  }
0x83: {  	_ =	shalt  }
0x84: {  	_ =	shalt  }
0x85: {  	_ =	shalt  }
0x86: {  	_ =	shalt  }
0x87: {  	_ =	shalt  }
.Lfunc_end0:
.L_simem_size_0:
called_computation_lowered:
.L_overlay_start_0:
0x88: {  	s2 =	sld [smem:$0x3FD9]  }
0x89: {  	s3 =	sld [smem:$0x3FFE];
	_ =	sdelay $0x1  }
0x8a: {  	s1 =	srdreg.scid  }
0x8b: {  	s0 =	sand.u32 $0x1, s1  }
0x8c: {  	s16 =	sshll.u32 s0, $0xA;
	s2 =	sadd.s32 s3, s2  }
0x8d: {  	s2 =	sadd.s32 s2, s16  }
0x8e: {  	[smem:$0x3FAF] =	sst s2  }
0x8f: {  	_ = 	snop  }
0x90: {  	(tm) =	ssettm $0x1  }
0x91: {  	s17 =	sld [smem:$0x3FFB];
	_ =	sdelay $0x3  }
0x92: {  	_ =	strace s17  }
0x93: {  	s2 =	sld [smem:$0x3FFC];
	_ =	sdelay $0x3  }
0x94: {  	_ =	strace s2  }
0x95: {  	s2 =	sld [smem:$0x3FFD];
	_ =	sdelay $0x3  }
0x96: {  	_ =	strace s2  }
0x97: {  	_ =	strace $0x8FFFFFFF  }
0x98: {  	s18 =	sld [smem:$0x3FDB];
	_ =	sdelay $0x1  }
0x99: {  	s19 =	simm.s32 $_scs_section_size  }
0x9a: {  	s4 =	simm.s32 $_size__tile_overlayer_lowered;
	s5 =	simm.s32 $_tile_overlayer_lowered  }
0x9b: {  	s22 =	simm.s32 $0x1BFF;
	s21 =	sshll.u32 s5, $0x1;
	s2 =	sadd.s32 s19, s18  }
0x9c: {  	s6 =	simm.s32 $0x0;
	s20 =	sshll.u32 s4, $0x1;
	s4 =	sadd.s32 s21, s2  }
0x9d: {  	[timem:s6], [sflag:s22] =	dma.local [hbm:s4], s20  }
0x9e: {  	_ =	swait.ge [sflag:s22], s20  }
0x9f: {  	s3 =	ssub.s32 $0x0, s20;
	[sflag:s22] =	ssyncset.done $0x0  }
0xa0: {  	[sflag:s22] =	ssyncadd.s32 s3;
	_ =	sdelay $0x1  }
0xa1: {  	s23 =	simm.s32 $0x1B8B  }
0xa2: {  	_ =	swait.ge [sflag:s23], $0x1  }
0xa3: {  	[sflag:s23] =	ssyncset.done $0x0  }
0xa4: {  	s25 =	simm.s32 $0x1B8E;
	s24 =	sld [smem:$0x3FFE];
	[sflag:s23] =	ssyncadd.s32 $0xFFFFFFFF  }
0xa5: {  	s26 =	simm.s32 $execute0_lowered;
	[smem:$0x3FD2] =	sst s25  }
0xa6: {  	s4 =	sshll.u32 s26, $0x1;
	_ =	strace $0x80000046;
	[dreg:$0x1] =	wrdreg $0xFFFFFFFF  }
0xa7: {  	s28 =	simm.s32 $_size_execute0_lowered;
	s2 =	sadd.s32 s2, s4;
	[dreg:$0x0] =	wrdreg $0x0  }
0xa8: {  	s4 =	sshll.u32 s28, $0x1;
	[dreg:$0x2] =	wrdreg s2  }
0xa9: {  	[dreg:$0x3] =	wrdreg s4  }
0xaa: {  	[dreg:$0x4] =	wrdreg $0xC0  }
0xab: {  	_ =	task [dreg:s6], $0x5FFFF  }
0xac: {  	[dreg:$0x1] =	wrdreg $0xFFFFFFFF  }
0xad: {  	[dreg:$0x0] =	wrdreg $0x60  }
0xae: {  	[dreg:$0x2] =	wrdreg s24  }
0xaf: {  	[dreg:$0x3] =	wrdreg $0x9  }
0xb0: {  	_ =	task.clear_ibuf [dreg:s6], $0x4FFFF;
	_ =	strace $0x90000046  }
0xb1: {  	s29 =	simm.s32 $0x9;
	_ =	strace $0x80000048  }
0xb2: {  	_ =	swait.ge [sflag:s29], $0x1  }
0xb3: {  	[sflag:s29] =	ssyncadd.s32 $0xFFFFFFFF  }
0xb4: {  	_ =	strace $0x90000048  }
0xb5: {  	_ =	sfence  }
0xb6: {  	s30 =	sld [smem:$0x0];
	_ =	sdelay $0x2  }
0xb7: {  	s31 =	sshll.u32 s1, $0xD;
	s1 =	sshrl.u32 s1, $0x2  }
0xb8: {  	s3 =	sand.u32 $0x4000, s31;
	s1 =	sadd.s32 s1, s30  }
0xb9: {  	s0 =	sor.u32 s3, s0;
	s1 =	sshll.u32 s1, $0x11  }
0xba: {  	s0 =	sor.u32 s1, s0  }
0xbb: {  	s0 =	sadd.s32 $0x8F2B, s0  }
0xbc: {  	[sflag:s0] =	ssyncadd.remote.s32 $0x1  }
0xbd: {  	_ =	sfence.sel $0xFFFF  }
0xbe: {  	[dreg:$0x0] =	wrdreg $0xFFFFFFFF;
	(pc) =	sbr.abs _section_cstart, $3  }
0xbf: {  	[dreg:$0x1] =	wrdreg $0xFFFFFFFF  }
0xc0: {  	_ =	task.clear_ibuf [dreg:s6], $0x2FFFF;
	_ =	strace $0x9FFFFFFF  }
0xc1: {  	(tm) =	ssettm $0x7FFFFFFF  }
tec
execute0_lowered:
.L_overlay_start_1:
0x0: {  	(tag) =	ssettag $0x1  }
0x1: {  	s4 =	rddreg [dreg:$0x0]  }
0x2: {  	s0 =	rddreg [dreg:$0x1]  }
0x3: {  	s3 =	srdreg.scid;
	s1 =	stileid.u32;
	s2 =	simm.s32 $0x0  }
0x4: {  	s11 =	simm.s32 $0xCC00;
	s12 =	simm.s32 $0xD000;
	s13 =	simm.s32 $0x1  }
0x5: {  	s14 =	simm.s32 $0x0;
	s5 =	sand.u32 $0x1, s3;
	s28 =	sshll.u32 s1, $0x1  }
0x6: {  	[smem:$0x7FF] =	sst s2;
	s7 =	smul.u32 $0x18800, s1;
	s3 =	sor.u32 s5, s28  }
0x7: {  	_ =	strace $0x80000047;
	s8 =	ssub.s32 $0x2, s5;
	s10 =	smul.u32 $0xC400, s5  }
0x8: {  	s6 =	smul.u32 $0xC400, s3;
	s3 =	sadd.s32 $0x7E00, s4;
	s9 =	sshrl.u32 s8, $0x1  }
0x9: {  	s30 =	sadd.s32 s7, s4;
	s7 =	simm.s32 $0x2;
	s31 =	ssub.s32 s8, s9  }
0xa: {  	s8 =	simm.s32 $0x80;
	s9 =	simm.s32 $0xC400;
	s6 =	sshrl.u32 s6, $0x3  }
0xb: {  	s5 =	smax.u32 s31, $0x1;
	s29 =	sadd.s32 s6, s4;
	s6 =	sadd.s32 s10, s30  }
0xc: {  	s10 =	simm.s32 $0xC800;
	s4 =	sadd.s32 $0x14600, s29;
	s6 =	sadd.s32 $0x45600, s6  }
.LBB2_1:
0xd: {  	[tilespmem:s2], [sflag:$0x2] =	stream.linear.gather [hbm4b:s4+s2], $0xC400, $0x38;
	[tilespmem:$0xD400] =	vst v63  }
0xe: {  	_ =	swait.ge [sflag:s7], $0xC400  }
0xf: {  	[sflag:s7] =	ssyncset.done $0x0  }
0x10: {  	s15 =	simm.s32 $0x0;
	[sflag:s7] =	ssyncadd.s32 $0xFFFF3C00  }
0x11: {  	[tilespmem:s9], [sflag:$0x1] =	stream.indirect.gather [hbm4b:s3+s8], $0x8, s15, s8, $0xb8;
	[tilespmem:$0xD400] =	vst v63  }
0x12: {  	s28 =	simm.s32 $0x80  }
0x13: {  	[tilespmem:s10], [sflag:$0x1] =	stream.indirect.gather [hbm4b:s3+s8], $0x8, s28, s8, $0xb8;
	[tilespmem:$0xD400] =	vst v63  }
0x14: {  	s29 =	simm.s32 $0x100  }
0x15: {  	[tilespmem:s11], [sflag:$0x1] =	stream.indirect.gather [hbm4b:s3+s8], $0x8, s29, s8, $0xb8;
	[tilespmem:$0xD400] =	vst v63  }
0x16: {  	s30 =	simm.s32 $0x180  }
0x17: {  	[tilespmem:s12], [sflag:$0x1] =	stream.indirect.gather [hbm4b:s3+s8], $0x8, s30, s8, $0xb8;
	[tilespmem:$0xD400] =	vst v63  }
0x18: {  	_ =	swait.ge [sflag:s13], $0x400  }
0x19: {  	[sflag:s13] =	ssyncset.done $0x0  }
0x1a: {  	[sflag:s13] =	ssyncadd.s32 $0xFFFFFC00  }
0x1b: {  	_ =	swait.ge [sflag:s13], $0x400  }
0x1c: {  	[sflag:s13] =	ssyncset.done $0x0  }
0x1d: {  	[sflag:s13] =	ssyncadd.s32 $0xFFFFFC00  }
0x1e: {  	_ =	swait.ge [sflag:s13], $0x400  }
0x1f: {  	[sflag:s13] =	ssyncset.done $0x0  }
0x20: {  	[sflag:s13] =	ssyncadd.s32 $0xFFFFFC00  }
0x21: {  	_ =	swait.ge [sflag:s13], $0x400  }
0x22: {  	[sflag:s13] =	ssyncset.done $0x0  }
0x23: {  	s31 =	sadd.s32 $0x0, s6;
	[sflag:s13] =	ssyncadd.s32 $0xFFFFFC00  }
0x24: {  	[hbm4b:s31+s2] =	stream.linear.scatter [tilespmem:s9], [sflag:$0x2], $0x1000, $0x38;
	[tilespmem:$0xD400] =	vst v63  }
0x25: {  	s17 =	simm.s32 $0x400;
	_ =	swait.ge [sflag:s7], $0x1000  }
0x26: {  	s16 =	simm.s32 $0x380;
	s15 =	simm.s32 $0x200;
	[sflag:s7] =	ssyncset.done $0x0  }
.LBB2_2:
0x27: {  	p0 =	sne.s32 s17, $0xC200;
	s18 =	sadd.s32 $0xFFFFFE80, s16;
	[sflag:s7] =	ssyncadd.s32 $0xFFFFF000  }
0x28: {  	[tilespmem:s9], [sflag:$0x1] =	stream.indirect.gather [hbm4b:s3+s8], $0x8, s18, s8, $0xb8;
	[tilespmem:$0xD400] =	vst v63  }
0x29: {  	s19 =	smov.u32 s17;
	s17 =	sadd.s32 $0x200, s17;
	s18 =	sadd.s32 $0xFFFFFF00, s16  }
0x2a: {  	[tilespmem:s10], [sflag:$0x1] =	stream.indirect.gather [hbm4b:s3+s8], $0x8, s18, s8, $0xb8;
	[tilespmem:$0xD400] =	vst v63  }
0x2b: {  	s18 =	sadd.s32 $0xFFFFFF80, s16  }
0x2c: {  	[tilespmem:s11], [sflag:$0x1] =	stream.indirect.gather [hbm4b:s3+s8], $0x8, s18, s8, $0xb8;
	[tilespmem:$0xD400] =	vst v63  }
0x2d: {  	_ = 	snop  }
0x2e: {  	[tilespmem:s12], [sflag:$0x1] =	stream.indirect.gather [hbm4b:s3+s8], $0x8, s16, s8, $0xb8;
	[tilespmem:$0xD400] =	vst v63  }
0x2f: {  	_ =	swait.ge [sflag:s13], $0x400  }
0x30: {  	[sflag:s13] =	ssyncset.done $0x0  }
0x31: {  	[sflag:s13] =	ssyncadd.s32 $0xFFFFFC00  }
0x32: {  	_ =	swait.ge [sflag:s13], $0x400  }
0x33: {  	[sflag:s13] =	ssyncset.done $0x0  }
0x34: {  	[sflag:s13] =	ssyncadd.s32 $0xFFFFFC00  }
0x35: {  	_ =	swait.ge [sflag:s13], $0x400  }
0x36: {  	[sflag:s13] =	ssyncset.done $0x0  }
0x37: {  	[sflag:s13] =	ssyncadd.s32 $0xFFFFFC00  }
0x38: {  	_ =	swait.ge [sflag:s13], $0x400  }
.Ltmp0:
0x39: {  	[sflag:s13] =	ssyncset.done $0x0;
	(pc) =	sbr.rel @p0 .LBB2_2-.Ltmp0, $4  }
0x3a: {  	s18 =	sadd.s32 s15, s6;
	s15 =	smov.u32 s19;
	[sflag:s13] =	ssyncadd.s32 $0xFFFFFC00  }
0x3b: {  	[hbm4b:s18+s2] =	stream.linear.scatter [tilespmem:s9], [sflag:$0x2], $0x1000, $0x38;
	[tilespmem:$0xD400] =	vst v63  }
0x3c: {  	_ =	swait.ge [sflag:s7], $0x1000  }
0x3d: {  	s16 =	sadd.s32 $0x200, s16;
	[sflag:s7] =	ssyncset.done $0x0  }
0x3e: {  	s17 =	sadd.s32 $0xFFFFFE80, s16;
	[sflag:s7] =	ssyncadd.s32 $0xFFFFF000  }
0x3f: {  	[tilespmem:s9], [sflag:$0x1] =	stream.indirect.gather [hbm4b:s3+s8], $0x8, s17, s8, $0xb8;
	[tilespmem:$0xD400] =	vst v63  }
0x40: {  	s30 =	sadd.s32 $0xFFFFFF00, s16  }
0x41: {  	[tilespmem:s10], [sflag:$0x1] =	stream.indirect.gather [hbm4b:s3+s8], $0x8, s30, s8, $0xb8;
	[tilespmem:$0xD400] =	vst v63  }
0x42: {  	s31 =	sadd.s32 $0xFFFFFF80, s16  }
0x43: {  	[tilespmem:s11], [sflag:$0x1] =	stream.indirect.gather [hbm4b:s3+s8], $0x8, s31, s8, $0xb8;
	[tilespmem:$0xD400] =	vst v63  }
0x44: {  	_ = 	snop  }
0x45: {  	[tilespmem:s12], [sflag:$0x1] =	stream.indirect.gather [hbm4b:s3+s8], $0x8, s16, s8, $0xb8;
	[tilespmem:$0xD400] =	vst v63  }
0x46: {  	_ =	swait.ge [sflag:s13], $0x400  }
0x47: {  	[sflag:s13] =	ssyncset.done $0x0  }
0x48: {  	[sflag:s13] =	ssyncadd.s32 $0xFFFFFC00  }
0x49: {  	_ =	swait.ge [sflag:s13], $0x400  }
0x4a: {  	[sflag:s13] =	ssyncset.done $0x0  }
0x4b: {  	[sflag:s13] =	ssyncadd.s32 $0xFFFFFC00  }
0x4c: {  	_ =	swait.ge [sflag:s13], $0x400  }
0x4d: {  	[sflag:s13] =	ssyncset.done $0x0  }
0x4e: {  	[sflag:s13] =	ssyncadd.s32 $0xFFFFFC00  }
0x4f: {  	s14 =	sadd.s32 $0x1, s14;
	_ =	swait.ge [sflag:s13], $0x400  }
0x50: {  	p0 =	sne.s32 s14, s5;
	[sflag:s13] =	ssyncset.done $0x0  }
.Ltmp1:
0x51: {  	s15 =	sadd.s32 s15, s6;
	[sflag:s13] =	ssyncadd.s32 $0xFFFFFC00;
	(pc) =	sbr.rel @p0 .LBB2_1-.Ltmp1, $4  }
0x52: {  	[hbm4b:s15+s2] =	stream.linear.scatter [tilespmem:s9], [sflag:$0x2], $0x1000, $0x38;
	[tilespmem:$0xD400] =	vst v63  }
0x53: {  	_ =	swait.ge [sflag:s7], $0x1000  }
0x54: {  	[sflag:s7] =	ssyncset.done $0x0  }
0x55: {  	[sflag:s7] =	ssyncadd.s32 $0xFFFFF000  }
0x56: {  	_ =	sfence.sel $0x180000  }
0x57: {  	[bflag:$0x0] =	sbarrier.arrive $0xFFFF  }
0x58: {  	p0 =	sne.s32 s1, $0x0;
	_ =	strace $0x90000047  }
0x59: {  	s0 =	sadd.s32 @!p0 $0x100000, s0;
	[bflag:$0x2] =	sbarrier.arrive $0xFFFF  }
0x5a: {  	[sflag:s0] =	ssyncadd.tile.s32 @!p0 $0x1;
	_ =	shalt  }
.Lfunc_end2:
_tile_overlayer_lowered:
.L_overlay_start_2:
0x5b: {  	(tag) =	ssettag $0x2  }
0x5c: {  	s0 =	rddreg [dreg:$0x0];
	s2 =	stileid.u32  }
0x5d: {  	s1 =	rddreg [dreg:$0x1];
	p0 =	sne.s32 s2, $0x0  }
0x5e: {  	s3 =	rddreg [dreg:$0x2];
	[bflag:$0x3] =	sbarrier.arrive $0xFFFF;
	s2 =	simm.s32 @!p0 $0x1C02  }
0x5f: {  	[timem:s3], [sflag:s2] =	dma.local @!p0 [hbm:s0], s1  }
0x60: {  	s0 =	simm.s32 @!p0 $0x2  }
0x61: {  	_ =	swait.ge @!p0 [sflag:s0], s1  }
0x62: {  	s1 =	ssub.s32 @!p0 $0x0, s1;
	[sflag:s0] =	ssyncset.done @!p0 $0x0  }
0x63: {  	[sflag:s0] =	ssyncadd.s32 @!p0 s1  }
0x64: {  	[bflag:$0x3] =	sbarrier.arrive $0xFFFF  }
0x65: {  	_ =	shalt  }

// kernel: kernel.17.cloned.1.call-start
scs
__scs_entry_jumppad:
0x0: {  	(pc) =	sbr.rel $0x88, $3  }
0x1: {  	(tag) =	ssettag $0x0;
	lr =	simm.s32 $0x1  }
0x2: {  	[smem:$0x3F88] =	sst lr;
	_ =	strace $0xD0000000  }
0x3: {  	_ = 	snop  }
0x4: {  	_ = 	snop  }
0x5: {  	_ = 	snop  }
0x6: {  	_ = 	snop  }
0x7: {  	_ = 	snop  }
__scs_overlays_trampoline_lowered:
0x8: {  	[smem:$0x3F97] =	sst s0  }
0x9: {  	[smem:$0x3F98] =	sst s1  }
0xa: {  	[smem:$0x3F99] =	sst s2  }
0xb: {  	[smem:$0x3F9A] =	sst s3  }
0xc: {  	[smem:$0x3F9B] =	sst s4  }
0xd: {  	[smem:$0x3F9C] =	sst s5  }
0xe: {  	[smem:$0x3F9D] =	sst s6  }
0xf: {  	[smem:$0x3F9E] =	sst s7  }
0x10: {  	[smem:$0x3F9F] =	sst s8  }
0x11: {  	[smem:$0x3FA0] =	sst s9;
	s0 =	simm.s32 @!p0 $0x0  }
0x12: {  	s1 =	sld [smem:$0x3F86];
	s0 =	simm.s32 @p0 $0x1  }
0x13: {  	[smem:$0x3FA1] =	sst s0;
	s0 =	simm.s32 @!p1 $0x0  }
0x14: {  	s2 =	sld [smem:$0x3F85];
	s0 =	simm.s32 @p1 $0x1  }
0x15: {  	[smem:$0x3FA2] =	sst s0;
	s0 =	simm.s32 @!p2 $0x0  }
0x16: {  	s3 =	sld [smem:$0x3FDB];
	s0 =	simm.s32 @p2 $0x1  }
0x17: {  	s4 =	simm.s32 $0x1BF5;
	[smem:$0x3FA4] =	sst s0  }
0x18: {  	s0 =	sld [smem:$0x3F87];
	_ =	swait.ge [sflag:s4], $0x0  }
0x19: {  	s7 =	sld [smem:$0x3F88]  }
0x1a: {  	s8 =	sadd.s32 $0xFFFFE003, lr  }
0x1b: {  	s9 =	sadd.s32 $0xFFFFFEF7, lr;
	s5 =	simm.s32 $0xFFFFFFFF;
	p2 =	slt.u32 s8, $0xFFFFF086  }
0x1c: {  	p1 =	slt.u32 s9, $0xF7A;
	s5 =	simm.s32 @!p2 $0x0  }
0x1d: {  	s5 =	simm.s32 @p1 $0x1;
	p0 =	seq.s32 s7, s2  }
0x1e: {  	s7 =	smul.u32 @!p0 $0xF7A, s2;
	p2 =	seq.s32 @!p0 s5, $0x0  }
0x1f: {  	s9 =	smul.u32 $0xF7A, s1;
	s8 =	simm.s32 @!p0 $0x1BF5;
	p2 =	por !p2, p0  }
0x20: {  	[sflag:s8] =	ssyncset.s32 @!p0 $0xFFFFF086;
	s6 =	sadd.s32 @!p0 s3, s7;
	s7 =	simm.s32 @!p0 $0x108  }
0x21: {  	s3 =	sadd.s32 s3, s9;
	s6 =	sadd.s32 @!p0 $0x88, s6;
	s7 =	simm.s32 @p2 $0x1082  }
0x22: {  	[simem:s7], [sflag:s8] =	dma.local @!p0 [hbm:s6], $0xF7A  }
0x23: {  	s9 =	sor.u32 $0xD0000000, s2;
	s6 =	simm.s32 $0x108;
	_ =	swait.ge @!p0 [sflag:s8], $0x0  }
0x24: {  	s3 =	sadd.s32 $0x88, s3;
	s6 =	simm.s32 @!p1 $0x1082;
	[sflag:s4] =	ssyncset.s32 $0xFFFFF086  }
0x25: {  	[simem:s6], [sflag:s4] =	dma.local [hbm:s3], $0xF7A  }
0x26: {  	[smem:$0x3F88] =	sst s1;
	(tag) =	ssettag s2;
	_ =	strace s9  }
0x27: {  	s1 =	sld [smem:$0x3F98]  }
0x28: {  	s2 =	sld [smem:$0x3F99]  }
0x29: {  	s4 =	sld [smem:$0x3F9B]  }
0x2a: {  	p0 =	seq.s32 s5, $0x0;
	s5 =	sld [smem:$0x3F9C]  }
0x2b: {  	s6 =	sld [smem:$0x3F9D]  }
0x2c: {  	s7 =	sld [smem:$0x3F9E]  }
0x2d: {  	s3 =	simm.s32 $0x108;
	s8 =	sld [smem:$0x3F9F]  }
0x2e: {  	s3 =	simm.s32 @!p0 $0x1082;
	s9 =	sld [smem:$0x3FA0]  }
0x2f: {  	lr =	sadd.s32 s0, s3;
	s0 =	sld [smem:$0x3F97]  }
0x30: {  	s3 =	sld [smem:$0x3F9A]  }
0x31: {  	[smem:$0x3FA3] =	sst s10  }
0x32: {  	s10 =	sld [smem:$0x3FA1];
	_ =	sdelay $0x3  }
0x33: {  	p0 =	seq.s32 s10, $0x1;
	s10 =	sld [smem:$0x3FA3];
	_ =	sdelay $0x3  }
0x34: {  	[smem:$0x3FA3] =	sst s10  }
0x35: {  	s10 =	sld [smem:$0x3FA2];
	_ =	sdelay $0x3  }
0x36: {  	p1 =	seq.s32 s10, $0x1;
	s10 =	sld [smem:$0x3FA3];
	_ =	sdelay $0x3  }
0x37: {  	[smem:$0x3FA3] =	sst s10  }
0x38: {  	s10 =	sld [smem:$0x3FA4]  }
0x39: {  	_ = 	snop;
	(pc) =	sbr.ind lr, $3  }
0x3a: {  	_ = 	snop  }
0x3b: {  	_ = 	snop  }
0x3c: {  	p2 =	seq.s32 s10, $0x1;
	s10 =	sld [smem:$0x3FA3]  }
0x3d: {  	_ =	shalt  }
0x3e: {  	_ =	shalt  }
0x3f: {  	_ =	shalt  }
0x40: {  	_ =	shalt  }
0x41: {  	_ =	shalt  }
0x42: {  	_ =	shalt  }
0x43: {  	_ =	shalt  }
0x44: {  	_ =	shalt  }
0x45: {  	_ =	shalt  }
0x46: {  	_ =	shalt  }
0x47: {  	_ =	shalt  }
0x48: {  	_ =	shalt  }
0x49: {  	_ =	shalt  }
0x4a: {  	_ =	shalt  }
0x4b: {  	_ =	shalt  }
0x4c: {  	_ =	shalt  }
0x4d: {  	_ =	shalt  }
0x4e: {  	_ =	shalt  }
0x4f: {  	_ =	shalt  }
0x50: {  	_ =	shalt  }
0x51: {  	_ =	shalt  }
0x52: {  	_ =	shalt  }
0x53: {  	_ =	shalt  }
0x54: {  	_ =	shalt  }
0x55: {  	_ =	shalt  }
0x56: {  	_ =	shalt  }
0x57: {  	_ =	shalt  }
0x58: {  	_ =	shalt  }
0x59: {  	_ =	shalt  }
0x5a: {  	_ =	shalt  }
0x5b: {  	_ =	shalt  }
0x5c: {  	_ =	shalt  }
0x5d: {  	_ =	shalt  }
0x5e: {  	_ =	shalt  }
0x5f: {  	_ =	shalt  }
0x60: {  	_ =	shalt  }
0x61: {  	_ =	shalt  }
0x62: {  	_ =	shalt  }
0x63: {  	_ =	shalt  }
0x64: {  	_ =	shalt  }
0x65: {  	_ =	shalt  }
0x66: {  	_ =	shalt  }
0x67: {  	_ =	shalt  }
0x68: {  	_ =	shalt  }
0x69: {  	_ =	shalt  }
0x6a: {  	_ =	shalt  }
0x6b: {  	_ =	shalt  }
0x6c: {  	_ =	shalt  }
0x6d: {  	_ =	shalt  }
0x6e: {  	_ =	shalt  }
0x6f: {  	_ =	shalt  }
0x70: {  	_ =	shalt  }
0x71: {  	_ =	shalt  }
0x72: {  	_ =	shalt  }
0x73: {  	_ =	shalt  }
0x74: {  	_ =	shalt  }
0x75: {  	_ =	shalt  }
0x76: {  	_ =	shalt  }
0x77: {  	_ =	shalt  }
0x78: {  	_ =	shalt  }
0x79: {  	_ =	shalt  }
0x7a: {  	_ =	shalt  }
0x7b: {  	_ =	shalt  }
0x7c: {  	_ =	shalt  }
0x7d: {  	_ =	shalt  }
0x7e: {  	_ =	shalt  }
0x7f: {  	_ =	shalt  }
0x80: {  	_ =	shalt  }
0x81: {  	_ =	shalt  }
0x82: {  	_ =	shalt  }
0x83: {  	_ =	shalt  }
0x84: {  	_ =	shalt  }
0x85: {  	_ =	shalt  }
0x86: {  	_ =	shalt  }
0x87: {  	_ =	shalt  }
.Lfunc_end0:
.L_simem_size_0:
called_computation.1_lowered:
.L_overlay_start_0:
0x88: {  	s2 =	sld [smem:$0x3FD9]  }
0x89: {  	s3 =	sld [smem:$0x3FFE];
	_ =	sdelay $0x1  }
0x8a: {  	s1 =	srdreg.scid  }
0x8b: {  	s0 =	sand.u32 $0x1, s1  }
0x8c: {  	s17 =	sshll.u32 s0, $0xA;
	s2 =	sadd.s32 s3, s2  }
0x8d: {  	s2 =	sadd.s32 s2, s17  }
0x8e: {  	[smem:$0x3FAF] =	sst s2  }
0x8f: {  	_ = 	snop  }
0x90: {  	(tm) =	ssettm $0x1  }
0x91: {  	s18 =	sld [smem:$0x3FFB];
	_ =	sdelay $0x3  }
0x92: {  	_ =	strace s18  }
0x93: {  	s2 =	sld [smem:$0x3FFC];
	_ =	sdelay $0x3  }
0x94: {  	_ =	strace s2  }
0x95: {  	s2 =	sld [smem:$0x3FFD];
	_ =	sdelay $0x3  }
0x96: {  	_ =	strace s2  }
0x97: {  	_ =	strace $0x8FFFFFFF  }
0x98: {  	s19 =	sld [smem:$0x3FDB];
	_ =	sdelay $0x1  }
0x99: {  	s20 =	simm.s32 $_scs_section_size  }
0x9a: {  	s4 =	simm.s32 $_size__tile_overlayer_lowered;
	s5 =	simm.s32 $_tile_overlayer_lowered  }
0x9b: {  	s6 =	simm.s32 $0x1BFF;
	s21 =	sshll.u32 s5, $0x1;
	s3 =	sadd.s32 s20, s19  }
0x9c: {  	s22 =	simm.s32 $0x0;
	s4 =	sshll.u32 s4, $0x1;
	s5 =	sadd.s32 s21, s3  }
0x9d: {  	[timem:s22], [sflag:s6] =	dma.local [hbm:s5], s4  }
0x9e: {  	_ =	swait.ge [sflag:s6], s4  }
0x9f: {  	s4 =	ssub.s32 $0x0, s4;
	[sflag:s6] =	ssyncset.done $0x0  }
0xa0: {  	[sflag:s6] =	ssyncadd.s32 s4;
	_ =	sdelay $0x1  }
0xa1: {  	s23 =	simm.s32 $0x1B8B  }
0xa2: {  	_ =	swait.ge [sflag:s23], $0x1  }
0xa3: {  	[sflag:s23] =	ssyncset.done $0x0  }
0xa4: {  	[sflag:s23] =	ssyncadd.s32 $0xFFFFFFFF  }
0xa5: {  	s4 =	sld [smem:$0x0]  }
0xa6: {  	s5 =	sand.u32 $0xFFFFFFFE, s1  }
0xa7: {  	p0 =	sne.s32 s1, s5  }
0xa8: {  	s5 =	sshll.u32 @p0 s5, $0xE  }
0xa9: {  	s5 =	sadd.s32 @p0 $0x11B8D, s5;
	s6 =	sshll.u32 @p0 s4, $0x11  }
0xaa: {  	s5 =	sor.u32 @p0 s6, s5  }
0xab: {  	[sflag:s5] =	ssyncadd.remote.s32 @p0 $0x1;
	_ =	sdelay $0x1  }
0xac: {  	s5 =	simm.s32 @p0 $0x1B8D  }
0xad: {  	_ =	swait.eq @p0 [sflag:s5], $0x1  }
0xae: {  	[sflag:s5] =	ssyncadd.s32 @p0 $0xFFFFFFFF  }
0xaf: {  	s6 =	sshll.u32 @!p0 s1, $0xE  }
0xb0: {  	s6 =	sor.u32 @!p0 $0x4000, s6;
	s5 =	simm.s32 @!p0 $0x1B8D  }
0xb1: {  	s4 =	sshll.u32 @!p0 s4, $0x11;
	s6 =	sadd.s32 @!p0 $0x11B8D, s6;
	_ =	swait.eq @!p0 [sflag:s5], $0x1  }
0xb2: {  	s4 =	sor.u32 @!p0 s4, s6;
	[sflag:s5] =	ssyncadd.s32 @!p0 $0xFFFFFFFF  }
0xb3: {  	s25 =	simm.s32 $0x1B8E;
	s24 =	sld [smem:$0x3FFE];
	[sflag:s4] =	ssyncadd.remote.s32 @!p0 $0x1  }
0xb4: {  	s26 =	simm.s32 $execute0_lowered;
	[smem:$0x3FD2] =	sst s25  }
0xb5: {  	s5 =	sshll.u32 s26, $0x1;
	_ =	strace $0x80000049;
	[dreg:$0x1] =	wrdreg $0xFFFFFFFF  }
0xb6: {  	s28 =	simm.s32 $_size_execute0_lowered;
	s3 =	sadd.s32 s3, s5;
	[dreg:$0x0] =	wrdreg $0x0  }
0xb7: {  	s5 =	sshll.u32 s28, $0x1;
	[dreg:$0x2] =	wrdreg s3  }
0xb8: {  	[dreg:$0x3] =	wrdreg s5  }
0xb9: {  	[dreg:$0x4] =	wrdreg $0xC0  }
0xba: {  	_ =	task [dreg:s22], $0x5FFFF  }
0xbb: {  	[dreg:$0x1] =	wrdreg $0xFFFFFFFF  }
0xbc: {  	[dreg:$0x0] =	wrdreg $0x60  }
0xbd: {  	[dreg:$0x2] =	wrdreg s24  }
0xbe: {  	[dreg:$0x3] =	wrdreg $0xA  }
0xbf: {  	_ =	task.clear_ibuf [dreg:s22], $0x4FFFF;
	_ =	strace $0x90000049  }
0xc0: {  	s29 =	simm.s32 $0xA;
	_ =	strace $0x8000004B  }
0xc1: {  	_ =	swait.ge [sflag:s29], $0x1  }
0xc2: {  	[sflag:s29] =	ssyncadd.s32 $0xFFFFFFFF  }
0xc3: {  	_ =	strace $0x9000004B  }
0xc4: {  	_ =	sfence  }
0xc5: {  	s30 =	sld [smem:$0x0];
	_ =	sdelay $0x2  }
0xc6: {  	s31 =	sshll.u32 s1, $0xD;
	s1 =	sshrl.u32 s1, $0x2  }
0xc7: {  	s4 =	sand.u32 $0x4000, s31;
	s1 =	sadd.s32 s1, s30  }
0xc8: {  	s0 =	sor.u32 s4, s0;
	s1 =	sshll.u32 s1, $0x11  }
0xc9: {  	s0 =	sor.u32 s1, s0  }
0xca: {  	s0 =	sadd.s32 $0x8F2B, s0  }
0xcb: {  	[sflag:s0] =	ssyncadd.remote.s32 $0x1  }
0xcc: {  	_ =	sfence.sel $0xFFFF  }
0xcd: {  	[dreg:$0x0] =	wrdreg $0xFFFFFFFF;
	(pc) =	sbr.abs _section_cstart, $3  }
0xce: {  	[dreg:$0x1] =	wrdreg $0xFFFFFFFF  }
0xcf: {  	_ =	task.clear_ibuf [dreg:s22], $0x2FFFF;
	_ =	strace $0x9FFFFFFF  }
0xd0: {  	(tm) =	ssettm $0x7FFFFFFF  }
0xd1: {  	_ =	shalt  }
tec
execute0_lowered:
.L_overlay_start_1:
0x0: {  	(tag) =	ssettag $0x1  }
0x1: {  	s4 =	rddreg [dreg:$0x0]  }
0x2: {  	s0 =	rddreg [dreg:$0x1]  }
0x3: {  	s3 =	srdreg.scid;
	s1 =	stileid.u32;
	s2 =	simm.s32 $0x0  }
0x4: {  	s11 =	simm.s32 $0xCC00;
	s12 =	simm.s32 $0xD000;
	s13 =	simm.s32 $0x1  }
0x5: {  	s14 =	simm.s32 $0x0;
	s5 =	sand.u32 $0x1, s3;
	s28 =	sshll.u32 s1, $0x1  }
0x6: {  	[smem:$0x7FF] =	sst s2;
	s7 =	smul.u32 $0x18800, s1;
	s3 =	sor.u32 s5, s28  }
0x7: {  	_ =	strace $0x8000004A;
	s8 =	ssub.s32 $0x2, s5;
	s10 =	smul.u32 $0xC400, s5  }
0x8: {  	s6 =	smul.u32 $0xC400, s3;
	s3 =	sadd.s32 $0x7E00, s4;
	s9 =	sshrl.u32 s8, $0x1  }
0x9: {  	s30 =	sadd.s32 s7, s4;
	s7 =	simm.s32 $0x2;
	s31 =	ssub.s32 s8, s9  }
0xa: {  	s8 =	simm.s32 $0x80;
	s9 =	simm.s32 $0xC400;
	s6 =	sshrl.u32 s6, $0x3  }
0xb: {  	s29 =	sadd.s32 s6, s4;
	s6 =	sadd.s32 s10, s30;
	s10 =	simm.s32 $0xC800  }
0xc: {  	s5 =	smax.u32 s31, $0x1;
	s4 =	sadd.s32 $0x1CD600, s29;
	s6 =	sadd.s32 $0x1FE600, s6  }
.LBB2_1:
0xd: {  	[tilespmem:s2], [sflag:$0x2] =	stream.linear.gather [hbm4b:s4+s2], $0xC400, $0x38;
	[tilespmem:$0xD400] =	vst v63  }
0xe: {  	_ =	swait.ge [sflag:s7], $0xC400  }
0xf: {  	[sflag:s7] =	ssyncset.done $0x0  }
0x10: {  	s15 =	simm.s32 $0x0;
	[sflag:s7] =	ssyncadd.s32 $0xFFFF3C00  }
0x11: {  	[tilespmem:s9], [sflag:$0x1] =	stream.indirect.gather [hbm4b:s3+s8], $0x8, s15, s8, $0xb8;
	[tilespmem:$0xD400] =	vst v63  }
0x12: {  	s28 =	simm.s32 $0x80  }
0x13: {  	[tilespmem:s10], [sflag:$0x1] =	stream.indirect.gather [hbm4b:s3+s8], $0x8, s28, s8, $0xb8;
	[tilespmem:$0xD400] =	vst v63  }
0x14: {  	s29 =	simm.s32 $0x100  }
0x15: {  	[tilespmem:s11], [sflag:$0x1] =	stream.indirect.gather [hbm4b:s3+s8], $0x8, s29, s8, $0xb8;
	[tilespmem:$0xD400] =	vst v63  }
0x16: {  	s30 =	simm.s32 $0x180  }
0x17: {  	[tilespmem:s12], [sflag:$0x1] =	stream.indirect.gather [hbm4b:s3+s8], $0x8, s30, s8, $0xb8;
	[tilespmem:$0xD400] =	vst v63  }
0x18: {  	_ =	swait.ge [sflag:s13], $0x400  }
0x19: {  	[sflag:s13] =	ssyncset.done $0x0  }
0x1a: {  	[sflag:s13] =	ssyncadd.s32 $0xFFFFFC00  }
0x1b: {  	_ =	swait.ge [sflag:s13], $0x400  }
0x1c: {  	[sflag:s13] =	ssyncset.done $0x0  }
0x1d: {  	[sflag:s13] =	ssyncadd.s32 $0xFFFFFC00  }
0x1e: {  	_ =	swait.ge [sflag:s13], $0x400  }
0x1f: {  	[sflag:s13] =	ssyncset.done $0x0  }
0x20: {  	[sflag:s13] =	ssyncadd.s32 $0xFFFFFC00  }
0x21: {  	_ =	swait.ge [sflag:s13], $0x400  }
0x22: {  	[sflag:s13] =	ssyncset.done $0x0  }
0x23: {  	s31 =	sadd.s32 $0x0, s6;
	[sflag:s13] =	ssyncadd.s32 $0xFFFFFC00  }
0x24: {  	[hbm4b:s31+s2] =	stream.linear.scatter [tilespmem:s9], [sflag:$0x2], $0x1000, $0x38;
	[tilespmem:$0xD400] =	vst v63  }
0x25: {  	s17 =	simm.s32 $0x400;
	_ =	swait.ge [sflag:s7], $0x1000  }
0x26: {  	s16 =	simm.s32 $0x380;
	s15 =	simm.s32 $0x200;
	[sflag:s7] =	ssyncset.done $0x0  }
.LBB2_2:
0x27: {  	p0 =	sne.s32 s17, $0xC200;
	s18 =	sadd.s32 $0xFFFFFE80, s16;
	[sflag:s7] =	ssyncadd.s32 $0xFFFFF000  }
0x28: {  	[tilespmem:s9], [sflag:$0x1] =	stream.indirect.gather [hbm4b:s3+s8], $0x8, s18, s8, $0xb8;
	[tilespmem:$0xD400] =	vst v63  }
0x29: {  	s19 =	smov.u32 s17;
	s17 =	sadd.s32 $0x200, s17;
	s18 =	sadd.s32 $0xFFFFFF00, s16  }
0x2a: {  	[tilespmem:s10], [sflag:$0x1] =	stream.indirect.gather [hbm4b:s3+s8], $0x8, s18, s8, $0xb8;
	[tilespmem:$0xD400] =	vst v63  }
0x2b: {  	s18 =	sadd.s32 $0xFFFFFF80, s16  }
0x2c: {  	[tilespmem:s11], [sflag:$0x1] =	stream.indirect.gather [hbm4b:s3+s8], $0x8, s18, s8, $0xb8;
	[tilespmem:$0xD400] =	vst v63  }
0x2d: {  	_ = 	snop  }
0x2e: {  	[tilespmem:s12], [sflag:$0x1] =	stream.indirect.gather [hbm4b:s3+s8], $0x8, s16, s8, $0xb8;
	[tilespmem:$0xD400] =	vst v63  }
0x2f: {  	_ =	swait.ge [sflag:s13], $0x400  }
0x30: {  	[sflag:s13] =	ssyncset.done $0x0  }
0x31: {  	[sflag:s13] =	ssyncadd.s32 $0xFFFFFC00  }
0x32: {  	_ =	swait.ge [sflag:s13], $0x400  }
0x33: {  	[sflag:s13] =	ssyncset.done $0x0  }
0x34: {  	[sflag:s13] =	ssyncadd.s32 $0xFFFFFC00  }
0x35: {  	_ =	swait.ge [sflag:s13], $0x400  }
0x36: {  	[sflag:s13] =	ssyncset.done $0x0  }
0x37: {  	[sflag:s13] =	ssyncadd.s32 $0xFFFFFC00  }
0x38: {  	_ =	swait.ge [sflag:s13], $0x400  }
.Ltmp0:
0x39: {  	[sflag:s13] =	ssyncset.done $0x0;
	(pc) =	sbr.rel @p0 .LBB2_2-.Ltmp0, $4  }
0x3a: {  	s18 =	sadd.s32 s15, s6;
	s15 =	smov.u32 s19;
	[sflag:s13] =	ssyncadd.s32 $0xFFFFFC00  }
0x3b: {  	[hbm4b:s18+s2] =	stream.linear.scatter [tilespmem:s9], [sflag:$0x2], $0x1000, $0x38;
	[tilespmem:$0xD400] =	vst v63  }
0x3c: {  	_ =	swait.ge [sflag:s7], $0x1000  }
0x3d: {  	s16 =	sadd.s32 $0x200, s16;
	[sflag:s7] =	ssyncset.done $0x0  }
0x3e: {  	s17 =	sadd.s32 $0xFFFFFE80, s16;
	[sflag:s7] =	ssyncadd.s32 $0xFFFFF000  }
0x3f: {  	[tilespmem:s9], [sflag:$0x1] =	stream.indirect.gather [hbm4b:s3+s8], $0x8, s17, s8, $0xb8;
	[tilespmem:$0xD400] =	vst v63  }
0x40: {  	s30 =	sadd.s32 $0xFFFFFF00, s16  }
0x41: {  	[tilespmem:s10], [sflag:$0x1] =	stream.indirect.gather [hbm4b:s3+s8], $0x8, s30, s8, $0xb8;
	[tilespmem:$0xD400] =	vst v63  }
0x42: {  	s31 =	sadd.s32 $0xFFFFFF80, s16  }
0x43: {  	[tilespmem:s11], [sflag:$0x1] =	stream.indirect.gather [hbm4b:s3+s8], $0x8, s31, s8, $0xb8;
	[tilespmem:$0xD400] =	vst v63  }
0x44: {  	_ = 	snop  }
0x45: {  	[tilespmem:s12], [sflag:$0x1] =	stream.indirect.gather [hbm4b:s3+s8], $0x8, s16, s8, $0xb8;
	[tilespmem:$0xD400] =	vst v63  }
0x46: {  	_ =	swait.ge [sflag:s13], $0x400  }
0x47: {  	[sflag:s13] =	ssyncset.done $0x0  }
0x48: {  	[sflag:s13] =	ssyncadd.s32 $0xFFFFFC00  }
0x49: {  	_ =	swait.ge [sflag:s13], $0x400  }
0x4a: {  	[sflag:s13] =	ssyncset.done $0x0  }
0x4b: {  	[sflag:s13] =	ssyncadd.s32 $0xFFFFFC00  }
0x4c: {  	_ =	swait.ge [sflag:s13], $0x400  }
0x4d: {  	[sflag:s13] =	ssyncset.done $0x0  }
0x4e: {  	[sflag:s13] =	ssyncadd.s32 $0xFFFFFC00  }
0x4f: {  	s14 =	sadd.s32 $0x1, s14;
	_ =	swait.ge [sflag:s13], $0x400  }
0x50: {  	p0 =	sne.s32 s14, s5;
	[sflag:s13] =	ssyncset.done $0x0  }
.Ltmp1:
0x51: {  	s15 =	sadd.s32 s15, s6;
	[sflag:s13] =	ssyncadd.s32 $0xFFFFFC00;
	(pc) =	sbr.rel @p0 .LBB2_1-.Ltmp1, $4  }
0x52: {  	[hbm4b:s15+s2] =	stream.linear.scatter [tilespmem:s9], [sflag:$0x2], $0x1000, $0x38;
	[tilespmem:$0xD400] =	vst v63  }
0x53: {  	_ =	swait.ge [sflag:s7], $0x1000  }
0x54: {  	[sflag:s7] =	ssyncset.done $0x0  }
0x55: {  	[sflag:s7] =	ssyncadd.s32 $0xFFFFF000  }
0x56: {  	_ =	sfence.sel $0x180000  }
0x57: {  	[bflag:$0x0] =	sbarrier.arrive $0xFFFF  }
0x58: {  	p0 =	sne.s32 s1, $0x0;
	_ =	strace $0x9000004A  }
0x59: {  	s0 =	sadd.s32 @!p0 $0x100000, s0;
	[bflag:$0x2] =	sbarrier.arrive $0xFFFF  }
0x5a: {  	[sflag:s0] =	ssyncadd.tile.s32 @!p0 $0x1;
	_ =	shalt  }
.Lfunc_end2:
_tile_overlayer_lowered:
.L_overlay_start_2:
0x5b: {  	(tag) =	ssettag $0x2  }
0x5c: {  	s0 =	rddreg [dreg:$0x0];
	s2 =	stileid.u32  }
0x5d: {  	s1 =	rddreg [dreg:$0x1];
	p0 =	sne.s32 s2, $0x0  }
0x5e: {  	s3 =	rddreg [dreg:$0x2];
	[bflag:$0x3] =	sbarrier.arrive $0xFFFF;
	s2 =	simm.s32 @!p0 $0x1C02  }
0x5f: {  	[timem:s3], [sflag:s2] =	dma.local @!p0 [hbm:s0], s1  }
0x60: {  	s0 =	simm.s32 @!p0 $0x2  }
0x61: {  	_ =	swait.ge @!p0 [sflag:s0], s1  }
0x62: {  	s1 =	ssub.s32 @!p0 $0x0, s1;
	[sflag:s0] =	ssyncset.done @!p0 $0x0  }
0x63: {  	[sflag:s0] =	ssyncadd.s32 @!p0 s1  }
0x64: {  	[bflag:$0x3] =	sbarrier.arrive $0xFFFF  }
0x65: {  	_ =	shalt  }

// kernel: kernel.20.cloned.1.call-start
scs
__scs_entry_jumppad:
0x0: {  	(pc) =	sbr.rel $0x88, $3  }
0x1: {  	(tag) =	ssettag $0x0;
	lr =	simm.s32 $0x1  }
0x2: {  	[smem:$0x3F88] =	sst lr;
	_ =	strace $0xD0000000  }
0x3: {  	_ = 	snop  }
0x4: {  	_ = 	snop  }
0x5: {  	_ = 	snop  }
0x6: {  	_ = 	snop  }
0x7: {  	_ = 	snop  }
__scs_overlays_trampoline_lowered:
0x8: {  	[smem:$0x3F97] =	sst s0  }
0x9: {  	[smem:$0x3F98] =	sst s1  }
0xa: {  	[smem:$0x3F99] =	sst s2  }
0xb: {  	[smem:$0x3F9A] =	sst s3  }
0xc: {  	[smem:$0x3F9B] =	sst s4  }
0xd: {  	[smem:$0x3F9C] =	sst s5  }
0xe: {  	[smem:$0x3F9D] =	sst s6  }
0xf: {  	[smem:$0x3F9E] =	sst s7  }
0x10: {  	[smem:$0x3F9F] =	sst s8  }
0x11: {  	[smem:$0x3FA0] =	sst s9;
	s0 =	simm.s32 @!p0 $0x0  }
0x12: {  	s1 =	sld [smem:$0x3F86];
	s0 =	simm.s32 @p0 $0x1  }
0x13: {  	[smem:$0x3FA1] =	sst s0;
	s0 =	simm.s32 @!p1 $0x0  }
0x14: {  	s2 =	sld [smem:$0x3F85];
	s0 =	simm.s32 @p1 $0x1  }
0x15: {  	[smem:$0x3FA2] =	sst s0;
	s0 =	simm.s32 @!p2 $0x0  }
0x16: {  	s3 =	sld [smem:$0x3FDB];
	s0 =	simm.s32 @p2 $0x1  }
0x17: {  	s4 =	simm.s32 $0x1BF5;
	[smem:$0x3FA4] =	sst s0  }
0x18: {  	s0 =	sld [smem:$0x3F87];
	_ =	swait.ge [sflag:s4], $0x0  }
0x19: {  	s7 =	sld [smem:$0x3F88]  }
0x1a: {  	s8 =	sadd.s32 $0xFFFFE003, lr  }
0x1b: {  	s9 =	sadd.s32 $0xFFFFFEF7, lr;
	s5 =	simm.s32 $0xFFFFFFFF;
	p2 =	slt.u32 s8, $0xFFFFF086  }
0x1c: {  	p1 =	slt.u32 s9, $0xF7A;
	s5 =	simm.s32 @!p2 $0x0  }
0x1d: {  	s5 =	simm.s32 @p1 $0x1;
	p0 =	seq.s32 s7, s2  }
0x1e: {  	s7 =	smul.u32 @!p0 $0xF7A, s2;
	p2 =	seq.s32 @!p0 s5, $0x0  }
0x1f: {  	s9 =	smul.u32 $0xF7A, s1;
	s8 =	simm.s32 @!p0 $0x1BF5;
	p2 =	por !p2, p0  }
0x20: {  	[sflag:s8] =	ssyncset.s32 @!p0 $0xFFFFF086;
	s6 =	sadd.s32 @!p0 s3, s7;
	s7 =	simm.s32 @!p0 $0x108  }
0x21: {  	s3 =	sadd.s32 s3, s9;
	s6 =	sadd.s32 @!p0 $0x88, s6;
	s7 =	simm.s32 @p2 $0x1082  }
0x22: {  	[simem:s7], [sflag:s8] =	dma.local @!p0 [hbm:s6], $0xF7A  }
0x23: {  	s9 =	sor.u32 $0xD0000000, s2;
	s6 =	simm.s32 $0x108;
	_ =	swait.ge @!p0 [sflag:s8], $0x0  }
0x24: {  	s3 =	sadd.s32 $0x88, s3;
	s6 =	simm.s32 @!p1 $0x1082;
	[sflag:s4] =	ssyncset.s32 $0xFFFFF086  }
0x25: {  	[simem:s6], [sflag:s4] =	dma.local [hbm:s3], $0xF7A  }
0x26: {  	[smem:$0x3F88] =	sst s1;
	(tag) =	ssettag s2;
	_ =	strace s9  }
0x27: {  	s1 =	sld [smem:$0x3F98]  }
0x28: {  	s2 =	sld [smem:$0x3F99]  }
0x29: {  	s4 =	sld [smem:$0x3F9B]  }
0x2a: {  	p0 =	seq.s32 s5, $0x0;
	s5 =	sld [smem:$0x3F9C]  }
0x2b: {  	s6 =	sld [smem:$0x3F9D]  }
0x2c: {  	s7 =	sld [smem:$0x3F9E]  }
0x2d: {  	s3 =	simm.s32 $0x108;
	s8 =	sld [smem:$0x3F9F]  }
0x2e: {  	s3 =	simm.s32 @!p0 $0x1082;
	s9 =	sld [smem:$0x3FA0]  }
0x2f: {  	lr =	sadd.s32 s0, s3;
	s0 =	sld [smem:$0x3F97]  }
0x30: {  	s3 =	sld [smem:$0x3F9A]  }
0x31: {  	[smem:$0x3FA3] =	sst s10  }
0x32: {  	s10 =	sld [smem:$0x3FA1];
	_ =	sdelay $0x3  }
0x33: {  	p0 =	seq.s32 s10, $0x1;
	s10 =	sld [smem:$0x3FA3];
	_ =	sdelay $0x3  }
0x34: {  	[smem:$0x3FA3] =	sst s10  }
0x35: {  	s10 =	sld [smem:$0x3FA2];
	_ =	sdelay $0x3  }
0x36: {  	p1 =	seq.s32 s10, $0x1;
	s10 =	sld [smem:$0x3FA3];
	_ =	sdelay $0x3  }
0x37: {  	[smem:$0x3FA3] =	sst s10  }
0x38: {  	s10 =	sld [smem:$0x3FA4]  }
0x39: {  	_ = 	snop;
	(pc) =	sbr.ind lr, $3  }
0x3a: {  	_ = 	snop  }
0x3b: {  	_ = 	snop  }
0x3c: {  	p2 =	seq.s32 s10, $0x1;
	s10 =	sld [smem:$0x3FA3]  }
0x3d: {  	_ =	shalt  }
0x3e: {  	_ =	shalt  }
0x3f: {  	_ =	shalt  }
0x40: {  	_ =	shalt  }
0x41: {  	_ =	shalt  }
0x42: {  	_ =	shalt  }
0x43: {  	_ =	shalt  }
0x44: {  	_ =	shalt  }
0x45: {  	_ =	shalt  }
0x46: {  	_ =	shalt  }
0x47: {  	_ =	shalt  }
0x48: {  	_ =	shalt  }
0x49: {  	_ =	shalt  }
0x4a: {  	_ =	shalt  }
0x4b: {  	_ =	shalt  }
0x4c: {  	_ =	shalt  }
0x4d: {  	_ =	shalt  }
0x4e: {  	_ =	shalt  }
0x4f: {  	_ =	shalt  }
0x50: {  	_ =	shalt  }
0x51: {  	_ =	shalt  }
0x52: {  	_ =	shalt  }
0x53: {  	_ =	shalt  }
0x54: {  	_ =	shalt  }
0x55: {  	_ =	shalt  }
0x56: {  	_ =	shalt  }
0x57: {  	_ =	shalt  }
0x58: {  	_ =	shalt  }
0x59: {  	_ =	shalt  }
0x5a: {  	_ =	shalt  }
0x5b: {  	_ =	shalt  }
0x5c: {  	_ =	shalt  }
0x5d: {  	_ =	shalt  }
0x5e: {  	_ =	shalt  }
0x5f: {  	_ =	shalt  }
0x60: {  	_ =	shalt  }
0x61: {  	_ =	shalt  }
0x62: {  	_ =	shalt  }
0x63: {  	_ =	shalt  }
0x64: {  	_ =	shalt  }
0x65: {  	_ =	shalt  }
0x66: {  	_ =	shalt  }
0x67: {  	_ =	shalt  }
0x68: {  	_ =	shalt  }
0x69: {  	_ =	shalt  }
0x6a: {  	_ =	shalt  }
0x6b: {  	_ =	shalt  }
0x6c: {  	_ =	shalt  }
0x6d: {  	_ =	shalt  }
0x6e: {  	_ =	shalt  }
0x6f: {  	_ =	shalt  }
0x70: {  	_ =	shalt  }
0x71: {  	_ =	shalt  }
0x72: {  	_ =	shalt  }
0x73: {  	_ =	shalt  }
0x74: {  	_ =	shalt  }
0x75: {  	_ =	shalt  }
0x76: {  	_ =	shalt  }
0x77: {  	_ =	shalt  }
0x78: {  	_ =	shalt  }
0x79: {  	_ =	shalt  }
0x7a: {  	_ =	shalt  }
0x7b: {  	_ =	shalt  }
0x7c: {  	_ =	shalt  }
0x7d: {  	_ =	shalt  }
0x7e: {  	_ =	shalt  }
0x7f: {  	_ =	shalt  }
0x80: {  	_ =	shalt  }
0x81: {  	_ =	shalt  }
0x82: {  	_ =	shalt  }
0x83: {  	_ =	shalt  }
0x84: {  	_ =	shalt  }
0x85: {  	_ =	shalt  }
0x86: {  	_ =	shalt  }
0x87: {  	_ =	shalt  }
.Lfunc_end0:
.L_simem_size_0:
called_computation.2_lowered:
.L_overlay_start_0:
0x88: {  	s2 =	sld [smem:$0x3FD9]  }
0x89: {  	s3 =	sld [smem:$0x3FFE];
	_ =	sdelay $0x1  }
0x8a: {  	s1 =	srdreg.scid  }
0x8b: {  	s0 =	sand.u32 $0x1, s1  }
0x8c: {  	s17 =	sshll.u32 s0, $0xA;
	s2 =	sadd.s32 s3, s2  }
0x8d: {  	s2 =	sadd.s32 s2, s17  }
0x8e: {  	[smem:$0x3FAF] =	sst s2  }
0x8f: {  	_ = 	snop  }
0x90: {  	s18 =	sld [smem:$0x3FD0];
	(tm) =	ssettm $0x1  }
0x91: {  	s19 =	sld [smem:$0x3FFB];
	_ =	sdelay $0x3  }
0x92: {  	_ =	strace s19  }
0x93: {  	s2 =	sld [smem:$0x3FFC];
	_ =	sdelay $0x3  }
0x94: {  	_ =	strace s2  }
0x95: {  	s2 =	sld [smem:$0x3FFD];
	_ =	sdelay $0x3  }
0x96: {  	_ =	strace s2  }
0x97: {  	_ =	strace $0x8FFFFFFF  }
0x98: {  	s20 =	sld [smem:$0x3FDB];
	_ =	sdelay $0x1  }
0x99: {  	s4 =	simm.s32 $_scs_section_size  }
0x9a: {  	s5 =	simm.s32 $_size__tile_overlayer_lowered;
	s6 =	simm.s32 $_tile_overlayer_lowered  }
0x9b: {  	s7 =	simm.s32 $0x1BFF;
	s21 =	sshll.u32 s6, $0x1;
	s4 =	sadd.s32 s4, s20  }
0x9c: {  	s22 =	simm.s32 $0x0;
	s5 =	sshll.u32 s5, $0x1;
	s6 =	sadd.s32 s21, s4  }
0x9d: {  	[timem:s22], [sflag:s7] =	dma.local [hbm:s6], s5  }
0x9e: {  	_ =	swait.ge [sflag:s7], s5  }
0x9f: {  	s5 =	ssub.s32 $0x0, s5;
	[sflag:s7] =	ssyncset.done $0x0  }
0xa0: {  	[sflag:s7] =	ssyncadd.s32 s5;
	_ =	sdelay $0x1  }
0xa1: {  	s23 =	simm.s32 $0x1B8B  }
0xa2: {  	_ =	swait.ge [sflag:s23], $0x1  }
0xa3: {  	[sflag:s23] =	ssyncset.done $0x0  }
0xa4: {  	[sflag:s23] =	ssyncadd.s32 $0xFFFFFFFF  }
0xa5: {  	s5 =	sld [smem:$0x0]  }
0xa6: {  	s6 =	sand.u32 $0xFFFFFFFE, s1  }
0xa7: {  	p0 =	sne.s32 s1, s6  }
0xa8: {  	s6 =	sshll.u32 @p0 s6, $0xE  }
0xa9: {  	s6 =	sadd.s32 @p0 $0x11B8D, s6;
	s7 =	sshll.u32 @p0 s5, $0x11  }
0xaa: {  	s6 =	sor.u32 @p0 s7, s6  }
0xab: {  	[sflag:s6] =	ssyncadd.remote.s32 @p0 $0x1;
	_ =	sdelay $0x1  }
0xac: {  	s6 =	simm.s32 @p0 $0x1B8D  }
0xad: {  	_ =	swait.eq @p0 [sflag:s6], $0x1  }
0xae: {  	[sflag:s6] =	ssyncadd.s32 @p0 $0xFFFFFFFF  }
0xaf: {  	s7 =	sshll.u32 @!p0 s1, $0xE  }
0xb0: {  	s7 =	sor.u32 @!p0 $0x4000, s7;
	s6 =	simm.s32 @!p0 $0x1B8D  }
0xb1: {  	s5 =	sshll.u32 @!p0 s5, $0x11;
	s7 =	sadd.s32 @!p0 $0x11B8D, s7;
	_ =	swait.eq @!p0 [sflag:s6], $0x1  }
0xb2: {  	s5 =	sor.u32 @!p0 s5, s7;
	[sflag:s6] =	ssyncadd.s32 @!p0 $0xFFFFFFFF  }
0xb3: {  	s25 =	simm.s32 $0x1B8E;
	s24 =	sld [smem:$0x3FFE];
	[sflag:s5] =	ssyncadd.remote.s32 @!p0 $0x1  }
0xb4: {  	s26 =	simm.s32 $execute0_lowered;
	[smem:$0x3FD2] =	sst s25  }
0xb5: {  	s6 =	sshll.u32 s26, $0x1;
	_ =	strace $0x8000004C;
	[dreg:$0x1] =	wrdreg $0xFFFFFFFF  }
0xb6: {  	s28 =	simm.s32 $_size_execute0_lowered;
	s4 =	sadd.s32 s4, s6;
	[dreg:$0x0] =	wrdreg $0x0  }
0xb7: {  	s6 =	sshll.u32 s28, $0x1;
	[dreg:$0x2] =	wrdreg s4  }
0xb8: {  	[dreg:$0x3] =	wrdreg s6  }
0xb9: {  	[dreg:$0x4] =	wrdreg $0xC0  }
0xba: {  	_ =	task [dreg:s22], $0x5FFFF  }
0xbb: {  	[dreg:$0x1] =	wrdreg $0xFFFFFFFF  }
0xbc: {  	[dreg:$0x0] =	wrdreg $0x60  }
0xbd: {  	[dreg:$0x2] =	wrdreg s18  }
0xbe: {  	[dreg:$0x3] =	wrdreg s24  }
0xbf: {  	[dreg:$0x4] =	wrdreg $0xB  }
0xc0: {  	_ =	task.clear_ibuf [dreg:s22], $0x5FFFF;
	_ =	strace $0x9000004C  }
0xc1: {  	s29 =	simm.s32 $0xB;
	_ =	strace $0x8000004E  }
0xc2: {  	_ =	swait.ge [sflag:s29], $0x1  }
0xc3: {  	[sflag:s29] =	ssyncadd.s32 $0xFFFFFFFF  }
0xc4: {  	_ =	strace $0x9000004E  }
0xc5: {  	_ =	sfence  }
0xc6: {  	s30 =	sld [smem:$0x0];
	_ =	sdelay $0x2  }
0xc7: {  	s31 =	sshll.u32 s1, $0xD;
	s1 =	sshrl.u32 s1, $0x2  }
0xc8: {  	s4 =	sand.u32 $0x4000, s31;
	s1 =	sadd.s32 s1, s30  }
0xc9: {  	s0 =	sor.u32 s4, s0;
	s1 =	sshll.u32 s1, $0x11  }
0xca: {  	s0 =	sor.u32 s1, s0  }
0xcb: {  	s0 =	sadd.s32 $0x8F2B, s0  }
0xcc: {  	[sflag:s0] =	ssyncadd.remote.s32 $0x1  }
0xcd: {  	_ =	sfence.sel $0xFFFF  }
0xce: {  	[dreg:$0x0] =	wrdreg $0xFFFFFFFF;
	(pc) =	sbr.abs _section_cstart, $3  }
0xcf: {  	[dreg:$0x1] =	wrdreg $0xFFFFFFFF  }
0xd0: {  	_ =	task.clear_ibuf [dreg:s22], $0x2FFFF;
	_ =	strace $0x9FFFFFFF  }
0xd1: {  	(tm) =	ssettm $0x7FFFFFFF  }
tec
execute0_lowered:
.L_overlay_start_1:
0x0: {  	(tag) =	ssettag $0x1  }
0x1: {  	s2 =	rddreg [dreg:$0x0];
	s1 =	srdreg.scid  }
0x2: {  	s0 =	stileid.u32;
	s4 =	rddreg [dreg:$0x1];
	s3 =	simm.s32 $0x0  }
0x3: {  	s11 =	simm.s32 $0xE400;
	s12 =	simm.s32 $0xF400;
	s13 =	simm.s32 $0x1  }
0x4: {  	s14 =	simm.s32 $0x0;
	s5 =	sand.u32 $0x1, s1;
	s1 =	rddreg [dreg:$0x2]  }
0x5: {  	s6 =	sshll.u32 s0, $0x1;
	[smem:$0x7FF] =	sst s3;
	s7 =	smul.u32 $0x62000, s0  }
0x6: {  	s6 =	sor.u32 s5, s6;
	s8 =	ssub.s32 $0x2, s5;
	s10 =	smul.u32 $0x31000, s5  }
0x7: {  	_ =	strace $0x8000004D;
	s6 =	smul.u32 $0xC400, s6;
	s9 =	sshrl.u32 s8, $0x1  }
0x8: {  	s30 =	sadd.s32 s7, s4;
	s7 =	simm.s32 $0x2;
	s31 =	ssub.s32 s8, s9  }
0x9: {  	s8 =	simm.s32 $0x80;
	s9 =	simm.s32 $0xC400;
	s6 =	sshrl.u32 s6, $0x3  }
0xa: {  	s5 =	smax.u32 s31, $0x1;
	s29 =	sadd.s32 s6, s4;
	s6 =	sadd.s32 s10, s30  }
0xb: {  	s10 =	simm.s32 $0xD400;
	s4 =	sadd.s32 $0x14600, s29;
	s6 =	sadd.s32 $0x516600, s6  }
.LBB2_1:
0xc: {  	[tilespmem:s3], [sflag:$0x2] =	stream.linear.gather [hbm4b:s4+s3], $0xC400, $0x38;
	[tilespmem:$0x10400] =	vst v63  }
0xd: {  	_ =	swait.ge [sflag:s7], $0xC400  }
0xe: {  	[sflag:s7] =	ssyncset.done $0x0  }
0xf: {  	s15 =	simm.s32 $0x0;
	[sflag:s7] =	ssyncadd.s32 $0xFFFF3C00  }
0x10: {  	[tilespmem:s9], [sflag:$0x1] =	stream.indirect.gather [hbm4b:s2+s8], $0x20, s15, s8, $0xb8;
	[tilespmem:$0x10400] =	vst v63  }
0x11: {  	s28 =	simm.s32 $0x80  }
0x12: {  	[tilespmem:s10], [sflag:$0x1] =	stream.indirect.gather [hbm4b:s2+s8], $0x20, s28, s8, $0xb8;
	[tilespmem:$0x10400] =	vst v63  }
0x13: {  	s29 =	simm.s32 $0x100  }
0x14: {  	[tilespmem:s11], [sflag:$0x1] =	stream.indirect.gather [hbm4b:s2+s8], $0x20, s29, s8, $0xb8;
	[tilespmem:$0x10400] =	vst v63  }
0x15: {  	s30 =	simm.s32 $0x180  }
0x16: {  	[tilespmem:s12], [sflag:$0x1] =	stream.indirect.gather [hbm4b:s2+s8], $0x20, s30, s8, $0xb8;
	[tilespmem:$0x10400] =	vst v63  }
0x17: {  	_ =	swait.ge [sflag:s13], $0x1000  }
0x18: {  	[sflag:s13] =	ssyncset.done $0x0  }
0x19: {  	[sflag:s13] =	ssyncadd.s32 $0xFFFFF000  }
0x1a: {  	_ =	swait.ge [sflag:s13], $0x1000  }
0x1b: {  	[sflag:s13] =	ssyncset.done $0x0  }
0x1c: {  	[sflag:s13] =	ssyncadd.s32 $0xFFFFF000  }
0x1d: {  	_ =	swait.ge [sflag:s13], $0x1000  }
0x1e: {  	[sflag:s13] =	ssyncset.done $0x0  }
0x1f: {  	[sflag:s13] =	ssyncadd.s32 $0xFFFFF000  }
0x20: {  	_ =	swait.ge [sflag:s13], $0x1000  }
0x21: {  	[sflag:s13] =	ssyncset.done $0x0  }
0x22: {  	s31 =	sadd.s32 $0x0, s6;
	[sflag:s13] =	ssyncadd.s32 $0xFFFFF000  }
0x23: {  	[hbm4b:s31+s3] =	stream.linear.scatter [tilespmem:s9], [sflag:$0x2], $0x4000, $0x38;
	[tilespmem:$0x10400] =	vst v63  }
0x24: {  	_ =	swait.ge [sflag:s7], $0x4000  }
0x25: {  	s16 =	simm.s32 $0x1000;
	s15 =	simm.s32 $0x800;
	[sflag:s7] =	ssyncset.done $0x0  }
.LBB2_2:
0x26: {  	s17 =	sshra.s32 s15, $0x2  }
0x27: {  	[sflag:s7] =	ssyncadd.s32 $0xFFFFC000;
	s18 =	smov.u32 s16;
	s19 =	sadd.s32 $0x800, s16  }
0x28: {  	[tilespmem:s9], [sflag:$0x1] =	stream.indirect.gather [hbm4b:s2+s8], $0x20, s17, s8, $0xb8;
	[tilespmem:$0x10400] =	vst v63  }
0x29: {  	p0 =	sne.s32 s16, $0x30800;
	s16 =	sadd.s32 $0x80, s17  }
0x2a: {  	[tilespmem:s10], [sflag:$0x1] =	stream.indirect.gather [hbm4b:s2+s8], $0x20, s16, s8, $0xb8;
	[tilespmem:$0x10400] =	vst v63  }
0x2b: {  	s16 =	sadd.s32 $0x100, s17  }
0x2c: {  	[tilespmem:s11], [sflag:$0x1] =	stream.indirect.gather [hbm4b:s2+s8], $0x20, s16, s8, $0xb8;
	[tilespmem:$0x10400] =	vst v63  }
0x2d: {  	s16 =	sadd.s32 $0x180, s17  }
0x2e: {  	[tilespmem:s12], [sflag:$0x1] =	stream.indirect.gather [hbm4b:s2+s8], $0x20, s16, s8, $0xb8;
	[tilespmem:$0x10400] =	vst v63  }
0x2f: {  	_ =	swait.ge [sflag:s13], $0x1000  }
0x30: {  	[sflag:s13] =	ssyncset.done $0x0  }
0x31: {  	[sflag:s13] =	ssyncadd.s32 $0xFFFFF000  }
0x32: {  	_ =	swait.ge [sflag:s13], $0x1000  }
0x33: {  	[sflag:s13] =	ssyncset.done $0x0  }
0x34: {  	[sflag:s13] =	ssyncadd.s32 $0xFFFFF000  }
0x35: {  	_ =	swait.ge [sflag:s13], $0x1000  }
0x36: {  	[sflag:s13] =	ssyncset.done $0x0  }
0x37: {  	[sflag:s13] =	ssyncadd.s32 $0xFFFFF000  }
0x38: {  	_ =	swait.ge [sflag:s13], $0x1000  }
.Ltmp0:
0x39: {  	[sflag:s13] =	ssyncset.done $0x0;
	(pc) =	sbr.rel @p0 .LBB2_2-.Ltmp0, $4  }
0x3a: {  	s16 =	sadd.s32 s15, s6;
	s15 =	smov.u32 s18;
	[sflag:s13] =	ssyncadd.s32 $0xFFFFF000  }
0x3b: {  	[hbm4b:s16+s3] =	stream.linear.scatter [tilespmem:s9], [sflag:$0x2], $0x4000, $0x38;
	[tilespmem:$0x10400] =	vst v63  }
0x3c: {  	_ =	swait.ge [sflag:s7], $0x4000  }
0x3d: {  	s16 =	smov.u32 s19;
	[sflag:s7] =	ssyncset.done $0x0  }
0x3e: {  	s16 =	sshra.s32 s15, $0x2;
	[sflag:s7] =	ssyncadd.s32 $0xFFFFC000  }
0x3f: {  	[tilespmem:s9], [sflag:$0x1] =	stream.indirect.gather [hbm4b:s2+s8], $0x20, s16, s8, $0xb8;
	[tilespmem:$0x10400] =	vst v63  }
0x40: {  	s17 =	sadd.s32 $0x80, s16  }
0x41: {  	[tilespmem:s10], [sflag:$0x1] =	stream.indirect.gather [hbm4b:s2+s8], $0x20, s17, s8, $0xb8;
	[tilespmem:$0x10400] =	vst v63  }
0x42: {  	s30 =	sadd.s32 $0x100, s16  }
0x43: {  	[tilespmem:s11], [sflag:$0x1] =	stream.indirect.gather [hbm4b:s2+s8], $0x20, s30, s8, $0xb8;
	[tilespmem:$0x10400] =	vst v63  }
0x44: {  	s16 =	sadd.s32 $0x180, s16  }
0x45: {  	[tilespmem:s12], [sflag:$0x1] =	stream.indirect.gather [hbm4b:s2+s8], $0x20, s16, s8, $0xb8;
	[tilespmem:$0x10400] =	vst v63  }
0x46: {  	_ =	swait.ge [sflag:s13], $0x1000  }
0x47: {  	[sflag:s13] =	ssyncset.done $0x0  }
0x48: {  	[sflag:s13] =	ssyncadd.s32 $0xFFFFF000  }
0x49: {  	_ =	swait.ge [sflag:s13], $0x1000  }
0x4a: {  	[sflag:s13] =	ssyncset.done $0x0  }
0x4b: {  	[sflag:s13] =	ssyncadd.s32 $0xFFFFF000  }
0x4c: {  	_ =	swait.ge [sflag:s13], $0x1000  }
0x4d: {  	[sflag:s13] =	ssyncset.done $0x0  }
0x4e: {  	[sflag:s13] =	ssyncadd.s32 $0xFFFFF000  }
0x4f: {  	s14 =	sadd.s32 $0x1, s14;
	_ =	swait.ge [sflag:s13], $0x1000  }
0x50: {  	p0 =	sne.s32 s14, s5;
	[sflag:s13] =	ssyncset.done $0x0  }
.Ltmp1:
0x51: {  	s31 =	sadd.s32 s15, s6;
	[sflag:s13] =	ssyncadd.s32 $0xFFFFF000;
	(pc) =	sbr.rel @p0 .LBB2_1-.Ltmp1, $4  }
0x52: {  	[hbm4b:s31+s3] =	stream.linear.scatter [tilespmem:s9], [sflag:$0x2], $0x4000, $0x38;
	[tilespmem:$0x10400] =	vst v63  }
0x53: {  	_ =	swait.ge [sflag:s7], $0x4000  }
0x54: {  	[sflag:s7] =	ssyncset.done $0x0  }
0x55: {  	[sflag:s7] =	ssyncadd.s32 $0xFFFFC000  }
0x56: {  	_ =	sfence.sel $0x180000  }
0x57: {  	[bflag:$0x0] =	sbarrier.arrive $0xFFFF  }
0x58: {  	p0 =	sne.s32 s0, $0x0;
	_ =	strace $0x9000004D  }
0x59: {  	s0 =	sadd.s32 @!p0 $0x100000, s1;
	[bflag:$0x2] =	sbarrier.arrive $0xFFFF  }
0x5a: {  	[sflag:s0] =	ssyncadd.tile.s32 @!p0 $0x1;
	_ =	shalt  }
.Lfunc_end2:
_tile_overlayer_lowered:
.L_overlay_start_2:
0x5b: {  	(tag) =	ssettag $0x2  }
0x5c: {  	s0 =	rddreg [dreg:$0x0];
	s2 =	stileid.u32  }
0x5d: {  	s1 =	rddreg [dreg:$0x1];
	p0 =	sne.s32 s2, $0x0  }
0x5e: {  	s3 =	rddreg [dreg:$0x2];
	[bflag:$0x3] =	sbarrier.arrive $0xFFFF;
	s2 =	simm.s32 @!p0 $0x1C02  }
0x5f: {  	[timem:s3], [sflag:s2] =	dma.local @!p0 [hbm:s0], s1  }
0x60: {  	s0 =	simm.s32 @!p0 $0x2  }
0x61: {  	_ =	swait.ge @!p0 [sflag:s0], s1  }
0x62: {  	s1 =	ssub.s32 @!p0 $0x0, s1;
	[sflag:s0] =	ssyncset.done @!p0 $0x0  }
0x63: {  	[sflag:s0] =	ssyncadd.s32 @!p0 s1  }
0x64: {  	[bflag:$0x3] =	sbarrier.arrive $0xFFFF  }
0x65: {  	_ =	shalt  }

// kernel: kernel.23.cloned.1.call-start
scs
__scs_entry_jumppad:
0x0: {  	(pc) =	sbr.rel $0x88, $3  }
0x1: {  	(tag) =	ssettag $0x0;
	lr =	simm.s32 $0x1  }
0x2: {  	[smem:$0x3F88] =	sst lr;
	_ =	strace $0xD0000000  }
0x3: {  	_ = 	snop  }
0x4: {  	_ = 	snop  }
0x5: {  	_ = 	snop  }
0x6: {  	_ = 	snop  }
0x7: {  	_ = 	snop  }
__scs_overlays_trampoline_lowered:
0x8: {  	[smem:$0x3F97] =	sst s0  }
0x9: {  	[smem:$0x3F98] =	sst s1  }
0xa: {  	[smem:$0x3F99] =	sst s2  }
0xb: {  	[smem:$0x3F9A] =	sst s3  }
0xc: {  	[smem:$0x3F9B] =	sst s4  }
0xd: {  	[smem:$0x3F9C] =	sst s5  }
0xe: {  	[smem:$0x3F9D] =	sst s6  }
0xf: {  	[smem:$0x3F9E] =	sst s7  }
0x10: {  	[smem:$0x3F9F] =	sst s8  }
0x11: {  	[smem:$0x3FA0] =	sst s9;
	s0 =	simm.s32 @!p0 $0x0  }
0x12: {  	s1 =	sld [smem:$0x3F86];
	s0 =	simm.s32 @p0 $0x1  }
0x13: {  	[smem:$0x3FA1] =	sst s0;
	s0 =	simm.s32 @!p1 $0x0  }
0x14: {  	s2 =	sld [smem:$0x3F85];
	s0 =	simm.s32 @p1 $0x1  }
0x15: {  	[smem:$0x3FA2] =	sst s0;
	s0 =	simm.s32 @!p2 $0x0  }
0x16: {  	s3 =	sld [smem:$0x3FDB];
	s0 =	simm.s32 @p2 $0x1  }
0x17: {  	s4 =	simm.s32 $0x1BF5;
	[smem:$0x3FA4] =	sst s0  }
0x18: {  	s0 =	sld [smem:$0x3F87];
	_ =	swait.ge [sflag:s4], $0x0  }
0x19: {  	s7 =	sld [smem:$0x3F88]  }
0x1a: {  	s8 =	sadd.s32 $0xFFFFE003, lr  }
0x1b: {  	s9 =	sadd.s32 $0xFFFFFEF7, lr;
	s5 =	simm.s32 $0xFFFFFFFF;
	p2 =	slt.u32 s8, $0xFFFFF086  }
0x1c: {  	p1 =	slt.u32 s9, $0xF7A;
	s5 =	simm.s32 @!p2 $0x0  }
0x1d: {  	s5 =	simm.s32 @p1 $0x1;
	p0 =	seq.s32 s7, s2  }
0x1e: {  	s7 =	smul.u32 @!p0 $0xF7A, s2;
	p2 =	seq.s32 @!p0 s5, $0x0  }
0x1f: {  	s9 =	smul.u32 $0xF7A, s1;
	s8 =	simm.s32 @!p0 $0x1BF5;
	p2 =	por !p2, p0  }
0x20: {  	[sflag:s8] =	ssyncset.s32 @!p0 $0xFFFFF086;
	s6 =	sadd.s32 @!p0 s3, s7;
	s7 =	simm.s32 @!p0 $0x108  }
0x21: {  	s3 =	sadd.s32 s3, s9;
	s6 =	sadd.s32 @!p0 $0x88, s6;
	s7 =	simm.s32 @p2 $0x1082  }
0x22: {  	[simem:s7], [sflag:s8] =	dma.local @!p0 [hbm:s6], $0xF7A  }
0x23: {  	s9 =	sor.u32 $0xD0000000, s2;
	s6 =	simm.s32 $0x108;
	_ =	swait.ge @!p0 [sflag:s8], $0x0  }
0x24: {  	s3 =	sadd.s32 $0x88, s3;
	s6 =	simm.s32 @!p1 $0x1082;
	[sflag:s4] =	ssyncset.s32 $0xFFFFF086  }
0x25: {  	[simem:s6], [sflag:s4] =	dma.local [hbm:s3], $0xF7A  }
0x26: {  	[smem:$0x3F88] =	sst s1;
	(tag) =	ssettag s2;
	_ =	strace s9  }
0x27: {  	s1 =	sld [smem:$0x3F98]  }
0x28: {  	s2 =	sld [smem:$0x3F99]  }
0x29: {  	s4 =	sld [smem:$0x3F9B]  }
0x2a: {  	p0 =	seq.s32 s5, $0x0;
	s5 =	sld [smem:$0x3F9C]  }
0x2b: {  	s6 =	sld [smem:$0x3F9D]  }
0x2c: {  	s7 =	sld [smem:$0x3F9E]  }
0x2d: {  	s3 =	simm.s32 $0x108;
	s8 =	sld [smem:$0x3F9F]  }
0x2e: {  	s3 =	simm.s32 @!p0 $0x1082;
	s9 =	sld [smem:$0x3FA0]  }
0x2f: {  	lr =	sadd.s32 s0, s3;
	s0 =	sld [smem:$0x3F97]  }
0x30: {  	s3 =	sld [smem:$0x3F9A]  }
0x31: {  	[smem:$0x3FA3] =	sst s10  }
0x32: {  	s10 =	sld [smem:$0x3FA1];
	_ =	sdelay $0x3  }
0x33: {  	p0 =	seq.s32 s10, $0x1;
	s10 =	sld [smem:$0x3FA3];
	_ =	sdelay $0x3  }
0x34: {  	[smem:$0x3FA3] =	sst s10  }
0x35: {  	s10 =	sld [smem:$0x3FA2];
	_ =	sdelay $0x3  }
0x36: {  	p1 =	seq.s32 s10, $0x1;
	s10 =	sld [smem:$0x3FA3];
	_ =	sdelay $0x3  }
0x37: {  	[smem:$0x3FA3] =	sst s10  }
0x38: {  	s10 =	sld [smem:$0x3FA4]  }
0x39: {  	_ = 	snop;
	(pc) =	sbr.ind lr, $3  }
0x3a: {  	_ = 	snop  }
0x3b: {  	_ = 	snop  }
0x3c: {  	p2 =	seq.s32 s10, $0x1;
	s10 =	sld [smem:$0x3FA3]  }
0x3d: {  	_ =	shalt  }
0x3e: {  	_ =	shalt  }
0x3f: {  	_ =	shalt  }
0x40: {  	_ =	shalt  }
0x41: {  	_ =	shalt  }
0x42: {  	_ =	shalt  }
0x43: {  	_ =	shalt  }
0x44: {  	_ =	shalt  }
0x45: {  	_ =	shalt  }
0x46: {  	_ =	shalt  }
0x47: {  	_ =	shalt  }
0x48: {  	_ =	shalt  }
0x49: {  	_ =	shalt  }
0x4a: {  	_ =	shalt  }
0x4b: {  	_ =	shalt  }
0x4c: {  	_ =	shalt  }
0x4d: {  	_ =	shalt  }
0x4e: {  	_ =	shalt  }
0x4f: {  	_ =	shalt  }
0x50: {  	_ =	shalt  }
0x51: {  	_ =	shalt  }
0x52: {  	_ =	shalt  }
0x53: {  	_ =	shalt  }
0x54: {  	_ =	shalt  }
0x55: {  	_ =	shalt  }
0x56: {  	_ =	shalt  }
0x57: {  	_ =	shalt  }
0x58: {  	_ =	shalt  }
0x59: {  	_ =	shalt  }
0x5a: {  	_ =	shalt  }
0x5b: {  	_ =	shalt  }
0x5c: {  	_ =	shalt  }
0x5d: {  	_ =	shalt  }
0x5e: {  	_ =	shalt  }
0x5f: {  	_ =	shalt  }
0x60: {  	_ =	shalt  }
0x61: {  	_ =	shalt  }
0x62: {  	_ =	shalt  }
0x63: {  	_ =	shalt  }
0x64: {  	_ =	shalt  }
0x65: {  	_ =	shalt  }
0x66: {  	_ =	shalt  }
0x67: {  	_ =	shalt  }
0x68: {  	_ =	shalt  }
0x69: {  	_ =	shalt  }
0x6a: {  	_ =	shalt  }
0x6b: {  	_ =	shalt  }
0x6c: {  	_ =	shalt  }
0x6d: {  	_ =	shalt  }
0x6e: {  	_ =	shalt  }
0x6f: {  	_ =	shalt  }
0x70: {  	_ =	shalt  }
0x71: {  	_ =	shalt  }
0x72: {  	_ =	shalt  }
0x73: {  	_ =	shalt  }
0x74: {  	_ =	shalt  }
0x75: {  	_ =	shalt  }
0x76: {  	_ =	shalt  }
0x77: {  	_ =	shalt  }
0x78: {  	_ =	shalt  }
0x79: {  	_ =	shalt  }
0x7a: {  	_ =	shalt  }
0x7b: {  	_ =	shalt  }
0x7c: {  	_ =	shalt  }
0x7d: {  	_ =	shalt  }
0x7e: {  	_ =	shalt  }
0x7f: {  	_ =	shalt  }
0x80: {  	_ =	shalt  }
0x81: {  	_ =	shalt  }
0x82: {  	_ =	shalt  }
0x83: {  	_ =	shalt  }
0x84: {  	_ =	shalt  }
0x85: {  	_ =	shalt  }
0x86: {  	_ =	shalt  }
0x87: {  	_ =	shalt  }
.Lfunc_end0:
.L_simem_size_0:
called_computation.3_lowered:
.L_overlay_start_0:
0x88: {  	s2 =	sld [smem:$0x3FD9]  }
0x89: {  	s3 =	sld [smem:$0x3FFE];
	_ =	sdelay $0x1  }
0x8a: {  	s1 =	srdreg.scid  }
0x8b: {  	s0 =	sand.u32 $0x1, s1  }
0x8c: {  	s17 =	sshll.u32 s0, $0xA;
	s2 =	sadd.s32 s3, s2  }
0x8d: {  	s2 =	sadd.s32 s2, s17  }
0x8e: {  	[smem:$0x3FAF] =	sst s2  }
0x8f: {  	_ = 	snop  }
0x90: {  	s2 =	sld [smem:$0x3FD0];
	(tm) =	ssettm $0x1  }
0x91: {  	s18 =	sld [smem:$0x3FFB];
	_ =	sdelay $0x3  }
0x92: {  	_ =	strace s18  }
0x93: {  	s3 =	sld [smem:$0x3FFC];
	_ =	sdelay $0x3  }
0x94: {  	_ =	strace s3  }
0x95: {  	s3 =	sld [smem:$0x3FFD];
	_ =	sdelay $0x3  }
0x96: {  	_ =	strace s3  }
0x97: {  	_ =	strace $0x8FFFFFFF  }
0x98: {  	s19 =	sld [smem:$0x3FDB];
	_ =	sdelay $0x1  }
0x99: {  	s4 =	simm.s32 $_scs_section_size  }
0x9a: {  	s5 =	simm.s32 $_size__tile_overlayer_lowered;
	s6 =	simm.s32 $_tile_overlayer_lowered  }
0x9b: {  	s22 =	simm.s32 $0x1BFF;
	s21 =	sshll.u32 s6, $0x1;
	s3 =	sadd.s32 s4, s19  }
0x9c: {  	s7 =	simm.s32 $0x0;
	s20 =	sshll.u32 s5, $0x1;
	s5 =	sadd.s32 s21, s3  }
0x9d: {  	[timem:s7], [sflag:s22] =	dma.local [hbm:s5], s20  }
0x9e: {  	_ =	swait.ge [sflag:s22], s20  }
0x9f: {  	s4 =	ssub.s32 $0x0, s20;
	[sflag:s22] =	ssyncset.done $0x0  }
0xa0: {  	[sflag:s22] =	ssyncadd.s32 s4;
	_ =	sdelay $0x1  }
0xa1: {  	s23 =	simm.s32 $0x1B8B  }
0xa2: {  	_ =	swait.ge [sflag:s23], $0x1  }
0xa3: {  	[sflag:s23] =	ssyncset.done $0x0  }
0xa4: {  	s25 =	simm.s32 $0x1B8E;
	s24 =	sld [smem:$0x3FFE];
	[sflag:s23] =	ssyncadd.s32 $0xFFFFFFFF  }
0xa5: {  	s26 =	simm.s32 $execute0_lowered;
	[smem:$0x3FD2] =	sst s25  }
0xa6: {  	s5 =	sshll.u32 s26, $0x1;
	_ =	strace $0x8000004F;
	[dreg:$0x1] =	wrdreg $0xFFFFFFFF  }
0xa7: {  	s28 =	simm.s32 $_size_execute0_lowered;
	s3 =	sadd.s32 s3, s5;
	[dreg:$0x0] =	wrdreg $0x0  }
0xa8: {  	s5 =	sshll.u32 s28, $0x1;
	[dreg:$0x2] =	wrdreg s3  }
0xa9: {  	[dreg:$0x3] =	wrdreg s5  }
0xaa: {  	[dreg:$0x4] =	wrdreg $0xC0  }
0xab: {  	_ =	task [dreg:s7], $0x5FFFF  }
0xac: {  	[dreg:$0x1] =	wrdreg $0xFFFFFFFF  }
0xad: {  	[dreg:$0x0] =	wrdreg $0x60  }
0xae: {  	[dreg:$0x2] =	wrdreg s24  }
0xaf: {  	[dreg:$0x3] =	wrdreg s2  }
0xb0: {  	[dreg:$0x4] =	wrdreg $0x42000  }
0xb1: {  	[dreg:$0x5] =	wrdreg $0x9  }
0xb2: {  	_ =	task.clear_ibuf [dreg:s7], $0x6FFFF;
	_ =	strace $0x9000004F  }
0xb3: {  	s29 =	simm.s32 $0x9;
	_ =	strace $0x80000051  }
0xb4: {  	_ =	swait.ge [sflag:s29], $0x1  }
0xb5: {  	[sflag:s29] =	ssyncadd.s32 $0xFFFFFFFF  }
0xb6: {  	_ =	strace $0x90000051  }
0xb7: {  	_ =	sfence  }
0xb8: {  	s30 =	sld [smem:$0x0];
	_ =	sdelay $0x2  }
0xb9: {  	s31 =	sshll.u32 s1, $0xD;
	s1 =	sshrl.u32 s1, $0x2  }
0xba: {  	s3 =	sand.u32 $0x4000, s31;
	s1 =	sadd.s32 s1, s30  }
0xbb: {  	s0 =	sor.u32 s3, s0;
	s1 =	sshll.u32 s1, $0x11  }
0xbc: {  	s0 =	sor.u32 s1, s0  }
0xbd: {  	s0 =	sadd.s32 $0x8F2B, s0  }
0xbe: {  	[sflag:s0] =	ssyncadd.remote.s32 $0x1  }
0xbf: {  	_ =	sfence.sel $0xFFFF  }
0xc0: {  	[dreg:$0x0] =	wrdreg $0xFFFFFFFF;
	(pc) =	sbr.abs _section_cstart, $3  }
0xc1: {  	[dreg:$0x1] =	wrdreg $0xFFFFFFFF  }
0xc2: {  	_ =	task.clear_ibuf [dreg:s7], $0x2FFFF;
	_ =	strace $0x9FFFFFFF  }
0xc3: {  	(tm) =	ssettm $0x7FFFFFFF  }
tec
execute0_lowered:
.L_overlay_start_1:
0x0: {  	(tag) =	ssettag $0x1  }
0x1: {  	s5 =	rddreg [dreg:$0x0]  }
0x2: {  	s2 =	rddreg [dreg:$0x1]  }
0x3: {  	s3 =	rddreg [dreg:$0x2]  }
0x4: {  	s0 =	rddreg [dreg:$0x3];
	s4 =	simm.s32 $0x0  }
0x5: {  	s1 =	stileid.u32;
	s7 =	srdreg.scid;
	s16 =	simm.s32 $0x1200  }
0x6: {  	s17 =	simm.s32 $0x100;
	s18 =	simm.s32 $0x2200;
	s19 =	simm.s32 $0x180  }
0x7: {  	s20 =	simm.s32 $0x3200;
	s21 =	simm.s32 $0x0;
	s6 =	smul.u32 $0x3100, s1  }
0x8: {  	[smem:$0x7FF] =	sst s4;
	s11 =	sadd.s32 $0x516600, s5;
	s26 =	smul.u32 $0x19000, s1  }
0x9: {  	s25 =	sand.u32 $0x1, s7;
	s8 =	sadd.s32 $0x45600, s5;
	s15 =	smul.u32 $0x310000, s1  }
0xa: {  	s29 =	sshll.u32 s1, $0x6;
	_ =	strace $0x80000050;
	s9 =	smul.u32 $0x6200000, s25  }
0xb: {  	s28 =	ssub.s32 $0x2, s25;
	s13 =	smul.u32 $0x320000, s25;
	s10 =	sadd.s32 s6, s5  }
0xc: {  	s12 =	sshrl.u32 s28, $0x1;
	s6 =	sshllo.u32 s25, $0x1;
	s14 =	sadd.s32 s26, s3  }
0xd: {  	s5 =	sor.u32 $0x1C01, s29;
	s12 =	ssub.s32 s28, s12;
	s6 =	smul.u32 $0x190000, s6  }
0xe: {  	s13 =	sadd.s32 s26, s13;
	s9 =	sadd.s32 s15, s9;
	s10 =	sadd.s32 $0x1CD600, s10  }
0xf: {  	s13 =	sshrl.u32 s13, $0x3;
	s30 =	sshrl.u32 s9, $0x3;
	s15 =	sadd.s32 $0x3100000, s9  }
0x10: {  	s7 =	sadd.s32 s26, s6;
	s6 =	sadd.s32 s8, s13;
	s9 =	sadd.s32 s30, s11  }
0x11: {  	s31 =	sshrl.u32 s15, $0x3;
	s13 =	simm.s32 $0x1;
	s7 =	sshrl.u32 s7, $0x3  }
0x12: {  	s15 =	simm.s32 $0x80;
	s11 =	sadd.s32 s31, s11;
	s7 =	sadd.s32 s8, s7  }
0x13: {  	s8 =	smax.u32 s12, $0x1;
	s12 =	sshrl.u32 s14, $0x3;
	s14 =	simm.s32 $0x200  }
.LBB2_1:
0x14: {  	[spmem:s12], [sflag:s5] =	dma.local [hbm:s2], $0x3200  }
0x15: {  	_ =	swait.ge [sflag:s13], $0x3200  }
0x16: {  	[sflag:s13] =	ssyncset.done $0x0  }
0x17: {  	[sflag:s13] =	ssyncadd.s32 $0xFFFFCE00  }
0x18: {  	s22 =	sadd.s32 $0x0, s10;
	[bflag:$0x0] =	sbarrier.arrive $0xFFFF  }
0x19: {  	[tilespmem:s4], [sflag:$0x1] =	stream.linear.gather [hbm4b:s22+s4], $0x200, $0x38;
	[tilespmem:$0x1D200] =	vst v63  }
0x1a: {  	_ =	swait.ge [sflag:s13], $0x200  }
0x1b: {  	[sflag:s13] =	ssyncset.done $0x0  }
0x1c: {  	[sflag:s13] =	ssyncadd.s32 $0xFFFFFE00  }
0x1d: {  	[tilespmem:s14], [sflag:$0x1] =	stream.linear.gather [hbm4b:s9+s4], $0x4000, $0x38;
	[tilespmem:$0x1D200] =	vst v63  }
0x1e: {  	_ =	swait.ge [sflag:s13], $0x4000  }
0x1f: {  	[sflag:s13] =	ssyncset.done $0x0  }
0x20: {  	[sflag:s13] =	ssyncadd.s32 $0xFFFFC000  }
0x21: {  	[spmem:s3] =	stream.indirect.scatter.add.f32 [tilespmem:s14], [sflag:$0x1], $0x20, s4, s15, $0xb8;
	[tilespmem:$0x1D200] =	vst v63  }
0x22: {  	_ =	swait.ge [sflag:s13], $0x1000  }
0x23: {  	[sflag:s13] =	ssyncset.done $0x0  }
0x24: {  	[sflag:s13] =	ssyncadd.s32 $0xFFFFF000  }
0x25: {  	[spmem:s3] =	stream.indirect.scatter.add.f32 [tilespmem:s16], [sflag:$0x1], $0x20, s15, s15, $0xb8;
	[tilespmem:$0x1D200] =	vst v63  }
0x26: {  	_ =	swait.ge [sflag:s13], $0x1000  }
0x27: {  	[sflag:s13] =	ssyncset.done $0x0  }
0x28: {  	[sflag:s13] =	ssyncadd.s32 $0xFFFFF000  }
0x29: {  	[spmem:s3] =	stream.indirect.scatter.add.f32 [tilespmem:s18], [sflag:$0x1], $0x20, s17, s15, $0xb8;
	[tilespmem:$0x1D200] =	vst v63  }
0x2a: {  	_ =	swait.ge [sflag:s13], $0x1000  }
0x2b: {  	[sflag:s13] =	ssyncset.done $0x0  }
0x2c: {  	[sflag:s13] =	ssyncadd.s32 $0xFFFFF000  }
0x2d: {  	[spmem:s3] =	stream.indirect.scatter.add.f32 [tilespmem:s20], [sflag:$0x1], $0x20, s19, s15, $0xb8;
	[tilespmem:$0x1D200] =	vst v63  }
0x2e: {  	s23 =	simm.s32 $0x40;
	_ =	swait.ge [sflag:s13], $0x1000  }
0x2f: {  	s24 =	simm.s32 $0x80;
	s22 =	sadd.s32 $0x800, s9;
	[sflag:s13] =	ssyncset.done $0x0  }
.LBB2_2:
0x30: {  	s25 =	sadd.s32 s23, s10  }
0x31: {  	[sflag:s13] =	ssyncadd.s32 $0xFFFFF000;
	s23 =	smov.u32 s24;
	s26 =	sadd.s32 $0x40, s24  }
0x32: {  	[tilespmem:s4], [sflag:$0x1] =	stream.linear.gather [hbm4b:s25+s4], $0x200, $0x38;
	[tilespmem:$0x1D200] =	vst v63  }
0x33: {  	p0 =	sne.s32 s24, $0x30C0;
	_ =	swait.ge [sflag:s13], $0x200  }
0x34: {  	[sflag:s13] =	ssyncset.done $0x0  }
0x35: {  	[sflag:s13] =	ssyncadd.s32 $0xFFFFFE00  }
0x36: {  	[tilespmem:s14], [sflag:$0x1] =	stream.linear.gather [hbm4b:s22+s4], $0x4000, $0x38;
	[tilespmem:$0x1D200] =	vst v63  }
0x37: {  	_ =	swait.ge [sflag:s13], $0x4000  }
0x38: {  	[sflag:s13] =	ssyncset.done $0x0  }
0x39: {  	[sflag:s13] =	ssyncadd.s32 $0xFFFFC000  }
0x3a: {  	[spmem:s3] =	stream.indirect.scatter.add.f32 [tilespmem:s14], [sflag:$0x1], $0x20, s4, s15, $0xb8;
	[tilespmem:$0x1D200] =	vst v63  }
0x3b: {  	_ =	swait.ge [sflag:s13], $0x1000  }
0x3c: {  	[sflag:s13] =	ssyncset.done $0x0  }
0x3d: {  	[sflag:s13] =	ssyncadd.s32 $0xFFFFF000  }
0x3e: {  	[spmem:s3] =	stream.indirect.scatter.add.f32 [tilespmem:s16], [sflag:$0x1], $0x20, s15, s15, $0xb8;
	[tilespmem:$0x1D200] =	vst v63  }
0x3f: {  	_ =	swait.ge [sflag:s13], $0x1000  }
0x40: {  	[sflag:s13] =	ssyncset.done $0x0  }
0x41: {  	[sflag:s13] =	ssyncadd.s32 $0xFFFFF000  }
0x42: {  	[spmem:s3] =	stream.indirect.scatter.add.f32 [tilespmem:s18], [sflag:$0x1], $0x20, s17, s15, $0xb8;
	[tilespmem:$0x1D200] =	vst v63  }
0x43: {  	_ =	swait.ge [sflag:s13], $0x1000  }
.Ltmp0:
0x44: {  	[sflag:s13] =	ssyncset.done $0x0;
	(pc) =	sbr.rel @p0 .LBB2_2-.Ltmp0, $4  }
0x45: {  	[sflag:s13] =	ssyncadd.s32 $0xFFFFF000  }
0x46: {  	[spmem:s3] =	stream.indirect.scatter.add.f32 [tilespmem:s20], [sflag:$0x1], $0x20, s19, s15, $0xb8;
	[tilespmem:$0x1D200] =	vst v63  }
0x47: {  	_ =	swait.ge [sflag:s13], $0x1000  }
0x48: {  	s24 =	smov.u32 s26;
	s22 =	sadd.s32 $0x800, s22;
	[sflag:s13] =	ssyncset.done $0x0  }
0x49: {  	s23 =	sadd.s32 s23, s10;
	[sflag:s13] =	ssyncadd.s32 $0xFFFFF000  }
0x4a: {  	[tilespmem:s4], [sflag:$0x1] =	stream.linear.gather [hbm4b:s23+s4], $0x200, $0x38;
	[tilespmem:$0x1D200] =	vst v63  }
0x4b: {  	_ =	swait.ge [sflag:s13], $0x200  }
0x4c: {  	[sflag:s13] =	ssyncset.done $0x0  }
0x4d: {  	[sflag:s13] =	ssyncadd.s32 $0xFFFFFE00  }
0x4e: {  	[tilespmem:s14], [sflag:$0x1] =	stream.linear.gather [hbm4b:s22+s4], $0x4000, $0x38;
	[tilespmem:$0x1D200] =	vst v63  }
0x4f: {  	_ =	swait.ge [sflag:s13], $0x4000  }
0x50: {  	[sflag:s13] =	ssyncset.done $0x0  }
0x51: {  	[sflag:s13] =	ssyncadd.s32 $0xFFFFC000  }
0x52: {  	[spmem:s3] =	stream.indirect.scatter.add.f32 [tilespmem:s14], [sflag:$0x1], $0x20, s4, s15, $0xb8;
	[tilespmem:$0x1D200] =	vst v63  }
0x53: {  	_ =	swait.ge [sflag:s13], $0x1000  }
0x54: {  	[sflag:s13] =	ssyncset.done $0x0  }
0x55: {  	[sflag:s13] =	ssyncadd.s32 $0xFFFFF000  }
0x56: {  	[spmem:s3] =	stream.indirect.scatter.add.f32 [tilespmem:s16], [sflag:$0x1], $0x20, s15, s15, $0xb8;
	[tilespmem:$0x1D200] =	vst v63  }
0x57: {  	_ =	swait.ge [sflag:s13], $0x1000  }
0x58: {  	[sflag:s13] =	ssyncset.done $0x0  }
0x59: {  	[sflag:s13] =	ssyncadd.s32 $0xFFFFF000  }
0x5a: {  	[spmem:s3] =	stream.indirect.scatter.add.f32 [tilespmem:s18], [sflag:$0x1], $0x20, s17, s15, $0xb8;
	[tilespmem:$0x1D200] =	vst v63  }
0x5b: {  	_ =	swait.ge [sflag:s13], $0x1000  }
0x5c: {  	[sflag:s13] =	ssyncset.done $0x0  }
0x5d: {  	[sflag:s13] =	ssyncadd.s32 $0xFFFFF000  }
0x5e: {  	[spmem:s3] =	stream.indirect.scatter.add.f32 [tilespmem:s20], [sflag:$0x1], $0x20, s19, s15, $0xb8;
	[tilespmem:$0x1D200] =	vst v63  }
0x5f: {  	_ =	swait.ge [sflag:s13], $0x1000  }
0x60: {  	[sflag:s13] =	ssyncset.done $0x0  }
0x61: {  	[sflag:s13] =	ssyncadd.s32 $0xFFFFF000  }
0x62: {  	[bflag:$0x0] =	sbarrier.arrive $0xFFFF  }
0x63: {  	[hbm:s6], [sflag:s5] =	dma.local [spmem:s12], $0x3200  }
0x64: {  	_ =	swait.ge [sflag:s13], $0x3200  }
0x65: {  	[sflag:s13] =	ssyncset.done $0x0  }
0x66: {  	[sflag:s13] =	ssyncadd.s32 $0xFFFFCE00  }
0x67: {  	[bflag:$0x0] =	sbarrier.arrive $0xFFFF  }
0x68: {  	[spmem:s12], [sflag:s5] =	dma.local [hbm:s2], $0x3200  }
0x69: {  	_ =	swait.ge [sflag:s13], $0x3200  }
0x6a: {  	[sflag:s13] =	ssyncset.done $0x0  }
0x6b: {  	[sflag:s13] =	ssyncadd.s32 $0xFFFFCE00  }
0x6c: {  	s31 =	sadd.s32 $0x0, s10;
	[bflag:$0x0] =	sbarrier.arrive $0xFFFF  }
0x6d: {  	[tilespmem:s4], [sflag:$0x1] =	stream.linear.gather [hbm4b:s31+s4], $0x200, $0x38;
	[tilespmem:$0x1D200] =	vst v63  }
0x6e: {  	_ =	swait.ge [sflag:s13], $0x200  }
0x6f: {  	[sflag:s13] =	ssyncset.done $0x0  }
0x70: {  	[sflag:s13] =	ssyncadd.s32 $0xFFFFFE00  }
0x71: {  	[tilespmem:s14], [sflag:$0x1] =	stream.linear.gather [hbm4b:s11+s4], $0x4000, $0x38;
	[tilespmem:$0x1D200] =	vst v63  }
0x72: {  	_ =	swait.ge [sflag:s13], $0x4000  }
0x73: {  	[sflag:s13] =	ssyncset.done $0x0  }
0x74: {  	[sflag:s13] =	ssyncadd.s32 $0xFFFFC000  }
0x75: {  	[spmem:s3] =	stream.indirect.scatter.add.f32 [tilespmem:s14], [sflag:$0x1], $0x20, s4, s15, $0xb8;
	[tilespmem:$0x1D200] =	vst v63  }
0x76: {  	_ =	swait.ge [sflag:s13], $0x1000  }
0x77: {  	[sflag:s13] =	ssyncset.done $0x0  }
0x78: {  	[sflag:s13] =	ssyncadd.s32 $0xFFFFF000  }
0x79: {  	[spmem:s3] =	stream.indirect.scatter.add.f32 [tilespmem:s16], [sflag:$0x1], $0x20, s15, s15, $0xb8;
	[tilespmem:$0x1D200] =	vst v63  }
0x7a: {  	_ =	swait.ge [sflag:s13], $0x1000  }
0x7b: {  	[sflag:s13] =	ssyncset.done $0x0  }
0x7c: {  	[sflag:s13] =	ssyncadd.s32 $0xFFFFF000  }
0x7d: {  	[spmem:s3] =	stream.indirect.scatter.add.f32 [tilespmem:s18], [sflag:$0x1], $0x20, s17, s15, $0xb8;
	[tilespmem:$0x1D200] =	vst v63  }
0x7e: {  	_ =	swait.ge [sflag:s13], $0x1000  }
0x7f: {  	[sflag:s13] =	ssyncset.done $0x0  }
0x80: {  	[sflag:s13] =	ssyncadd.s32 $0xFFFFF000  }
0x81: {  	[spmem:s3] =	stream.indirect.scatter.add.f32 [tilespmem:s20], [sflag:$0x1], $0x20, s19, s15, $0xb8;
	[tilespmem:$0x1D200] =	vst v63  }
0x82: {  	s24 =	simm.s32 $0x80;
	_ =	swait.ge [sflag:s13], $0x1000  }
0x83: {  	s23 =	simm.s32 $0x40;
	s22 =	sadd.s32 $0x800, s11;
	[sflag:s13] =	ssyncset.done $0x0  }
.LBB2_4:
0x84: {  	s25 =	sadd.s32 s23, s10  }
0x85: {  	[sflag:s13] =	ssyncadd.s32 $0xFFFFF000;
	s23 =	smov.u32 s24;
	s26 =	sadd.s32 $0x40, s24  }
0x86: {  	[tilespmem:s4], [sflag:$0x1] =	stream.linear.gather [hbm4b:s25+s4], $0x200, $0x38;
	[tilespmem:$0x1D200] =	vst v63  }
0x87: {  	p0 =	sne.s32 s24, $0x30C0;
	_ =	swait.ge [sflag:s13], $0x200  }
0x88: {  	[sflag:s13] =	ssyncset.done $0x0  }
0x89: {  	[sflag:s13] =	ssyncadd.s32 $0xFFFFFE00  }
0x8a: {  	[tilespmem:s14], [sflag:$0x1] =	stream.linear.gather [hbm4b:s22+s4], $0x4000, $0x38;
	[tilespmem:$0x1D200] =	vst v63  }
0x8b: {  	_ =	swait.ge [sflag:s13], $0x4000  }
0x8c: {  	[sflag:s13] =	ssyncset.done $0x0  }
0x8d: {  	[sflag:s13] =	ssyncadd.s32 $0xFFFFC000  }
0x8e: {  	[spmem:s3] =	stream.indirect.scatter.add.f32 [tilespmem:s14], [sflag:$0x1], $0x20, s4, s15, $0xb8;
	[tilespmem:$0x1D200] =	vst v63  }
0x8f: {  	_ =	swait.ge [sflag:s13], $0x1000  }
0x90: {  	[sflag:s13] =	ssyncset.done $0x0  }
0x91: {  	[sflag:s13] =	ssyncadd.s32 $0xFFFFF000  }
0x92: {  	[spmem:s3] =	stream.indirect.scatter.add.f32 [tilespmem:s16], [sflag:$0x1], $0x20, s15, s15, $0xb8;
	[tilespmem:$0x1D200] =	vst v63  }
0x93: {  	_ =	swait.ge [sflag:s13], $0x1000  }
0x94: {  	[sflag:s13] =	ssyncset.done $0x0  }
0x95: {  	[sflag:s13] =	ssyncadd.s32 $0xFFFFF000  }
0x96: {  	[spmem:s3] =	stream.indirect.scatter.add.f32 [tilespmem:s18], [sflag:$0x1], $0x20, s17, s15, $0xb8;
	[tilespmem:$0x1D200] =	vst v63  }
0x97: {  	_ =	swait.ge [sflag:s13], $0x1000  }
.Ltmp1:
0x98: {  	[sflag:s13] =	ssyncset.done $0x0;
	(pc) =	sbr.rel @p0 .LBB2_4-.Ltmp1, $4  }
0x99: {  	[sflag:s13] =	ssyncadd.s32 $0xFFFFF000  }
0x9a: {  	[spmem:s3] =	stream.indirect.scatter.add.f32 [tilespmem:s20], [sflag:$0x1], $0x20, s19, s15, $0xb8;
	[tilespmem:$0x1D200] =	vst v63  }
0x9b: {  	_ =	swait.ge [sflag:s13], $0x1000  }
0x9c: {  	s24 =	smov.u32 s26;
	s22 =	sadd.s32 $0x800, s22;
	[sflag:s13] =	ssyncset.done $0x0  }
0x9d: {  	s23 =	sadd.s32 s23, s10;
	[sflag:s13] =	ssyncadd.s32 $0xFFFFF000  }
0x9e: {  	[tilespmem:s4], [sflag:$0x1] =	stream.linear.gather [hbm4b:s23+s4], $0x200, $0x38;
	[tilespmem:$0x1D200] =	vst v63  }
0x9f: {  	_ =	swait.ge [sflag:s13], $0x200  }
0xa0: {  	[sflag:s13] =	ssyncset.done $0x0  }
0xa1: {  	[sflag:s13] =	ssyncadd.s32 $0xFFFFFE00  }
0xa2: {  	[tilespmem:s14], [sflag:$0x1] =	stream.linear.gather [hbm4b:s22+s4], $0x4000, $0x38;
	[tilespmem:$0x1D200] =	vst v63  }
0xa3: {  	_ =	swait.ge [sflag:s13], $0x4000  }
0xa4: {  	[sflag:s13] =	ssyncset.done $0x0  }
0xa5: {  	[sflag:s13] =	ssyncadd.s32 $0xFFFFC000  }
0xa6: {  	[spmem:s3] =	stream.indirect.scatter.add.f32 [tilespmem:s14], [sflag:$0x1], $0x20, s4, s15, $0xb8;
	[tilespmem:$0x1D200] =	vst v63  }
0xa7: {  	_ =	swait.ge [sflag:s13], $0x1000  }
0xa8: {  	[sflag:s13] =	ssyncset.done $0x0  }
0xa9: {  	[sflag:s13] =	ssyncadd.s32 $0xFFFFF000  }
0xaa: {  	[spmem:s3] =	stream.indirect.scatter.add.f32 [tilespmem:s16], [sflag:$0x1], $0x20, s15, s15, $0xb8;
	[tilespmem:$0x1D200] =	vst v63  }
0xab: {  	_ =	swait.ge [sflag:s13], $0x1000  }
0xac: {  	[sflag:s13] =	ssyncset.done $0x0  }
0xad: {  	[sflag:s13] =	ssyncadd.s32 $0xFFFFF000  }
0xae: {  	[spmem:s3] =	stream.indirect.scatter.add.f32 [tilespmem:s18], [sflag:$0x1], $0x20, s17, s15, $0xb8;
	[tilespmem:$0x1D200] =	vst v63  }
0xaf: {  	_ =	swait.ge [sflag:s13], $0x1000  }
0xb0: {  	[sflag:s13] =	ssyncset.done $0x0  }
0xb1: {  	[sflag:s13] =	ssyncadd.s32 $0xFFFFF000  }
0xb2: {  	[spmem:s3] =	stream.indirect.scatter.add.f32 [tilespmem:s20], [sflag:$0x1], $0x20, s19, s15, $0xb8;
	[tilespmem:$0x1D200] =	vst v63  }
0xb3: {  	_ =	swait.ge [sflag:s13], $0x1000  }
0xb4: {  	[sflag:s13] =	ssyncset.done $0x0  }
0xb5: {  	s21 =	sadd.s32 $0x1, s21;
	[sflag:s13] =	ssyncadd.s32 $0xFFFFF000  }
0xb6: {  	p0 =	sne.s32 s21, s8;
	[bflag:$0x0] =	sbarrier.arrive $0xFFFF  }
0xb7: {  	[hbm:s7], [sflag:s5] =	dma.local [spmem:s12], $0x3200  }
.Ltmp2:
0xb8: {  	_ =	swait.ge [sflag:s13], $0x3200;
	(pc) =	sbr.rel @p0 .LBB2_1-.Ltmp2, $3  }
0xb9: {  	[sflag:s13] =	ssyncset.done $0x0  }
0xba: {  	[sflag:s13] =	ssyncadd.s32 $0xFFFFCE00  }
0xbb: {  	[bflag:$0x0] =	sbarrier.arrive $0xFFFF;
	_ =	sdelay $0x1  }
0xbc: {  	_ =	sfence.sel $0x180000  }
0xbd: {  	[bflag:$0x0] =	sbarrier.arrive $0xFFFF  }
0xbe: {  	p0 =	sne.s32 s1, $0x0;
	_ =	strace $0x90000050  }
0xbf: {  	s0 =	sadd.s32 @!p0 $0x100000, s0;
	[bflag:$0x2] =	sbarrier.arrive $0xFFFF  }
0xc0: {  	[sflag:s0] =	ssyncadd.tile.s32 @!p0 $0x1;
	_ =	shalt  }
.Lfunc_end2:
_tile_overlayer_lowered:
.L_overlay_start_2:
0xc1: {  	(tag) =	ssettag $0x2  }
0xc2: {  	s0 =	rddreg [dreg:$0x0];
	s2 =	stileid.u32  }
0xc3: {  	s1 =	rddreg [dreg:$0x1];
	p0 =	sne.s32 s2, $0x0  }
0xc4: {  	s3 =	rddreg [dreg:$0x2];
	[bflag:$0x3] =	sbarrier.arrive $0xFFFF;
	s2 =	simm.s32 @!p0 $0x1C01  }
0xc5: {  	[timem:s3], [sflag:s2] =	dma.local @!p0 [hbm:s0], s1  }
0xc6: {  	s0 =	simm.s32 @!p0 $0x1  }
0xc7: {  	_ =	swait.ge @!p0 [sflag:s0], s1  }
0xc8: {  	s1 =	ssub.s32 @!p0 $0x0, s1;
	[sflag:s0] =	ssyncset.done @!p0 $0x0  }
0xc9: {  	[sflag:s0] =	ssyncadd.s32 @!p0 s1  }
0xca: {  	[bflag:$0x3] =	sbarrier.arrive $0xFFFF  }
0xcb: {  	_ =	shalt  }

// kernel: kernel.26.cloned.1.call-start
scs
__scs_entry_jumppad:
0x0: {  	(pc) =	sbr.rel $0x88, $3  }
0x1: {  	(tag) =	ssettag $0x0;
	lr =	simm.s32 $0x1  }
0x2: {  	[smem:$0x3F88] =	sst lr;
	_ =	strace $0xD0000000  }
0x3: {  	_ = 	snop  }
0x4: {  	_ = 	snop  }
0x5: {  	_ = 	snop  }
0x6: {  	_ = 	snop  }
0x7: {  	_ = 	snop  }
__scs_overlays_trampoline_lowered:
0x8: {  	[smem:$0x3F97] =	sst s0  }
0x9: {  	[smem:$0x3F98] =	sst s1  }
0xa: {  	[smem:$0x3F99] =	sst s2  }
0xb: {  	[smem:$0x3F9A] =	sst s3  }
0xc: {  	[smem:$0x3F9B] =	sst s4  }
0xd: {  	[smem:$0x3F9C] =	sst s5  }
0xe: {  	[smem:$0x3F9D] =	sst s6  }
0xf: {  	[smem:$0x3F9E] =	sst s7  }
0x10: {  	[smem:$0x3F9F] =	sst s8  }
0x11: {  	[smem:$0x3FA0] =	sst s9;
	s0 =	simm.s32 @!p0 $0x0  }
0x12: {  	s1 =	sld [smem:$0x3F86];
	s0 =	simm.s32 @p0 $0x1  }
0x13: {  	[smem:$0x3FA1] =	sst s0;
	s0 =	simm.s32 @!p1 $0x0  }
0x14: {  	s2 =	sld [smem:$0x3F85];
	s0 =	simm.s32 @p1 $0x1  }
0x15: {  	[smem:$0x3FA2] =	sst s0;
	s0 =	simm.s32 @!p2 $0x0  }
0x16: {  	s3 =	sld [smem:$0x3FDB];
	s0 =	simm.s32 @p2 $0x1  }
0x17: {  	s4 =	simm.s32 $0x1BF5;
	[smem:$0x3FA4] =	sst s0  }
0x18: {  	s0 =	sld [smem:$0x3F87];
	_ =	swait.ge [sflag:s4], $0x0  }
0x19: {  	s7 =	sld [smem:$0x3F88]  }
0x1a: {  	s8 =	sadd.s32 $0xFFFFE003, lr  }
0x1b: {  	s9 =	sadd.s32 $0xFFFFFEF7, lr;
	s5 =	simm.s32 $0xFFFFFFFF;
	p2 =	slt.u32 s8, $0xFFFFF086  }
0x1c: {  	p1 =	slt.u32 s9, $0xF7A;
	s5 =	simm.s32 @!p2 $0x0  }
0x1d: {  	s5 =	simm.s32 @p1 $0x1;
	p0 =	seq.s32 s7, s2  }
0x1e: {  	s7 =	smul.u32 @!p0 $0xF7A, s2;
	p2 =	seq.s32 @!p0 s5, $0x0  }
0x1f: {  	s9 =	smul.u32 $0xF7A, s1;
	s8 =	simm.s32 @!p0 $0x1BF5;
	p2 =	por !p2, p0  }
0x20: {  	[sflag:s8] =	ssyncset.s32 @!p0 $0xFFFFF086;
	s6 =	sadd.s32 @!p0 s3, s7;
	s7 =	simm.s32 @!p0 $0x108  }
0x21: {  	s3 =	sadd.s32 s3, s9;
	s6 =	sadd.s32 @!p0 $0x88, s6;
	s7 =	simm.s32 @p2 $0x1082  }
0x22: {  	[simem:s7], [sflag:s8] =	dma.local @!p0 [hbm:s6], $0xF7A  }
0x23: {  	s9 =	sor.u32 $0xD0000000, s2;
	s6 =	simm.s32 $0x108;
	_ =	swait.ge @!p0 [sflag:s8], $0x0  }
0x24: {  	s3 =	sadd.s32 $0x88, s3;
	s6 =	simm.s32 @!p1 $0x1082;
	[sflag:s4] =	ssyncset.s32 $0xFFFFF086  }
0x25: {  	[simem:s6], [sflag:s4] =	dma.local [hbm:s3], $0xF7A  }
0x26: {  	[smem:$0x3F88] =	sst s1;
	(tag) =	ssettag s2;
	_ =	strace s9  }
0x27: {  	s1 =	sld [smem:$0x3F98]  }
0x28: {  	s2 =	sld [smem:$0x3F99]  }
0x29: {  	s4 =	sld [smem:$0x3F9B]  }
0x2a: {  	p0 =	seq.s32 s5, $0x0;
	s5 =	sld [smem:$0x3F9C]  }
0x2b: {  	s6 =	sld [smem:$0x3F9D]  }
0x2c: {  	s7 =	sld [smem:$0x3F9E]  }
0x2d: {  	s3 =	simm.s32 $0x108;
	s8 =	sld [smem:$0x3F9F]  }
0x2e: {  	s3 =	simm.s32 @!p0 $0x1082;
	s9 =	sld [smem:$0x3FA0]  }
0x2f: {  	lr =	sadd.s32 s0, s3;
	s0 =	sld [smem:$0x3F97]  }
0x30: {  	s3 =	sld [smem:$0x3F9A]  }
0x31: {  	[smem:$0x3FA3] =	sst s10  }
0x32: {  	s10 =	sld [smem:$0x3FA1];
	_ =	sdelay $0x3  }
0x33: {  	p0 =	seq.s32 s10, $0x1;
	s10 =	sld [smem:$0x3FA3];
	_ =	sdelay $0x3  }
0x34: {  	[smem:$0x3FA3] =	sst s10  }
0x35: {  	s10 =	sld [smem:$0x3FA2];
	_ =	sdelay $0x3  }
0x36: {  	p1 =	seq.s32 s10, $0x1;
	s10 =	sld [smem:$0x3FA3];
	_ =	sdelay $0x3  }
0x37: {  	[smem:$0x3FA3] =	sst s10  }
0x38: {  	s10 =	sld [smem:$0x3FA4]  }
0x39: {  	_ = 	snop;
	(pc) =	sbr.ind lr, $3  }
0x3a: {  	_ = 	snop  }
0x3b: {  	_ = 	snop  }
0x3c: {  	p2 =	seq.s32 s10, $0x1;
	s10 =	sld [smem:$0x3FA3]  }
0x3d: {  	_ =	shalt  }
0x3e: {  	_ =	shalt  }
0x3f: {  	_ =	shalt  }
0x40: {  	_ =	shalt  }
0x41: {  	_ =	shalt  }
0x42: {  	_ =	shalt  }
0x43: {  	_ =	shalt  }
0x44: {  	_ =	shalt  }
0x45: {  	_ =	shalt  }
0x46: {  	_ =	shalt  }
0x47: {  	_ =	shalt  }
0x48: {  	_ =	shalt  }
0x49: {  	_ =	shalt  }
0x4a: {  	_ =	shalt  }
0x4b: {  	_ =	shalt  }
0x4c: {  	_ =	shalt  }
0x4d: {  	_ =	shalt  }
0x4e: {  	_ =	shalt  }
0x4f: {  	_ =	shalt  }
0x50: {  	_ =	shalt  }
0x51: {  	_ =	shalt  }
0x52: {  	_ =	shalt  }
0x53: {  	_ =	shalt  }
0x54: {  	_ =	shalt  }
0x55: {  	_ =	shalt  }
0x56: {  	_ =	shalt  }
0x57: {  	_ =	shalt  }
0x58: {  	_ =	shalt  }
0x59: {  	_ =	shalt  }
0x5a: {  	_ =	shalt  }
0x5b: {  	_ =	shalt  }
0x5c: {  	_ =	shalt  }
0x5d: {  	_ =	shalt  }
0x5e: {  	_ =	shalt  }
0x5f: {  	_ =	shalt  }
0x60: {  	_ =	shalt  }
0x61: {  	_ =	shalt  }
0x62: {  	_ =	shalt  }
0x63: {  	_ =	shalt  }
0x64: {  	_ =	shalt  }
0x65: {  	_ =	shalt  }
0x66: {  	_ =	shalt  }
0x67: {  	_ =	shalt  }
0x68: {  	_ =	shalt  }
0x69: {  	_ =	shalt  }
0x6a: {  	_ =	shalt  }
0x6b: {  	_ =	shalt  }
0x6c: {  	_ =	shalt  }
0x6d: {  	_ =	shalt  }
0x6e: {  	_ =	shalt  }
0x6f: {  	_ =	shalt  }
0x70: {  	_ =	shalt  }
0x71: {  	_ =	shalt  }
0x72: {  	_ =	shalt  }
0x73: {  	_ =	shalt  }
0x74: {  	_ =	shalt  }
0x75: {  	_ =	shalt  }
0x76: {  	_ =	shalt  }
0x77: {  	_ =	shalt  }
0x78: {  	_ =	shalt  }
0x79: {  	_ =	shalt  }
0x7a: {  	_ =	shalt  }
0x7b: {  	_ =	shalt  }
0x7c: {  	_ =	shalt  }
0x7d: {  	_ =	shalt  }
0x7e: {  	_ =	shalt  }
0x7f: {  	_ =	shalt  }
0x80: {  	_ =	shalt  }
0x81: {  	_ =	shalt  }
0x82: {  	_ =	shalt  }
0x83: {  	_ =	shalt  }
0x84: {  	_ =	shalt  }
0x85: {  	_ =	shalt  }
0x86: {  	_ =	shalt  }
0x87: {  	_ =	shalt  }
.Lfunc_end0:
.L_simem_size_0:
called_computation.4_lowered:
.L_overlay_start_0:
0x88: {  	s2 =	sld [smem:$0x3FD9]  }
0x89: {  	s3 =	sld [smem:$0x3FFE];
	_ =	sdelay $0x1  }
0x8a: {  	s1 =	srdreg.scid  }
0x8b: {  	s0 =	sand.u32 $0x1, s1  }
0x8c: {  	s16 =	sshll.u32 s0, $0xA;
	s2 =	sadd.s32 s3, s2  }
0x8d: {  	s2 =	sadd.s32 s2, s16  }
0x8e: {  	[smem:$0x3FAF] =	sst s2  }
0x8f: {  	_ = 	snop  }
0x90: {  	(tm) =	ssettm $0x1  }
0x91: {  	s17 =	sld [smem:$0x3FFB];
	_ =	sdelay $0x3  }
0x92: {  	_ =	strace s17  }
0x93: {  	s2 =	sld [smem:$0x3FFC];
	_ =	sdelay $0x3  }
0x94: {  	_ =	strace s2  }
0x95: {  	s2 =	sld [smem:$0x3FFD];
	_ =	sdelay $0x3  }
0x96: {  	_ =	strace s2  }
0x97: {  	_ =	strace $0x8FFFFFFF  }
0x98: {  	s18 =	sld [smem:$0x3FDB];
	_ =	sdelay $0x1  }
0x99: {  	s19 =	simm.s32 $_scs_section_size  }
0x9a: {  	s4 =	simm.s32 $_size__tile_overlayer_lowered;
	s5 =	simm.s32 $_tile_overlayer_lowered  }
0x9b: {  	s22 =	simm.s32 $0x1BFF;
	s21 =	sshll.u32 s5, $0x1;
	s2 =	sadd.s32 s19, s18  }
0x9c: {  	s6 =	simm.s32 $0x0;
	s20 =	sshll.u32 s4, $0x1;
	s4 =	sadd.s32 s21, s2  }
0x9d: {  	[timem:s6], [sflag:s22] =	dma.local [hbm:s4], s20  }
0x9e: {  	_ =	swait.ge [sflag:s22], s20  }
0x9f: {  	s3 =	ssub.s32 $0x0, s20;
	[sflag:s22] =	ssyncset.done $0x0  }
0xa0: {  	[sflag:s22] =	ssyncadd.s32 s3;
	_ =	sdelay $0x1  }
0xa1: {  	s23 =	simm.s32 $0x1B8B  }
0xa2: {  	_ =	swait.ge [sflag:s23], $0x1  }
0xa3: {  	[sflag:s23] =	ssyncset.done $0x0  }
0xa4: {  	s25 =	simm.s32 $0x1B8E;
	s24 =	sld [smem:$0x3FFE];
	[sflag:s23] =	ssyncadd.s32 $0xFFFFFFFF  }
0xa5: {  	s26 =	simm.s32 $execute0_lowered;
	[smem:$0x3FD2] =	sst s25  }
0xa6: {  	s4 =	sshll.u32 s26, $0x1;
	_ =	strace $0x80000052;
	[dreg:$0x1] =	wrdreg $0xFFFFFFFF  }
0xa7: {  	s28 =	simm.s32 $_size_execute0_lowered;
	s2 =	sadd.s32 s2, s4;
	[dreg:$0x0] =	wrdreg $0x0  }
0xa8: {  	s4 =	sshll.u32 s28, $0x1;
	[dreg:$0x2] =	wrdreg s2  }
0xa9: {  	[dreg:$0x3] =	wrdreg s4  }
0xaa: {  	[dreg:$0x4] =	wrdreg $0xC0  }
0xab: {  	_ =	task [dreg:s6], $0x5FFFF  }
0xac: {  	[dreg:$0x1] =	wrdreg $0xFFFFFFFF  }
0xad: {  	[dreg:$0x0] =	wrdreg $0x60  }
0xae: {  	[dreg:$0x2] =	wrdreg s24  }
0xaf: {  	[dreg:$0x3] =	wrdreg $0x9  }
0xb0: {  	_ =	task.clear_ibuf [dreg:s6], $0x4FFFF;
	_ =	strace $0x90000052  }
0xb1: {  	s29 =	simm.s32 $0x9;
	_ =	strace $0x80000054  }
0xb2: {  	_ =	swait.ge [sflag:s29], $0x1  }
0xb3: {  	[sflag:s29] =	ssyncadd.s32 $0xFFFFFFFF  }
0xb4: {  	_ =	strace $0x90000054  }
0xb5: {  	_ =	sfence  }
0xb6: {  	s30 =	sld [smem:$0x0];
	_ =	sdelay $0x2  }
0xb7: {  	s31 =	sshll.u32 s1, $0xD;
	s1 =	sshrl.u32 s1, $0x2  }
0xb8: {  	s3 =	sand.u32 $0x4000, s31;
	s1 =	sadd.s32 s1, s30  }
0xb9: {  	s0 =	sor.u32 s3, s0;
	s1 =	sshll.u32 s1, $0x11  }
0xba: {  	s0 =	sor.u32 s1, s0  }
0xbb: {  	s0 =	sadd.s32 $0x8F2B, s0  }
0xbc: {  	[sflag:s0] =	ssyncadd.remote.s32 $0x1  }
0xbd: {  	_ =	sfence.sel $0xFFFF  }
0xbe: {  	[dreg:$0x0] =	wrdreg $0xFFFFFFFF;
	(pc) =	sbr.abs _section_cstart, $3  }
0xbf: {  	[dreg:$0x1] =	wrdreg $0xFFFFFFFF  }
0xc0: {  	_ =	task.clear_ibuf [dreg:s6], $0x2FFFF;
	_ =	strace $0x9FFFFFFF  }
0xc1: {  	(tm) =	ssettm $0x7FFFFFFF  }
tec
execute0_lowered:
.L_overlay_start_1:
0x0: {  	(tag) =	ssettag $0x1  }
0x1: {  	s4 =	rddreg [dreg:$0x0]  }
0x2: {  	s0 =	rddreg [dreg:$0x1]  }
0x3: {  	s3 =	srdreg.scid;
	s1 =	stileid.u32;
	s2 =	simm.s32 $0x0  }
0x4: {  	s11 =	simm.s32 $0x14400;
	s12 =	simm.s32 $0x18400;
	s13 =	simm.s32 $0x1  }
0x5: {  	s14 =	simm.s32 $0x0;
	s5 =	sand.u32 $0x1, s3;
	s28 =	sshll.u32 s1, $0x1  }
0x6: {  	[smem:$0x7FF] =	sst s2;
	s7 =	smul.u32 $0x188000, s1;
	s3 =	sor.u32 s5, s28  }
0x7: {  	_ =	strace $0x80000053;
	s8 =	ssub.s32 $0x2, s5;
	s10 =	smul.u32 $0xC4000, s5  }
0x8: {  	s6 =	smul.u32 $0xC400, s3;
	s3 =	sadd.s32 $0x45600, s4;
	s9 =	sshrl.u32 s8, $0x1  }
0x9: {  	s30 =	sadd.s32 s7, s4;
	s7 =	simm.s32 $0x2;
	s31 =	ssub.s32 s8, s9  }
0xa: {  	s8 =	simm.s32 $0x80;
	s9 =	simm.s32 $0xC400;
	s6 =	sshrl.u32 s6, $0x3  }
0xb: {  	s5 =	smax.u32 s31, $0x1;
	s29 =	sadd.s32 s6, s4;
	s6 =	sadd.s32 s10, s30  }
0xc: {  	s10 =	simm.s32 $0x10400;
	s4 =	sadd.s32 $0x14600, s29;
	s6 =	sadd.s32 $0x388600, s6  }
.LBB2_1:
0xd: {  	[tilespmem:s2], [sflag:$0x2] =	stream.linear.gather [hbm4b:s4+s2], $0xC400, $0x38;
	[tilespmem:$0x1C400] =	vst v63  }
0xe: {  	_ =	swait.ge [sflag:s7], $0xC400  }
0xf: {  	[sflag:s7] =	ssyncset.done $0x0  }
0x10: {  	s15 =	simm.s32 $0x0;
	[sflag:s7] =	ssyncadd.s32 $0xFFFF3C00  }
0x11: {  	[tilespmem:s9], [sflag:$0x1] =	stream.indirect.gather [hbm4b:s3+s8], $0x80, s15, s8, $0xb8;
	[tilespmem:$0x1C400] =	vst v63  }
0x12: {  	s28 =	simm.s32 $0x80  }
0x13: {  	[tilespmem:s10], [sflag:$0x1] =	stream.indirect.gather [hbm4b:s3+s8], $0x80, s28, s8, $0xb8;
	[tilespmem:$0x1C400] =	vst v63  }
0x14: {  	s29 =	simm.s32 $0x100  }
0x15: {  	[tilespmem:s11], [sflag:$0x1] =	stream.indirect.gather [hbm4b:s3+s8], $0x80, s29, s8, $0xb8;
	[tilespmem:$0x1C400] =	vst v63  }
0x16: {  	s30 =	simm.s32 $0x180  }
0x17: {  	[tilespmem:s12], [sflag:$0x1] =	stream.indirect.gather [hbm4b:s3+s8], $0x80, s30, s8, $0xb8;
	[tilespmem:$0x1C400] =	vst v63  }
0x18: {  	_ =	swait.ge [sflag:s13], $0x4000  }
0x19: {  	[sflag:s13] =	ssyncset.done $0x0  }
0x1a: {  	[sflag:s13] =	ssyncadd.s32 $0xFFFFC000  }
0x1b: {  	_ =	swait.ge [sflag:s13], $0x4000  }
0x1c: {  	[sflag:s13] =	ssyncset.done $0x0  }
0x1d: {  	[sflag:s13] =	ssyncadd.s32 $0xFFFFC000  }
0x1e: {  	_ =	swait.ge [sflag:s13], $0x4000  }
0x1f: {  	[sflag:s13] =	ssyncset.done $0x0  }
0x20: {  	[sflag:s13] =	ssyncadd.s32 $0xFFFFC000  }
0x21: {  	_ =	swait.ge [sflag:s13], $0x4000  }
0x22: {  	[sflag:s13] =	ssyncset.done $0x0  }
0x23: {  	s31 =	sadd.s32 $0x0, s6;
	[sflag:s13] =	ssyncadd.s32 $0xFFFFC000  }
0x24: {  	[hbm4b:s31+s2] =	stream.linear.scatter [tilespmem:s9], [sflag:$0x2], $0x10000, $0x38;
	[tilespmem:$0x1C400] =	vst v63  }
0x25: {  	s17 =	simm.s32 $0x4000;
	_ =	swait.ge [sflag:s7], $0x10000  }
0x26: {  	s16 =	simm.s32 $0x380;
	s15 =	simm.s32 $0x2000;
	[sflag:s7] =	ssyncset.done $0x0  }
.LBB2_2:
0x27: {  	p0 =	sne.s32 s17, $0xC2000;
	s18 =	sadd.s32 $0xFFFFFE80, s16;
	[sflag:s7] =	ssyncadd.s32 $0xFFFF0000  }
0x28: {  	[tilespmem:s9], [sflag:$0x1] =	stream.indirect.gather [hbm4b:s3+s8], $0x80, s18, s8, $0xb8;
	[tilespmem:$0x1C400] =	vst v63  }
0x29: {  	s19 =	smov.u32 s17;
	s17 =	sadd.s32 $0x2000, s17;
	s18 =	sadd.s32 $0xFFFFFF00, s16  }
0x2a: {  	[tilespmem:s10], [sflag:$0x1] =	stream.indirect.gather [hbm4b:s3+s8], $0x80, s18, s8, $0xb8;
	[tilespmem:$0x1C400] =	vst v63  }
0x2b: {  	s18 =	sadd.s32 $0xFFFFFF80, s16  }
0x2c: {  	[tilespmem:s11], [sflag:$0x1] =	stream.indirect.gather [hbm4b:s3+s8], $0x80, s18, s8, $0xb8;
	[tilespmem:$0x1C400] =	vst v63  }
0x2d: {  	_ = 	snop  }
0x2e: {  	[tilespmem:s12], [sflag:$0x1] =	stream.indirect.gather [hbm4b:s3+s8], $0x80, s16, s8, $0xb8;
	[tilespmem:$0x1C400] =	vst v63  }
0x2f: {  	_ =	swait.ge [sflag:s13], $0x4000  }
0x30: {  	[sflag:s13] =	ssyncset.done $0x0  }
0x31: {  	[sflag:s13] =	ssyncadd.s32 $0xFFFFC000  }
0x32: {  	_ =	swait.ge [sflag:s13], $0x4000  }
0x33: {  	[sflag:s13] =	ssyncset.done $0x0  }
0x34: {  	[sflag:s13] =	ssyncadd.s32 $0xFFFFC000  }
0x35: {  	_ =	swait.ge [sflag:s13], $0x4000  }
0x36: {  	[sflag:s13] =	ssyncset.done $0x0  }
0x37: {  	[sflag:s13] =	ssyncadd.s32 $0xFFFFC000  }
0x38: {  	_ =	swait.ge [sflag:s13], $0x4000  }
.Ltmp0:
0x39: {  	[sflag:s13] =	ssyncset.done $0x0;
	(pc) =	sbr.rel @p0 .LBB2_2-.Ltmp0, $4  }
0x3a: {  	s18 =	sadd.s32 s15, s6;
	s15 =	smov.u32 s19;
	[sflag:s13] =	ssyncadd.s32 $0xFFFFC000  }
0x3b: {  	[hbm4b:s18+s2] =	stream.linear.scatter [tilespmem:s9], [sflag:$0x2], $0x10000, $0x38;
	[tilespmem:$0x1C400] =	vst v63  }
0x3c: {  	_ =	swait.ge [sflag:s7], $0x10000  }
0x3d: {  	s16 =	sadd.s32 $0x200, s16;
	[sflag:s7] =	ssyncset.done $0x0  }
0x3e: {  	s17 =	sadd.s32 $0xFFFFFE80, s16;
	[sflag:s7] =	ssyncadd.s32 $0xFFFF0000  }
0x3f: {  	[tilespmem:s9], [sflag:$0x1] =	stream.indirect.gather [hbm4b:s3+s8], $0x80, s17, s8, $0xb8;
	[tilespmem:$0x1C400] =	vst v63  }
0x40: {  	s30 =	sadd.s32 $0xFFFFFF00, s16  }
0x41: {  	[tilespmem:s10], [sflag:$0x1] =	stream.indirect.gather [hbm4b:s3+s8], $0x80, s30, s8, $0xb8;
	[tilespmem:$0x1C400] =	vst v63  }
0x42: {  	s31 =	sadd.s32 $0xFFFFFF80, s16  }
0x43: {  	[tilespmem:s11], [sflag:$0x1] =	stream.indirect.gather [hbm4b:s3+s8], $0x80, s31, s8, $0xb8;
	[tilespmem:$0x1C400] =	vst v63  }
0x44: {  	_ = 	snop  }
0x45: {  	[tilespmem:s12], [sflag:$0x1] =	stream.indirect.gather [hbm4b:s3+s8], $0x80, s16, s8, $0xb8;
	[tilespmem:$0x1C400] =	vst v63  }
0x46: {  	_ =	swait.ge [sflag:s13], $0x4000  }
0x47: {  	[sflag:s13] =	ssyncset.done $0x0  }
0x48: {  	[sflag:s13] =	ssyncadd.s32 $0xFFFFC000  }
0x49: {  	_ =	swait.ge [sflag:s13], $0x4000  }
0x4a: {  	[sflag:s13] =	ssyncset.done $0x0  }
0x4b: {  	[sflag:s13] =	ssyncadd.s32 $0xFFFFC000  }
0x4c: {  	_ =	swait.ge [sflag:s13], $0x4000  }
0x4d: {  	[sflag:s13] =	ssyncset.done $0x0  }
0x4e: {  	[sflag:s13] =	ssyncadd.s32 $0xFFFFC000  }
0x4f: {  	s14 =	sadd.s32 $0x1, s14;
	_ =	swait.ge [sflag:s13], $0x4000  }
0x50: {  	p0 =	sne.s32 s14, s5;
	[sflag:s13] =	ssyncset.done $0x0  }
.Ltmp1:
0x51: {  	s15 =	sadd.s32 s15, s6;
	[sflag:s13] =	ssyncadd.s32 $0xFFFFC000;
	(pc) =	sbr.rel @p0 .LBB2_1-.Ltmp1, $4  }
0x52: {  	[hbm4b:s15+s2] =	stream.linear.scatter [tilespmem:s9], [sflag:$0x2], $0x10000, $0x38;
	[tilespmem:$0x1C400] =	vst v63  }
0x53: {  	_ =	swait.ge [sflag:s7], $0x10000  }
0x54: {  	[sflag:s7] =	ssyncset.done $0x0  }
0x55: {  	[sflag:s7] =	ssyncadd.s32 $0xFFFF0000  }
0x56: {  	_ =	sfence.sel $0x180000  }
0x57: {  	[bflag:$0x0] =	sbarrier.arrive $0xFFFF  }
0x58: {  	p0 =	sne.s32 s1, $0x0;
	_ =	strace $0x90000053  }
0x59: {  	s0 =	sadd.s32 @!p0 $0x100000, s0;
	[bflag:$0x2] =	sbarrier.arrive $0xFFFF  }
0x5a: {  	[sflag:s0] =	ssyncadd.tile.s32 @!p0 $0x1;
	_ =	shalt  }
.Lfunc_end2:
_tile_overlayer_lowered:
.L_overlay_start_2:
0x5b: {  	(tag) =	ssettag $0x2  }
0x5c: {  	s0 =	rddreg [dreg:$0x0];
	s2 =	stileid.u32  }
0x5d: {  	s1 =	rddreg [dreg:$0x1];
	p0 =	sne.s32 s2, $0x0  }
0x5e: {  	s3 =	rddreg [dreg:$0x2];
	[bflag:$0x3] =	sbarrier.arrive $0xFFFF;
	s2 =	simm.s32 @!p0 $0x1C02  }
0x5f: {  	[timem:s3], [sflag:s2] =	dma.local @!p0 [hbm:s0], s1  }
0x60: {  	s0 =	simm.s32 @!p0 $0x2  }
0x61: {  	_ =	swait.ge @!p0 [sflag:s0], s1  }
0x62: {  	s1 =	ssub.s32 @!p0 $0x0, s1;
	[sflag:s0] =	ssyncset.done @!p0 $0x0  }
0x63: {  	[sflag:s0] =	ssyncadd.s32 @!p0 s1  }
0x64: {  	[bflag:$0x3] =	sbarrier.arrive $0xFFFF  }
0x65: {  	_ =	shalt  }

// kernel: kernel.29.cloned.1.call-start
scs
__scs_entry_jumppad:
0x0: {  	(pc) =	sbr.rel $0x88, $3  }
0x1: {  	(tag) =	ssettag $0x0;
	lr =	simm.s32 $0x1  }
0x2: {  	[smem:$0x3F88] =	sst lr;
	_ =	strace $0xD0000000  }
0x3: {  	_ = 	snop  }
0x4: {  	_ = 	snop  }
0x5: {  	_ = 	snop  }
0x6: {  	_ = 	snop  }
0x7: {  	_ = 	snop  }
__scs_overlays_trampoline_lowered:
0x8: {  	[smem:$0x3F97] =	sst s0  }
0x9: {  	[smem:$0x3F98] =	sst s1  }
0xa: {  	[smem:$0x3F99] =	sst s2  }
0xb: {  	[smem:$0x3F9A] =	sst s3  }
0xc: {  	[smem:$0x3F9B] =	sst s4  }
0xd: {  	[smem:$0x3F9C] =	sst s5  }
0xe: {  	[smem:$0x3F9D] =	sst s6  }
0xf: {  	[smem:$0x3F9E] =	sst s7  }
0x10: {  	[smem:$0x3F9F] =	sst s8  }
0x11: {  	[smem:$0x3FA0] =	sst s9;
	s0 =	simm.s32 @!p0 $0x0  }
0x12: {  	s1 =	sld [smem:$0x3F86];
	s0 =	simm.s32 @p0 $0x1  }
0x13: {  	[smem:$0x3FA1] =	sst s0;
	s0 =	simm.s32 @!p1 $0x0  }
0x14: {  	s2 =	sld [smem:$0x3F85];
	s0 =	simm.s32 @p1 $0x1  }
0x15: {  	[smem:$0x3FA2] =	sst s0;
	s0 =	simm.s32 @!p2 $0x0  }
0x16: {  	s3 =	sld [smem:$0x3FDB];
	s0 =	simm.s32 @p2 $0x1  }
0x17: {  	s4 =	simm.s32 $0x1BF5;
	[smem:$0x3FA4] =	sst s0  }
0x18: {  	s0 =	sld [smem:$0x3F87];
	_ =	swait.ge [sflag:s4], $0x0  }
0x19: {  	s7 =	sld [smem:$0x3F88]  }
0x1a: {  	s8 =	sadd.s32 $0xFFFFE003, lr  }
0x1b: {  	s9 =	sadd.s32 $0xFFFFFEF7, lr;
	s5 =	simm.s32 $0xFFFFFFFF;
	p2 =	slt.u32 s8, $0xFFFFF086  }
0x1c: {  	p1 =	slt.u32 s9, $0xF7A;
	s5 =	simm.s32 @!p2 $0x0  }
0x1d: {  	s5 =	simm.s32 @p1 $0x1;
	p0 =	seq.s32 s7, s2  }
0x1e: {  	s7 =	smul.u32 @!p0 $0xF7A, s2;
	p2 =	seq.s32 @!p0 s5, $0x0  }
0x1f: {  	s9 =	smul.u32 $0xF7A, s1;
	s8 =	simm.s32 @!p0 $0x1BF5;
	p2 =	por !p2, p0  }
0x20: {  	[sflag:s8] =	ssyncset.s32 @!p0 $0xFFFFF086;
	s6 =	sadd.s32 @!p0 s3, s7;
	s7 =	simm.s32 @!p0 $0x108  }
0x21: {  	s3 =	sadd.s32 s3, s9;
	s6 =	sadd.s32 @!p0 $0x88, s6;
	s7 =	simm.s32 @p2 $0x1082  }
0x22: {  	[simem:s7], [sflag:s8] =	dma.local @!p0 [hbm:s6], $0xF7A  }
0x23: {  	s9 =	sor.u32 $0xD0000000, s2;
	s6 =	simm.s32 $0x108;
	_ =	swait.ge @!p0 [sflag:s8], $0x0  }
0x24: {  	s3 =	sadd.s32 $0x88, s3;
	s6 =	simm.s32 @!p1 $0x1082;
	[sflag:s4] =	ssyncset.s32 $0xFFFFF086  }
0x25: {  	[simem:s6], [sflag:s4] =	dma.local [hbm:s3], $0xF7A  }
0x26: {  	[smem:$0x3F88] =	sst s1;
	(tag) =	ssettag s2;
	_ =	strace s9  }
0x27: {  	s1 =	sld [smem:$0x3F98]  }
0x28: {  	s2 =	sld [smem:$0x3F99]  }
0x29: {  	s4 =	sld [smem:$0x3F9B]  }
0x2a: {  	p0 =	seq.s32 s5, $0x0;
	s5 =	sld [smem:$0x3F9C]  }
0x2b: {  	s6 =	sld [smem:$0x3F9D]  }
0x2c: {  	s7 =	sld [smem:$0x3F9E]  }
0x2d: {  	s3 =	simm.s32 $0x108;
	s8 =	sld [smem:$0x3F9F]  }
0x2e: {  	s3 =	simm.s32 @!p0 $0x1082;
	s9 =	sld [smem:$0x3FA0]  }
0x2f: {  	lr =	sadd.s32 s0, s3;
	s0 =	sld [smem:$0x3F97]  }
0x30: {  	s3 =	sld [smem:$0x3F9A]  }
0x31: {  	[smem:$0x3FA3] =	sst s10  }
0x32: {  	s10 =	sld [smem:$0x3FA1];
	_ =	sdelay $0x3  }
0x33: {  	p0 =	seq.s32 s10, $0x1;
	s10 =	sld [smem:$0x3FA3];
	_ =	sdelay $0x3  }
0x34: {  	[smem:$0x3FA3] =	sst s10  }
0x35: {  	s10 =	sld [smem:$0x3FA2];
	_ =	sdelay $0x3  }
0x36: {  	p1 =	seq.s32 s10, $0x1;
	s10 =	sld [smem:$0x3FA3];
	_ =	sdelay $0x3  }
0x37: {  	[smem:$0x3FA3] =	sst s10  }
0x38: {  	s10 =	sld [smem:$0x3FA4]  }
0x39: {  	_ = 	snop;
	(pc) =	sbr.ind lr, $3  }
0x3a: {  	_ = 	snop  }
0x3b: {  	_ = 	snop  }
0x3c: {  	p2 =	seq.s32 s10, $0x1;
	s10 =	sld [smem:$0x3FA3]  }
0x3d: {  	_ =	shalt  }
0x3e: {  	_ =	shalt  }
0x3f: {  	_ =	shalt  }
0x40: {  	_ =	shalt  }
0x41: {  	_ =	shalt  }
0x42: {  	_ =	shalt  }
0x43: {  	_ =	shalt  }
0x44: {  	_ =	shalt  }
0x45: {  	_ =	shalt  }
0x46: {  	_ =	shalt  }
0x47: {  	_ =	shalt  }
0x48: {  	_ =	shalt  }
0x49: {  	_ =	shalt  }
0x4a: {  	_ =	shalt  }
0x4b: {  	_ =	shalt  }
0x4c: {  	_ =	shalt  }
0x4d: {  	_ =	shalt  }
0x4e: {  	_ =	shalt  }
0x4f: {  	_ =	shalt  }
0x50: {  	_ =	shalt  }
0x51: {  	_ =	shalt  }
0x52: {  	_ =	shalt  }
0x53: {  	_ =	shalt  }
0x54: {  	_ =	shalt  }
0x55: {  	_ =	shalt  }
0x56: {  	_ =	shalt  }
0x57: {  	_ =	shalt  }
0x58: {  	_ =	shalt  }
0x59: {  	_ =	shalt  }
0x5a: {  	_ =	shalt  }
0x5b: {  	_ =	shalt  }
0x5c: {  	_ =	shalt  }
0x5d: {  	_ =	shalt  }
0x5e: {  	_ =	shalt  }
0x5f: {  	_ =	shalt  }
0x60: {  	_ =	shalt  }
0x61: {  	_ =	shalt  }
0x62: {  	_ =	shalt  }
0x63: {  	_ =	shalt  }
0x64: {  	_ =	shalt  }
0x65: {  	_ =	shalt  }
0x66: {  	_ =	shalt  }
0x67: {  	_ =	shalt  }
0x68: {  	_ =	shalt  }
0x69: {  	_ =	shalt  }
0x6a: {  	_ =	shalt  }
0x6b: {  	_ =	shalt  }
0x6c: {  	_ =	shalt  }
0x6d: {  	_ =	shalt  }
0x6e: {  	_ =	shalt  }
0x6f: {  	_ =	shalt  }
0x70: {  	_ =	shalt  }
0x71: {  	_ =	shalt  }
0x72: {  	_ =	shalt  }
0x73: {  	_ =	shalt  }
0x74: {  	_ =	shalt  }
0x75: {  	_ =	shalt  }
0x76: {  	_ =	shalt  }
0x77: {  	_ =	shalt  }
0x78: {  	_ =	shalt  }
0x79: {  	_ =	shalt  }
0x7a: {  	_ =	shalt  }
0x7b: {  	_ =	shalt  }
0x7c: {  	_ =	shalt  }
0x7d: {  	_ =	shalt  }
0x7e: {  	_ =	shalt  }
0x7f: {  	_ =	shalt  }
0x80: {  	_ =	shalt  }
0x81: {  	_ =	shalt  }
0x82: {  	_ =	shalt  }
0x83: {  	_ =	shalt  }
0x84: {  	_ =	shalt  }
0x85: {  	_ =	shalt  }
0x86: {  	_ =	shalt  }
0x87: {  	_ =	shalt  }
.Lfunc_end0:
.L_simem_size_0:
called_computation.5_lowered:
.L_overlay_start_0:
0x88: {  	s2 =	sld [smem:$0x3FD9]  }
0x89: {  	s3 =	sld [smem:$0x3FFE];
	_ =	sdelay $0x1  }
0x8a: {  	s1 =	srdreg.scid  }
0x8b: {  	s0 =	sand.u32 $0x1, s1  }
0x8c: {  	s17 =	sshll.u32 s0, $0xA;
	s2 =	sadd.s32 s3, s2  }
0x8d: {  	s2 =	sadd.s32 s2, s17  }
0x8e: {  	[smem:$0x3FAF] =	sst s2  }
0x8f: {  	_ = 	snop  }
0x90: {  	s2 =	sld [smem:$0x3FD0];
	(tm) =	ssettm $0x1  }
0x91: {  	s18 =	sld [smem:$0x3FFB];
	_ =	sdelay $0x3  }
0x92: {  	_ =	strace s18  }
0x93: {  	s3 =	sld [smem:$0x3FFC];
	_ =	sdelay $0x3  }
0x94: {  	_ =	strace s3  }
0x95: {  	s3 =	sld [smem:$0x3FFD];
	_ =	sdelay $0x3  }
0x96: {  	_ =	strace s3  }
0x97: {  	_ =	strace $0x8FFFFFFF  }
0x98: {  	s19 =	sld [smem:$0x3FDB];
	_ =	sdelay $0x1  }
0x99: {  	s4 =	simm.s32 $_scs_section_size  }
0x9a: {  	s5 =	simm.s32 $_size__tile_overlayer_lowered;
	s6 =	simm.s32 $_tile_overlayer_lowered  }
0x9b: {  	s22 =	simm.s32 $0x1BFF;
	s21 =	sshll.u32 s6, $0x1;
	s3 =	sadd.s32 s4, s19  }
0x9c: {  	s7 =	simm.s32 $0x0;
	s20 =	sshll.u32 s5, $0x1;
	s5 =	sadd.s32 s21, s3  }
0x9d: {  	[timem:s7], [sflag:s22] =	dma.local [hbm:s5], s20  }
0x9e: {  	_ =	swait.ge [sflag:s22], s20  }
0x9f: {  	s4 =	ssub.s32 $0x0, s20;
	[sflag:s22] =	ssyncset.done $0x0  }
0xa0: {  	[sflag:s22] =	ssyncadd.s32 s4;
	_ =	sdelay $0x1  }
0xa1: {  	s23 =	simm.s32 $0x1B8B  }
0xa2: {  	_ =	swait.ge [sflag:s23], $0x1  }
0xa3: {  	[sflag:s23] =	ssyncset.done $0x0  }
0xa4: {  	s25 =	simm.s32 $0x1B8E;
	s24 =	sld [smem:$0x3FFE];
	[sflag:s23] =	ssyncadd.s32 $0xFFFFFFFF  }
0xa5: {  	s26 =	simm.s32 $execute0_lowered;
	[smem:$0x3FD2] =	sst s25  }
0xa6: {  	s5 =	sshll.u32 s26, $0x1;
	_ =	strace $0x80000055;
	[dreg:$0x1] =	wrdreg $0xFFFFFFFF  }
0xa7: {  	s28 =	simm.s32 $_size_execute0_lowered;
	s3 =	sadd.s32 s3, s5;
	[dreg:$0x0] =	wrdreg $0x0  }
0xa8: {  	s5 =	sshll.u32 s28, $0x1;
	[dreg:$0x2] =	wrdreg s3  }
0xa9: {  	[dreg:$0x3] =	wrdreg s5  }
0xaa: {  	[dreg:$0x4] =	wrdreg $0xC0  }
0xab: {  	_ =	task [dreg:s7], $0x5FFFF  }
0xac: {  	[dreg:$0x1] =	wrdreg $0xFFFFFFFF  }
0xad: {  	[dreg:$0x0] =	wrdreg $0x60  }
0xae: {  	[dreg:$0x2] =	wrdreg s24  }
0xaf: {  	[dreg:$0x3] =	wrdreg s2  }
0xb0: {  	[dreg:$0x4] =	wrdreg $0x42000  }
0xb1: {  	[dreg:$0x5] =	wrdreg $0x9  }
0xb2: {  	_ =	task.clear_ibuf [dreg:s7], $0x6FFFF;
	_ =	strace $0x90000055  }
0xb3: {  	s29 =	simm.s32 $0x9;
	_ =	strace $0x80000057  }
0xb4: {  	_ =	swait.ge [sflag:s29], $0x1  }
0xb5: {  	[sflag:s29] =	ssyncadd.s32 $0xFFFFFFFF  }
0xb6: {  	_ =	strace $0x90000057  }
0xb7: {  	_ =	sfence  }
0xb8: {  	s30 =	sld [smem:$0x0];
	_ =	sdelay $0x2  }
0xb9: {  	s31 =	sshll.u32 s1, $0xD;
	s1 =	sshrl.u32 s1, $0x2  }
0xba: {  	s3 =	sand.u32 $0x4000, s31;
	s1 =	sadd.s32 s1, s30  }
0xbb: {  	s0 =	sor.u32 s3, s0;
	s1 =	sshll.u32 s1, $0x11  }
0xbc: {  	s0 =	sor.u32 s1, s0  }
0xbd: {  	s0 =	sadd.s32 $0x8F2B, s0  }
0xbe: {  	[sflag:s0] =	ssyncadd.remote.s32 $0x1  }
0xbf: {  	_ =	sfence.sel $0xFFFF  }
0xc0: {  	[dreg:$0x0] =	wrdreg $0xFFFFFFFF;
	(pc) =	sbr.abs _section_cstart, $3  }
0xc1: {  	[dreg:$0x1] =	wrdreg $0xFFFFFFFF  }
0xc2: {  	_ =	task.clear_ibuf [dreg:s7], $0x2FFFF;
	_ =	strace $0x9FFFFFFF  }
0xc3: {  	(tm) =	ssettm $0x7FFFFFFF  }
tec
execute0_lowered:
.L_overlay_start_1:
0x0: {  	(tag) =	ssettag $0x1  }
0x1: {  	s5 =	rddreg [dreg:$0x0]  }
0x2: {  	s2 =	rddreg [dreg:$0x1]  }
0x3: {  	s3 =	rddreg [dreg:$0x2]  }
0x4: {  	s0 =	rddreg [dreg:$0x3];
	s4 =	simm.s32 $0x0  }
0x5: {  	s1 =	stileid.u32;
	s7 =	srdreg.scid;
	s16 =	simm.s32 $0x1200  }
0x6: {  	s17 =	simm.s32 $0x100;
	s18 =	simm.s32 $0x2200;
	s19 =	simm.s32 $0x180  }
0x7: {  	s20 =	simm.s32 $0x3200;
	s21 =	simm.s32 $0x0;
	s6 =	smul.u32 $0x3100, s1  }
0x8: {  	[smem:$0x7FF] =	sst s4;
	s11 =	sadd.s32 $0x1FE600, s5;
	s26 =	smul.u32 $0x19000, s1  }
0x9: {  	s25 =	sand.u32 $0x1, s7;
	s8 =	sadd.s32 $0x1A7E600, s5;
	s15 =	smul.u32 $0x310000, s1  }
0xa: {  	s29 =	sshll.u32 s1, $0x6;
	_ =	strace $0x80000056;
	s9 =	smul.u32 $0x6200000, s25  }
0xb: {  	s28 =	ssub.s32 $0x2, s25;
	s13 =	smul.u32 $0x320000, s25;
	s10 =	sadd.s32 s6, s5  }
0xc: {  	s12 =	sshrl.u32 s28, $0x1;
	s6 =	sshllo.u32 s25, $0x1;
	s14 =	sadd.s32 s26, s3  }
0xd: {  	s5 =	sor.u32 $0x1C01, s29;
	s12 =	ssub.s32 s28, s12;
	s6 =	smul.u32 $0x190000, s6  }
0xe: {  	s13 =	sadd.s32 s26, s13;
	s9 =	sadd.s32 s15, s9;
	s10 =	sadd.s32 $0x1CD600, s10  }
0xf: {  	s13 =	sshrl.u32 s13, $0x3;
	s30 =	sshrl.u32 s9, $0x3;
	s15 =	sadd.s32 $0x3100000, s9  }
0x10: {  	s7 =	sadd.s32 s26, s6;
	s6 =	sadd.s32 s8, s13;
	s9 =	sadd.s32 s30, s11  }
0x11: {  	s31 =	sshrl.u32 s15, $0x3;
	s13 =	simm.s32 $0x1;
	s7 =	sshrl.u32 s7, $0x3  }
0x12: {  	s15 =	simm.s32 $0x80;
	s11 =	sadd.s32 s31, s11;
	s7 =	sadd.s32 s8, s7  }
0x13: {  	s8 =	smax.u32 s12, $0x1;
	s12 =	sshrl.u32 s14, $0x3;
	s14 =	simm.s32 $0x200  }
.LBB2_1:
0x14: {  	[spmem:s12], [sflag:s5] =	dma.local [hbm:s2], $0x3200  }
0x15: {  	_ =	swait.ge [sflag:s13], $0x3200  }
0x16: {  	[sflag:s13] =	ssyncset.done $0x0  }
0x17: {  	[sflag:s13] =	ssyncadd.s32 $0xFFFFCE00  }
0x18: {  	s22 =	sadd.s32 $0x0, s10;
	[bflag:$0x0] =	sbarrier.arrive $0xFFFF  }
0x19: {  	[tilespmem:s4], [sflag:$0x1] =	stream.linear.gather [hbm4b:s22+s4], $0x200, $0x38;
	[tilespmem:$0x1D200] =	vst v63  }
0x1a: {  	_ =	swait.ge [sflag:s13], $0x200  }
0x1b: {  	[sflag:s13] =	ssyncset.done $0x0  }
0x1c: {  	[sflag:s13] =	ssyncadd.s32 $0xFFFFFE00  }
0x1d: {  	[tilespmem:s14], [sflag:$0x1] =	stream.linear.gather [hbm4b:s9+s4], $0x4000, $0x38;
	[tilespmem:$0x1D200] =	vst v63  }
0x1e: {  	_ =	swait.ge [sflag:s13], $0x4000  }
0x1f: {  	[sflag:s13] =	ssyncset.done $0x0  }
0x20: {  	[sflag:s13] =	ssyncadd.s32 $0xFFFFC000  }
0x21: {  	[spmem:s3] =	stream.indirect.scatter.add.f32 [tilespmem:s14], [sflag:$0x1], $0x20, s4, s15, $0xb8;
	[tilespmem:$0x1D200] =	vst v63  }
0x22: {  	_ =	swait.ge [sflag:s13], $0x1000  }
0x23: {  	[sflag:s13] =	ssyncset.done $0x0  }
0x24: {  	[sflag:s13] =	ssyncadd.s32 $0xFFFFF000  }
0x25: {  	[spmem:s3] =	stream.indirect.scatter.add.f32 [tilespmem:s16], [sflag:$0x1], $0x20, s15, s15, $0xb8;
	[tilespmem:$0x1D200] =	vst v63  }
0x26: {  	_ =	swait.ge [sflag:s13], $0x1000  }
0x27: {  	[sflag:s13] =	ssyncset.done $0x0  }
0x28: {  	[sflag:s13] =	ssyncadd.s32 $0xFFFFF000  }
0x29: {  	[spmem:s3] =	stream.indirect.scatter.add.f32 [tilespmem:s18], [sflag:$0x1], $0x20, s17, s15, $0xb8;
	[tilespmem:$0x1D200] =	vst v63  }
0x2a: {  	_ =	swait.ge [sflag:s13], $0x1000  }
0x2b: {  	[sflag:s13] =	ssyncset.done $0x0  }
0x2c: {  	[sflag:s13] =	ssyncadd.s32 $0xFFFFF000  }
0x2d: {  	[spmem:s3] =	stream.indirect.scatter.add.f32 [tilespmem:s20], [sflag:$0x1], $0x20, s19, s15, $0xb8;
	[tilespmem:$0x1D200] =	vst v63  }
0x2e: {  	s23 =	simm.s32 $0x40;
	_ =	swait.ge [sflag:s13], $0x1000  }
0x2f: {  	s24 =	simm.s32 $0x80;
	s22 =	sadd.s32 $0x800, s9;
	[sflag:s13] =	ssyncset.done $0x0  }
.LBB2_2:
0x30: {  	s25 =	sadd.s32 s23, s10  }
0x31: {  	[sflag:s13] =	ssyncadd.s32 $0xFFFFF000;
	s23 =	smov.u32 s24;
	s26 =	sadd.s32 $0x40, s24  }
0x32: {  	[tilespmem:s4], [sflag:$0x1] =	stream.linear.gather [hbm4b:s25+s4], $0x200, $0x38;
	[tilespmem:$0x1D200] =	vst v63  }
0x33: {  	p0 =	sne.s32 s24, $0x30C0;
	_ =	swait.ge [sflag:s13], $0x200  }
0x34: {  	[sflag:s13] =	ssyncset.done $0x0  }
0x35: {  	[sflag:s13] =	ssyncadd.s32 $0xFFFFFE00  }
0x36: {  	[tilespmem:s14], [sflag:$0x1] =	stream.linear.gather [hbm4b:s22+s4], $0x4000, $0x38;
	[tilespmem:$0x1D200] =	vst v63  }
0x37: {  	_ =	swait.ge [sflag:s13], $0x4000  }
0x38: {  	[sflag:s13] =	ssyncset.done $0x0  }
0x39: {  	[sflag:s13] =	ssyncadd.s32 $0xFFFFC000  }
0x3a: {  	[spmem:s3] =	stream.indirect.scatter.add.f32 [tilespmem:s14], [sflag:$0x1], $0x20, s4, s15, $0xb8;
	[tilespmem:$0x1D200] =	vst v63  }
0x3b: {  	_ =	swait.ge [sflag:s13], $0x1000  }
0x3c: {  	[sflag:s13] =	ssyncset.done $0x0  }
0x3d: {  	[sflag:s13] =	ssyncadd.s32 $0xFFFFF000  }
0x3e: {  	[spmem:s3] =	stream.indirect.scatter.add.f32 [tilespmem:s16], [sflag:$0x1], $0x20, s15, s15, $0xb8;
	[tilespmem:$0x1D200] =	vst v63  }
0x3f: {  	_ =	swait.ge [sflag:s13], $0x1000  }
0x40: {  	[sflag:s13] =	ssyncset.done $0x0  }
0x41: {  	[sflag:s13] =	ssyncadd.s32 $0xFFFFF000  }
0x42: {  	[spmem:s3] =	stream.indirect.scatter.add.f32 [tilespmem:s18], [sflag:$0x1], $0x20, s17, s15, $0xb8;
	[tilespmem:$0x1D200] =	vst v63  }
0x43: {  	_ =	swait.ge [sflag:s13], $0x1000  }
.Ltmp0:
0x44: {  	[sflag:s13] =	ssyncset.done $0x0;
	(pc) =	sbr.rel @p0 .LBB2_2-.Ltmp0, $4  }
0x45: {  	[sflag:s13] =	ssyncadd.s32 $0xFFFFF000  }
0x46: {  	[spmem:s3] =	stream.indirect.scatter.add.f32 [tilespmem:s20], [sflag:$0x1], $0x20, s19, s15, $0xb8;
	[tilespmem:$0x1D200] =	vst v63  }
0x47: {  	_ =	swait.ge [sflag:s13], $0x1000  }
0x48: {  	s24 =	smov.u32 s26;
	s22 =	sadd.s32 $0x800, s22;
	[sflag:s13] =	ssyncset.done $0x0  }
0x49: {  	s23 =	sadd.s32 s23, s10;
	[sflag:s13] =	ssyncadd.s32 $0xFFFFF000  }
0x4a: {  	[tilespmem:s4], [sflag:$0x1] =	stream.linear.gather [hbm4b:s23+s4], $0x200, $0x38;
	[tilespmem:$0x1D200] =	vst v63  }
0x4b: {  	_ =	swait.ge [sflag:s13], $0x200  }
0x4c: {  	[sflag:s13] =	ssyncset.done $0x0  }
0x4d: {  	[sflag:s13] =	ssyncadd.s32 $0xFFFFFE00  }
0x4e: {  	[tilespmem:s14], [sflag:$0x1] =	stream.linear.gather [hbm4b:s22+s4], $0x4000, $0x38;
	[tilespmem:$0x1D200] =	vst v63  }
0x4f: {  	_ =	swait.ge [sflag:s13], $0x4000  }
0x50: {  	[sflag:s13] =	ssyncset.done $0x0  }
0x51: {  	[sflag:s13] =	ssyncadd.s32 $0xFFFFC000  }
0x52: {  	[spmem:s3] =	stream.indirect.scatter.add.f32 [tilespmem:s14], [sflag:$0x1], $0x20, s4, s15, $0xb8;
	[tilespmem:$0x1D200] =	vst v63  }
0x53: {  	_ =	swait.ge [sflag:s13], $0x1000  }
0x54: {  	[sflag:s13] =	ssyncset.done $0x0  }
0x55: {  	[sflag:s13] =	ssyncadd.s32 $0xFFFFF000  }
0x56: {  	[spmem:s3] =	stream.indirect.scatter.add.f32 [tilespmem:s16], [sflag:$0x1], $0x20, s15, s15, $0xb8;
	[tilespmem:$0x1D200] =	vst v63  }
0x57: {  	_ =	swait.ge [sflag:s13], $0x1000  }
0x58: {  	[sflag:s13] =	ssyncset.done $0x0  }
0x59: {  	[sflag:s13] =	ssyncadd.s32 $0xFFFFF000  }
0x5a: {  	[spmem:s3] =	stream.indirect.scatter.add.f32 [tilespmem:s18], [sflag:$0x1], $0x20, s17, s15, $0xb8;
	[tilespmem:$0x1D200] =	vst v63  }
0x5b: {  	_ =	swait.ge [sflag:s13], $0x1000  }
0x5c: {  	[sflag:s13] =	ssyncset.done $0x0  }
0x5d: {  	[sflag:s13] =	ssyncadd.s32 $0xFFFFF000  }
0x5e: {  	[spmem:s3] =	stream.indirect.scatter.add.f32 [tilespmem:s20], [sflag:$0x1], $0x20, s19, s15, $0xb8;
	[tilespmem:$0x1D200] =	vst v63  }
0x5f: {  	_ =	swait.ge [sflag:s13], $0x1000  }
0x60: {  	[sflag:s13] =	ssyncset.done $0x0  }
0x61: {  	[sflag:s13] =	ssyncadd.s32 $0xFFFFF000  }
0x62: {  	[bflag:$0x0] =	sbarrier.arrive $0xFFFF  }
0x63: {  	[hbm:s6], [sflag:s5] =	dma.local [spmem:s12], $0x3200  }
0x64: {  	_ =	swait.ge [sflag:s13], $0x3200  }
0x65: {  	[sflag:s13] =	ssyncset.done $0x0  }
0x66: {  	[sflag:s13] =	ssyncadd.s32 $0xFFFFCE00  }
0x67: {  	[bflag:$0x0] =	sbarrier.arrive $0xFFFF  }
0x68: {  	[spmem:s12], [sflag:s5] =	dma.local [hbm:s2], $0x3200  }
0x69: {  	_ =	swait.ge [sflag:s13], $0x3200  }
0x6a: {  	[sflag:s13] =	ssyncset.done $0x0  }
0x6b: {  	[sflag:s13] =	ssyncadd.s32 $0xFFFFCE00  }
0x6c: {  	s31 =	sadd.s32 $0x0, s10;
	[bflag:$0x0] =	sbarrier.arrive $0xFFFF  }
0x6d: {  	[tilespmem:s4], [sflag:$0x1] =	stream.linear.gather [hbm4b:s31+s4], $0x200, $0x38;
	[tilespmem:$0x1D200] =	vst v63  }
0x6e: {  	_ =	swait.ge [sflag:s13], $0x200  }
0x6f: {  	[sflag:s13] =	ssyncset.done $0x0  }
0x70: {  	[sflag:s13] =	ssyncadd.s32 $0xFFFFFE00  }
0x71: {  	[tilespmem:s14], [sflag:$0x1] =	stream.linear.gather [hbm4b:s11+s4], $0x4000, $0x38;
	[tilespmem:$0x1D200] =	vst v63  }
0x72: {  	_ =	swait.ge [sflag:s13], $0x4000  }
0x73: {  	[sflag:s13] =	ssyncset.done $0x0  }
0x74: {  	[sflag:s13] =	ssyncadd.s32 $0xFFFFC000  }
0x75: {  	[spmem:s3] =	stream.indirect.scatter.add.f32 [tilespmem:s14], [sflag:$0x1], $0x20, s4, s15, $0xb8;
	[tilespmem:$0x1D200] =	vst v63  }
0x76: {  	_ =	swait.ge [sflag:s13], $0x1000  }
0x77: {  	[sflag:s13] =	ssyncset.done $0x0  }
0x78: {  	[sflag:s13] =	ssyncadd.s32 $0xFFFFF000  }
0x79: {  	[spmem:s3] =	stream.indirect.scatter.add.f32 [tilespmem:s16], [sflag:$0x1], $0x20, s15, s15, $0xb8;
	[tilespmem:$0x1D200] =	vst v63  }
0x7a: {  	_ =	swait.ge [sflag:s13], $0x1000  }
0x7b: {  	[sflag:s13] =	ssyncset.done $0x0  }
0x7c: {  	[sflag:s13] =	ssyncadd.s32 $0xFFFFF000  }
0x7d: {  	[spmem:s3] =	stream.indirect.scatter.add.f32 [tilespmem:s18], [sflag:$0x1], $0x20, s17, s15, $0xb8;
	[tilespmem:$0x1D200] =	vst v63  }
0x7e: {  	_ =	swait.ge [sflag:s13], $0x1000  }
0x7f: {  	[sflag:s13] =	ssyncset.done $0x0  }
0x80: {  	[sflag:s13] =	ssyncadd.s32 $0xFFFFF000  }
0x81: {  	[spmem:s3] =	stream.indirect.scatter.add.f32 [tilespmem:s20], [sflag:$0x1], $0x20, s19, s15, $0xb8;
	[tilespmem:$0x1D200] =	vst v63  }
0x82: {  	s24 =	simm.s32 $0x80;
	_ =	swait.ge [sflag:s13], $0x1000  }
0x83: {  	s23 =	simm.s32 $0x40;
	s22 =	sadd.s32 $0x800, s11;
	[sflag:s13] =	ssyncset.done $0x0  }
.LBB2_4:
0x84: {  	s25 =	sadd.s32 s23, s10  }
0x85: {  	[sflag:s13] =	ssyncadd.s32 $0xFFFFF000;
	s23 =	smov.u32 s24;
	s26 =	sadd.s32 $0x40, s24  }
0x86: {  	[tilespmem:s4], [sflag:$0x1] =	stream.linear.gather [hbm4b:s25+s4], $0x200, $0x38;
	[tilespmem:$0x1D200] =	vst v63  }
0x87: {  	p0 =	sne.s32 s24, $0x30C0;
	_ =	swait.ge [sflag:s13], $0x200  }
0x88: {  	[sflag:s13] =	ssyncset.done $0x0  }
0x89: {  	[sflag:s13] =	ssyncadd.s32 $0xFFFFFE00  }
0x8a: {  	[tilespmem:s14], [sflag:$0x1] =	stream.linear.gather [hbm4b:s22+s4], $0x4000, $0x38;
	[tilespmem:$0x1D200] =	vst v63  }
0x8b: {  	_ =	swait.ge [sflag:s13], $0x4000  }
0x8c: {  	[sflag:s13] =	ssyncset.done $0x0  }
0x8d: {  	[sflag:s13] =	ssyncadd.s32 $0xFFFFC000  }
0x8e: {  	[spmem:s3] =	stream.indirect.scatter.add.f32 [tilespmem:s14], [sflag:$0x1], $0x20, s4, s15, $0xb8;
	[tilespmem:$0x1D200] =	vst v63  }
0x8f: {  	_ =	swait.ge [sflag:s13], $0x1000  }
0x90: {  	[sflag:s13] =	ssyncset.done $0x0  }
0x91: {  	[sflag:s13] =	ssyncadd.s32 $0xFFFFF000  }
0x92: {  	[spmem:s3] =	stream.indirect.scatter.add.f32 [tilespmem:s16], [sflag:$0x1], $0x20, s15, s15, $0xb8;
	[tilespmem:$0x1D200] =	vst v63  }
0x93: {  	_ =	swait.ge [sflag:s13], $0x1000  }
0x94: {  	[sflag:s13] =	ssyncset.done $0x0  }
0x95: {  	[sflag:s13] =	ssyncadd.s32 $0xFFFFF000  }
0x96: {  	[spmem:s3] =	stream.indirect.scatter.add.f32 [tilespmem:s18], [sflag:$0x1], $0x20, s17, s15, $0xb8;
	[tilespmem:$0x1D200] =	vst v63  }
0x97: {  	_ =	swait.ge [sflag:s13], $0x1000  }
.Ltmp1:
0x98: {  	[sflag:s13] =	ssyncset.done $0x0;
	(pc) =	sbr.rel @p0 .LBB2_4-.Ltmp1, $4  }
0x99: {  	[sflag:s13] =	ssyncadd.s32 $0xFFFFF000  }
0x9a: {  	[spmem:s3] =	stream.indirect.scatter.add.f32 [tilespmem:s20], [sflag:$0x1], $0x20, s19, s15, $0xb8;
	[tilespmem:$0x1D200] =	vst v63  }
0x9b: {  	_ =	swait.ge [sflag:s13], $0x1000  }
0x9c: {  	s24 =	smov.u32 s26;
	s22 =	sadd.s32 $0x800, s22;
	[sflag:s13] =	ssyncset.done $0x0  }
0x9d: {  	s23 =	sadd.s32 s23, s10;
	[sflag:s13] =	ssyncadd.s32 $0xFFFFF000  }
0x9e: {  	[tilespmem:s4], [sflag:$0x1] =	stream.linear.gather [hbm4b:s23+s4], $0x200, $0x38;
	[tilespmem:$0x1D200] =	vst v63  }
0x9f: {  	_ =	swait.ge [sflag:s13], $0x200  }
0xa0: {  	[sflag:s13] =	ssyncset.done $0x0  }
0xa1: {  	[sflag:s13] =	ssyncadd.s32 $0xFFFFFE00  }
0xa2: {  	[tilespmem:s14], [sflag:$0x1] =	stream.linear.gather [hbm4b:s22+s4], $0x4000, $0x38;
	[tilespmem:$0x1D200] =	vst v63  }
0xa3: {  	_ =	swait.ge [sflag:s13], $0x4000  }
0xa4: {  	[sflag:s13] =	ssyncset.done $0x0  }
0xa5: {  	[sflag:s13] =	ssyncadd.s32 $0xFFFFC000  }
0xa6: {  	[spmem:s3] =	stream.indirect.scatter.add.f32 [tilespmem:s14], [sflag:$0x1], $0x20, s4, s15, $0xb8;
	[tilespmem:$0x1D200] =	vst v63  }
0xa7: {  	_ =	swait.ge [sflag:s13], $0x1000  }
0xa8: {  	[sflag:s13] =	ssyncset.done $0x0  }
0xa9: {  	[sflag:s13] =	ssyncadd.s32 $0xFFFFF000  }
0xaa: {  	[spmem:s3] =	stream.indirect.scatter.add.f32 [tilespmem:s16], [sflag:$0x1], $0x20, s15, s15, $0xb8;
	[tilespmem:$0x1D200] =	vst v63  }
0xab: {  	_ =	swait.ge [sflag:s13], $0x1000  }
0xac: {  	[sflag:s13] =	ssyncset.done $0x0  }
0xad: {  	[sflag:s13] =	ssyncadd.s32 $0xFFFFF000  }
0xae: {  	[spmem:s3] =	stream.indirect.scatter.add.f32 [tilespmem:s18], [sflag:$0x1], $0x20, s17, s15, $0xb8;
	[tilespmem:$0x1D200] =	vst v63  }
0xaf: {  	_ =	swait.ge [sflag:s13], $0x1000  }
0xb0: {  	[sflag:s13] =	ssyncset.done $0x0  }
0xb1: {  	[sflag:s13] =	ssyncadd.s32 $0xFFFFF000  }
0xb2: {  	[spmem:s3] =	stream.indirect.scatter.add.f32 [tilespmem:s20], [sflag:$0x1], $0x20, s19, s15, $0xb8;
	[tilespmem:$0x1D200] =	vst v63  }
0xb3: {  	_ =	swait.ge [sflag:s13], $0x1000  }
0xb4: {  	[sflag:s13] =	ssyncset.done $0x0  }
0xb5: {  	s21 =	sadd.s32 $0x1, s21;
	[sflag:s13] =	ssyncadd.s32 $0xFFFFF000  }
0xb6: {  	p0 =	sne.s32 s21, s8;
	[bflag:$0x0] =	sbarrier.arrive $0xFFFF  }
0xb7: {  	[hbm:s7], [sflag:s5] =	dma.local [spmem:s12], $0x3200  }
.Ltmp2:
0xb8: {  	_ =	swait.ge [sflag:s13], $0x3200;
	(pc) =	sbr.rel @p0 .LBB2_1-.Ltmp2, $3  }
0xb9: {  	[sflag:s13] =	ssyncset.done $0x0  }
0xba: {  	[sflag:s13] =	ssyncadd.s32 $0xFFFFCE00  }
0xbb: {  	[bflag:$0x0] =	sbarrier.arrive $0xFFFF;
	_ =	sdelay $0x1  }
0xbc: {  	_ =	sfence.sel $0x180000  }
0xbd: {  	[bflag:$0x0] =	sbarrier.arrive $0xFFFF  }
0xbe: {  	p0 =	sne.s32 s1, $0x0;
	_ =	strace $0x90000056  }
0xbf: {  	s0 =	sadd.s32 @!p0 $0x100000, s0;
	[bflag:$0x2] =	sbarrier.arrive $0xFFFF  }
0xc0: {  	[sflag:s0] =	ssyncadd.tile.s32 @!p0 $0x1;
	_ =	shalt  }
.Lfunc_end2:
_tile_overlayer_lowered:
.L_overlay_start_2:
0xc1: {  	(tag) =	ssettag $0x2  }
0xc2: {  	s0 =	rddreg [dreg:$0x0];
	s2 =	stileid.u32  }
0xc3: {  	s1 =	rddreg [dreg:$0x1];
	p0 =	sne.s32 s2, $0x0  }
0xc4: {  	s3 =	rddreg [dreg:$0x2];
	[bflag:$0x3] =	sbarrier.arrive $0xFFFF;
	s2 =	simm.s32 @!p0 $0x1C01  }
0xc5: {  	[timem:s3], [sflag:s2] =	dma.local @!p0 [hbm:s0], s1  }
0xc6: {  	s0 =	simm.s32 @!p0 $0x1  }
0xc7: {  	_ =	swait.ge @!p0 [sflag:s0], s1  }
0xc8: {  	s1 =	ssub.s32 @!p0 $0x0, s1;
	[sflag:s0] =	ssyncset.done @!p0 $0x0  }
0xc9: {  	[sflag:s0] =	ssyncadd.s32 @!p0 s1  }
0xca: {  	[bflag:$0x3] =	sbarrier.arrive $0xFFFF  }
0xcb: {  	_ =	shalt  }

</sc_bundles>
